<compile_context>
chip_gen: v7x
topology: tpu7x:2x2x1
jax: 0.10.2.dev20260603
libtpu: 0.0.44.dev20260713+nightly
codegen_flags: <defaults>
</compile_context>

<pallas_src>
import functools

import jax
import jax.numpy as jnp
from jax import lax
from jax.experimental import pallas as pl
from jax.experimental.pallas import tpu as pltpu
from jax.experimental.pallas import tpu_sc as plsc

_B, _C, _P = 1024, 100000, 50
_PPAD = 64
_NW = 32
_RW = _B // _NW
_R = 16
_NX = 8
_CB = 12544
_CLAST = _C - (_NX - 1) * _CB


def _sc_gather_body(in_hbm, idx_hbm, flat_hbm, out_hbm, idx_v, row_v, val_v, sem):
    wid = lax.axis_index("s") * 2 + lax.axis_index("c")
    base = wid * _RW
    pltpu.sync_copy(idx_hbm.at[wid], idx_v)
    for r in range(_RW):
        pltpu.sync_copy(in_hbm.at[base + r], row_v)
        pltpu.sync_copy(row_v, flat_hbm.at[pl.ds((base + r) * _C, _C)])
    for r in range(_RW):
        pltpu.async_copy(flat_hbm.at[idx_v.at[r]], val_v.at[r], sem).wait()
    pltpu.sync_copy(val_v, out_hbm.at[wid])


@functools.cache
def _sc_gather():
    return pl.kernel(
        _sc_gather_body,
        mesh=plsc.VectorSubcoreMesh(core_axis_name="c", subcore_axis_name="s"),
        out_type=(
            jax.ShapeDtypeStruct((_B * _C,), jnp.float32),
            jax.ShapeDtypeStruct((_NW, _RW, _PPAD), jnp.float32),
        ),
        scratch_types=[
            pltpu.VMEM((_RW, _PPAD), jnp.int32),
            pltpu.VMEM((_C,), jnp.float32),
            pltpu.VMEM((_RW, _PPAD), jnp.float32),
            pltpu.SemaphoreType.DMA,
        ],
    )


def _dense_body(*refs):
    x_refs, o_ref = refs[:_NX], refs[_NX]

    def masked(j, x):
        if j < _NX - 1:
            return x
        tail = lax.broadcasted_iota(jnp.int32, (_R, _CB), 1) < _CLAST
        return jnp.where(tail, x, -jnp.inf)

    m = jnp.full((_R, 1), 0.0, dtype=jnp.float32)
    for j, xr in enumerate(x_refs):
        m = jnp.maximum(m, jnp.max(masked(j, xr[...]), axis=1, keepdims=True))
    s = jnp.exp(-m)
    for j, xr in enumerate(x_refs):
        s = s + jnp.sum(jnp.exp(masked(j, xr[...]) - m), axis=1, keepdims=True)
    o_ref[...] = m + jnp.log(s)


_dense_call = pl.pallas_call(
    _dense_body,
    grid=(_B // _R,),
    in_specs=[
        pl.BlockSpec((_R, _CB), functools.partial(lambda j, i: (i, j), j))
        for j in range(_NX)
    ],
    out_specs=pl.BlockSpec((_R, 1), lambda i: (i, 0)),
    out_shape=jax.ShapeDtypeStruct((_B, 1), jnp.float32),
)


def _comb_body(g_ref, al_ref, o_ref):
    g = g_ref[...]
    all_loss = al_ref[...]
    valid = lax.broadcasted_iota(jnp.int32, (_B, _PPAD), 1) < _P
    gm = jnp.where(valid, g, -jnp.inf)
    m_p = jnp.max(gm, axis=1, keepdims=True)
    s_p = jnp.sum(jnp.where(valid, jnp.exp(g - m_p), 0.0), axis=1, keepdims=True)
    lse_pos = m_p + jnp.log(s_p)

    z = jnp.where(valid, -g, -jnp.inf)
    m_n = jnp.maximum(jnp.max(z, axis=1, keepdims=True), 0.0)
    s_n = jnp.sum(jnp.where(valid, jnp.exp(-g - m_n), 0.0), axis=1, keepdims=True)
    pos_loss = m_n + jnp.log(s_n + jnp.exp(-m_n))

    aux = jnp.clip(1.0 - jnp.exp(lse_pos - all_loss), 1e-12, 1.0)
    o_ref[...] = pos_loss + all_loss + jnp.log(aux)


_comb_call = pl.pallas_call(
    _comb_body,
    out_shape=jax.ShapeDtypeStruct((_B, 1), jnp.float32),
)


def kernel(input, target):
    tgt = jnp.concatenate([target, target[:, : _PPAD - _P]], axis=1)
    flat_idx = tgt + (jnp.arange(_B, dtype=jnp.int32) * _C)[:, None]
    _, gathered = _sc_gather()(input, flat_idx.reshape(_NW, _RW, _PPAD))
    all_loss = _dense_call(*([input] * _NX))
    out = _comb_call(gathered.reshape(_B, _PPAD), all_loss)
    return out.reshape(_B)

# --- scband reference (transcript-rebuilt; emitter-appended) ---
"""Pipeline reference for scband-sparse-multi-label-categorical-cross-entropy-89455578841168 (READ-ONLY COPY).

The authoritative reference and input builder live on the scoring server;
editing this copy changes nothing except your own understanding.
"""

import jax, jax.numpy as jnp
import numpy as np


def setup_inputs(seed: int = 0) -> dict:
    key = jax.random.key(seed)
    k1, k2 = jax.random.split(key)
    B, C, P = 1024, 100000, 50
    inp = jax.random.normal(k1, (B, C), dtype=jnp.float32)
    tgt = jax.random.randint(k2, (B, P), 0, C, dtype=jnp.int32)
    return {"input": inp, "target": tgt}


def reference(input, target):
    # input: float32[B, num_classes] raw logits (y_pred)
    # target: int[B, num_positive] indices of positive classes (y_true)
    # Faithful batched translation of sparse_multilabel_categorical_cross_entropy
    # (https://kexue.fm/archives/7359). The ignore_index mask is a no-op here
    # since all target indices are valid class ids (none equal -100).
    zeros = jnp.zeros_like(input[..., :1])
    y_pred = jnp.concatenate([input, zeros], axis=-1)            # [B, C+1]
    y_pos_2 = jnp.take_along_axis(y_pred, target, axis=-1)       # [B, P] (batch_gather)
    y_pos_1 = jnp.concatenate([y_pos_2, zeros], axis=-1)         # [B, P+1]
    pos_loss = jax.nn.logsumexp(-y_pos_1, axis=-1)               # [B]
    all_loss = jax.nn.logsumexp(y_pred, axis=-1)                 # [B]
    aux_loss = jax.nn.logsumexp(y_pos_2, axis=-1) - all_loss     # [B]
    aux_loss = jnp.clip(1.0 - jnp.exp(aux_loss), 1e-12, 1.0)
    neg_loss = all_loss + jnp.log(aux_loss)
    return pos_loss + neg_loss                                   # [B]

if __name__ == "__main__":
    import jax
    _d = setup_inputs()
    print(jax.jit(kernel)(*tuple(_d.values())))

</pallas_src>

<mosaic_0001>
#map = affine_map<(d0, d1) -> (0, 0)>
#map1 = affine_map<(d0, d1) -> (0, 0, 0)>
#map2 = affine_map<(d0, d1) -> (0)>
module attributes {stable_mosaic.version = 14 : i64} {
  func.func @_sc_gather_body(%arg0: i32, %arg1: i32, %arg2: memref<1024x100000xf32, #tpu.memory_space<hbm>>, %arg3: memref<32x32x64xi32, #tpu.memory_space<hbm>>, %arg4: memref<102400000xf32, #tpu.memory_space<hbm>>, %arg5: memref<32x32x64xf32, #tpu.memory_space<hbm>>, %arg6: memref<32x64xi32, #tpu.memory_space<vmem>>, %arg7: memref<100000xf32, #tpu.memory_space<vmem>>, %arg8: memref<32x64xf32, #tpu.memory_space<vmem>>, %arg9: memref<!tpu.dma_semaphore, #tpu.memory_space<semaphore_mem>>) attributes {dimension_semantics = [#tpu.dimension_semantics<core_parallel>, #tpu.dimension_semantics<subcore_parallel>], iteration_bounds = array<i64: 2, 16>, scalar_prefetch = 0 : i64, scratch_operands = 4 : i64, tpu.core_type = #tpu.core_type<sc_vector_subcore>, window_params = [{transform_indices = #map}, {transform_indices = #map1}, {transform_indices = #map2}, {transform_indices = #map1}]} {
    %mul3A = arith.constant 2 : i32
    %mul3A_0 = arith.muli %arg1, %mul3A : i32
    %add3A = arith.addi %mul3A_0, %arg0 : i32
    %mul3A_1 = arith.constant 32 : i32
    %mul3A_2 = arith.muli %add3A, %mul3A_1 : i32
    "tpu.region"() ({
      %run_scoped3A = tpu.sem_alloc : memref<!tpu.dma_semaphore, #tpu.memory_space<semaphore_mem>>
      %dma_start3A_833 = arith.constant 0 : i32
      %dma_start3A_834 = arith.constant 0 : i32
      %dma_start3A_835 = tpu.memref_slice %arg3[%add3A, %dma_start3A_833, %dma_start3A_834] : memref<32x32x64xi32, #tpu.memory_space<hbm>> -> memref<1x32x64xi32, #tpu.memory_space<hbm>>
      %dma_start3A_836 = tpu.memref_squeeze %dma_start3A_835 : memref<1x32x64xi32, #tpu.memory_space<hbm>> -> memref<32x64xi32, #tpu.memory_space<hbm>>
      %dma_start3A_837 = arith.constant 0 : i32
      %dma_start3A_838 = arith.constant 0 : i32
      %dma_start3A_839 = tpu.memref_slice %arg3[%add3A, %dma_start3A_837, %dma_start3A_838] : memref<32x32x64xi32, #tpu.memory_space<hbm>> -> memref<1x32x64xi32, #tpu.memory_space<hbm>>
      %dma_start3A_840 = tpu.memref_squeeze %dma_start3A_839 : memref<1x32x64xi32, #tpu.memory_space<hbm>> -> memref<32x64xi32, #tpu.memory_space<hbm>>
      tpu.enqueue_dma source(%dma_start3A_840 : memref<32x64xi32, #tpu.memory_space<hbm>>) target(%arg6 : memref<32x64xi32, #tpu.memory_space<vmem>>) target_semaphore(%run_scoped3A : memref<!tpu.dma_semaphore, #tpu.memory_space<semaphore_mem>>)
      %dma_wait3A_841 = arith.constant 0 : i32
      %dma_wait3A_842 = arith.constant 0 : i32
      %dma_wait3A_843 = tpu.memref_slice %arg3[%add3A, %dma_wait3A_841, %dma_wait3A_842] : memref<32x32x64xi32, #tpu.memory_space<hbm>> -> memref<1x32x64xi32, #tpu.memory_space<hbm>>
      %dma_wait3A_844 = tpu.memref_squeeze %dma_wait3A_843 : memref<1x32x64xi32, #tpu.memory_space<hbm>> -> memref<32x64xi32, #tpu.memory_space<hbm>>
      %dma_wait3A_845 = arith.constant 0 : i32
      %dma_wait3A_846 = arith.constant 0 : i32
      %dma_wait3A_847 = tpu.memref_slice %arg3[%add3A, %dma_wait3A_845, %dma_wait3A_846] : memref<32x32x64xi32, #tpu.memory_space<hbm>> -> memref<1x32x64xi32, #tpu.memory_space<hbm>>
      %dma_wait3A_848 = tpu.memref_squeeze %dma_wait3A_847 : memref<1x32x64xi32, #tpu.memory_space<hbm>> -> memref<32x64xi32, #tpu.memory_space<hbm>>
      tpu.wait_dma2 semaphore(%run_scoped3A : memref<!tpu.dma_semaphore, #tpu.memory_space<semaphore_mem>>) src(%dma_wait3A_848 : memref<32x64xi32, #tpu.memory_space<hbm>>) dst(%arg6 : memref<32x64xi32, #tpu.memory_space<vmem>>)
      tpu.yield
    }) : () -> ()
    %add3A_3 = arith.constant 0 : i32
    %add3A_4 = arith.addi %mul3A_2, %add3A_3 : i32
    "tpu.region"() ({
      %run_scoped3A = tpu.sem_alloc : memref<!tpu.dma_semaphore, #tpu.memory_space<semaphore_mem>>
      %dma_start3A_833 = arith.constant 0 : i32
      %dma_start3A_834 = tpu.memref_slice %arg2[%add3A_4, %dma_start3A_833] : memref<1024x100000xf32, #tpu.memory_space<hbm>> -> memref<1x100000xf32, #tpu.memory_space<hbm>>
      %dma_start3A_835 = tpu.memref_squeeze %dma_start3A_834 : memref<1x100000xf32, #tpu.memory_space<hbm>> -> memref<100000xf32, #tpu.memory_space<hbm>>
      %dma_start3A_836 = arith.constant 0 : i32
      %dma_start3A_837 = tpu.memref_slice %arg2[%add3A_4, %dma_start3A_836] : memref<1024x100000xf32, #tpu.memory_space<hbm>> -> memref<1x100000xf32, #tpu.memory_space<hbm>>
      %dma_start3A_838 = tpu.memref_squeeze %dma_start3A_837 : memref<1x100000xf32, #tpu.memory_space<hbm>> -> memref<100000xf32, #tpu.memory_space<hbm>>
      tpu.enqueue_dma source(%dma_start3A_838 : memref<100000xf32, #tpu.memory_space<hbm>>) target(%arg7 : memref<100000xf32, #tpu.memory_space<vmem>>) target_semaphore(%run_scoped3A : memref<!tpu.dma_semaphore, #tpu.memory_space<semaphore_mem>>)
      %dma_wait3A_839 = arith.constant 0 : i32
      %dma_wait3A_840 = tpu.memref_slice %arg2[%add3A_4, %dma_wait3A_839] : memref<1024x100000xf32, #tpu.memory_space<hbm>> -> memref<1x100000xf32, #tpu.memory_space<hbm>>
      %dma_wait3A_841 = tpu.memref_squeeze %dma_wait3A_840 : memref<1x100000xf32, #tpu.memory_space<hbm>> -> memref<100000xf32, #tpu.memory_space<hbm>>
      %dma_wait3A_842 = arith.constant 0 : i32
      %dma_wait3A_843 = tpu.memref_slice %arg2[%add3A_4, %dma_wait3A_842] : memref<1024x100000xf32, #tpu.memory_space<hbm>> -> memref<1x100000xf32, #tpu.memory_space<hbm>>
      %dma_wait3A_844 = tpu.memref_squeeze %dma_wait3A_843 : memref<1x100000xf32, #tpu.memory_space<hbm>> -> memref<100000xf32, #tpu.memory_space<hbm>>
      tpu.wait_dma2 semaphore(%run_scoped3A : memref<!tpu.dma_semaphore, #tpu.memory_space<semaphore_mem>>) src(%dma_wait3A_844 : memref<100000xf32, #tpu.memory_space<hbm>>) dst(%arg7 : memref<100000xf32, #tpu.memory_space<vmem>>)
      tpu.yield
    }) : () -> ()
    %add3A_5 = arith.constant 0 : i32
    %add3A_6 = arith.addi %mul3A_2, %add3A_5 : i32
    %mul3A_7 = arith.constant 100000 : i32
    %mul3A_8 = arith.muli %add3A_6, %mul3A_7 : i32
    "tpu.region"() ({
      %run_scoped3A = tpu.sem_alloc : memref<!tpu.dma_semaphore, #tpu.memory_space<semaphore_mem>>
      %dma_start3A_833 = tpu.memref_slice %arg4[%mul3A_8] : memref<102400000xf32, #tpu.memory_space<hbm>> -> memref<100000xf32, #tpu.memory_space<hbm>>
      %dma_start3A_834 = tpu.memref_slice %arg4[%mul3A_8] : memref<102400000xf32, #tpu.memory_space<hbm>> -> memref<100000xf32, #tpu.memory_space<hbm>>
      tpu.enqueue_dma source(%arg7 : memref<100000xf32, #tpu.memory_space<vmem>>) target(%dma_start3A_834 : memref<100000xf32, #tpu.memory_space<hbm>>) target_semaphore(%run_scoped3A : memref<!tpu.dma_semaphore, #tpu.memory_space<semaphore_mem>>)
      %dma_wait3A_835 = tpu.memref_slice %arg4[%mul3A_8] : memref<102400000xf32, #tpu.memory_space<hbm>> -> memref<100000xf32, #tpu.memory_space<hbm>>
      %dma_wait3A_836 = tpu.memref_slice %arg4[%mul3A_8] : memref<102400000xf32, #tpu.memory_space<hbm>> -> memref<100000xf32, #tpu.memory_space<hbm>>
      tpu.wait_dma2 semaphore(%run_scoped3A : memref<!tpu.dma_semaphore, #tpu.memory_space<semaphore_mem>>) src(%arg7 : memref<100000xf32, #tpu.memory_space<vmem>>) dst(%dma_wait3A_836 : memref<100000xf32, #tpu.memory_space<hbm>>)
      tpu.yield
    }) : () -> ()
    %add3A_9 = arith.constant 1 : i32
    %add3A_10 = arith.addi %mul3A_2, %add3A_9 : i32
    "tpu.region"() ({
      %run_scoped3A = tpu.sem_alloc : memref<!tpu.dma_semaphore, #tpu.memory_space<semaphore_mem>>
      %dma_start3A_833 = arith.constant 0 : i32
      %dma_start3A_834 = tpu.memref_slice %arg2[%add3A_10, %dma_start3A_833] : memref<1024x100000xf32, #tpu.memory_space<hbm>> -> memref<1x100000xf32, #tpu.memory_space<hbm>>
      %dma_start3A_835 = tpu.memref_squeeze %dma_start3A_834 : memref<1x100000xf32, #tpu.memory_space<hbm>> -> memref<100000xf32, #tpu.memory_space<hbm>>
      %dma_start3A_836 = arith.constant 0 : i32
      %dma_start3A_837 = tpu.memref_slice %arg2[%add3A_10, %dma_start3A_836] : memref<1024x100000xf32, #tpu.memory_space<hbm>> -> memref<1x100000xf32, #tpu.memory_space<hbm>>
      %dma_start3A_838 = tpu.memref_squeeze %dma_start3A_837 : memref<1x100000xf32, #tpu.memory_space<hbm>> -> memref<100000xf32, #tpu.memory_space<hbm>>
      tpu.enqueue_dma source(%dma_start3A_838 : memref<100000xf32, #tpu.memory_space<hbm>>) target(%arg7 : memref<100000xf32, #tpu.memory_space<vmem>>) target_semaphore(%run_scoped3A : memref<!tpu.dma_semaphore, #tpu.memory_space<semaphore_mem>>)
      %dma_wait3A_839 = arith.constant 0 : i32
      %dma_wait3A_840 = tpu.memref_slice %arg2[%add3A_10, %dma_wait3A_839] : memref<1024x100000xf32, #tpu.memory_space<hbm>> -> memref<1x100000xf32, #tpu.memory_space<hbm>>
      %dma_wait3A_841 = tpu.memref_squeeze %dma_wait3A_840 : memref<1x100000xf32, #tpu.memory_space<hbm>> -> memref<100000xf32, #tpu.memory_space<hbm>>
      %dma_wait3A_842 = arith.constant 0 : i32
      %dma_wait3A_843 = tpu.memref_slice %arg2[%add3A_10, %dma_wait3A_842] : memref<1024x100000xf32, #tpu.memory_space<hbm>> -> memref<1x100000xf32, #tpu.memory_space<hbm>>
      %dma_wait3A_844 = tpu.memref_squeeze %dma_wait3A_843 : memref<1x100000xf32, #tpu.memory_space<hbm>> -> memref<100000xf32, #tpu.memory_space<hbm>>
      tpu.wait_dma2 semaphore(%run_scoped3A : memref<!tpu.dma_semaphore, #tpu.memory_space<semaphore_mem>>) src(%dma_wait3A_844 : memref<100000xf32, #tpu.memory_space<hbm>>) dst(%arg7 : memref<100000xf32, #tpu.memory_space<vmem>>)
      tpu.yield
    }) : () -> ()
    %add3A_11 = arith.constant 1 : i32
    %add3A_12 = arith.addi %mul3A_2, %add3A_11 : i32
    %mul3A_13 = arith.constant 100000 : i32
    %mul3A_14 = arith.muli %add3A_12, %mul3A_13 : i32
    "tpu.region"() ({
      %run_scoped3A = tpu.sem_alloc : memref<!tpu.dma_semaphore, #tpu.memory_space<semaphore_mem>>
      %dma_start3A_833 = tpu.memref_slice %arg4[%mul3A_14] : memref<102400000xf32, #tpu.memory_space<hbm>> -> memref<100000xf32, #tpu.memory_space<hbm>>
      %dma_start3A_834 = tpu.memref_slice %arg4[%mul3A_14] : memref<102400000xf32, #tpu.memory_space<hbm>> -> memref<100000xf32, #tpu.memory_space<hbm>>
      tpu.enqueue_dma source(%arg7 : memref<100000xf32, #tpu.memory_space<vmem>>) target(%dma_start3A_834 : memref<100000xf32, #tpu.memory_space<hbm>>) target_semaphore(%run_scoped3A : memref<!tpu.dma_semaphore, #tpu.memory_space<semaphore_mem>>)
      %dma_wait3A_835 = tpu.memref_slice %arg4[%mul3A_14] : memref<102400000xf32, #tpu.memory_space<hbm>> -> memref<100000xf32, #tpu.memory_space<hbm>>
      %dma_wait3A_836 = tpu.memref_slice %arg4[%mul3A_14] : memref<102400000xf32, #tpu.memory_space<hbm>> -> memref<100000xf32, #tpu.memory_space<hbm>>
      tpu.wait_dma2 semaphore(%run_scoped3A : memref<!tpu.dma_semaphore, #tpu.memory_space<semaphore_mem>>) src(%arg7 : memref<100000xf32, #tpu.memory_space<vmem>>) dst(%dma_wait3A_836 : memref<100000xf32, #tpu.memory_space<hbm>>)
      tpu.yield
    }) : () -> ()
    %add3A_15 = arith.constant 2 : i32
    %add3A_16 = arith.addi %mul3A_2, %add3A_15 : i32
    "tpu.region"() ({
      %run_scoped3A = tpu.sem_alloc : memref<!tpu.dma_semaphore, #tpu.memory_space<semaphore_mem>>
      %dma_start3A_833 = arith.constant 0 : i32
      %dma_start3A_834 = tpu.memref_slice %arg2[%add3A_16, %dma_start3A_833] : memref<1024x100000xf32, #tpu.memory_space<hbm>> -> memref<1x100000xf32, #tpu.memory_space<hbm>>
      %dma_start3A_835 = tpu.memref_squeeze %dma_start3A_834 : memref<1x100000xf32, #tpu.memory_space<hbm>> -> memref<100000xf32, #tpu.memory_space<hbm>>
      %dma_start3A_836 = arith.constant 0 : i32
      %dma_start3A_837 = tpu.memref_slice %arg2[%add3A_16, %dma_start3A_836] : memref<1024x100000xf32, #tpu.memory_space<hbm>> -> memref<1x100000xf32, #tpu.memory_space<hbm>>
      %dma_start3A_838 = tpu.memref_squeeze %dma_start3A_837 : memref<1x100000xf32, #tpu.memory_space<hbm>> -> memref<100000xf32, #tpu.memory_space<hbm>>
      tpu.enqueue_dma source(%dma_start3A_838 : memref<100000xf32, #tpu.memory_space<hbm>>) target(%arg7 : memref<100000xf32, #tpu.memory_space<vmem>>) target_semaphore(%run_scoped3A : memref<!tpu.dma_semaphore, #tpu.memory_space<semaphore_mem>>)
      %dma_wait3A_839 = arith.constant 0 : i32
      %dma_wait3A_840 = tpu.memref_slice %arg2[%add3A_16, %dma_wait3A_839] : memref<1024x100000xf32, #tpu.memory_space<hbm>> -> memref<1x100000xf32, #tpu.memory_space<hbm>>
      %dma_wait3A_841 = tpu.memref_squeeze %dma_wait3A_840 : memref<1x100000xf32, #tpu.memory_space<hbm>> -> memref<100000xf32, #tpu.memory_space<hbm>>
      %dma_wait3A_842 = arith.constant 0 : i32
      %dma_wait3A_843 = tpu.memref_slice %arg2[%add3A_16, %dma_wait3A_842] : memref<1024x100000xf32, #tpu.memory_space<hbm>> -> memref<1x100000xf32, #tpu.memory_space<hbm>>
      %dma_wait3A_844 = tpu.memref_squeeze %dma_wait3A_843 : memref<1x100000xf32, #tpu.memory_space<hbm>> -> memref<100000xf32, #tpu.memory_space<hbm>>
      tpu.wait_dma2 semaphore(%run_scoped3A : memref<!tpu.dma_semaphore, #tpu.memory_space<semaphore_mem>>) src(%dma_wait3A_844 : memref<100000xf32, #tpu.memory_space<hbm>>) dst(%arg7 : memref<100000xf32, #tpu.memory_space<vmem>>)
      tpu.yield
    }) : () -> ()
    %add3A_17 = arith.constant 2 : i32
    %add3A_18 = arith.addi %mul3A_2, %add3A_17 : i32
    %mul3A_19 = arith.constant 100000 : i32
    %mul3A_20 = arith.muli %add3A_18, %mul3A_19 : i32
    "tpu.region"() ({
      %run_scoped3A = tpu.sem_alloc : memref<!tpu.dma_semaphore, #tpu.memory_space<semaphore_mem>>
      %dma_start3A_833 = tpu.memref_slice %arg4[%mul3A_20] : memref<102400000xf32, #tpu.memory_space<hbm>> -> memref<100000xf32, #tpu.memory_space<hbm>>
      %dma_start3A_834 = tpu.memref_slice %arg4[%mul3A_20] : memref<102400000xf32, #tpu.memory_space<hbm>> -> memref<100000xf32, #tpu.memory_space<hbm>>
      tpu.enqueue_dma source(%arg7 : memref<100000xf32, #tpu.memory_space<vmem>>) target(%dma_start3A_834 : memref<100000xf32, #tpu.memory_space<hbm>>) target_semaphore(%run_scoped3A : memref<!tpu.dma_semaphore, #tpu.memory_space<semaphore_mem>>)
      %dma_wait3A_835 = tpu.memref_slice %arg4[%mul3A_20] : memref<102400000xf32, #tpu.memory_space<hbm>> -> memref<100000xf32, #tpu.memory_space<hbm>>
      %dma_wait3A_836 = tpu.memref_slice %arg4[%mul3A_20] : memref<102400000xf32, #tpu.memory_space<hbm>> -> memref<100000xf32, #tpu.memory_space<hbm>>
      tpu.wait_dma2 semaphore(%run_scoped3A : memref<!tpu.dma_semaphore, #tpu.memory_space<semaphore_mem>>) src(%arg7 : memref<100000xf32, #tpu.memory_space<vmem>>) dst(%dma_wait3A_836 : memref<100000xf32, #tpu.memory_space<hbm>>)
      tpu.yield
    }) : () -> ()
    %add3A_21 = arith.constant 3 : i32
    %add3A_22 = arith.addi %mul3A_2, %add3A_21 : i32
    "tpu.region"() ({
      %run_scoped3A = tpu.sem_alloc : memref<!tpu.dma_semaphore, #tpu.memory_space<semaphore_mem>>
      %dma_start3A_833 = arith.constant 0 : i32
      %dma_start3A_834 = tpu.memref_slice %arg2[%add3A_22, %dma_start3A_833] : memref<1024x100000xf32, #tpu.memory_space<hbm>> -> memref<1x100000xf32, #tpu.memory_space<hbm>>
      %dma_start3A_835 = tpu.memref_squeeze %dma_start3A_834 : memref<1x100000xf32, #tpu.memory_space<hbm>> -> memref<100000xf32, #tpu.memory_space<hbm>>
      %dma_start3A_836 = arith.constant 0 : i32
      %dma_start3A_837 = tpu.memref_slice %arg2[%add3A_22, %dma_start3A_836] : memref<1024x100000xf32, #tpu.memory_space<hbm>> -> memref<1x100000xf32, #tpu.memory_space<hbm>>
      %dma_start3A_838 = tpu.memref_squeeze %dma_start3A_837 : memref<1x100000xf32, #tpu.memory_space<hbm>> -> memref<100000xf32, #tpu.memory_space<hbm>>
      tpu.enqueue_dma source(%dma_start3A_838 : memref<100000xf32, #tpu.memory_space<hbm>>) target(%arg7 : memref<100000xf32, #tpu.memory_space<vmem>>) target_semaphore(%run_scoped3A : memref<!tpu.dma_semaphore, #tpu.memory_space<semaphore_mem>>)
      %dma_wait3A_839 = arith.constant 0 : i32
      %dma_wait3A_840 = tpu.memref_slice %arg2[%add3A_22, %dma_wait3A_839] : memref<1024x100000xf32, #tpu.memory_space<hbm>> -> memref<1x100000xf32, #tpu.memory_space<hbm>>
      %dma_wait3A_841 = tpu.memref_squeeze %dma_wait3A_840 : memref<1x100000xf32, #tpu.memory_space<hbm>> -> memref<100000xf32, #tpu.memory_space<hbm>>
      %dma_wait3A_842 = arith.constant 0 : i32
      %dma_wait3A_843 = tpu.memref_slice %arg2[%add3A_22, %dma_wait3A_842] : memref<1024x100000xf32, #tpu.memory_space<hbm>> -> memref<1x100000xf32, #tpu.memory_space<hbm>>
      %dma_wait3A_844 = tpu.memref_squeeze %dma_wait3A_843 : memref<1x100000xf32, #tpu.memory_space<hbm>> -> memref<100000xf32, #tpu.memory_space<hbm>>
      tpu.wait_dma2 semaphore(%run_scoped3A : memref<!tpu.dma_semaphore, #tpu.memory_space<semaphore_mem>>) src(%dma_wait3A_844 : memref<100000xf32, #tpu.memory_space<hbm>>) dst(%arg7 : memref<100000xf32, #tpu.memory_space<vmem>>)
      tpu.yield
    }) : () -> ()
    %add3A_23 = arith.constant 3 : i32
    %add3A_24 = arith.addi %mul3A_2, %add3A_23 : i32
    %mul3A_25 = arith.constant 100000 : i32
    %mul3A_26 = arith.muli %add3A_24, %mul3A_25 : i32
    "tpu.region"() ({
      %run_scoped3A = tpu.sem_alloc : memref<!tpu.dma_semaphore, #tpu.memory_space<semaphore_mem>>
      %dma_start3A_833 = tpu.memref_slice %arg4[%mul3A_26] : memref<102400000xf32, #tpu.memory_space<hbm>> -> memref<100000xf32, #tpu.memory_space<hbm>>
      %dma_start3A_834 = tpu.memref_slice %arg4[%mul3A_26] : memref<102400000xf32, #tpu.memory_space<hbm>> -> memref<100000xf32, #tpu.memory_space<hbm>>
      tpu.enqueue_dma source(%arg7 : memref<100000xf32, #tpu.memory_space<vmem>>) target(%dma_start3A_834 : memref<100000xf32, #tpu.memory_space<hbm>>) target_semaphore(%run_scoped3A : memref<!tpu.dma_semaphore, #tpu.memory_space<semaphore_mem>>)
      %dma_wait3A_835 = tpu.memref_slice %arg4[%mul3A_26] : memref<102400000xf32, #tpu.memory_space<hbm>> -> memref<100000xf32, #tpu.memory_space<hbm>>
      %dma_wait3A_836 = tpu.memref_slice %arg4[%mul3A_26] : memref<102400000xf32, #tpu.memory_space<hbm>> -> memref<100000xf32, #tpu.memory_space<hbm>>
      tpu.wait_dma2 semaphore(%run_scoped3A : memref<!tpu.dma_semaphore, #tpu.memory_space<semaphore_mem>>) src(%arg7 : memref<100000xf32, #tpu.memory_space<vmem>>) dst(%dma_wait3A_836 : memref<100000xf32, #tpu.memory_space<hbm>>)
      tpu.yield
    }) : () -> ()
    %add3A_27 = arith.constant 4 : i32
    %add3A_28 = arith.addi %mul3A_2, %add3A_27 : i32
    "tpu.region"() ({
      %run_scoped3A = tpu.sem_alloc : memref<!tpu.dma_semaphore, #tpu.memory_space<semaphore_mem>>
      %dma_start3A_833 = arith.constant 0 : i32
      %dma_start3A_834 = tpu.memref_slice %arg2[%add3A_28, %dma_start3A_833] : memref<1024x100000xf32, #tpu.memory_space<hbm>> -> memref<1x100000xf32, #tpu.memory_space<hbm>>
      %dma_start3A_835 = tpu.memref_squeeze %dma_start3A_834 : memref<1x100000xf32, #tpu.memory_space<hbm>> -> memref<100000xf32, #tpu.memory_space<hbm>>
      %dma_start3A_836 = arith.constant 0 : i32
      %dma_start3A_837 = tpu.memref_slice %arg2[%add3A_28, %dma_start3A_836] : memref<1024x100000xf32, #tpu.memory_space<hbm>> -> memref<1x100000xf32, #tpu.memory_space<hbm>>
      %dma_start3A_838 = tpu.memref_squeeze %dma_start3A_837 : memref<1x100000xf32, #tpu.memory_space<hbm>> -> memref<100000xf32, #tpu.memory_space<hbm>>
      tpu.enqueue_dma source(%dma_start3A_838 : memref<100000xf32, #tpu.memory_space<hbm>>) target(%arg7 : memref<100000xf32, #tpu.memory_space<vmem>>) target_semaphore(%run_scoped3A : memref<!tpu.dma_semaphore, #tpu.memory_space<semaphore_mem>>)
      %dma_wait3A_839 = arith.constant 0 : i32
      %dma_wait3A_840 = tpu.memref_slice %arg2[%add3A_28, %dma_wait3A_839] : memref<1024x100000xf32, #tpu.memory_space<hbm>> -> memref<1x100000xf32, #tpu.memory_space<hbm>>
      %dma_wait3A_841 = tpu.memref_squeeze %dma_wait3A_840 : memref<1x100000xf32, #tpu.memory_space<hbm>> -> memref<100000xf32, #tpu.memory_space<hbm>>
      %dma_wait3A_842 = arith.constant 0 : i32
      %dma_wait3A_843 = tpu.memref_slice %arg2[%add3A_28, %dma_wait3A_842] : memref<1024x100000xf32, #tpu.memory_space<hbm>> -> memref<1x100000xf32, #tpu.memory_space<hbm>>
      %dma_wait3A_844 = tpu.memref_squeeze %dma_wait3A_843 : memref<1x100000xf32, #tpu.memory_space<hbm>> -> memref<100000xf32, #tpu.memory_space<hbm>>
      tpu.wait_dma2 semaphore(%run_scoped3A : memref<!tpu.dma_semaphore, #tpu.memory_space<semaphore_mem>>) src(%dma_wait3A_844 : memref<100000xf32, #tpu.memory_space<hbm>>) dst(%arg7 : memref<100000xf32, #tpu.memory_space<vmem>>)
      tpu.yield
    }) : () -> ()
    %add3A_29 = arith.constant 4 : i32
    %add3A_30 = arith.addi %mul3A_2, %add3A_29 : i32
    %mul3A_31 = arith.constant 100000 : i32
    %mul3A_32 = arith.muli %add3A_30, %mul3A_31 : i32
    "tpu.region"() ({
      %run_scoped3A = tpu.sem_alloc : memref<!tpu.dma_semaphore, #tpu.memory_space<semaphore_mem>>
      %dma_start3A_833 = tpu.memref_slice %arg4[%mul3A_32] : memref<102400000xf32, #tpu.memory_space<hbm>> -> memref<100000xf32, #tpu.memory_space<hbm>>
      %dma_start3A_834 = tpu.memref_slice %arg4[%mul3A_32] : memref<102400000xf32, #tpu.memory_space<hbm>> -> memref<100000xf32, #tpu.memory_space<hbm>>
      tpu.enqueue_dma source(%arg7 : memref<100000xf32, #tpu.memory_space<vmem>>) target(%dma_start3A_834 : memref<100000xf32, #tpu.memory_space<hbm>>) target_semaphore(%run_scoped3A : memref<!tpu.dma_semaphore, #tpu.memory_space<semaphore_mem>>)
      %dma_wait3A_835 = tpu.memref_slice %arg4[%mul3A_32] : memref<102400000xf32, #tpu.memory_space<hbm>> -> memref<100000xf32, #tpu.memory_space<hbm>>
      %dma_wait3A_836 = tpu.memref_slice %arg4[%mul3A_32] : memref<102400000xf32, #tpu.memory_space<hbm>> -> memref<100000xf32, #tpu.memory_space<hbm>>
      tpu.wait_dma2 semaphore(%run_scoped3A : memref<!tpu.dma_semaphore, #tpu.memory_space<semaphore_mem>>) src(%arg7 : memref<100000xf32, #tpu.memory_space<vmem>>) dst(%dma_wait3A_836 : memref<100000xf32, #tpu.memory_space<hbm>>)
      tpu.yield
    }) : () -> ()
    %add3A_33 = arith.constant 5 : i32
    %add3A_34 = arith.addi %mul3A_2, %add3A_33 : i32
    "tpu.region"() ({
      %run_scoped3A = tpu.sem_alloc : memref<!tpu.dma_semaphore, #tpu.memory_space<semaphore_mem>>
      %dma_start3A_833 = arith.constant 0 : i32
      %dma_start3A_834 = tpu.memref_slice %arg2[%add3A_34, %dma_start3A_833] : memref<1024x100000xf32, #tpu.memory_space<hbm>> -> memref<1x100000xf32, #tpu.memory_space<hbm>>
      %dma_start3A_835 = tpu.memref_squeeze %dma_start3A_834 : memref<1x100000xf32, #tpu.memory_space<hbm>> -> memref<100000xf32, #tpu.memory_space<hbm>>
      %dma_start3A_836 = arith.constant 0 : i32
      %dma_start3A_837 = tpu.memref_slice %arg2[%add3A_34, %dma_start3A_836] : memref<1024x100000xf32, #tpu.memory_space<hbm>> -> memref<1x100000xf32, #tpu.memory_space<hbm>>
      %dma_start3A_838 = tpu.memref_squeeze %dma_start3A_837 : memref<1x100000xf32, #tpu.memory_space<hbm>> -> memref<100000xf32, #tpu.memory_space<hbm>>
      tpu.enqueue_dma source(%dma_start3A_838 : memref<100000xf32, #tpu.memory_space<hbm>>) target(%arg7 : memref<100000xf32, #tpu.memory_space<vmem>>) target_semaphore(%run_scoped3A : memref<!tpu.dma_semaphore, #tpu.memory_space<semaphore_mem>>)
      %dma_wait3A_839 = arith.constant 0 : i32
      %dma_wait3A_840 = tpu.memref_slice %arg2[%add3A_34, %dma_wait3A_839] : memref<1024x100000xf32, #tpu.memory_space<hbm>> -> memref<1x100000xf32, #tpu.memory_space<hbm>>
      %dma_wait3A_841 = tpu.memref_squeeze %dma_wait3A_840 : memref<1x100000xf32, #tpu.memory_space<hbm>> -> memref<100000xf32, #tpu.memory_space<hbm>>
      %dma_wait3A_842 = arith.constant 0 : i32
      %dma_wait3A_843 = tpu.memref_slice %arg2[%add3A_34, %dma_wait3A_842] : memref<1024x100000xf32, #tpu.memory_space<hbm>> -> memref<1x100000xf32, #tpu.memory_space<hbm>>
      %dma_wait3A_844 = tpu.memref_squeeze %dma_wait3A_843 : memref<1x100000xf32, #tpu.memory_space<hbm>> -> memref<100000xf32, #tpu.memory_space<hbm>>
      tpu.wait_dma2 semaphore(%run_scoped3A : memref<!tpu.dma_semaphore, #tpu.memory_space<semaphore_mem>>) src(%dma_wait3A_844 : memref<100000xf32, #tpu.memory_space<hbm>>) dst(%arg7 : memref<100000xf32, #tpu.memory_space<vmem>>)
      tpu.yield
    }) : () -> ()
    %add3A_35 = arith.constant 5 : i32
    %add3A_36 = arith.addi %mul3A_2, %add3A_35 : i32
    %mul3A_37 = arith.constant 100000 : i32
    %mul3A_38 = arith.muli %add3A_36, %mul3A_37 : i32
    "tpu.region"() ({
      %run_scoped3A = tpu.sem_alloc : memref<!tpu.dma_semaphore, #tpu.memory_space<semaphore_mem>>
      %dma_start3A_833 = tpu.memref_slice %arg4[%mul3A_38] : memref<102400000xf32, #tpu.memory_space<hbm>> -> memref<100000xf32, #tpu.memory_space<hbm>>
      %dma_start3A_834 = tpu.memref_slice %arg4[%mul3A_38] : memref<102400000xf32, #tpu.memory_space<hbm>> -> memref<100000xf32, #tpu.memory_space<hbm>>
      tpu.enqueue_dma source(%arg7 : memref<100000xf32, #tpu.memory_space<vmem>>) target(%dma_start3A_834 : memref<100000xf32, #tpu.memory_space<hbm>>) target_semaphore(%run_scoped3A : memref<!tpu.dma_semaphore, #tpu.memory_space<semaphore_mem>>)
      %dma_wait3A_835 = tpu.memref_slice %arg4[%mul3A_38] : memref<102400000xf32, #tpu.memory_space<hbm>> -> memref<100000xf32, #tpu.memory_space<hbm>>
      %dma_wait3A_836 = tpu.memref_slice %arg4[%mul3A_38] : memref<102400000xf32, #tpu.memory_space<hbm>> -> memref<100000xf32, #tpu.memory_space<hbm>>
      tpu.wait_dma2 semaphore(%run_scoped3A : memref<!tpu.dma_semaphore, #tpu.memory_space<semaphore_mem>>) src(%arg7 : memref<100000xf32, #tpu.memory_space<vmem>>) dst(%dma_wait3A_836 : memref<100000xf32, #tpu.memory_space<hbm>>)
      tpu.yield
    }) : () -> ()
    %add3A_39 = arith.constant 6 : i32
    %add3A_40 = arith.addi %mul3A_2, %add3A_39 : i32
    "tpu.region"() ({
      %run_scoped3A = tpu.sem_alloc : memref<!tpu.dma_semaphore, #tpu.memory_space<semaphore_mem>>
      %dma_start3A_833 = arith.constant 0 : i32
      %dma_start3A_834 = tpu.memref_slice %arg2[%add3A_40, %dma_start3A_833] : memref<1024x100000xf32, #tpu.memory_space<hbm>> -> memref<1x100000xf32, #tpu.memory_space<hbm>>
      %dma_start3A_835 = tpu.memref_squeeze %dma_start3A_834 : memref<1x100000xf32, #tpu.memory_space<hbm>> -> memref<100000xf32, #tpu.memory_space<hbm>>
      %dma_start3A_836 = arith.constant 0 : i32
      %dma_start3A_837 = tpu.memref_slice %arg2[%add3A_40, %dma_start3A_836] : memref<1024x100000xf32, #tpu.memory_space<hbm>> -> memref<1x100000xf32, #tpu.memory_space<hbm>>
      %dma_start3A_838 = tpu.memref_squeeze %dma_start3A_837 : memref<1x100000xf32, #tpu.memory_space<hbm>> -> memref<100000xf32, #tpu.memory_space<hbm>>
      tpu.enqueue_dma source(%dma_start3A_838 : memref<100000xf32, #tpu.memory_space<hbm>>) target(%arg7 : memref<100000xf32, #tpu.memory_space<vmem>>) target_semaphore(%run_scoped3A : memref<!tpu.dma_semaphore, #tpu.memory_space<semaphore_mem>>)
      %dma_wait3A_839 = arith.constant 0 : i32
      %dma_wait3A_840 = tpu.memref_slice %arg2[%add3A_40, %dma_wait3A_839] : memref<1024x100000xf32, #tpu.memory_space<hbm>> -> memref<1x100000xf32, #tpu.memory_space<hbm>>
      %dma_wait3A_841 = tpu.memref_squeeze %dma_wait3A_840 : memref<1x100000xf32, #tpu.memory_space<hbm>> -> memref<100000xf32, #tpu.memory_space<hbm>>
      %dma_wait3A_842 = arith.constant 0 : i32
      %dma_wait3A_843 = tpu.memref_slice %arg2[%add3A_40, %dma_wait3A_842] : memref<1024x100000xf32, #tpu.memory_space<hbm>> -> memref<1x100000xf32, #tpu.memory_space<hbm>>
      %dma_wait3A_844 = tpu.memref_squeeze %dma_wait3A_843 : memref<1x100000xf32, #tpu.memory_space<hbm>> -> memref<100000xf32, #tpu.memory_space<hbm>>
      tpu.wait_dma2 semaphore(%run_scoped3A : memref<!tpu.dma_semaphore, #tpu.memory_space<semaphore_mem>>) src(%dma_wait3A_844 : memref<100000xf32, #tpu.memory_space<hbm>>) dst(%arg7 : memref<100000xf32, #tpu.memory_space<vmem>>)
      tpu.yield
    }) : () -> ()
    %add3A_41 = arith.constant 6 : i32
    %add3A_42 = arith.addi %mul3A_2, %add3A_41 : i32
    %mul3A_43 = arith.constant 100000 : i32
    %mul3A_44 = arith.muli %add3A_42, %mul3A_43 : i32
    "tpu.region"() ({
      %run_scoped3A = tpu.sem_alloc : memref<!tpu.dma_semaphore, #tpu.memory_space<semaphore_mem>>
      %dma_start3A_833 = tpu.memref_slice %arg4[%mul3A_44] : memref<102400000xf32, #tpu.memory_space<hbm>> -> memref<100000xf32, #tpu.memory_space<hbm>>
      %dma_start3A_834 = tpu.memref_slice %arg4[%mul3A_44] : memref<102400000xf32, #tpu.memory_space<hbm>> -> memref<100000xf32, #tpu.memory_space<hbm>>
      tpu.enqueue_dma source(%arg7 : memref<100000xf32, #tpu.memory_space<vmem>>) target(%dma_start3A_834 : memref<100000xf32, #tpu.memory_space<hbm>>) target_semaphore(%run_scoped3A : memref<!tpu.dma_semaphore, #tpu.memory_space<semaphore_mem>>)
      %dma_wait3A_835 = tpu.memref_slice %arg4[%mul3A_44] : memref<102400000xf32, #tpu.memory_space<hbm>> -> memref<100000xf32, #tpu.memory_space<hbm>>
      %dma_wait3A_836 = tpu.memref_slice %arg4[%mul3A_44] : memref<102400000xf32, #tpu.memory_space<hbm>> -> memref<100000xf32, #tpu.memory_space<hbm>>
      tpu.wait_dma2 semaphore(%run_scoped3A : memref<!tpu.dma_semaphore, #tpu.memory_space<semaphore_mem>>) src(%arg7 : memref<100000xf32, #tpu.memory_space<vmem>>) dst(%dma_wait3A_836 : memref<100000xf32, #tpu.memory_space<hbm>>)
      tpu.yield
    }) : () -> ()
    %add3A_45 = arith.constant 7 : i32
    %add3A_46 = arith.addi %mul3A_2, %add3A_45 : i32
    "tpu.region"() ({
      %run_scoped3A = tpu.sem_alloc : memref<!tpu.dma_semaphore, #tpu.memory_space<semaphore_mem>>
      %dma_start3A_833 = arith.constant 0 : i32
      %dma_start3A_834 = tpu.memref_slice %arg2[%add3A_46, %dma_start3A_833] : memref<1024x100000xf32, #tpu.memory_space<hbm>> -> memref<1x100000xf32, #tpu.memory_space<hbm>>
      %dma_start3A_835 = tpu.memref_squeeze %dma_start3A_834 : memref<1x100000xf32, #tpu.memory_space<hbm>> -> memref<100000xf32, #tpu.memory_space<hbm>>
      %dma_start3A_836 = arith.constant 0 : i32
      %dma_start3A_837 = tpu.memref_slice %arg2[%add3A_46, %dma_start3A_836] : memref<1024x100000xf32, #tpu.memory_space<hbm>> -> memref<1x100000xf32, #tpu.memory_space<hbm>>
      %dma_start3A_838 = tpu.memref_squeeze %dma_start3A_837 : memref<1x100000xf32, #tpu.memory_space<hbm>> -> memref<100000xf32, #tpu.memory_space<hbm>>
      tpu.enqueue_dma source(%dma_start3A_838 : memref<100000xf32, #tpu.memory_space<hbm>>) target(%arg7 : memref<100000xf32, #tpu.memory_space<vmem>>) target_semaphore(%run_scoped3A : memref<!tpu.dma_semaphore, #tpu.memory_space<semaphore_mem>>)
      %dma_wait3A_839 = arith.constant 0 : i32
      %dma_wait3A_840 = tpu.memref_slice %arg2[%add3A_46, %dma_wait3A_839] : memref<1024x100000xf32, #tpu.memory_space<hbm>> -> memref<1x100000xf32, #tpu.memory_space<hbm>>
      %dma_wait3A_841 = tpu.memref_squeeze %dma_wait3A_840 : memref<1x100000xf32, #tpu.memory_space<hbm>> -> memref<100000xf32, #tpu.memory_space<hbm>>
      %dma_wait3A_842 = arith.constant 0 : i32
      %dma_wait3A_843 = tpu.memref_slice %arg2[%add3A_46, %dma_wait3A_842] : memref<1024x100000xf32, #tpu.memory_space<hbm>> -> memref<1x100000xf32, #tpu.memory_space<hbm>>
      %dma_wait3A_844 = tpu.memref_squeeze %dma_wait3A_843 : memref<1x100000xf32, #tpu.memory_space<hbm>> -> memref<100000xf32, #tpu.memory_space<hbm>>
      tpu.wait_dma2 semaphore(%run_scoped3A : memref<!tpu.dma_semaphore, #tpu.memory_space<semaphore_mem>>) src(%dma_wait3A_844 : memref<100000xf32, #tpu.memory_space<hbm>>) dst(%arg7 : memref<100000xf32, #tpu.memory_space<vmem>>)
      tpu.yield
    }) : () -> ()
    %add3A_47 = arith.constant 7 : i32
    %add3A_48 = arith.addi %mul3A_2, %add3A_47 : i32
    %mul3A_49 = arith.constant 100000 : i32
    %mul3A_50 = arith.muli %add3A_48, %mul3A_49 : i32
    "tpu.region"() ({
      %run_scoped3A = tpu.sem_alloc : memref<!tpu.dma_semaphore, #tpu.memory_space<semaphore_mem>>
      %dma_start3A_833 = tpu.memref_slice %arg4[%mul3A_50] : memref<102400000xf32, #tpu.memory_space<hbm>> -> memref<100000xf32, #tpu.memory_space<hbm>>
      %dma_start3A_834 = tpu.memref_slice %arg4[%mul3A_50] : memref<102400000xf32, #tpu.memory_space<hbm>> -> memref<100000xf32, #tpu.memory_space<hbm>>
      tpu.enqueue_dma source(%arg7 : memref<100000xf32, #tpu.memory_space<vmem>>) target(%dma_start3A_834 : memref<100000xf32, #tpu.memory_space<hbm>>) target_semaphore(%run_scoped3A : memref<!tpu.dma_semaphore, #tpu.memory_space<semaphore_mem>>)
      %dma_wait3A_835 = tpu.memref_slice %arg4[%mul3A_50] : memref<102400000xf32, #tpu.memory_space<hbm>> -> memref<100000xf32, #tpu.memory_space<hbm>>
      %dma_wait3A_836 = tpu.memref_slice %arg4[%mul3A_50] : memref<102400000xf32, #tpu.memory_space<hbm>> -> memref<100000xf32, #tpu.memory_space<hbm>>
      tpu.wait_dma2 semaphore(%run_scoped3A : memref<!tpu.dma_semaphore, #tpu.memory_space<semaphore_mem>>) src(%arg7 : memref<100000xf32, #tpu.memory_space<vmem>>) dst(%dma_wait3A_836 : memref<100000xf32, #tpu.memory_space<hbm>>)
      tpu.yield
    }) : () -> ()
    %add3A_51 = arith.constant 8 : i32
    %add3A_52 = arith.addi %mul3A_2, %add3A_51 : i32
    "tpu.region"() ({
      %run_scoped3A = tpu.sem_alloc : memref<!tpu.dma_semaphore, #tpu.memory_space<semaphore_mem>>
      %dma_start3A_833 = arith.constant 0 : i32
      %dma_start3A_834 = tpu.memref_slice %arg2[%add3A_52, %dma_start3A_833] : memref<1024x100000xf32, #tpu.memory_space<hbm>> -> memref<1x100000xf32, #tpu.memory_space<hbm>>
      %dma_start3A_835 = tpu.memref_squeeze %dma_start3A_834 : memref<1x100000xf32, #tpu.memory_space<hbm>> -> memref<100000xf32, #tpu.memory_space<hbm>>
      %dma_start3A_836 = arith.constant 0 : i32
      %dma_start3A_837 = tpu.memref_slice %arg2[%add3A_52, %dma_start3A_836] : memref<1024x100000xf32, #tpu.memory_space<hbm>> -> memref<1x100000xf32, #tpu.memory_space<hbm>>
      %dma_start3A_838 = tpu.memref_squeeze %dma_start3A_837 : memref<1x100000xf32, #tpu.memory_space<hbm>> -> memref<100000xf32, #tpu.memory_space<hbm>>
      tpu.enqueue_dma source(%dma_start3A_838 : memref<100000xf32, #tpu.memory_space<hbm>>) target(%arg7 : memref<100000xf32, #tpu.memory_space<vmem>>) target_semaphore(%run_scoped3A : memref<!tpu.dma_semaphore, #tpu.memory_space<semaphore_mem>>)
      %dma_wait3A_839 = arith.constant 0 : i32
      %dma_wait3A_840 = tpu.memref_slice %arg2[%add3A_52, %dma_wait3A_839] : memref<1024x100000xf32, #tpu.memory_space<hbm>> -> memref<1x100000xf32, #tpu.memory_space<hbm>>
      %dma_wait3A_841 = tpu.memref_squeeze %dma_wait3A_840 : memref<1x100000xf32, #tpu.memory_space<hbm>> -> memref<100000xf32, #tpu.memory_space<hbm>>
      %dma_wait3A_842 = arith.constant 0 : i32
      %dma_wait3A_843 = tpu.memref_slice %arg2[%add3A_52, %dma_wait3A_842] : memref<1024x100000xf32, #tpu.memory_space<hbm>> -> memref<1x100000xf32, #tpu.memory_space<hbm>>
      %dma_wait3A_844 = tpu.memref_squeeze %dma_wait3A_843 : memref<1x100000xf32, #tpu.memory_space<hbm>> -> memref<100000xf32, #tpu.memory_space<hbm>>
      tpu.wait_dma2 semaphore(%run_scoped3A : memref<!tpu.dma_semaphore, #tpu.memory_space<semaphore_mem>>) src(%dma_wait3A_844 : memref<100000xf32, #tpu.memory_space<hbm>>) dst(%arg7 : memref<100000xf32, #tpu.memory_space<vmem>>)
      tpu.yield
    }) : () -> ()
    %add3A_53 = arith.constant 8 : i32
    %add3A_54 = arith.addi %mul3A_2, %add3A_53 : i32
    %mul3A_55 = arith.constant 100000 : i32
    %mul3A_56 = arith.muli %add3A_54, %mul3A_55 : i32
    "tpu.region"() ({
      %run_scoped3A = tpu.sem_alloc : memref<!tpu.dma_semaphore, #tpu.memory_space<semaphore_mem>>
      %dma_start3A_833 = tpu.memref_slice %arg4[%mul3A_56] : memref<102400000xf32, #tpu.memory_space<hbm>> -> memref<100000xf32, #tpu.memory_space<hbm>>
      %dma_start3A_834 = tpu.memref_slice %arg4[%mul3A_56] : memref<102400000xf32, #tpu.memory_space<hbm>> -> memref<100000xf32, #tpu.memory_space<hbm>>
      tpu.enqueue_dma source(%arg7 : memref<100000xf32, #tpu.memory_space<vmem>>) target(%dma_start3A_834 : memref<100000xf32, #tpu.memory_space<hbm>>) target_semaphore(%run_scoped3A : memref<!tpu.dma_semaphore, #tpu.memory_space<semaphore_mem>>)
      %dma_wait3A_835 = tpu.memref_slice %arg4[%mul3A_56] : memref<102400000xf32, #tpu.memory_space<hbm>> -> memref<100000xf32, #tpu.memory_space<hbm>>
      %dma_wait3A_836 = tpu.memref_slice %arg4[%mul3A_56] : memref<102400000xf32, #tpu.memory_space<hbm>> -> memref<100000xf32, #tpu.memory_space<hbm>>
      tpu.wait_dma2 semaphore(%run_scoped3A : memref<!tpu.dma_semaphore, #tpu.memory_space<semaphore_mem>>) src(%arg7 : memref<100000xf32, #tpu.memory_space<vmem>>) dst(%dma_wait3A_836 : memref<100000xf32, #tpu.memory_space<hbm>>)
      tpu.yield
    }) : () -> ()
    %add3A_57 = arith.constant 9 : i32
    %add3A_58 = arith.addi %mul3A_2, %add3A_57 : i32
    "tpu.region"() ({
      %run_scoped3A = tpu.sem_alloc : memref<!tpu.dma_semaphore, #tpu.memory_space<semaphore_mem>>
      %dma_start3A_833 = arith.constant 0 : i32
      %dma_start3A_834 = tpu.memref_slice %arg2[%add3A_58, %dma_start3A_833] : memref<1024x100000xf32, #tpu.memory_space<hbm>> -> memref<1x100000xf32, #tpu.memory_space<hbm>>
      %dma_start3A_835 = tpu.memref_squeeze %dma_start3A_834 : memref<1x100000xf32, #tpu.memory_space<hbm>> -> memref<100000xf32, #tpu.memory_space<hbm>>
      %dma_start3A_836 = arith.constant 0 : i32
      %dma_start3A_837 = tpu.memref_slice %arg2[%add3A_58, %dma_start3A_836] : memref<1024x100000xf32, #tpu.memory_space<hbm>> -> memref<1x100000xf32, #tpu.memory_space<hbm>>
      %dma_start3A_838 = tpu.memref_squeeze %dma_start3A_837 : memref<1x100000xf32, #tpu.memory_space<hbm>> -> memref<100000xf32, #tpu.memory_space<hbm>>
      tpu.enqueue_dma source(%dma_start3A_838 : memref<100000xf32, #tpu.memory_space<hbm>>) target(%arg7 : memref<100000xf32, #tpu.memory_space<vmem>>) target_semaphore(%run_scoped3A : memref<!tpu.dma_semaphore, #tpu.memory_space<semaphore_mem>>)
      %dma_wait3A_839 = arith.constant 0 : i32
      %dma_wait3A_840 = tpu.memref_slice %arg2[%add3A_58, %dma_wait3A_839] : memref<1024x100000xf32, #tpu.memory_space<hbm>> -> memref<1x100000xf32, #tpu.memory_space<hbm>>
      %dma_wait3A_841 = tpu.memref_squeeze %dma_wait3A_840 : memref<1x100000xf32, #tpu.memory_space<hbm>> -> memref<100000xf32, #tpu.memory_space<hbm>>
      %dma_wait3A_842 = arith.constant 0 : i32
      %dma_wait3A_843 = tpu.memref_slice %arg2[%add3A_58, %dma_wait3A_842] : memref<1024x100000xf32, #tpu.memory_space<hbm>> -> memref<1x100000xf32, #tpu.memory_space<hbm>>
      %dma_wait3A_844 = tpu.memref_squeeze %dma_wait3A_843 : memref<1x100000xf32, #tpu.memory_space<hbm>> -> memref<100000xf32, #tpu.memory_space<hbm>>
      tpu.wait_dma2 semaphore(%run_scoped3A : memref<!tpu.dma_semaphore, #tpu.memory_space<semaphore_mem>>) src(%dma_wait3A_844 : memref<100000xf32, #tpu.memory_space<hbm>>) dst(%arg7 : memref<100000xf32, #tpu.memory_space<vmem>>)
      tpu.yield
    }) : () -> ()
    %add3A_59 = arith.constant 9 : i32
    %add3A_60 = arith.addi %mul3A_2, %add3A_59 : i32
    %mul3A_61 = arith.constant 100000 : i32
    %mul3A_62 = arith.muli %add3A_60, %mul3A_61 : i32
    "tpu.region"() ({
      %run_scoped3A = tpu.sem_alloc : memref<!tpu.dma_semaphore, #tpu.memory_space<semaphore_mem>>
      %dma_start3A_833 = tpu.memref_slice %arg4[%mul3A_62] : memref<102400000xf32, #tpu.memory_space<hbm>> -> memref<100000xf32, #tpu.memory_space<hbm>>
      %dma_start3A_834 = tpu.memref_slice %arg4[%mul3A_62] : memref<102400000xf32, #tpu.memory_space<hbm>> -> memref<100000xf32, #tpu.memory_space<hbm>>
      tpu.enqueue_dma source(%arg7 : memref<100000xf32, #tpu.memory_space<vmem>>) target(%dma_start3A_834 : memref<100000xf32, #tpu.memory_space<hbm>>) target_semaphore(%run_scoped3A : memref<!tpu.dma_semaphore, #tpu.memory_space<semaphore_mem>>)
      %dma_wait3A_835 = tpu.memref_slice %arg4[%mul3A_62] : memref<102400000xf32, #tpu.memory_space<hbm>> -> memref<100000xf32, #tpu.memory_space<hbm>>
      %dma_wait3A_836 = tpu.memref_slice %arg4[%mul3A_62] : memref<102400000xf32, #tpu.memory_space<hbm>> -> memref<100000xf32, #tpu.memory_space<hbm>>
      tpu.wait_dma2 semaphore(%run_scoped3A : memref<!tpu.dma_semaphore, #tpu.memory_space<semaphore_mem>>) src(%arg7 : memref<100000xf32, #tpu.memory_space<vmem>>) dst(%dma_wait3A_836 : memref<100000xf32, #tpu.memory_space<hbm>>)
      tpu.yield
    }) : () -> ()
    %add3A_63 = arith.constant 10 : i32
    %add3A_64 = arith.addi %mul3A_2, %add3A_63 : i32
    "tpu.region"() ({
      %run_scoped3A = tpu.sem_alloc : memref<!tpu.dma_semaphore, #tpu.memory_space<semaphore_mem>>
      %dma_start3A_833 = arith.constant 0 : i32
      %dma_start3A_834 = tpu.memref_slice %arg2[%add3A_64, %dma_start3A_833] : memref<1024x100000xf32, #tpu.memory_space<hbm>> -> memref<1x100000xf32, #tpu.memory_space<hbm>>
      %dma_start3A_835 = tpu.memref_squeeze %dma_start3A_834 : memref<1x100000xf32, #tpu.memory_space<hbm>> -> memref<100000xf32, #tpu.memory_space<hbm>>
      %dma_start3A_836 = arith.constant 0 : i32
      %dma_start3A_837 = tpu.memref_slice %arg2[%add3A_64, %dma_start3A_836] : memref<1024x100000xf32, #tpu.memory_space<hbm>> -> memref<1x100000xf32, #tpu.memory_space<hbm>>
      %dma_start3A_838 = tpu.memref_squeeze %dma_start3A_837 : memref<1x100000xf32, #tpu.memory_space<hbm>> -> memref<100000xf32, #tpu.memory_space<hbm>>
      tpu.enqueue_dma source(%dma_start3A_838 : memref<100000xf32, #tpu.memory_space<hbm>>) target(%arg7 : memref<100000xf32, #tpu.memory_space<vmem>>) target_semaphore(%run_scoped3A : memref<!tpu.dma_semaphore, #tpu.memory_space<semaphore_mem>>)
      %dma_wait3A_839 = arith.constant 0 : i32
      %dma_wait3A_840 = tpu.memref_slice %arg2[%add3A_64, %dma_wait3A_839] : memref<1024x100000xf32, #tpu.memory_space<hbm>> -> memref<1x100000xf32, #tpu.memory_space<hbm>>
      %dma_wait3A_841 = tpu.memref_squeeze %dma_wait3A_840 : memref<1x100000xf32, #tpu.memory_space<hbm>> -> memref<100000xf32, #tpu.memory_space<hbm>>
      %dma_wait3A_842 = arith.constant 0 : i32
      %dma_wait3A_843 = tpu.memref_slice %arg2[%add3A_64, %dma_wait3A_842] : memref<1024x100000xf32, #tpu.memory_space<hbm>> -> memref<1x100000xf32, #tpu.memory_space<hbm>>
      %dma_wait3A_844 = tpu.memref_squeeze %dma_wait3A_843 : memref<1x100000xf32, #tpu.memory_space<hbm>> -> memref<100000xf32, #tpu.memory_space<hbm>>
      tpu.wait_dma2 semaphore(%run_scoped3A : memref<!tpu.dma_semaphore, #tpu.memory_space<semaphore_mem>>) src(%dma_wait3A_844 : memref<100000xf32, #tpu.memory_space<hbm>>) dst(%arg7 : memref<100000xf32, #tpu.memory_space<vmem>>)
      tpu.yield
    }) : () -> ()
    %add3A_65 = arith.constant 10 : i32
    %add3A_66 = arith.addi %mul3A_2, %add3A_65 : i32
    %mul3A_67 = arith.constant 100000 : i32
    %mul3A_68 = arith.muli %add3A_66, %mul3A_67 : i32
    "tpu.region"() ({
      %run_scoped3A = tpu.sem_alloc : memref<!tpu.dma_semaphore, #tpu.memory_space<semaphore_mem>>
      %dma_start3A_833 = tpu.memref_slice %arg4[%mul3A_68] : memref<102400000xf32, #tpu.memory_space<hbm>> -> memref<100000xf32, #tpu.memory_space<hbm>>
      %dma_start3A_834 = tpu.memref_slice %arg4[%mul3A_68] : memref<102400000xf32, #tpu.memory_space<hbm>> -> memref<100000xf32, #tpu.memory_space<hbm>>
      tpu.enqueue_dma source(%arg7 : memref<100000xf32, #tpu.memory_space<vmem>>) target(%dma_start3A_834 : memref<100000xf32, #tpu.memory_space<hbm>>) target_semaphore(%run_scoped3A : memref<!tpu.dma_semaphore, #tpu.memory_space<semaphore_mem>>)
      %dma_wait3A_835 = tpu.memref_slice %arg4[%mul3A_68] : memref<102400000xf32, #tpu.memory_space<hbm>> -> memref<100000xf32, #tpu.memory_space<hbm>>
      %dma_wait3A_836 = tpu.memref_slice %arg4[%mul3A_68] : memref<102400000xf32, #tpu.memory_space<hbm>> -> memref<100000xf32, #tpu.memory_space<hbm>>
      tpu.wait_dma2 semaphore(%run_scoped3A : memref<!tpu.dma_semaphore, #tpu.memory_space<semaphore_mem>>) src(%arg7 : memref<100000xf32, #tpu.memory_space<vmem>>) dst(%dma_wait3A_836 : memref<100000xf32, #tpu.memory_space<hbm>>)
      tpu.yield
    }) : () -> ()
    %add3A_69 = arith.constant 11 : i32
    %add3A_70 = arith.addi %mul3A_2, %add3A_69 : i32
    "tpu.region"() ({
      %run_scoped3A = tpu.sem_alloc : memref<!tpu.dma_semaphore, #tpu.memory_space<semaphore_mem>>
      %dma_start3A_833 = arith.constant 0 : i32
      %dma_start3A_834 = tpu.memref_slice %arg2[%add3A_70, %dma_start3A_833] : memref<1024x100000xf32, #tpu.memory_space<hbm>> -> memref<1x100000xf32, #tpu.memory_space<hbm>>
      %dma_start3A_835 = tpu.memref_squeeze %dma_start3A_834 : memref<1x100000xf32, #tpu.memory_space<hbm>> -> memref<100000xf32, #tpu.memory_space<hbm>>
      %dma_start3A_836 = arith.constant 0 : i32
      %dma_start3A_837 = tpu.memref_slice %arg2[%add3A_70, %dma_start3A_836] : memref<1024x100000xf32, #tpu.memory_space<hbm>> -> memref<1x100000xf32, #tpu.memory_space<hbm>>
      %dma_start3A_838 = tpu.memref_squeeze %dma_start3A_837 : memref<1x100000xf32, #tpu.memory_space<hbm>> -> memref<100000xf32, #tpu.memory_space<hbm>>
      tpu.enqueue_dma source(%dma_start3A_838 : memref<100000xf32, #tpu.memory_space<hbm>>) target(%arg7 : memref<100000xf32, #tpu.memory_space<vmem>>) target_semaphore(%run_scoped3A : memref<!tpu.dma_semaphore, #tpu.memory_space<semaphore_mem>>)
      %dma_wait3A_839 = arith.constant 0 : i32
      %dma_wait3A_840 = tpu.memref_slice %arg2[%add3A_70, %dma_wait3A_839] : memref<1024x100000xf32, #tpu.memory_space<hbm>> -> memref<1x100000xf32, #tpu.memory_space<hbm>>
      %dma_wait3A_841 = tpu.memref_squeeze %dma_wait3A_840 : memref<1x100000xf32, #tpu.memory_space<hbm>> -> memref<100000xf32, #tpu.memory_space<hbm>>
      %dma_wait3A_842 = arith.constant 0 : i32
      %dma_wait3A_843 = tpu.memref_slice %arg2[%add3A_70, %dma_wait3A_842] : memref<1024x100000xf32, #tpu.memory_space<hbm>> -> memref<1x100000xf32, #tpu.memory_space<hbm>>
      %dma_wait3A_844 = tpu.memref_squeeze %dma_wait3A_843 : memref<1x100000xf32, #tpu.memory_space<hbm>> -> memref<100000xf32, #tpu.memory_space<hbm>>
      tpu.wait_dma2 semaphore(%run_scoped3A : memref<!tpu.dma_semaphore, #tpu.memory_space<semaphore_mem>>) src(%dma_wait3A_844 : memref<100000xf32, #tpu.memory_space<hbm>>) dst(%arg7 : memref<100000xf32, #tpu.memory_space<vmem>>)
      tpu.yield
    }) : () -> ()
    %add3A_71 = arith.constant 11 : i32
    %add3A_72 = arith.addi %mul3A_2, %add3A_71 : i32
    %mul3A_73 = arith.constant 100000 : i32
    %mul3A_74 = arith.muli %add3A_72, %mul3A_73 : i32
    "tpu.region"() ({
      %run_scoped3A = tpu.sem_alloc : memref<!tpu.dma_semaphore, #tpu.memory_space<semaphore_mem>>
      %dma_start3A_833 = tpu.memref_slice %arg4[%mul3A_74] : memref<102400000xf32, #tpu.memory_space<hbm>> -> memref<100000xf32, #tpu.memory_space<hbm>>
      %dma_start3A_834 = tpu.memref_slice %arg4[%mul3A_74] : memref<102400000xf32, #tpu.memory_space<hbm>> -> memref<100000xf32, #tpu.memory_space<hbm>>
      tpu.enqueue_dma source(%arg7 : memref<100000xf32, #tpu.memory_space<vmem>>) target(%dma_start3A_834 : memref<100000xf32, #tpu.memory_space<hbm>>) target_semaphore(%run_scoped3A : memref<!tpu.dma_semaphore, #tpu.memory_space<semaphore_mem>>)
      %dma_wait3A_835 = tpu.memref_slice %arg4[%mul3A_74] : memref<102400000xf32, #tpu.memory_space<hbm>> -> memref<100000xf32, #tpu.memory_space<hbm>>
      %dma_wait3A_836 = tpu.memref_slice %arg4[%mul3A_74] : memref<102400000xf32, #tpu.memory_space<hbm>> -> memref<100000xf32, #tpu.memory_space<hbm>>
      tpu.wait_dma2 semaphore(%run_scoped3A : memref<!tpu.dma_semaphore, #tpu.memory_space<semaphore_mem>>) src(%arg7 : memref<100000xf32, #tpu.memory_space<vmem>>) dst(%dma_wait3A_836 : memref<100000xf32, #tpu.memory_space<hbm>>)
      tpu.yield
    }) : () -> ()
    %add3A_75 = arith.constant 12 : i32
    %add3A_76 = arith.addi %mul3A_2, %add3A_75 : i32
    "tpu.region"() ({
      %run_scoped3A = tpu.sem_alloc : memref<!tpu.dma_semaphore, #tpu.memory_space<semaphore_mem>>
      %dma_start3A_833 = arith.constant 0 : i32
      %dma_start3A_834 = tpu.memref_slice %arg2[%add3A_76, %dma_start3A_833] : memref<1024x100000xf32, #tpu.memory_space<hbm>> -> memref<1x100000xf32, #tpu.memory_space<hbm>>
      %dma_start3A_835 = tpu.memref_squeeze %dma_start3A_834 : memref<1x100000xf32, #tpu.memory_space<hbm>> -> memref<100000xf32, #tpu.memory_space<hbm>>
      %dma_start3A_836 = arith.constant 0 : i32
      %dma_start3A_837 = tpu.memref_slice %arg2[%add3A_76, %dma_start3A_836] : memref<1024x100000xf32, #tpu.memory_space<hbm>> -> memref<1x100000xf32, #tpu.memory_space<hbm>>
      %dma_start3A_838 = tpu.memref_squeeze %dma_start3A_837 : memref<1x100000xf32, #tpu.memory_space<hbm>> -> memref<100000xf32, #tpu.memory_space<hbm>>
      tpu.enqueue_dma source(%dma_start3A_838 : memref<100000xf32, #tpu.memory_space<hbm>>) target(%arg7 : memref<100000xf32, #tpu.memory_space<vmem>>) target_semaphore(%run_scoped3A : memref<!tpu.dma_semaphore, #tpu.memory_space<semaphore_mem>>)
      %dma_wait3A_839 = arith.constant 0 : i32
      %dma_wait3A_840 = tpu.memref_slice %arg2[%add3A_76, %dma_wait3A_839] : memref<1024x100000xf32, #tpu.memory_space<hbm>> -> memref<1x100000xf32, #tpu.memory_space<hbm>>
      %dma_wait3A_841 = tpu.memref_squeeze %dma_wait3A_840 : memref<1x100000xf32, #tpu.memory_space<hbm>> -> memref<100000xf32, #tpu.memory_space<hbm>>
      %dma_wait3A_842 = arith.constant 0 : i32
      %dma_wait3A_843 = tpu.memref_slice %arg2[%add3A_76, %dma_wait3A_842] : memref<1024x100000xf32, #tpu.memory_space<hbm>> -> memref<1x100000xf32, #tpu.memory_space<hbm>>
      %dma_wait3A_844 = tpu.memref_squeeze %dma_wait3A_843 : memref<1x100000xf32, #tpu.memory_space<hbm>> -> memref<100000xf32, #tpu.memory_space<hbm>>
      tpu.wait_dma2 semaphore(%run_scoped3A : memref<!tpu.dma_semaphore, #tpu.memory_space<semaphore_mem>>) src(%dma_wait3A_844 : memref<100000xf32, #tpu.memory_space<hbm>>) dst(%arg7 : memref<100000xf32, #tpu.memory_space<vmem>>)
      tpu.yield
    }) : () -> ()
    %add3A_77 = arith.constant 12 : i32
    %add3A_78 = arith.addi %mul3A_2, %add3A_77 : i32
    %mul3A_79 = arith.constant 100000 : i32
    %mul3A_80 = arith.muli %add3A_78, %mul3A_79 : i32
    "tpu.region"() ({
      %run_scoped3A = tpu.sem_alloc : memref<!tpu.dma_semaphore, #tpu.memory_space<semaphore_mem>>
      %dma_start3A_833 = tpu.memref_slice %arg4[%mul3A_80] : memref<102400000xf32, #tpu.memory_space<hbm>> -> memref<100000xf32, #tpu.memory_space<hbm>>
      %dma_start3A_834 = tpu.memref_slice %arg4[%mul3A_80] : memref<102400000xf32, #tpu.memory_space<hbm>> -> memref<100000xf32, #tpu.memory_space<hbm>>
      tpu.enqueue_dma source(%arg7 : memref<100000xf32, #tpu.memory_space<vmem>>) target(%dma_start3A_834 : memref<100000xf32, #tpu.memory_space<hbm>>) target_semaphore(%run_scoped3A : memref<!tpu.dma_semaphore, #tpu.memory_space<semaphore_mem>>)
      %dma_wait3A_835 = tpu.memref_slice %arg4[%mul3A_80] : memref<102400000xf32, #tpu.memory_space<hbm>> -> memref<100000xf32, #tpu.memory_space<hbm>>
      %dma_wait3A_836 = tpu.memref_slice %arg4[%mul3A_80] : memref<102400000xf32, #tpu.memory_space<hbm>> -> memref<100000xf32, #tpu.memory_space<hbm>>
      tpu.wait_dma2 semaphore(%run_scoped3A : memref<!tpu.dma_semaphore, #tpu.memory_space<semaphore_mem>>) src(%arg7 : memref<100000xf32, #tpu.memory_space<vmem>>) dst(%dma_wait3A_836 : memref<100000xf32, #tpu.memory_space<hbm>>)
      tpu.yield
    }) : () -> ()
    %add3A_81 = arith.constant 13 : i32
    %add3A_82 = arith.addi %mul3A_2, %add3A_81 : i32
    "tpu.region"() ({
      %run_scoped3A = tpu.sem_alloc : memref<!tpu.dma_semaphore, #tpu.memory_space<semaphore_mem>>
      %dma_start3A_833 = arith.constant 0 : i32
      %dma_start3A_834 = tpu.memref_slice %arg2[%add3A_82, %dma_start3A_833] : memref<1024x100000xf32, #tpu.memory_space<hbm>> -> memref<1x100000xf32, #tpu.memory_space<hbm>>
      %dma_start3A_835 = tpu.memref_squeeze %dma_start3A_834 : memref<1x100000xf32, #tpu.memory_space<hbm>> -> memref<100000xf32, #tpu.memory_space<hbm>>
      %dma_start3A_836 = arith.constant 0 : i32
      %dma_start3A_837 = tpu.memref_slice %arg2[%add3A_82, %dma_start3A_836] : memref<1024x100000xf32, #tpu.memory_space<hbm>> -> memref<1x100000xf32, #tpu.memory_space<hbm>>
      %dma_start3A_838 = tpu.memref_squeeze %dma_start3A_837 : memref<1x100000xf32, #tpu.memory_space<hbm>> -> memref<100000xf32, #tpu.memory_space<hbm>>
      tpu.enqueue_dma source(%dma_start3A_838 : memref<100000xf32, #tpu.memory_space<hbm>>) target(%arg7 : memref<100000xf32, #tpu.memory_space<vmem>>) target_semaphore(%run_scoped3A : memref<!tpu.dma_semaphore, #tpu.memory_space<semaphore_mem>>)
      %dma_wait3A_839 = arith.constant 0 : i32
      %dma_wait3A_840 = tpu.memref_slice %arg2[%add3A_82, %dma_wait3A_839] : memref<1024x100000xf32, #tpu.memory_space<hbm>> -> memref<1x100000xf32, #tpu.memory_space<hbm>>
      %dma_wait3A_841 = tpu.memref_squeeze %dma_wait3A_840 : memref<1x100000xf32, #tpu.memory_space<hbm>> -> memref<100000xf32, #tpu.memory_space<hbm>>
      %dma_wait3A_842 = arith.constant 0 : i32
      %dma_wait3A_843 = tpu.memref_slice %arg2[%add3A_82, %dma_wait3A_842] : memref<1024x100000xf32, #tpu.memory_space<hbm>> -> memref<1x100000xf32, #tpu.memory_space<hbm>>
      %dma_wait3A_844 = tpu.memref_squeeze %dma_wait3A_843 : memref<1x100000xf32, #tpu.memory_space<hbm>> -> memref<100000xf32, #tpu.memory_space<hbm>>
      tpu.wait_dma2 semaphore(%run_scoped3A : memref<!tpu.dma_semaphore, #tpu.memory_space<semaphore_mem>>) src(%dma_wait3A_844 : memref<100000xf32, #tpu.memory_space<hbm>>) dst(%arg7 : memref<100000xf32, #tpu.memory_space<vmem>>)
      tpu.yield
    }) : () -> ()
    %add3A_83 = arith.constant 13 : i32
    %add3A_84 = arith.addi %mul3A_2, %add3A_83 : i32
    %mul3A_85 = arith.constant 100000 : i32
    %mul3A_86 = arith.muli %add3A_84, %mul3A_85 : i32
    "tpu.region"() ({
      %run_scoped3A = tpu.sem_alloc : memref<!tpu.dma_semaphore, #tpu.memory_space<semaphore_mem>>
      %dma_start3A_833 = tpu.memref_slice %arg4[%mul3A_86] : memref<102400000xf32, #tpu.memory_space<hbm>> -> memref<100000xf32, #tpu.memory_space<hbm>>
      %dma_start3A_834 = tpu.memref_slice %arg4[%mul3A_86] : memref<102400000xf32, #tpu.memory_space<hbm>> -> memref<100000xf32, #tpu.memory_space<hbm>>
      tpu.enqueue_dma source(%arg7 : memref<100000xf32, #tpu.memory_space<vmem>>) target(%dma_start3A_834 : memref<100000xf32, #tpu.memory_space<hbm>>) target_semaphore(%run_scoped3A : memref<!tpu.dma_semaphore, #tpu.memory_space<semaphore_mem>>)
      %dma_wait3A_835 = tpu.memref_slice %arg4[%mul3A_86] : memref<102400000xf32, #tpu.memory_space<hbm>> -> memref<100000xf32, #tpu.memory_space<hbm>>
      %dma_wait3A_836 = tpu.memref_slice %arg4[%mul3A_86] : memref<102400000xf32, #tpu.memory_space<hbm>> -> memref<100000xf32, #tpu.memory_space<hbm>>
      tpu.wait_dma2 semaphore(%run_scoped3A : memref<!tpu.dma_semaphore, #tpu.memory_space<semaphore_mem>>) src(%arg7 : memref<100000xf32, #tpu.memory_space<vmem>>) dst(%dma_wait3A_836 : memref<100000xf32, #tpu.memory_space<hbm>>)
      tpu.yield
    }) : () -> ()
    %add3A_87 = arith.constant 14 : i32
    %add3A_88 = arith.addi %mul3A_2, %add3A_87 : i32
    "tpu.region"() ({
      %run_scoped3A = tpu.sem_alloc : memref<!tpu.dma_semaphore, #tpu.memory_space<semaphore_mem>>
      %dma_start3A_833 = arith.constant 0 : i32
      %dma_start3A_834 = tpu.memref_slice %arg2[%add3A_88, %dma_start3A_833] : memref<1024x100000xf32, #tpu.memory_space<hbm>> -> memref<1x100000xf32, #tpu.memory_space<hbm>>
      %dma_start3A_835 = tpu.memref_squeeze %dma_start3A_834 : memref<1x100000xf32, #tpu.memory_space<hbm>> -> memref<100000xf32, #tpu.memory_space<hbm>>
      %dma_start3A_836 = arith.constant 0 : i32
      %dma_start3A_837 = tpu.memref_slice %arg2[%add3A_88, %dma_start3A_836] : memref<1024x100000xf32, #tpu.memory_space<hbm>> -> memref<1x100000xf32, #tpu.memory_space<hbm>>
      %dma_start3A_838 = tpu.memref_squeeze %dma_start3A_837 : memref<1x100000xf32, #tpu.memory_space<hbm>> -> memref<100000xf32, #tpu.memory_space<hbm>>
      tpu.enqueue_dma source(%dma_start3A_838 : memref<100000xf32, #tpu.memory_space<hbm>>) target(%arg7 : memref<100000xf32, #tpu.memory_space<vmem>>) target_semaphore(%run_scoped3A : memref<!tpu.dma_semaphore, #tpu.memory_space<semaphore_mem>>)
      %dma_wait3A_839 = arith.constant 0 : i32
      %dma_wait3A_840 = tpu.memref_slice %arg2[%add3A_88, %dma_wait3A_839] : memref<1024x100000xf32, #tpu.memory_space<hbm>> -> memref<1x100000xf32, #tpu.memory_space<hbm>>
      %dma_wait3A_841 = tpu.memref_squeeze %dma_wait3A_840 : memref<1x100000xf32, #tpu.memory_space<hbm>> -> memref<100000xf32, #tpu.memory_space<hbm>>
      %dma_wait3A_842 = arith.constant 0 : i32
      %dma_wait3A_843 = tpu.memref_slice %arg2[%add3A_88, %dma_wait3A_842] : memref<1024x100000xf32, #tpu.memory_space<hbm>> -> memref<1x100000xf32, #tpu.memory_space<hbm>>
      %dma_wait3A_844 = tpu.memref_squeeze %dma_wait3A_843 : memref<1x100000xf32, #tpu.memory_space<hbm>> -> memref<100000xf32, #tpu.memory_space<hbm>>
      tpu.wait_dma2 semaphore(%run_scoped3A : memref<!tpu.dma_semaphore, #tpu.memory_space<semaphore_mem>>) src(%dma_wait3A_844 : memref<100000xf32, #tpu.memory_space<hbm>>) dst(%arg7 : memref<100000xf32, #tpu.memory_space<vmem>>)
      tpu.yield
    }) : () -> ()
    %add3A_89 = arith.constant 14 : i32
    %add3A_90 = arith.addi %mul3A_2, %add3A_89 : i32
    %mul3A_91 = arith.constant 100000 : i32
    %mul3A_92 = arith.muli %add3A_90, %mul3A_91 : i32
    "tpu.region"() ({
      %run_scoped3A = tpu.sem_alloc : memref<!tpu.dma_semaphore, #tpu.memory_space<semaphore_mem>>
      %dma_start3A_833 = tpu.memref_slice %arg4[%mul3A_92] : memref<102400000xf32, #tpu.memory_space<hbm>> -> memref<100000xf32, #tpu.memory_space<hbm>>
      %dma_start3A_834 = tpu.memref_slice %arg4[%mul3A_92] : memref<102400000xf32, #tpu.memory_space<hbm>> -> memref<100000xf32, #tpu.memory_space<hbm>>
      tpu.enqueue_dma source(%arg7 : memref<100000xf32, #tpu.memory_space<vmem>>) target(%dma_start3A_834 : memref<100000xf32, #tpu.memory_space<hbm>>) target_semaphore(%run_scoped3A : memref<!tpu.dma_semaphore, #tpu.memory_space<semaphore_mem>>)
      %dma_wait3A_835 = tpu.memref_slice %arg4[%mul3A_92] : memref<102400000xf32, #tpu.memory_space<hbm>> -> memref<100000xf32, #tpu.memory_space<hbm>>
      %dma_wait3A_836 = tpu.memref_slice %arg4[%mul3A_92] : memref<102400000xf32, #tpu.memory_space<hbm>> -> memref<100000xf32, #tpu.memory_space<hbm>>
      tpu.wait_dma2 semaphore(%run_scoped3A : memref<!tpu.dma_semaphore, #tpu.memory_space<semaphore_mem>>) src(%arg7 : memref<100000xf32, #tpu.memory_space<vmem>>) dst(%dma_wait3A_836 : memref<100000xf32, #tpu.memory_space<hbm>>)
      tpu.yield
    }) : () -> ()
    %add3A_93 = arith.constant 15 : i32
    %add3A_94 = arith.addi %mul3A_2, %add3A_93 : i32
    "tpu.region"() ({
      %run_scoped3A = tpu.sem_alloc : memref<!tpu.dma_semaphore, #tpu.memory_space<semaphore_mem>>
      %dma_start3A_833 = arith.constant 0 : i32
      %dma_start3A_834 = tpu.memref_slice %arg2[%add3A_94, %dma_start3A_833] : memref<1024x100000xf32, #tpu.memory_space<hbm>> -> memref<1x100000xf32, #tpu.memory_space<hbm>>
      %dma_start3A_835 = tpu.memref_squeeze %dma_start3A_834 : memref<1x100000xf32, #tpu.memory_space<hbm>> -> memref<100000xf32, #tpu.memory_space<hbm>>
      %dma_start3A_836 = arith.constant 0 : i32
      %dma_start3A_837 = tpu.memref_slice %arg2[%add3A_94, %dma_start3A_836] : memref<1024x100000xf32, #tpu.memory_space<hbm>> -> memref<1x100000xf32, #tpu.memory_space<hbm>>
      %dma_start3A_838 = tpu.memref_squeeze %dma_start3A_837 : memref<1x100000xf32, #tpu.memory_space<hbm>> -> memref<100000xf32, #tpu.memory_space<hbm>>
      tpu.enqueue_dma source(%dma_start3A_838 : memref<100000xf32, #tpu.memory_space<hbm>>) target(%arg7 : memref<100000xf32, #tpu.memory_space<vmem>>) target_semaphore(%run_scoped3A : memref<!tpu.dma_semaphore, #tpu.memory_space<semaphore_mem>>)
      %dma_wait3A_839 = arith.constant 0 : i32
      %dma_wait3A_840 = tpu.memref_slice %arg2[%add3A_94, %dma_wait3A_839] : memref<1024x100000xf32, #tpu.memory_space<hbm>> -> memref<1x100000xf32, #tpu.memory_space<hbm>>
      %dma_wait3A_841 = tpu.memref_squeeze %dma_wait3A_840 : memref<1x100000xf32, #tpu.memory_space<hbm>> -> memref<100000xf32, #tpu.memory_space<hbm>>
      %dma_wait3A_842 = arith.constant 0 : i32
      %dma_wait3A_843 = tpu.memref_slice %arg2[%add3A_94, %dma_wait3A_842] : memref<1024x100000xf32, #tpu.memory_space<hbm>> -> memref<1x100000xf32, #tpu.memory_space<hbm>>
      %dma_wait3A_844 = tpu.memref_squeeze %dma_wait3A_843 : memref<1x100000xf32, #tpu.memory_space<hbm>> -> memref<100000xf32, #tpu.memory_space<hbm>>
      tpu.wait_dma2 semaphore(%run_scoped3A : memref<!tpu.dma_semaphore, #tpu.memory_space<semaphore_mem>>) src(%dma_wait3A_844 : memref<100000xf32, #tpu.memory_space<hbm>>) dst(%arg7 : memref<100000xf32, #tpu.memory_space<vmem>>)
      tpu.yield
    }) : () -> ()
    %add3A_95 = arith.constant 15 : i32
    %add3A_96 = arith.addi %mul3A_2, %add3A_95 : i32
    %mul3A_97 = arith.constant 100000 : i32
    %mul3A_98 = arith.muli %add3A_96, %mul3A_97 : i32
    "tpu.region"() ({
      %run_scoped3A = tpu.sem_alloc : memref<!tpu.dma_semaphore, #tpu.memory_space<semaphore_mem>>
      %dma_start3A_833 = tpu.memref_slice %arg4[%mul3A_98] : memref<102400000xf32, #tpu.memory_space<hbm>> -> memref<100000xf32, #tpu.memory_space<hbm>>
      %dma_start3A_834 = tpu.memref_slice %arg4[%mul3A_98] : memref<102400000xf32, #tpu.memory_space<hbm>> -> memref<100000xf32, #tpu.memory_space<hbm>>
      tpu.enqueue_dma source(%arg7 : memref<100000xf32, #tpu.memory_space<vmem>>) target(%dma_start3A_834 : memref<100000xf32, #tpu.memory_space<hbm>>) target_semaphore(%run_scoped3A : memref<!tpu.dma_semaphore, #tpu.memory_space<semaphore_mem>>)
      %dma_wait3A_835 = tpu.memref_slice %arg4[%mul3A_98] : memref<102400000xf32, #tpu.memory_space<hbm>> -> memref<100000xf32, #tpu.memory_space<hbm>>
      %dma_wait3A_836 = tpu.memref_slice %arg4[%mul3A_98] : memref<102400000xf32, #tpu.memory_space<hbm>> -> memref<100000xf32, #tpu.memory_space<hbm>>
      tpu.wait_dma2 semaphore(%run_scoped3A : memref<!tpu.dma_semaphore, #tpu.memory_space<semaphore_mem>>) src(%arg7 : memref<100000xf32, #tpu.memory_space<vmem>>) dst(%dma_wait3A_836 : memref<100000xf32, #tpu.memory_space<hbm>>)
      tpu.yield
    }) : () -> ()
    %add3A_99 = arith.constant 16 : i32
    %add3A_100 = arith.addi %mul3A_2, %add3A_99 : i32
    "tpu.region"() ({
      %run_scoped3A = tpu.sem_alloc : memref<!tpu.dma_semaphore, #tpu.memory_space<semaphore_mem>>
      %dma_start3A_833 = arith.constant 0 : i32
      %dma_start3A_834 = tpu.memref_slice %arg2[%add3A_100, %dma_start3A_833] : memref<1024x100000xf32, #tpu.memory_space<hbm>> -> memref<1x100000xf32, #tpu.memory_space<hbm>>
      %dma_start3A_835 = tpu.memref_squeeze %dma_start3A_834 : memref<1x100000xf32, #tpu.memory_space<hbm>> -> memref<100000xf32, #tpu.memory_space<hbm>>
      %dma_start3A_836 = arith.constant 0 : i32
      %dma_start3A_837 = tpu.memref_slice %arg2[%add3A_100, %dma_start3A_836] : memref<1024x100000xf32, #tpu.memory_space<hbm>> -> memref<1x100000xf32, #tpu.memory_space<hbm>>
      %dma_start3A_838 = tpu.memref_squeeze %dma_start3A_837 : memref<1x100000xf32, #tpu.memory_space<hbm>> -> memref<100000xf32, #tpu.memory_space<hbm>>
      tpu.enqueue_dma source(%dma_start3A_838 : memref<100000xf32, #tpu.memory_space<hbm>>) target(%arg7 : memref<100000xf32, #tpu.memory_space<vmem>>) target_semaphore(%run_scoped3A : memref<!tpu.dma_semaphore, #tpu.memory_space<semaphore_mem>>)
      %dma_wait3A_839 = arith.constant 0 : i32
      %dma_wait3A_840 = tpu.memref_slice %arg2[%add3A_100, %dma_wait3A_839] : memref<1024x100000xf32, #tpu.memory_space<hbm>> -> memref<1x100000xf32, #tpu.memory_space<hbm>>
      %dma_wait3A_841 = tpu.memref_squeeze %dma_wait3A_840 : memref<1x100000xf32, #tpu.memory_space<hbm>> -> memref<100000xf32, #tpu.memory_space<hbm>>
      %dma_wait3A_842 = arith.constant 0 : i32
      %dma_wait3A_843 = tpu.memref_slice %arg2[%add3A_100, %dma_wait3A_842] : memref<1024x100000xf32, #tpu.memory_space<hbm>> -> memref<1x100000xf32, #tpu.memory_space<hbm>>
      %dma_wait3A_844 = tpu.memref_squeeze %dma_wait3A_843 : memref<1x100000xf32, #tpu.memory_space<hbm>> -> memref<100000xf32, #tpu.memory_space<hbm>>
      tpu.wait_dma2 semaphore(%run_scoped3A : memref<!tpu.dma_semaphore, #tpu.memory_space<semaphore_mem>>) src(%dma_wait3A_844 : memref<100000xf32, #tpu.memory_space<hbm>>) dst(%arg7 : memref<100000xf32, #tpu.memory_space<vmem>>)
      tpu.yield
    }) : () -> ()
    %add3A_101 = arith.constant 16 : i32
    %add3A_102 = arith.addi %mul3A_2, %add3A_101 : i32
    %mul3A_103 = arith.constant 100000 : i32
    %mul3A_104 = arith.muli %add3A_102, %mul3A_103 : i32
    "tpu.region"() ({
      %run_scoped3A = tpu.sem_alloc : memref<!tpu.dma_semaphore, #tpu.memory_space<semaphore_mem>>
      %dma_start3A_833 = tpu.memref_slice %arg4[%mul3A_104] : memref<102400000xf32, #tpu.memory_space<hbm>> -> memref<100000xf32, #tpu.memory_space<hbm>>
      %dma_start3A_834 = tpu.memref_slice %arg4[%mul3A_104] : memref<102400000xf32, #tpu.memory_space<hbm>> -> memref<100000xf32, #tpu.memory_space<hbm>>
      tpu.enqueue_dma source(%arg7 : memref<100000xf32, #tpu.memory_space<vmem>>) target(%dma_start3A_834 : memref<100000xf32, #tpu.memory_space<hbm>>) target_semaphore(%run_scoped3A : memref<!tpu.dma_semaphore, #tpu.memory_space<semaphore_mem>>)
      %dma_wait3A_835 = tpu.memref_slice %arg4[%mul3A_104] : memref<102400000xf32, #tpu.memory_space<hbm>> -> memref<100000xf32, #tpu.memory_space<hbm>>
      %dma_wait3A_836 = tpu.memref_slice %arg4[%mul3A_104] : memref<102400000xf32, #tpu.memory_space<hbm>> -> memref<100000xf32, #tpu.memory_space<hbm>>
      tpu.wait_dma2 semaphore(%run_scoped3A : memref<!tpu.dma_semaphore, #tpu.memory_space<semaphore_mem>>) src(%arg7 : memref<100000xf32, #tpu.memory_space<vmem>>) dst(%dma_wait3A_836 : memref<100000xf32, #tpu.memory_space<hbm>>)
      tpu.yield
    }) : () -> ()
    %add3A_105 = arith.constant 17 : i32
    %add3A_106 = arith.addi %mul3A_2, %add3A_105 : i32
    "tpu.region"() ({
      %run_scoped3A = tpu.sem_alloc : memref<!tpu.dma_semaphore, #tpu.memory_space<semaphore_mem>>
      %dma_start3A_833 = arith.constant 0 : i32
      %dma_start3A_834 = tpu.memref_slice %arg2[%add3A_106, %dma_start3A_833] : memref<1024x100000xf32, #tpu.memory_space<hbm>> -> memref<1x100000xf32, #tpu.memory_space<hbm>>
      %dma_start3A_835 = tpu.memref_squeeze %dma_start3A_834 : memref<1x100000xf32, #tpu.memory_space<hbm>> -> memref<100000xf32, #tpu.memory_space<hbm>>
      %dma_start3A_836 = arith.constant 0 : i32
      %dma_start3A_837 = tpu.memref_slice %arg2[%add3A_106, %dma_start3A_836] : memref<1024x100000xf32, #tpu.memory_space<hbm>> -> memref<1x100000xf32, #tpu.memory_space<hbm>>
      %dma_start3A_838 = tpu.memref_squeeze %dma_start3A_837 : memref<1x100000xf32, #tpu.memory_space<hbm>> -> memref<100000xf32, #tpu.memory_space<hbm>>
      tpu.enqueue_dma source(%dma_start3A_838 : memref<100000xf32, #tpu.memory_space<hbm>>) target(%arg7 : memref<100000xf32, #tpu.memory_space<vmem>>) target_semaphore(%run_scoped3A : memref<!tpu.dma_semaphore, #tpu.memory_space<semaphore_mem>>)
      %dma_wait3A_839 = arith.constant 0 : i32
      %dma_wait3A_840 = tpu.memref_slice %arg2[%add3A_106, %dma_wait3A_839] : memref<1024x100000xf32, #tpu.memory_space<hbm>> -> memref<1x100000xf32, #tpu.memory_space<hbm>>
      %dma_wait3A_841 = tpu.memref_squeeze %dma_wait3A_840 : memref<1x100000xf32, #tpu.memory_space<hbm>> -> memref<100000xf32, #tpu.memory_space<hbm>>
      %dma_wait3A_842 = arith.constant 0 : i32
      %dma_wait3A_843 = tpu.memref_slice %arg2[%add3A_106, %dma_wait3A_842] : memref<1024x100000xf32, #tpu.memory_space<hbm>> -> memref<1x100000xf32, #tpu.memory_space<hbm>>
      %dma_wait3A_844 = tpu.memref_squeeze %dma_wait3A_843 : memref<1x100000xf32, #tpu.memory_space<hbm>> -> memref<100000xf32, #tpu.memory_space<hbm>>
      tpu.wait_dma2 semaphore(%run_scoped3A : memref<!tpu.dma_semaphore, #tpu.memory_space<semaphore_mem>>) src(%dma_wait3A_844 : memref<100000xf32, #tpu.memory_space<hbm>>) dst(%arg7 : memref<100000xf32, #tpu.memory_space<vmem>>)
      tpu.yield
    }) : () -> ()
    %add3A_107 = arith.constant 17 : i32
    %add3A_108 = arith.addi %mul3A_2, %add3A_107 : i32
    %mul3A_109 = arith.constant 100000 : i32
    %mul3A_110 = arith.muli %add3A_108, %mul3A_109 : i32
    "tpu.region"() ({
      %run_scoped3A = tpu.sem_alloc : memref<!tpu.dma_semaphore, #tpu.memory_space<semaphore_mem>>
      %dma_start3A_833 = tpu.memref_slice %arg4[%mul3A_110] : memref<102400000xf32, #tpu.memory_space<hbm>> -> memref<100000xf32, #tpu.memory_space<hbm>>
      %dma_start3A_834 = tpu.memref_slice %arg4[%mul3A_110] : memref<102400000xf32, #tpu.memory_space<hbm>> -> memref<100000xf32, #tpu.memory_space<hbm>>
      tpu.enqueue_dma source(%arg7 : memref<100000xf32, #tpu.memory_space<vmem>>) target(%dma_start3A_834 : memref<100000xf32, #tpu.memory_space<hbm>>) target_semaphore(%run_scoped3A : memref<!tpu.dma_semaphore, #tpu.memory_space<semaphore_mem>>)
      %dma_wait3A_835 = tpu.memref_slice %arg4[%mul3A_110] : memref<102400000xf32, #tpu.memory_space<hbm>> -> memref<100000xf32, #tpu.memory_space<hbm>>
      %dma_wait3A_836 = tpu.memref_slice %arg4[%mul3A_110] : memref<102400000xf32, #tpu.memory_space<hbm>> -> memref<100000xf32, #tpu.memory_space<hbm>>
      tpu.wait_dma2 semaphore(%run_scoped3A : memref<!tpu.dma_semaphore, #tpu.memory_space<semaphore_mem>>) src(%arg7 : memref<100000xf32, #tpu.memory_space<vmem>>) dst(%dma_wait3A_836 : memref<100000xf32, #tpu.memory_space<hbm>>)
      tpu.yield
    }) : () -> ()
    %add3A_111 = arith.constant 18 : i32
    %add3A_112 = arith.addi %mul3A_2, %add3A_111 : i32
    "tpu.region"() ({
      %run_scoped3A = tpu.sem_alloc : memref<!tpu.dma_semaphore, #tpu.memory_space<semaphore_mem>>
      %dma_start3A_833 = arith.constant 0 : i32
      %dma_start3A_834 = tpu.memref_slice %arg2[%add3A_112, %dma_start3A_833] : memref<1024x100000xf32, #tpu.memory_space<hbm>> -> memref<1x100000xf32, #tpu.memory_space<hbm>>
      %dma_start3A_835 = tpu.memref_squeeze %dma_start3A_834 : memref<1x100000xf32, #tpu.memory_space<hbm>> -> memref<100000xf32, #tpu.memory_space<hbm>>
      %dma_start3A_836 = arith.constant 0 : i32
      %dma_start3A_837 = tpu.memref_slice %arg2[%add3A_112, %dma_start3A_836] : memref<1024x100000xf32, #tpu.memory_space<hbm>> -> memref<1x100000xf32, #tpu.memory_space<hbm>>
      %dma_start3A_838 = tpu.memref_squeeze %dma_start3A_837 : memref<1x100000xf32, #tpu.memory_space<hbm>> -> memref<100000xf32, #tpu.memory_space<hbm>>
      tpu.enqueue_dma source(%dma_start3A_838 : memref<100000xf32, #tpu.memory_space<hbm>>) target(%arg7 : memref<100000xf32, #tpu.memory_space<vmem>>) target_semaphore(%run_scoped3A : memref<!tpu.dma_semaphore, #tpu.memory_space<semaphore_mem>>)
      %dma_wait3A_839 = arith.constant 0 : i32
      %dma_wait3A_840 = tpu.memref_slice %arg2[%add3A_112, %dma_wait3A_839] : memref<1024x100000xf32, #tpu.memory_space<hbm>> -> memref<1x100000xf32, #tpu.memory_space<hbm>>
      %dma_wait3A_841 = tpu.memref_squeeze %dma_wait3A_840 : memref<1x100000xf32, #tpu.memory_space<hbm>> -> memref<100000xf32, #tpu.memory_space<hbm>>
      %dma_wait3A_842 = arith.constant 0 : i32
      %dma_wait3A_843 = tpu.memref_slice %arg2[%add3A_112, %dma_wait3A_842] : memref<1024x100000xf32, #tpu.memory_space<hbm>> -> memref<1x100000xf32, #tpu.memory_space<hbm>>
      %dma_wait3A_844 = tpu.memref_squeeze %dma_wait3A_843 : memref<1x100000xf32, #tpu.memory_space<hbm>> -> memref<100000xf32, #tpu.memory_space<hbm>>
      tpu.wait_dma2 semaphore(%run_scoped3A : memref<!tpu.dma_semaphore, #tpu.memory_space<semaphore_mem>>) src(%dma_wait3A_844 : memref<100000xf32, #tpu.memory_space<hbm>>) dst(%arg7 : memref<100000xf32, #tpu.memory_space<vmem>>)
      tpu.yield
    }) : () -> ()
    %add3A_113 = arith.constant 18 : i32
    %add3A_114 = arith.addi %mul3A_2, %add3A_113 : i32
    %mul3A_115 = arith.constant 100000 : i32
    %mul3A_116 = arith.muli %add3A_114, %mul3A_115 : i32
    "tpu.region"() ({
      %run_scoped3A = tpu.sem_alloc : memref<!tpu.dma_semaphore, #tpu.memory_space<semaphore_mem>>
      %dma_start3A_833 = tpu.memref_slice %arg4[%mul3A_116] : memref<102400000xf32, #tpu.memory_space<hbm>> -> memref<100000xf32, #tpu.memory_space<hbm>>
      %dma_start3A_834 = tpu.memref_slice %arg4[%mul3A_116] : memref<102400000xf32, #tpu.memory_space<hbm>> -> memref<100000xf32, #tpu.memory_space<hbm>>
      tpu.enqueue_dma source(%arg7 : memref<100000xf32, #tpu.memory_space<vmem>>) target(%dma_start3A_834 : memref<100000xf32, #tpu.memory_space<hbm>>) target_semaphore(%run_scoped3A : memref<!tpu.dma_semaphore, #tpu.memory_space<semaphore_mem>>)
      %dma_wait3A_835 = tpu.memref_slice %arg4[%mul3A_116] : memref<102400000xf32, #tpu.memory_space<hbm>> -> memref<100000xf32, #tpu.memory_space<hbm>>
      %dma_wait3A_836 = tpu.memref_slice %arg4[%mul3A_116] : memref<102400000xf32, #tpu.memory_space<hbm>> -> memref<100000xf32, #tpu.memory_space<hbm>>
      tpu.wait_dma2 semaphore(%run_scoped3A : memref<!tpu.dma_semaphore, #tpu.memory_space<semaphore_mem>>) src(%arg7 : memref<100000xf32, #tpu.memory_space<vmem>>) dst(%dma_wait3A_836 : memref<100000xf32, #tpu.memory_space<hbm>>)
      tpu.yield
    }) : () -> ()
    %add3A_117 = arith.constant 19 : i32
    %add3A_118 = arith.addi %mul3A_2, %add3A_117 : i32
    "tpu.region"() ({
      %run_scoped3A = tpu.sem_alloc : memref<!tpu.dma_semaphore, #tpu.memory_space<semaphore_mem>>
      %dma_start3A_833 = arith.constant 0 : i32
      %dma_start3A_834 = tpu.memref_slice %arg2[%add3A_118, %dma_start3A_833] : memref<1024x100000xf32, #tpu.memory_space<hbm>> -> memref<1x100000xf32, #tpu.memory_space<hbm>>
      %dma_start3A_835 = tpu.memref_squeeze %dma_start3A_834 : memref<1x100000xf32, #tpu.memory_space<hbm>> -> memref<100000xf32, #tpu.memory_space<hbm>>
      %dma_start3A_836 = arith.constant 0 : i32
      %dma_start3A_837 = tpu.memref_slice %arg2[%add3A_118, %dma_start3A_836] : memref<1024x100000xf32, #tpu.memory_space<hbm>> -> memref<1x100000xf32, #tpu.memory_space<hbm>>
      %dma_start3A_838 = tpu.memref_squeeze %dma_start3A_837 : memref<1x100000xf32, #tpu.memory_space<hbm>> -> memref<100000xf32, #tpu.memory_space<hbm>>
      tpu.enqueue_dma source(%dma_start3A_838 : memref<100000xf32, #tpu.memory_space<hbm>>) target(%arg7 : memref<100000xf32, #tpu.memory_space<vmem>>) target_semaphore(%run_scoped3A : memref<!tpu.dma_semaphore, #tpu.memory_space<semaphore_mem>>)
      %dma_wait3A_839 = arith.constant 0 : i32
      %dma_wait3A_840 = tpu.memref_slice %arg2[%add3A_118, %dma_wait3A_839] : memref<1024x100000xf32, #tpu.memory_space<hbm>> -> memref<1x100000xf32, #tpu.memory_space<hbm>>
      %dma_wait3A_841 = tpu.memref_squeeze %dma_wait3A_840 : memref<1x100000xf32, #tpu.memory_space<hbm>> -> memref<100000xf32, #tpu.memory_space<hbm>>
      %dma_wait3A_842 = arith.constant 0 : i32
      %dma_wait3A_843 = tpu.memref_slice %arg2[%add3A_118, %dma_wait3A_842] : memref<1024x100000xf32, #tpu.memory_space<hbm>> -> memref<1x100000xf32, #tpu.memory_space<hbm>>
      %dma_wait3A_844 = tpu.memref_squeeze %dma_wait3A_843 : memref<1x100000xf32, #tpu.memory_space<hbm>> -> memref<100000xf32, #tpu.memory_space<hbm>>
      tpu.wait_dma2 semaphore(%run_scoped3A : memref<!tpu.dma_semaphore, #tpu.memory_space<semaphore_mem>>) src(%dma_wait3A_844 : memref<100000xf32, #tpu.memory_space<hbm>>) dst(%arg7 : memref<100000xf32, #tpu.memory_space<vmem>>)
      tpu.yield
    }) : () -> ()
    %add3A_119 = arith.constant 19 : i32
    %add3A_120 = arith.addi %mul3A_2, %add3A_119 : i32
    %mul3A_121 = arith.constant 100000 : i32
    %mul3A_122 = arith.muli %add3A_120, %mul3A_121 : i32
    "tpu.region"() ({
      %run_scoped3A = tpu.sem_alloc : memref<!tpu.dma_semaphore, #tpu.memory_space<semaphore_mem>>
      %dma_start3A_833 = tpu.memref_slice %arg4[%mul3A_122] : memref<102400000xf32, #tpu.memory_space<hbm>> -> memref<100000xf32, #tpu.memory_space<hbm>>
      %dma_start3A_834 = tpu.memref_slice %arg4[%mul3A_122] : memref<102400000xf32, #tpu.memory_space<hbm>> -> memref<100000xf32, #tpu.memory_space<hbm>>
      tpu.enqueue_dma source(%arg7 : memref<100000xf32, #tpu.memory_space<vmem>>) target(%dma_start3A_834 : memref<100000xf32, #tpu.memory_space<hbm>>) target_semaphore(%run_scoped3A : memref<!tpu.dma_semaphore, #tpu.memory_space<semaphore_mem>>)
      %dma_wait3A_835 = tpu.memref_slice %arg4[%mul3A_122] : memref<102400000xf32, #tpu.memory_space<hbm>> -> memref<100000xf32, #tpu.memory_space<hbm>>
      %dma_wait3A_836 = tpu.memref_slice %arg4[%mul3A_122] : memref<102400000xf32, #tpu.memory_space<hbm>> -> memref<100000xf32, #tpu.memory_space<hbm>>
      tpu.wait_dma2 semaphore(%run_scoped3A : memref<!tpu.dma_semaphore, #tpu.memory_space<semaphore_mem>>) src(%arg7 : memref<100000xf32, #tpu.memory_space<vmem>>) dst(%dma_wait3A_836 : memref<100000xf32, #tpu.memory_space<hbm>>)
      tpu.yield
    }) : () -> ()
    %add3A_123 = arith.constant 20 : i32
    %add3A_124 = arith.addi %mul3A_2, %add3A_123 : i32
    "tpu.region"() ({
      %run_scoped3A = tpu.sem_alloc : memref<!tpu.dma_semaphore, #tpu.memory_space<semaphore_mem>>
      %dma_start3A_833 = arith.constant 0 : i32
      %dma_start3A_834 = tpu.memref_slice %arg2[%add3A_124, %dma_start3A_833] : memref<1024x100000xf32, #tpu.memory_space<hbm>> -> memref<1x100000xf32, #tpu.memory_space<hbm>>
      %dma_start3A_835 = tpu.memref_squeeze %dma_start3A_834 : memref<1x100000xf32, #tpu.memory_space<hbm>> -> memref<100000xf32, #tpu.memory_space<hbm>>
      %dma_start3A_836 = arith.constant 0 : i32
      %dma_start3A_837 = tpu.memref_slice %arg2[%add3A_124, %dma_start3A_836] : memref<1024x100000xf32, #tpu.memory_space<hbm>> -> memref<1x100000xf32, #tpu.memory_space<hbm>>
      %dma_start3A_838 = tpu.memref_squeeze %dma_start3A_837 : memref<1x100000xf32, #tpu.memory_space<hbm>> -> memref<100000xf32, #tpu.memory_space<hbm>>
      tpu.enqueue_dma source(%dma_start3A_838 : memref<100000xf32, #tpu.memory_space<hbm>>) target(%arg7 : memref<100000xf32, #tpu.memory_space<vmem>>) target_semaphore(%run_scoped3A : memref<!tpu.dma_semaphore, #tpu.memory_space<semaphore_mem>>)
      %dma_wait3A_839 = arith.constant 0 : i32
      %dma_wait3A_840 = tpu.memref_slice %arg2[%add3A_124, %dma_wait3A_839] : memref<1024x100000xf32, #tpu.memory_space<hbm>> -> memref<1x100000xf32, #tpu.memory_space<hbm>>
      %dma_wait3A_841 = tpu.memref_squeeze %dma_wait3A_840 : memref<1x100000xf32, #tpu.memory_space<hbm>> -> memref<100000xf32, #tpu.memory_space<hbm>>
      %dma_wait3A_842 = arith.constant 0 : i32
      %dma_wait3A_843 = tpu.memref_slice %arg2[%add3A_124, %dma_wait3A_842] : memref<1024x100000xf32, #tpu.memory_space<hbm>> -> memref<1x100000xf32, #tpu.memory_space<hbm>>
      %dma_wait3A_844 = tpu.memref_squeeze %dma_wait3A_843 : memref<1x100000xf32, #tpu.memory_space<hbm>> -> memref<100000xf32, #tpu.memory_space<hbm>>
      tpu.wait_dma2 semaphore(%run_scoped3A : memref<!tpu.dma_semaphore, #tpu.memory_space<semaphore_mem>>) src(%dma_wait3A_844 : memref<100000xf32, #tpu.memory_space<hbm>>) dst(%arg7 : memref<100000xf32, #tpu.memory_space<vmem>>)
      tpu.yield
    }) : () -> ()
    %add3A_125 = arith.constant 20 : i32
    %add3A_126 = arith.addi %mul3A_2, %add3A_125 : i32
    %mul3A_127 = arith.constant 100000 : i32
    %mul3A_128 = arith.muli %add3A_126, %mul3A_127 : i32
    "tpu.region"() ({
      %run_scoped3A = tpu.sem_alloc : memref<!tpu.dma_semaphore, #tpu.memory_space<semaphore_mem>>
      %dma_start3A_833 = tpu.memref_slice %arg4[%mul3A_128] : memref<102400000xf32, #tpu.memory_space<hbm>> -> memref<100000xf32, #tpu.memory_space<hbm>>
      %dma_start3A_834 = tpu.memref_slice %arg4[%mul3A_128] : memref<102400000xf32, #tpu.memory_space<hbm>> -> memref<100000xf32, #tpu.memory_space<hbm>>
      tpu.enqueue_dma source(%arg7 : memref<100000xf32, #tpu.memory_space<vmem>>) target(%dma_start3A_834 : memref<100000xf32, #tpu.memory_space<hbm>>) target_semaphore(%run_scoped3A : memref<!tpu.dma_semaphore, #tpu.memory_space<semaphore_mem>>)
      %dma_wait3A_835 = tpu.memref_slice %arg4[%mul3A_128] : memref<102400000xf32, #tpu.memory_space<hbm>> -> memref<100000xf32, #tpu.memory_space<hbm>>
      %dma_wait3A_836 = tpu.memref_slice %arg4[%mul3A_128] : memref<102400000xf32, #tpu.memory_space<hbm>> -> memref<100000xf32, #tpu.memory_space<hbm>>
      tpu.wait_dma2 semaphore(%run_scoped3A : memref<!tpu.dma_semaphore, #tpu.memory_space<semaphore_mem>>) src(%arg7 : memref<100000xf32, #tpu.memory_space<vmem>>) dst(%dma_wait3A_836 : memref<100000xf32, #tpu.memory_space<hbm>>)
      tpu.yield
    }) : () -> ()
    %add3A_129 = arith.constant 21 : i32
    %add3A_130 = arith.addi %mul3A_2, %add3A_129 : i32
    "tpu.region"() ({
      %run_scoped3A = tpu.sem_alloc : memref<!tpu.dma_semaphore, #tpu.memory_space<semaphore_mem>>
      %dma_start3A_833 = arith.constant 0 : i32
      %dma_start3A_834 = tpu.memref_slice %arg2[%add3A_130, %dma_start3A_833] : memref<1024x100000xf32, #tpu.memory_space<hbm>> -> memref<1x100000xf32, #tpu.memory_space<hbm>>
      %dma_start3A_835 = tpu.memref_squeeze %dma_start3A_834 : memref<1x100000xf32, #tpu.memory_space<hbm>> -> memref<100000xf32, #tpu.memory_space<hbm>>
      %dma_start3A_836 = arith.constant 0 : i32
      %dma_start3A_837 = tpu.memref_slice %arg2[%add3A_130, %dma_start3A_836] : memref<1024x100000xf32, #tpu.memory_space<hbm>> -> memref<1x100000xf32, #tpu.memory_space<hbm>>
      %dma_start3A_838 = tpu.memref_squeeze %dma_start3A_837 : memref<1x100000xf32, #tpu.memory_space<hbm>> -> memref<100000xf32, #tpu.memory_space<hbm>>
      tpu.enqueue_dma source(%dma_start3A_838 : memref<100000xf32, #tpu.memory_space<hbm>>) target(%arg7 : memref<100000xf32, #tpu.memory_space<vmem>>) target_semaphore(%run_scoped3A : memref<!tpu.dma_semaphore, #tpu.memory_space<semaphore_mem>>)
      %dma_wait3A_839 = arith.constant 0 : i32
      %dma_wait3A_840 = tpu.memref_slice %arg2[%add3A_130, %dma_wait3A_839] : memref<1024x100000xf32, #tpu.memory_space<hbm>> -> memref<1x100000xf32, #tpu.memory_space<hbm>>
      %dma_wait3A_841 = tpu.memref_squeeze %dma_wait3A_840 : memref<1x100000xf32, #tpu.memory_space<hbm>> -> memref<100000xf32, #tpu.memory_space<hbm>>
      %dma_wait3A_842 = arith.constant 0 : i32
      %dma_wait3A_843 = tpu.memref_slice %arg2[%add3A_130, %dma_wait3A_842] : memref<1024x100000xf32, #tpu.memory_space<hbm>> -> memref<1x100000xf32, #tpu.memory_space<hbm>>
      %dma_wait3A_844 = tpu.memref_squeeze %dma_wait3A_843 : memref<1x100000xf32, #tpu.memory_space<hbm>> -> memref<100000xf32, #tpu.memory_space<hbm>>
      tpu.wait_dma2 semaphore(%run_scoped3A : memref<!tpu.dma_semaphore, #tpu.memory_space<semaphore_mem>>) src(%dma_wait3A_844 : memref<100000xf32, #tpu.memory_space<hbm>>) dst(%arg7 : memref<100000xf32, #tpu.memory_space<vmem>>)
      tpu.yield
    }) : () -> ()
    %add3A_131 = arith.constant 21 : i32
    %add3A_132 = arith.addi %mul3A_2, %add3A_131 : i32
    %mul3A_133 = arith.constant 100000 : i32
    %mul3A_134 = arith.muli %add3A_132, %mul3A_133 : i32
    "tpu.region"() ({
      %run_scoped3A = tpu.sem_alloc : memref<!tpu.dma_semaphore, #tpu.memory_space<semaphore_mem>>
      %dma_start3A_833 = tpu.memref_slice %arg4[%mul3A_134] : memref<102400000xf32, #tpu.memory_space<hbm>> -> memref<100000xf32, #tpu.memory_space<hbm>>
      %dma_start3A_834 = tpu.memref_slice %arg4[%mul3A_134] : memref<102400000xf32, #tpu.memory_space<hbm>> -> memref<100000xf32, #tpu.memory_space<hbm>>
      tpu.enqueue_dma source(%arg7 : memref<100000xf32, #tpu.memory_space<vmem>>) target(%dma_start3A_834 : memref<100000xf32, #tpu.memory_space<hbm>>) target_semaphore(%run_scoped3A : memref<!tpu.dma_semaphore, #tpu.memory_space<semaphore_mem>>)
      %dma_wait3A_835 = tpu.memref_slice %arg4[%mul3A_134] : memref<102400000xf32, #tpu.memory_space<hbm>> -> memref<100000xf32, #tpu.memory_space<hbm>>
      %dma_wait3A_836 = tpu.memref_slice %arg4[%mul3A_134] : memref<102400000xf32, #tpu.memory_space<hbm>> -> memref<100000xf32, #tpu.memory_space<hbm>>
      tpu.wait_dma2 semaphore(%run_scoped3A : memref<!tpu.dma_semaphore, #tpu.memory_space<semaphore_mem>>) src(%arg7 : memref<100000xf32, #tpu.memory_space<vmem>>) dst(%dma_wait3A_836 : memref<100000xf32, #tpu.memory_space<hbm>>)
      tpu.yield
    }) : () -> ()
    %add3A_135 = arith.constant 22 : i32
    %add3A_136 = arith.addi %mul3A_2, %add3A_135 : i32
    "tpu.region"() ({
      %run_scoped3A = tpu.sem_alloc : memref<!tpu.dma_semaphore, #tpu.memory_space<semaphore_mem>>
      %dma_start3A_833 = arith.constant 0 : i32
      %dma_start3A_834 = tpu.memref_slice %arg2[%add3A_136, %dma_start3A_833] : memref<1024x100000xf32, #tpu.memory_space<hbm>> -> memref<1x100000xf32, #tpu.memory_space<hbm>>
      %dma_start3A_835 = tpu.memref_squeeze %dma_start3A_834 : memref<1x100000xf32, #tpu.memory_space<hbm>> -> memref<100000xf32, #tpu.memory_space<hbm>>
      %dma_start3A_836 = arith.constant 0 : i32
      %dma_start3A_837 = tpu.memref_slice %arg2[%add3A_136, %dma_start3A_836] : memref<1024x100000xf32, #tpu.memory_space<hbm>> -> memref<1x100000xf32, #tpu.memory_space<hbm>>
      %dma_start3A_838 = tpu.memref_squeeze %dma_start3A_837 : memref<1x100000xf32, #tpu.memory_space<hbm>> -> memref<100000xf32, #tpu.memory_space<hbm>>
      tpu.enqueue_dma source(%dma_start3A_838 : memref<100000xf32, #tpu.memory_space<hbm>>) target(%arg7 : memref<100000xf32, #tpu.memory_space<vmem>>) target_semaphore(%run_scoped3A : memref<!tpu.dma_semaphore, #tpu.memory_space<semaphore_mem>>)
      %dma_wait3A_839 = arith.constant 0 : i32
      %dma_wait3A_840 = tpu.memref_slice %arg2[%add3A_136, %dma_wait3A_839] : memref<1024x100000xf32, #tpu.memory_space<hbm>> -> memref<1x100000xf32, #tpu.memory_space<hbm>>
      %dma_wait3A_841 = tpu.memref_squeeze %dma_wait3A_840 : memref<1x100000xf32, #tpu.memory_space<hbm>> -> memref<100000xf32, #tpu.memory_space<hbm>>
      %dma_wait3A_842 = arith.constant 0 : i32
      %dma_wait3A_843 = tpu.memref_slice %arg2[%add3A_136, %dma_wait3A_842] : memref<1024x100000xf32, #tpu.memory_space<hbm>> -> memref<1x100000xf32, #tpu.memory_space<hbm>>
      %dma_wait3A_844 = tpu.memref_squeeze %dma_wait3A_843 : memref<1x100000xf32, #tpu.memory_space<hbm>> -> memref<100000xf32, #tpu.memory_space<hbm>>
      tpu.wait_dma2 semaphore(%run_scoped3A : memref<!tpu.dma_semaphore, #tpu.memory_space<semaphore_mem>>) src(%dma_wait3A_844 : memref<100000xf32, #tpu.memory_space<hbm>>) dst(%arg7 : memref<100000xf32, #tpu.memory_space<vmem>>)
      tpu.yield
    }) : () -> ()
    %add3A_137 = arith.constant 22 : i32
    %add3A_138 = arith.addi %mul3A_2, %add3A_137 : i32
    %mul3A_139 = arith.constant 100000 : i32
    %mul3A_140 = arith.muli %add3A_138, %mul3A_139 : i32
    "tpu.region"() ({
      %run_scoped3A = tpu.sem_alloc : memref<!tpu.dma_semaphore, #tpu.memory_space<semaphore_mem>>
      %dma_start3A_833 = tpu.memref_slice %arg4[%mul3A_140] : memref<102400000xf32, #tpu.memory_space<hbm>> -> memref<100000xf32, #tpu.memory_space<hbm>>
      %dma_start3A_834 = tpu.memref_slice %arg4[%mul3A_140] : memref<102400000xf32, #tpu.memory_space<hbm>> -> memref<100000xf32, #tpu.memory_space<hbm>>
      tpu.enqueue_dma source(%arg7 : memref<100000xf32, #tpu.memory_space<vmem>>) target(%dma_start3A_834 : memref<100000xf32, #tpu.memory_space<hbm>>) target_semaphore(%run_scoped3A : memref<!tpu.dma_semaphore, #tpu.memory_space<semaphore_mem>>)
      %dma_wait3A_835 = tpu.memref_slice %arg4[%mul3A_140] : memref<102400000xf32, #tpu.memory_space<hbm>> -> memref<100000xf32, #tpu.memory_space<hbm>>
      %dma_wait3A_836 = tpu.memref_slice %arg4[%mul3A_140] : memref<102400000xf32, #tpu.memory_space<hbm>> -> memref<100000xf32, #tpu.memory_space<hbm>>
      tpu.wait_dma2 semaphore(%run_scoped3A : memref<!tpu.dma_semaphore, #tpu.memory_space<semaphore_mem>>) src(%arg7 : memref<100000xf32, #tpu.memory_space<vmem>>) dst(%dma_wait3A_836 : memref<100000xf32, #tpu.memory_space<hbm>>)
      tpu.yield
    }) : () -> ()
    %add3A_141 = arith.constant 23 : i32
    %add3A_142 = arith.addi %mul3A_2, %add3A_141 : i32
    "tpu.region"() ({
      %run_scoped3A = tpu.sem_alloc : memref<!tpu.dma_semaphore, #tpu.memory_space<semaphore_mem>>
      %dma_start3A_833 = arith.constant 0 : i32
      %dma_start3A_834 = tpu.memref_slice %arg2[%add3A_142, %dma_start3A_833] : memref<1024x100000xf32, #tpu.memory_space<hbm>> -> memref<1x100000xf32, #tpu.memory_space<hbm>>
      %dma_start3A_835 = tpu.memref_squeeze %dma_start3A_834 : memref<1x100000xf32, #tpu.memory_space<hbm>> -> memref<100000xf32, #tpu.memory_space<hbm>>
      %dma_start3A_836 = arith.constant 0 : i32
      %dma_start3A_837 = tpu.memref_slice %arg2[%add3A_142, %dma_start3A_836] : memref<1024x100000xf32, #tpu.memory_space<hbm>> -> memref<1x100000xf32, #tpu.memory_space<hbm>>
      %dma_start3A_838 = tpu.memref_squeeze %dma_start3A_837 : memref<1x100000xf32, #tpu.memory_space<hbm>> -> memref<100000xf32, #tpu.memory_space<hbm>>
      tpu.enqueue_dma source(%dma_start3A_838 : memref<100000xf32, #tpu.memory_space<hbm>>) target(%arg7 : memref<100000xf32, #tpu.memory_space<vmem>>) target_semaphore(%run_scoped3A : memref<!tpu.dma_semaphore, #tpu.memory_space<semaphore_mem>>)
      %dma_wait3A_839 = arith.constant 0 : i32
      %dma_wait3A_840 = tpu.memref_slice %arg2[%add3A_142, %dma_wait3A_839] : memref<1024x100000xf32, #tpu.memory_space<hbm>> -> memref<1x100000xf32, #tpu.memory_space<hbm>>
      %dma_wait3A_841 = tpu.memref_squeeze %dma_wait3A_840 : memref<1x100000xf32, #tpu.memory_space<hbm>> -> memref<100000xf32, #tpu.memory_space<hbm>>
      %dma_wait3A_842 = arith.constant 0 : i32
      %dma_wait3A_843 = tpu.memref_slice %arg2[%add3A_142, %dma_wait3A_842] : memref<1024x100000xf32, #tpu.memory_space<hbm>> -> memref<1x100000xf32, #tpu.memory_space<hbm>>
      %dma_wait3A_844 = tpu.memref_squeeze %dma_wait3A_843 : memref<1x100000xf32, #tpu.memory_space<hbm>> -> memref<100000xf32, #tpu.memory_space<hbm>>
      tpu.wait_dma2 semaphore(%run_scoped3A : memref<!tpu.dma_semaphore, #tpu.memory_space<semaphore_mem>>) src(%dma_wait3A_844 : memref<100000xf32, #tpu.memory_space<hbm>>) dst(%arg7 : memref<100000xf32, #tpu.memory_space<vmem>>)
      tpu.yield
    }) : () -> ()
    %add3A_143 = arith.constant 23 : i32
    %add3A_144 = arith.addi %mul3A_2, %add3A_143 : i32
    %mul3A_145 = arith.constant 100000 : i32
    %mul3A_146 = arith.muli %add3A_144, %mul3A_145 : i32
    "tpu.region"() ({
      %run_scoped3A = tpu.sem_alloc : memref<!tpu.dma_semaphore, #tpu.memory_space<semaphore_mem>>
      %dma_start3A_833 = tpu.memref_slice %arg4[%mul3A_146] : memref<102400000xf32, #tpu.memory_space<hbm>> -> memref<100000xf32, #tpu.memory_space<hbm>>
      %dma_start3A_834 = tpu.memref_slice %arg4[%mul3A_146] : memref<102400000xf32, #tpu.memory_space<hbm>> -> memref<100000xf32, #tpu.memory_space<hbm>>
      tpu.enqueue_dma source(%arg7 : memref<100000xf32, #tpu.memory_space<vmem>>) target(%dma_start3A_834 : memref<100000xf32, #tpu.memory_space<hbm>>) target_semaphore(%run_scoped3A : memref<!tpu.dma_semaphore, #tpu.memory_space<semaphore_mem>>)
      %dma_wait3A_835 = tpu.memref_slice %arg4[%mul3A_146] : memref<102400000xf32, #tpu.memory_space<hbm>> -> memref<100000xf32, #tpu.memory_space<hbm>>
      %dma_wait3A_836 = tpu.memref_slice %arg4[%mul3A_146] : memref<102400000xf32, #tpu.memory_space<hbm>> -> memref<100000xf32, #tpu.memory_space<hbm>>
      tpu.wait_dma2 semaphore(%run_scoped3A : memref<!tpu.dma_semaphore, #tpu.memory_space<semaphore_mem>>) src(%arg7 : memref<100000xf32, #tpu.memory_space<vmem>>) dst(%dma_wait3A_836 : memref<100000xf32, #tpu.memory_space<hbm>>)
      tpu.yield
    }) : () -> ()
    %add3A_147 = arith.constant 24 : i32
    %add3A_148 = arith.addi %mul3A_2, %add3A_147 : i32
    "tpu.region"() ({
      %run_scoped3A = tpu.sem_alloc : memref<!tpu.dma_semaphore, #tpu.memory_space<semaphore_mem>>
      %dma_start3A_833 = arith.constant 0 : i32
      %dma_start3A_834 = tpu.memref_slice %arg2[%add3A_148, %dma_start3A_833] : memref<1024x100000xf32, #tpu.memory_space<hbm>> -> memref<1x100000xf32, #tpu.memory_space<hbm>>
      %dma_start3A_835 = tpu.memref_squeeze %dma_start3A_834 : memref<1x100000xf32, #tpu.memory_space<hbm>> -> memref<100000xf32, #tpu.memory_space<hbm>>
      %dma_start3A_836 = arith.constant 0 : i32
      %dma_start3A_837 = tpu.memref_slice %arg2[%add3A_148, %dma_start3A_836] : memref<1024x100000xf32, #tpu.memory_space<hbm>> -> memref<1x100000xf32, #tpu.memory_space<hbm>>
      %dma_start3A_838 = tpu.memref_squeeze %dma_start3A_837 : memref<1x100000xf32, #tpu.memory_space<hbm>> -> memref<100000xf32, #tpu.memory_space<hbm>>
      tpu.enqueue_dma source(%dma_start3A_838 : memref<100000xf32, #tpu.memory_space<hbm>>) target(%arg7 : memref<100000xf32, #tpu.memory_space<vmem>>) target_semaphore(%run_scoped3A : memref<!tpu.dma_semaphore, #tpu.memory_space<semaphore_mem>>)
      %dma_wait3A_839 = arith.constant 0 : i32
      %dma_wait3A_840 = tpu.memref_slice %arg2[%add3A_148, %dma_wait3A_839] : memref<1024x100000xf32, #tpu.memory_space<hbm>> -> memref<1x100000xf32, #tpu.memory_space<hbm>>
      %dma_wait3A_841 = tpu.memref_squeeze %dma_wait3A_840 : memref<1x100000xf32, #tpu.memory_space<hbm>> -> memref<100000xf32, #tpu.memory_space<hbm>>
      %dma_wait3A_842 = arith.constant 0 : i32
      %dma_wait3A_843 = tpu.memref_slice %arg2[%add3A_148, %dma_wait3A_842] : memref<1024x100000xf32, #tpu.memory_space<hbm>> -> memref<1x100000xf32, #tpu.memory_space<hbm>>
      %dma_wait3A_844 = tpu.memref_squeeze %dma_wait3A_843 : memref<1x100000xf32, #tpu.memory_space<hbm>> -> memref<100000xf32, #tpu.memory_space<hbm>>
      tpu.wait_dma2 semaphore(%run_scoped3A : memref<!tpu.dma_semaphore, #tpu.memory_space<semaphore_mem>>) src(%dma_wait3A_844 : memref<100000xf32, #tpu.memory_space<hbm>>) dst(%arg7 : memref<100000xf32, #tpu.memory_space<vmem>>)
      tpu.yield
    }) : () -> ()
    %add3A_149 = arith.constant 24 : i32
    %add3A_150 = arith.addi %mul3A_2, %add3A_149 : i32
    %mul3A_151 = arith.constant 100000 : i32
    %mul3A_152 = arith.muli %add3A_150, %mul3A_151 : i32
    "tpu.region"() ({
      %run_scoped3A = tpu.sem_alloc : memref<!tpu.dma_semaphore, #tpu.memory_space<semaphore_mem>>
      %dma_start3A_833 = tpu.memref_slice %arg4[%mul3A_152] : memref<102400000xf32, #tpu.memory_space<hbm>> -> memref<100000xf32, #tpu.memory_space<hbm>>
      %dma_start3A_834 = tpu.memref_slice %arg4[%mul3A_152] : memref<102400000xf32, #tpu.memory_space<hbm>> -> memref<100000xf32, #tpu.memory_space<hbm>>
      tpu.enqueue_dma source(%arg7 : memref<100000xf32, #tpu.memory_space<vmem>>) target(%dma_start3A_834 : memref<100000xf32, #tpu.memory_space<hbm>>) target_semaphore(%run_scoped3A : memref<!tpu.dma_semaphore, #tpu.memory_space<semaphore_mem>>)
      %dma_wait3A_835 = tpu.memref_slice %arg4[%mul3A_152] : memref<102400000xf32, #tpu.memory_space<hbm>> -> memref<100000xf32, #tpu.memory_space<hbm>>
      %dma_wait3A_836 = tpu.memref_slice %arg4[%mul3A_152] : memref<102400000xf32, #tpu.memory_space<hbm>> -> memref<100000xf32, #tpu.memory_space<hbm>>
      tpu.wait_dma2 semaphore(%run_scoped3A : memref<!tpu.dma_semaphore, #tpu.memory_space<semaphore_mem>>) src(%arg7 : memref<100000xf32, #tpu.memory_space<vmem>>) dst(%dma_wait3A_836 : memref<100000xf32, #tpu.memory_space<hbm>>)
      tpu.yield
    }) : () -> ()
    %add3A_153 = arith.constant 25 : i32
    %add3A_154 = arith.addi %mul3A_2, %add3A_153 : i32
    "tpu.region"() ({
      %run_scoped3A = tpu.sem_alloc : memref<!tpu.dma_semaphore, #tpu.memory_space<semaphore_mem>>
      %dma_start3A_833 = arith.constant 0 : i32
      %dma_start3A_834 = tpu.memref_slice %arg2[%add3A_154, %dma_start3A_833] : memref<1024x100000xf32, #tpu.memory_space<hbm>> -> memref<1x100000xf32, #tpu.memory_space<hbm>>
      %dma_start3A_835 = tpu.memref_squeeze %dma_start3A_834 : memref<1x100000xf32, #tpu.memory_space<hbm>> -> memref<100000xf32, #tpu.memory_space<hbm>>
      %dma_start3A_836 = arith.constant 0 : i32
      %dma_start3A_837 = tpu.memref_slice %arg2[%add3A_154, %dma_start3A_836] : memref<1024x100000xf32, #tpu.memory_space<hbm>> -> memref<1x100000xf32, #tpu.memory_space<hbm>>
      %dma_start3A_838 = tpu.memref_squeeze %dma_start3A_837 : memref<1x100000xf32, #tpu.memory_space<hbm>> -> memref<100000xf32, #tpu.memory_space<hbm>>
      tpu.enqueue_dma source(%dma_start3A_838 : memref<100000xf32, #tpu.memory_space<hbm>>) target(%arg7 : memref<100000xf32, #tpu.memory_space<vmem>>) target_semaphore(%run_scoped3A : memref<!tpu.dma_semaphore, #tpu.memory_space<semaphore_mem>>)
      %dma_wait3A_839 = arith.constant 0 : i32
      %dma_wait3A_840 = tpu.memref_slice %arg2[%add3A_154, %dma_wait3A_839] : memref<1024x100000xf32, #tpu.memory_space<hbm>> -> memref<1x100000xf32, #tpu.memory_space<hbm>>
      %dma_wait3A_841 = tpu.memref_squeeze %dma_wait3A_840 : memref<1x100000xf32, #tpu.memory_space<hbm>> -> memref<100000xf32, #tpu.memory_space<hbm>>
      %dma_wait3A_842 = arith.constant 0 : i32
      %dma_wait3A_843 = tpu.memref_slice %arg2[%add3A_154, %dma_wait3A_842] : memref<1024x100000xf32, #tpu.memory_space<hbm>> -> memref<1x100000xf32, #tpu.memory_space<hbm>>
      %dma_wait3A_844 = tpu.memref_squeeze %dma_wait3A_843 : memref<1x100000xf32, #tpu.memory_space<hbm>> -> memref<100000xf32, #tpu.memory_space<hbm>>
      tpu.wait_dma2 semaphore(%run_scoped3A : memref<!tpu.dma_semaphore, #tpu.memory_space<semaphore_mem>>) src(%dma_wait3A_844 : memref<100000xf32, #tpu.memory_space<hbm>>) dst(%arg7 : memref<100000xf32, #tpu.memory_space<vmem>>)
      tpu.yield
    }) : () -> ()
    %add3A_155 = arith.constant 25 : i32
    %add3A_156 = arith.addi %mul3A_2, %add3A_155 : i32
    %mul3A_157 = arith.constant 100000 : i32
    %mul3A_158 = arith.muli %add3A_156, %mul3A_157 : i32
    "tpu.region"() ({
      %run_scoped3A = tpu.sem_alloc : memref<!tpu.dma_semaphore, #tpu.memory_space<semaphore_mem>>
      %dma_start3A_833 = tpu.memref_slice %arg4[%mul3A_158] : memref<102400000xf32, #tpu.memory_space<hbm>> -> memref<100000xf32, #tpu.memory_space<hbm>>
      %dma_start3A_834 = tpu.memref_slice %arg4[%mul3A_158] : memref<102400000xf32, #tpu.memory_space<hbm>> -> memref<100000xf32, #tpu.memory_space<hbm>>
      tpu.enqueue_dma source(%arg7 : memref<100000xf32, #tpu.memory_space<vmem>>) target(%dma_start3A_834 : memref<100000xf32, #tpu.memory_space<hbm>>) target_semaphore(%run_scoped3A : memref<!tpu.dma_semaphore, #tpu.memory_space<semaphore_mem>>)
      %dma_wait3A_835 = tpu.memref_slice %arg4[%mul3A_158] : memref<102400000xf32, #tpu.memory_space<hbm>> -> memref<100000xf32, #tpu.memory_space<hbm>>
      %dma_wait3A_836 = tpu.memref_slice %arg4[%mul3A_158] : memref<102400000xf32, #tpu.memory_space<hbm>> -> memref<100000xf32, #tpu.memory_space<hbm>>
      tpu.wait_dma2 semaphore(%run_scoped3A : memref<!tpu.dma_semaphore, #tpu.memory_space<semaphore_mem>>) src(%arg7 : memref<100000xf32, #tpu.memory_space<vmem>>) dst(%dma_wait3A_836 : memref<100000xf32, #tpu.memory_space<hbm>>)
      tpu.yield
    }) : () -> ()
    %add3A_159 = arith.constant 26 : i32
    %add3A_160 = arith.addi %mul3A_2, %add3A_159 : i32
    "tpu.region"() ({
      %run_scoped3A = tpu.sem_alloc : memref<!tpu.dma_semaphore, #tpu.memory_space<semaphore_mem>>
      %dma_start3A_833 = arith.constant 0 : i32
      %dma_start3A_834 = tpu.memref_slice %arg2[%add3A_160, %dma_start3A_833] : memref<1024x100000xf32, #tpu.memory_space<hbm>> -> memref<1x100000xf32, #tpu.memory_space<hbm>>
      %dma_start3A_835 = tpu.memref_squeeze %dma_start3A_834 : memref<1x100000xf32, #tpu.memory_space<hbm>> -> memref<100000xf32, #tpu.memory_space<hbm>>
      %dma_start3A_836 = arith.constant 0 : i32
      %dma_start3A_837 = tpu.memref_slice %arg2[%add3A_160, %dma_start3A_836] : memref<1024x100000xf32, #tpu.memory_space<hbm>> -> memref<1x100000xf32, #tpu.memory_space<hbm>>
      %dma_start3A_838 = tpu.memref_squeeze %dma_start3A_837 : memref<1x100000xf32, #tpu.memory_space<hbm>> -> memref<100000xf32, #tpu.memory_space<hbm>>
      tpu.enqueue_dma source(%dma_start3A_838 : memref<100000xf32, #tpu.memory_space<hbm>>) target(%arg7 : memref<100000xf32, #tpu.memory_space<vmem>>) target_semaphore(%run_scoped3A : memref<!tpu.dma_semaphore, #tpu.memory_space<semaphore_mem>>)
      %dma_wait3A_839 = arith.constant 0 : i32
      %dma_wait3A_840 = tpu.memref_slice %arg2[%add3A_160, %dma_wait3A_839] : memref<1024x100000xf32, #tpu.memory_space<hbm>> -> memref<1x100000xf32, #tpu.memory_space<hbm>>
      %dma_wait3A_841 = tpu.memref_squeeze %dma_wait3A_840 : memref<1x100000xf32, #tpu.memory_space<hbm>> -> memref<100000xf32, #tpu.memory_space<hbm>>
      %dma_wait3A_842 = arith.constant 0 : i32
      %dma_wait3A_843 = tpu.memref_slice %arg2[%add3A_160, %dma_wait3A_842] : memref<1024x100000xf32, #tpu.memory_space<hbm>> -> memref<1x100000xf32, #tpu.memory_space<hbm>>
      %dma_wait3A_844 = tpu.memref_squeeze %dma_wait3A_843 : memref<1x100000xf32, #tpu.memory_space<hbm>> -> memref<100000xf32, #tpu.memory_space<hbm>>
      tpu.wait_dma2 semaphore(%run_scoped3A : memref<!tpu.dma_semaphore, #tpu.memory_space<semaphore_mem>>) src(%dma_wait3A_844 : memref<100000xf32, #tpu.memory_space<hbm>>) dst(%arg7 : memref<100000xf32, #tpu.memory_space<vmem>>)
      tpu.yield
    }) : () -> ()
    %add3A_161 = arith.constant 26 : i32
    %add3A_162 = arith.addi %mul3A_2, %add3A_161 : i32
    %mul3A_163 = arith.constant 100000 : i32
    %mul3A_164 = arith.muli %add3A_162, %mul3A_163 : i32
    "tpu.region"() ({
      %run_scoped3A = tpu.sem_alloc : memref<!tpu.dma_semaphore, #tpu.memory_space<semaphore_mem>>
      %dma_start3A_833 = tpu.memref_slice %arg4[%mul3A_164] : memref<102400000xf32, #tpu.memory_space<hbm>> -> memref<100000xf32, #tpu.memory_space<hbm>>
      %dma_start3A_834 = tpu.memref_slice %arg4[%mul3A_164] : memref<102400000xf32, #tpu.memory_space<hbm>> -> memref<100000xf32, #tpu.memory_space<hbm>>
      tpu.enqueue_dma source(%arg7 : memref<100000xf32, #tpu.memory_space<vmem>>) target(%dma_start3A_834 : memref<100000xf32, #tpu.memory_space<hbm>>) target_semaphore(%run_scoped3A : memref<!tpu.dma_semaphore, #tpu.memory_space<semaphore_mem>>)
      %dma_wait3A_835 = tpu.memref_slice %arg4[%mul3A_164] : memref<102400000xf32, #tpu.memory_space<hbm>> -> memref<100000xf32, #tpu.memory_space<hbm>>
      %dma_wait3A_836 = tpu.memref_slice %arg4[%mul3A_164] : memref<102400000xf32, #tpu.memory_space<hbm>> -> memref<100000xf32, #tpu.memory_space<hbm>>
      tpu.wait_dma2 semaphore(%run_scoped3A : memref<!tpu.dma_semaphore, #tpu.memory_space<semaphore_mem>>) src(%arg7 : memref<100000xf32, #tpu.memory_space<vmem>>) dst(%dma_wait3A_836 : memref<100000xf32, #tpu.memory_space<hbm>>)
      tpu.yield
    }) : () -> ()
    %add3A_165 = arith.constant 27 : i32
    %add3A_166 = arith.addi %mul3A_2, %add3A_165 : i32
    "tpu.region"() ({
      %run_scoped3A = tpu.sem_alloc : memref<!tpu.dma_semaphore, #tpu.memory_space<semaphore_mem>>
      %dma_start3A_833 = arith.constant 0 : i32
      %dma_start3A_834 = tpu.memref_slice %arg2[%add3A_166, %dma_start3A_833] : memref<1024x100000xf32, #tpu.memory_space<hbm>> -> memref<1x100000xf32, #tpu.memory_space<hbm>>
      %dma_start3A_835 = tpu.memref_squeeze %dma_start3A_834 : memref<1x100000xf32, #tpu.memory_space<hbm>> -> memref<100000xf32, #tpu.memory_space<hbm>>
      %dma_start3A_836 = arith.constant 0 : i32
      %dma_start3A_837 = tpu.memref_slice %arg2[%add3A_166, %dma_start3A_836] : memref<1024x100000xf32, #tpu.memory_space<hbm>> -> memref<1x100000xf32, #tpu.memory_space<hbm>>
      %dma_start3A_838 = tpu.memref_squeeze %dma_start3A_837 : memref<1x100000xf32, #tpu.memory_space<hbm>> -> memref<100000xf32, #tpu.memory_space<hbm>>
      tpu.enqueue_dma source(%dma_start3A_838 : memref<100000xf32, #tpu.memory_space<hbm>>) target(%arg7 : memref<100000xf32, #tpu.memory_space<vmem>>) target_semaphore(%run_scoped3A : memref<!tpu.dma_semaphore, #tpu.memory_space<semaphore_mem>>)
      %dma_wait3A_839 = arith.constant 0 : i32
      %dma_wait3A_840 = tpu.memref_slice %arg2[%add3A_166, %dma_wait3A_839] : memref<1024x100000xf32, #tpu.memory_space<hbm>> -> memref<1x100000xf32, #tpu.memory_space<hbm>>
      %dma_wait3A_841 = tpu.memref_squeeze %dma_wait3A_840 : memref<1x100000xf32, #tpu.memory_space<hbm>> -> memref<100000xf32, #tpu.memory_space<hbm>>
      %dma_wait3A_842 = arith.constant 0 : i32
      %dma_wait3A_843 = tpu.memref_slice %arg2[%add3A_166, %dma_wait3A_842] : memref<1024x100000xf32, #tpu.memory_space<hbm>> -> memref<1x100000xf32, #tpu.memory_space<hbm>>
      %dma_wait3A_844 = tpu.memref_squeeze %dma_wait3A_843 : memref<1x100000xf32, #tpu.memory_space<hbm>> -> memref<100000xf32, #tpu.memory_space<hbm>>
      tpu.wait_dma2 semaphore(%run_scoped3A : memref<!tpu.dma_semaphore, #tpu.memory_space<semaphore_mem>>) src(%dma_wait3A_844 : memref<100000xf32, #tpu.memory_space<hbm>>) dst(%arg7 : memref<100000xf32, #tpu.memory_space<vmem>>)
      tpu.yield
    }) : () -> ()
    %add3A_167 = arith.constant 27 : i32
    %add3A_168 = arith.addi %mul3A_2, %add3A_167 : i32
    %mul3A_169 = arith.constant 100000 : i32
    %mul3A_170 = arith.muli %add3A_168, %mul3A_169 : i32
    "tpu.region"() ({
      %run_scoped3A = tpu.sem_alloc : memref<!tpu.dma_semaphore, #tpu.memory_space<semaphore_mem>>
      %dma_start3A_833 = tpu.memref_slice %arg4[%mul3A_170] : memref<102400000xf32, #tpu.memory_space<hbm>> -> memref<100000xf32, #tpu.memory_space<hbm>>
      %dma_start3A_834 = tpu.memref_slice %arg4[%mul3A_170] : memref<102400000xf32, #tpu.memory_space<hbm>> -> memref<100000xf32, #tpu.memory_space<hbm>>
      tpu.enqueue_dma source(%arg7 : memref<100000xf32, #tpu.memory_space<vmem>>) target(%dma_start3A_834 : memref<100000xf32, #tpu.memory_space<hbm>>) target_semaphore(%run_scoped3A : memref<!tpu.dma_semaphore, #tpu.memory_space<semaphore_mem>>)
      %dma_wait3A_835 = tpu.memref_slice %arg4[%mul3A_170] : memref<102400000xf32, #tpu.memory_space<hbm>> -> memref<100000xf32, #tpu.memory_space<hbm>>
      %dma_wait3A_836 = tpu.memref_slice %arg4[%mul3A_170] : memref<102400000xf32, #tpu.memory_space<hbm>> -> memref<100000xf32, #tpu.memory_space<hbm>>
      tpu.wait_dma2 semaphore(%run_scoped3A : memref<!tpu.dma_semaphore, #tpu.memory_space<semaphore_mem>>) src(%arg7 : memref<100000xf32, #tpu.memory_space<vmem>>) dst(%dma_wait3A_836 : memref<100000xf32, #tpu.memory_space<hbm>>)
      tpu.yield
    }) : () -> ()
    %add3A_171 = arith.constant 28 : i32
    %add3A_172 = arith.addi %mul3A_2, %add3A_171 : i32
    "tpu.region"() ({
      %run_scoped3A = tpu.sem_alloc : memref<!tpu.dma_semaphore, #tpu.memory_space<semaphore_mem>>
      %dma_start3A_833 = arith.constant 0 : i32
      %dma_start3A_834 = tpu.memref_slice %arg2[%add3A_172, %dma_start3A_833] : memref<1024x100000xf32, #tpu.memory_space<hbm>> -> memref<1x100000xf32, #tpu.memory_space<hbm>>
      %dma_start3A_835 = tpu.memref_squeeze %dma_start3A_834 : memref<1x100000xf32, #tpu.memory_space<hbm>> -> memref<100000xf32, #tpu.memory_space<hbm>>
      %dma_start3A_836 = arith.constant 0 : i32
      %dma_start3A_837 = tpu.memref_slice %arg2[%add3A_172, %dma_start3A_836] : memref<1024x100000xf32, #tpu.memory_space<hbm>> -> memref<1x100000xf32, #tpu.memory_space<hbm>>
      %dma_start3A_838 = tpu.memref_squeeze %dma_start3A_837 : memref<1x100000xf32, #tpu.memory_space<hbm>> -> memref<100000xf32, #tpu.memory_space<hbm>>
      tpu.enqueue_dma source(%dma_start3A_838 : memref<100000xf32, #tpu.memory_space<hbm>>) target(%arg7 : memref<100000xf32, #tpu.memory_space<vmem>>) target_semaphore(%run_scoped3A : memref<!tpu.dma_semaphore, #tpu.memory_space<semaphore_mem>>)
      %dma_wait3A_839 = arith.constant 0 : i32
      %dma_wait3A_840 = tpu.memref_slice %arg2[%add3A_172, %dma_wait3A_839] : memref<1024x100000xf32, #tpu.memory_space<hbm>> -> memref<1x100000xf32, #tpu.memory_space<hbm>>
      %dma_wait3A_841 = tpu.memref_squeeze %dma_wait3A_840 : memref<1x100000xf32, #tpu.memory_space<hbm>> -> memref<100000xf32, #tpu.memory_space<hbm>>
      %dma_wait3A_842 = arith.constant 0 : i32
      %dma_wait3A_843 = tpu.memref_slice %arg2[%add3A_172, %dma_wait3A_842] : memref<1024x100000xf32, #tpu.memory_space<hbm>> -> memref<1x100000xf32, #tpu.memory_space<hbm>>
      %dma_wait3A_844 = tpu.memref_squeeze %dma_wait3A_843 : memref<1x100000xf32, #tpu.memory_space<hbm>> -> memref<100000xf32, #tpu.memory_space<hbm>>
      tpu.wait_dma2 semaphore(%run_scoped3A : memref<!tpu.dma_semaphore, #tpu.memory_space<semaphore_mem>>) src(%dma_wait3A_844 : memref<100000xf32, #tpu.memory_space<hbm>>) dst(%arg7 : memref<100000xf32, #tpu.memory_space<vmem>>)
      tpu.yield
    }) : () -> ()
    %add3A_173 = arith.constant 28 : i32
    %add3A_174 = arith.addi %mul3A_2, %add3A_173 : i32
    %mul3A_175 = arith.constant 100000 : i32
    %mul3A_176 = arith.muli %add3A_174, %mul3A_175 : i32
    "tpu.region"() ({
      %run_scoped3A = tpu.sem_alloc : memref<!tpu.dma_semaphore, #tpu.memory_space<semaphore_mem>>
      %dma_start3A_833 = tpu.memref_slice %arg4[%mul3A_176] : memref<102400000xf32, #tpu.memory_space<hbm>> -> memref<100000xf32, #tpu.memory_space<hbm>>
      %dma_start3A_834 = tpu.memref_slice %arg4[%mul3A_176] : memref<102400000xf32, #tpu.memory_space<hbm>> -> memref<100000xf32, #tpu.memory_space<hbm>>
      tpu.enqueue_dma source(%arg7 : memref<100000xf32, #tpu.memory_space<vmem>>) target(%dma_start3A_834 : memref<100000xf32, #tpu.memory_space<hbm>>) target_semaphore(%run_scoped3A : memref<!tpu.dma_semaphore, #tpu.memory_space<semaphore_mem>>)
      %dma_wait3A_835 = tpu.memref_slice %arg4[%mul3A_176] : memref<102400000xf32, #tpu.memory_space<hbm>> -> memref<100000xf32, #tpu.memory_space<hbm>>
      %dma_wait3A_836 = tpu.memref_slice %arg4[%mul3A_176] : memref<102400000xf32, #tpu.memory_space<hbm>> -> memref<100000xf32, #tpu.memory_space<hbm>>
      tpu.wait_dma2 semaphore(%run_scoped3A : memref<!tpu.dma_semaphore, #tpu.memory_space<semaphore_mem>>) src(%arg7 : memref<100000xf32, #tpu.memory_space<vmem>>) dst(%dma_wait3A_836 : memref<100000xf32, #tpu.memory_space<hbm>>)
      tpu.yield
    }) : () -> ()
    %add3A_177 = arith.constant 29 : i32
    %add3A_178 = arith.addi %mul3A_2, %add3A_177 : i32
    "tpu.region"() ({
      %run_scoped3A = tpu.sem_alloc : memref<!tpu.dma_semaphore, #tpu.memory_space<semaphore_mem>>
      %dma_start3A_833 = arith.constant 0 : i32
      %dma_start3A_834 = tpu.memref_slice %arg2[%add3A_178, %dma_start3A_833] : memref<1024x100000xf32, #tpu.memory_space<hbm>> -> memref<1x100000xf32, #tpu.memory_space<hbm>>
      %dma_start3A_835 = tpu.memref_squeeze %dma_start3A_834 : memref<1x100000xf32, #tpu.memory_space<hbm>> -> memref<100000xf32, #tpu.memory_space<hbm>>
      %dma_start3A_836 = arith.constant 0 : i32
      %dma_start3A_837 = tpu.memref_slice %arg2[%add3A_178, %dma_start3A_836] : memref<1024x100000xf32, #tpu.memory_space<hbm>> -> memref<1x100000xf32, #tpu.memory_space<hbm>>
      %dma_start3A_838 = tpu.memref_squeeze %dma_start3A_837 : memref<1x100000xf32, #tpu.memory_space<hbm>> -> memref<100000xf32, #tpu.memory_space<hbm>>
      tpu.enqueue_dma source(%dma_start3A_838 : memref<100000xf32, #tpu.memory_space<hbm>>) target(%arg7 : memref<100000xf32, #tpu.memory_space<vmem>>) target_semaphore(%run_scoped3A : memref<!tpu.dma_semaphore, #tpu.memory_space<semaphore_mem>>)
      %dma_wait3A_839 = arith.constant 0 : i32
      %dma_wait3A_840 = tpu.memref_slice %arg2[%add3A_178, %dma_wait3A_839] : memref<1024x100000xf32, #tpu.memory_space<hbm>> -> memref<1x100000xf32, #tpu.memory_space<hbm>>
      %dma_wait3A_841 = tpu.memref_squeeze %dma_wait3A_840 : memref<1x100000xf32, #tpu.memory_space<hbm>> -> memref<100000xf32, #tpu.memory_space<hbm>>
      %dma_wait3A_842 = arith.constant 0 : i32
      %dma_wait3A_843 = tpu.memref_slice %arg2[%add3A_178, %dma_wait3A_842] : memref<1024x100000xf32, #tpu.memory_space<hbm>> -> memref<1x100000xf32, #tpu.memory_space<hbm>>
      %dma_wait3A_844 = tpu.memref_squeeze %dma_wait3A_843 : memref<1x100000xf32, #tpu.memory_space<hbm>> -> memref<100000xf32, #tpu.memory_space<hbm>>
      tpu.wait_dma2 semaphore(%run_scoped3A : memref<!tpu.dma_semaphore, #tpu.memory_space<semaphore_mem>>) src(%dma_wait3A_844 : memref<100000xf32, #tpu.memory_space<hbm>>) dst(%arg7 : memref<100000xf32, #tpu.memory_space<vmem>>)
      tpu.yield
    }) : () -> ()
    %add3A_179 = arith.constant 29 : i32
    %add3A_180 = arith.addi %mul3A_2, %add3A_179 : i32
    %mul3A_181 = arith.constant 100000 : i32
    %mul3A_182 = arith.muli %add3A_180, %mul3A_181 : i32
    "tpu.region"() ({
      %run_scoped3A = tpu.sem_alloc : memref<!tpu.dma_semaphore, #tpu.memory_space<semaphore_mem>>
      %dma_start3A_833 = tpu.memref_slice %arg4[%mul3A_182] : memref<102400000xf32, #tpu.memory_space<hbm>> -> memref<100000xf32, #tpu.memory_space<hbm>>
      %dma_start3A_834 = tpu.memref_slice %arg4[%mul3A_182] : memref<102400000xf32, #tpu.memory_space<hbm>> -> memref<100000xf32, #tpu.memory_space<hbm>>
      tpu.enqueue_dma source(%arg7 : memref<100000xf32, #tpu.memory_space<vmem>>) target(%dma_start3A_834 : memref<100000xf32, #tpu.memory_space<hbm>>) target_semaphore(%run_scoped3A : memref<!tpu.dma_semaphore, #tpu.memory_space<semaphore_mem>>)
      %dma_wait3A_835 = tpu.memref_slice %arg4[%mul3A_182] : memref<102400000xf32, #tpu.memory_space<hbm>> -> memref<100000xf32, #tpu.memory_space<hbm>>
      %dma_wait3A_836 = tpu.memref_slice %arg4[%mul3A_182] : memref<102400000xf32, #tpu.memory_space<hbm>> -> memref<100000xf32, #tpu.memory_space<hbm>>
      tpu.wait_dma2 semaphore(%run_scoped3A : memref<!tpu.dma_semaphore, #tpu.memory_space<semaphore_mem>>) src(%arg7 : memref<100000xf32, #tpu.memory_space<vmem>>) dst(%dma_wait3A_836 : memref<100000xf32, #tpu.memory_space<hbm>>)
      tpu.yield
    }) : () -> ()
    %add3A_183 = arith.constant 30 : i32
    %add3A_184 = arith.addi %mul3A_2, %add3A_183 : i32
    "tpu.region"() ({
      %run_scoped3A = tpu.sem_alloc : memref<!tpu.dma_semaphore, #tpu.memory_space<semaphore_mem>>
      %dma_start3A_833 = arith.constant 0 : i32
      %dma_start3A_834 = tpu.memref_slice %arg2[%add3A_184, %dma_start3A_833] : memref<1024x100000xf32, #tpu.memory_space<hbm>> -> memref<1x100000xf32, #tpu.memory_space<hbm>>
      %dma_start3A_835 = tpu.memref_squeeze %dma_start3A_834 : memref<1x100000xf32, #tpu.memory_space<hbm>> -> memref<100000xf32, #tpu.memory_space<hbm>>
      %dma_start3A_836 = arith.constant 0 : i32
      %dma_start3A_837 = tpu.memref_slice %arg2[%add3A_184, %dma_start3A_836] : memref<1024x100000xf32, #tpu.memory_space<hbm>> -> memref<1x100000xf32, #tpu.memory_space<hbm>>
      %dma_start3A_838 = tpu.memref_squeeze %dma_start3A_837 : memref<1x100000xf32, #tpu.memory_space<hbm>> -> memref<100000xf32, #tpu.memory_space<hbm>>
      tpu.enqueue_dma source(%dma_start3A_838 : memref<100000xf32, #tpu.memory_space<hbm>>) target(%arg7 : memref<100000xf32, #tpu.memory_space<vmem>>) target_semaphore(%run_scoped3A : memref<!tpu.dma_semaphore, #tpu.memory_space<semaphore_mem>>)
      %dma_wait3A_839 = arith.constant 0 : i32
      %dma_wait3A_840 = tpu.memref_slice %arg2[%add3A_184, %dma_wait3A_839] : memref<1024x100000xf32, #tpu.memory_space<hbm>> -> memref<1x100000xf32, #tpu.memory_space<hbm>>
      %dma_wait3A_841 = tpu.memref_squeeze %dma_wait3A_840 : memref<1x100000xf32, #tpu.memory_space<hbm>> -> memref<100000xf32, #tpu.memory_space<hbm>>
      %dma_wait3A_842 = arith.constant 0 : i32
      %dma_wait3A_843 = tpu.memref_slice %arg2[%add3A_184, %dma_wait3A_842] : memref<1024x100000xf32, #tpu.memory_space<hbm>> -> memref<1x100000xf32, #tpu.memory_space<hbm>>
      %dma_wait3A_844 = tpu.memref_squeeze %dma_wait3A_843 : memref<1x100000xf32, #tpu.memory_space<hbm>> -> memref<100000xf32, #tpu.memory_space<hbm>>
      tpu.wait_dma2 semaphore(%run_scoped3A : memref<!tpu.dma_semaphore, #tpu.memory_space<semaphore_mem>>) src(%dma_wait3A_844 : memref<100000xf32, #tpu.memory_space<hbm>>) dst(%arg7 : memref<100000xf32, #tpu.memory_space<vmem>>)
      tpu.yield
    }) : () -> ()
    %add3A_185 = arith.constant 30 : i32
    %add3A_186 = arith.addi %mul3A_2, %add3A_185 : i32
    %mul3A_187 = arith.constant 100000 : i32
    %mul3A_188 = arith.muli %add3A_186, %mul3A_187 : i32
    "tpu.region"() ({
      %run_scoped3A = tpu.sem_alloc : memref<!tpu.dma_semaphore, #tpu.memory_space<semaphore_mem>>
      %dma_start3A_833 = tpu.memref_slice %arg4[%mul3A_188] : memref<102400000xf32, #tpu.memory_space<hbm>> -> memref<100000xf32, #tpu.memory_space<hbm>>
      %dma_start3A_834 = tpu.memref_slice %arg4[%mul3A_188] : memref<102400000xf32, #tpu.memory_space<hbm>> -> memref<100000xf32, #tpu.memory_space<hbm>>
      tpu.enqueue_dma source(%arg7 : memref<100000xf32, #tpu.memory_space<vmem>>) target(%dma_start3A_834 : memref<100000xf32, #tpu.memory_space<hbm>>) target_semaphore(%run_scoped3A : memref<!tpu.dma_semaphore, #tpu.memory_space<semaphore_mem>>)
      %dma_wait3A_835 = tpu.memref_slice %arg4[%mul3A_188] : memref<102400000xf32, #tpu.memory_space<hbm>> -> memref<100000xf32, #tpu.memory_space<hbm>>
      %dma_wait3A_836 = tpu.memref_slice %arg4[%mul3A_188] : memref<102400000xf32, #tpu.memory_space<hbm>> -> memref<100000xf32, #tpu.memory_space<hbm>>
      tpu.wait_dma2 semaphore(%run_scoped3A : memref<!tpu.dma_semaphore, #tpu.memory_space<semaphore_mem>>) src(%arg7 : memref<100000xf32, #tpu.memory_space<vmem>>) dst(%dma_wait3A_836 : memref<100000xf32, #tpu.memory_space<hbm>>)
      tpu.yield
    }) : () -> ()
    %add3A_189 = arith.constant 31 : i32
    %add3A_190 = arith.addi %mul3A_2, %add3A_189 : i32
    "tpu.region"() ({
      %run_scoped3A = tpu.sem_alloc : memref<!tpu.dma_semaphore, #tpu.memory_space<semaphore_mem>>
      %dma_start3A_833 = arith.constant 0 : i32
      %dma_start3A_834 = tpu.memref_slice %arg2[%add3A_190, %dma_start3A_833] : memref<1024x100000xf32, #tpu.memory_space<hbm>> -> memref<1x100000xf32, #tpu.memory_space<hbm>>
      %dma_start3A_835 = tpu.memref_squeeze %dma_start3A_834 : memref<1x100000xf32, #tpu.memory_space<hbm>> -> memref<100000xf32, #tpu.memory_space<hbm>>
      %dma_start3A_836 = arith.constant 0 : i32
      %dma_start3A_837 = tpu.memref_slice %arg2[%add3A_190, %dma_start3A_836] : memref<1024x100000xf32, #tpu.memory_space<hbm>> -> memref<1x100000xf32, #tpu.memory_space<hbm>>
      %dma_start3A_838 = tpu.memref_squeeze %dma_start3A_837 : memref<1x100000xf32, #tpu.memory_space<hbm>> -> memref<100000xf32, #tpu.memory_space<hbm>>
      tpu.enqueue_dma source(%dma_start3A_838 : memref<100000xf32, #tpu.memory_space<hbm>>) target(%arg7 : memref<100000xf32, #tpu.memory_space<vmem>>) target_semaphore(%run_scoped3A : memref<!tpu.dma_semaphore, #tpu.memory_space<semaphore_mem>>)
      %dma_wait3A_839 = arith.constant 0 : i32
      %dma_wait3A_840 = tpu.memref_slice %arg2[%add3A_190, %dma_wait3A_839] : memref<1024x100000xf32, #tpu.memory_space<hbm>> -> memref<1x100000xf32, #tpu.memory_space<hbm>>
      %dma_wait3A_841 = tpu.memref_squeeze %dma_wait3A_840 : memref<1x100000xf32, #tpu.memory_space<hbm>> -> memref<100000xf32, #tpu.memory_space<hbm>>
      %dma_wait3A_842 = arith.constant 0 : i32
      %dma_wait3A_843 = tpu.memref_slice %arg2[%add3A_190, %dma_wait3A_842] : memref<1024x100000xf32, #tpu.memory_space<hbm>> -> memref<1x100000xf32, #tpu.memory_space<hbm>>
      %dma_wait3A_844 = tpu.memref_squeeze %dma_wait3A_843 : memref<1x100000xf32, #tpu.memory_space<hbm>> -> memref<100000xf32, #tpu.memory_space<hbm>>
      tpu.wait_dma2 semaphore(%run_scoped3A : memref<!tpu.dma_semaphore, #tpu.memory_space<semaphore_mem>>) src(%dma_wait3A_844 : memref<100000xf32, #tpu.memory_space<hbm>>) dst(%arg7 : memref<100000xf32, #tpu.memory_space<vmem>>)
      tpu.yield
    }) : () -> ()
    %add3A_191 = arith.constant 31 : i32
    %add3A_192 = arith.addi %mul3A_2, %add3A_191 : i32
    %mul3A_193 = arith.constant 100000 : i32
    %mul3A_194 = arith.muli %add3A_192, %mul3A_193 : i32
    "tpu.region"() ({
      %run_scoped3A = tpu.sem_alloc : memref<!tpu.dma_semaphore, #tpu.memory_space<semaphore_mem>>
      %dma_start3A_833 = tpu.memref_slice %arg4[%mul3A_194] : memref<102400000xf32, #tpu.memory_space<hbm>> -> memref<100000xf32, #tpu.memory_space<hbm>>
      %dma_start3A_834 = tpu.memref_slice %arg4[%mul3A_194] : memref<102400000xf32, #tpu.memory_space<hbm>> -> memref<100000xf32, #tpu.memory_space<hbm>>
      tpu.enqueue_dma source(%arg7 : memref<100000xf32, #tpu.memory_space<vmem>>) target(%dma_start3A_834 : memref<100000xf32, #tpu.memory_space<hbm>>) target_semaphore(%run_scoped3A : memref<!tpu.dma_semaphore, #tpu.memory_space<semaphore_mem>>)
      %dma_wait3A_835 = tpu.memref_slice %arg4[%mul3A_194] : memref<102400000xf32, #tpu.memory_space<hbm>> -> memref<100000xf32, #tpu.memory_space<hbm>>
      %dma_wait3A_836 = tpu.memref_slice %arg4[%mul3A_194] : memref<102400000xf32, #tpu.memory_space<hbm>> -> memref<100000xf32, #tpu.memory_space<hbm>>
      tpu.wait_dma2 semaphore(%run_scoped3A : memref<!tpu.dma_semaphore, #tpu.memory_space<semaphore_mem>>) src(%arg7 : memref<100000xf32, #tpu.memory_space<vmem>>) dst(%dma_wait3A_836 : memref<100000xf32, #tpu.memory_space<hbm>>)
      tpu.yield
    }) : () -> ()
    %dma_start3A = arith.constant 0 : i32
    %dma_start3A_195 = arith.constant 0 : i32
    %dma_start3A_196 = arith.constant 0 : i32
    %dma_start3A_197 = tpu.memref_slice %arg8[%dma_start3A_195, %dma_start3A_196] : memref<32x64xf32, #tpu.memory_space<vmem>> -> memref<1x64xf32, #tpu.memory_space<vmem>>
    %dma_start3A_198 = tpu.memref_squeeze %dma_start3A_197 : memref<1x64xf32, #tpu.memory_space<vmem>> -> memref<64xf32, #tpu.memory_space<vmem>>
    %dma_start3A_199 = arith.constant 0 : i32
    %dma_start3A_200 = tpu.memref_slice %arg6[%dma_start3A, %dma_start3A_199] : memref<32x64xi32, #tpu.memory_space<vmem>> -> memref<1x64xi32, #tpu.memory_space<vmem>>
    %dma_start3A_201 = tpu.memref_squeeze %dma_start3A_200 : memref<1x64xi32, #tpu.memory_space<vmem>> -> memref<64xi32, #tpu.memory_space<vmem>>
    %dma_start3A_202 = arith.constant 0 : i32
    %dma_start3A_203 = tpu.memref_slice %arg4[%dma_start3A_202] : memref<102400000xf32, #tpu.memory_space<hbm>> -> memref<102400000xf32, #tpu.memory_space<hbm>>
    tpu.enqueue_indirect_dma source(%dma_start3A_203 : memref<102400000xf32, #tpu.memory_space<hbm>>) target(%dma_start3A_198 : memref<64xf32, #tpu.memory_space<vmem>>) offsets(%dma_start3A_201 : memref<64xi32, #tpu.memory_space<vmem>>) semaphore(%arg9 : memref<!tpu.dma_semaphore, #tpu.memory_space<semaphore_mem>>)
    %dma_wait3A = arith.constant 0 : i32
    %dma_wait3A_204 = arith.constant 0 : i32
    %dma_wait3A_205 = arith.constant 0 : i32
    %dma_wait3A_206 = tpu.memref_slice %arg8[%dma_wait3A_204, %dma_wait3A_205] : memref<32x64xf32, #tpu.memory_space<vmem>> -> memref<1x64xf32, #tpu.memory_space<vmem>>
    %dma_wait3A_207 = tpu.memref_squeeze %dma_wait3A_206 : memref<1x64xf32, #tpu.memory_space<vmem>> -> memref<64xf32, #tpu.memory_space<vmem>>
    %dma_wait3A_208 = arith.constant 0 : i32
    %dma_wait3A_209 = tpu.memref_slice %arg6[%dma_wait3A, %dma_wait3A_208] : memref<32x64xi32, #tpu.memory_space<vmem>> -> memref<1x64xi32, #tpu.memory_space<vmem>>
    %dma_wait3A_210 = tpu.memref_squeeze %dma_wait3A_209 : memref<1x64xi32, #tpu.memory_space<vmem>> -> memref<64xi32, #tpu.memory_space<vmem>>
    %dma_wait3A_211 = arith.constant 0 : i32
    %dma_wait3A_212 = tpu.memref_slice %arg4[%dma_wait3A_211] : memref<102400000xf32, #tpu.memory_space<hbm>> -> memref<102400000xf32, #tpu.memory_space<hbm>>
    tpu.wait_indirect_dma semaphore(%arg9 : memref<!tpu.dma_semaphore, #tpu.memory_space<semaphore_mem>>) src(%dma_wait3A_212 : memref<102400000xf32, #tpu.memory_space<hbm>>) dst(%dma_wait3A_207 : memref<64xf32, #tpu.memory_space<vmem>>)
    %dma_start3A_213 = arith.constant 1 : i32
    %dma_start3A_214 = arith.constant 1 : i32
    %dma_start3A_215 = arith.constant 0 : i32
    %dma_start3A_216 = tpu.memref_slice %arg8[%dma_start3A_214, %dma_start3A_215] : memref<32x64xf32, #tpu.memory_space<vmem>> -> memref<1x64xf32, #tpu.memory_space<vmem>>
    %dma_start3A_217 = tpu.memref_squeeze %dma_start3A_216 : memref<1x64xf32, #tpu.memory_space<vmem>> -> memref<64xf32, #tpu.memory_space<vmem>>
    %dma_start3A_218 = arith.constant 0 : i32
    %dma_start3A_219 = tpu.memref_slice %arg6[%dma_start3A_213, %dma_start3A_218] : memref<32x64xi32, #tpu.memory_space<vmem>> -> memref<1x64xi32, #tpu.memory_space<vmem>>
    %dma_start3A_220 = tpu.memref_squeeze %dma_start3A_219 : memref<1x64xi32, #tpu.memory_space<vmem>> -> memref<64xi32, #tpu.memory_space<vmem>>
    %dma_start3A_221 = arith.constant 0 : i32
    %dma_start3A_222 = tpu.memref_slice %arg4[%dma_start3A_221] : memref<102400000xf32, #tpu.memory_space<hbm>> -> memref<102400000xf32, #tpu.memory_space<hbm>>
    tpu.enqueue_indirect_dma source(%dma_start3A_222 : memref<102400000xf32, #tpu.memory_space<hbm>>) target(%dma_start3A_217 : memref<64xf32, #tpu.memory_space<vmem>>) offsets(%dma_start3A_220 : memref<64xi32, #tpu.memory_space<vmem>>) semaphore(%arg9 : memref<!tpu.dma_semaphore, #tpu.memory_space<semaphore_mem>>)
    %dma_wait3A_223 = arith.constant 1 : i32
    %dma_wait3A_224 = arith.constant 1 : i32
    %dma_wait3A_225 = arith.constant 0 : i32
    %dma_wait3A_226 = tpu.memref_slice %arg8[%dma_wait3A_224, %dma_wait3A_225] : memref<32x64xf32, #tpu.memory_space<vmem>> -> memref<1x64xf32, #tpu.memory_space<vmem>>
    %dma_wait3A_227 = tpu.memref_squeeze %dma_wait3A_226 : memref<1x64xf32, #tpu.memory_space<vmem>> -> memref<64xf32, #tpu.memory_space<vmem>>
    %dma_wait3A_228 = arith.constant 0 : i32
    %dma_wait3A_229 = tpu.memref_slice %arg6[%dma_wait3A_223, %dma_wait3A_228] : memref<32x64xi32, #tpu.memory_space<vmem>> -> memref<1x64xi32, #tpu.memory_space<vmem>>
    %dma_wait3A_230 = tpu.memref_squeeze %dma_wait3A_229 : memref<1x64xi32, #tpu.memory_space<vmem>> -> memref<64xi32, #tpu.memory_space<vmem>>
    %dma_wait3A_231 = arith.constant 0 : i32
    %dma_wait3A_232 = tpu.memref_slice %arg4[%dma_wait3A_231] : memref<102400000xf32, #tpu.memory_space<hbm>> -> memref<102400000xf32, #tpu.memory_space<hbm>>
    tpu.wait_indirect_dma semaphore(%arg9 : memref<!tpu.dma_semaphore, #tpu.memory_space<semaphore_mem>>) src(%dma_wait3A_232 : memref<102400000xf32, #tpu.memory_space<hbm>>) dst(%dma_wait3A_227 : memref<64xf32, #tpu.memory_space<vmem>>)
    %dma_start3A_233 = arith.constant 2 : i32
    %dma_start3A_234 = arith.constant 2 : i32
    %dma_start3A_235 = arith.constant 0 : i32
    %dma_start3A_236 = tpu.memref_slice %arg8[%dma_start3A_234, %dma_start3A_235] : memref<32x64xf32, #tpu.memory_space<vmem>> -> memref<1x64xf32, #tpu.memory_space<vmem>>
    %dma_start3A_237 = tpu.memref_squeeze %dma_start3A_236 : memref<1x64xf32, #tpu.memory_space<vmem>> -> memref<64xf32, #tpu.memory_space<vmem>>
    %dma_start3A_238 = arith.constant 0 : i32
    %dma_start3A_239 = tpu.memref_slice %arg6[%dma_start3A_233, %dma_start3A_238] : memref<32x64xi32, #tpu.memory_space<vmem>> -> memref<1x64xi32, #tpu.memory_space<vmem>>
    %dma_start3A_240 = tpu.memref_squeeze %dma_start3A_239 : memref<1x64xi32, #tpu.memory_space<vmem>> -> memref<64xi32, #tpu.memory_space<vmem>>
    %dma_start3A_241 = arith.constant 0 : i32
    %dma_start3A_242 = tpu.memref_slice %arg4[%dma_start3A_241] : memref<102400000xf32, #tpu.memory_space<hbm>> -> memref<102400000xf32, #tpu.memory_space<hbm>>
    tpu.enqueue_indirect_dma source(%dma_start3A_242 : memref<102400000xf32, #tpu.memory_space<hbm>>) target(%dma_start3A_237 : memref<64xf32, #tpu.memory_space<vmem>>) offsets(%dma_start3A_240 : memref<64xi32, #tpu.memory_space<vmem>>) semaphore(%arg9 : memref<!tpu.dma_semaphore, #tpu.memory_space<semaphore_mem>>)
    %dma_wait3A_243 = arith.constant 2 : i32
    %dma_wait3A_244 = arith.constant 2 : i32
    %dma_wait3A_245 = arith.constant 0 : i32
    %dma_wait3A_246 = tpu.memref_slice %arg8[%dma_wait3A_244, %dma_wait3A_245] : memref<32x64xf32, #tpu.memory_space<vmem>> -> memref<1x64xf32, #tpu.memory_space<vmem>>
    %dma_wait3A_247 = tpu.memref_squeeze %dma_wait3A_246 : memref<1x64xf32, #tpu.memory_space<vmem>> -> memref<64xf32, #tpu.memory_space<vmem>>
    %dma_wait3A_248 = arith.constant 0 : i32
    %dma_wait3A_249 = tpu.memref_slice %arg6[%dma_wait3A_243, %dma_wait3A_248] : memref<32x64xi32, #tpu.memory_space<vmem>> -> memref<1x64xi32, #tpu.memory_space<vmem>>
    %dma_wait3A_250 = tpu.memref_squeeze %dma_wait3A_249 : memref<1x64xi32, #tpu.memory_space<vmem>> -> memref<64xi32, #tpu.memory_space<vmem>>
    %dma_wait3A_251 = arith.constant 0 : i32
    %dma_wait3A_252 = tpu.memref_slice %arg4[%dma_wait3A_251] : memref<102400000xf32, #tpu.memory_space<hbm>> -> memref<102400000xf32, #tpu.memory_space<hbm>>
    tpu.wait_indirect_dma semaphore(%arg9 : memref<!tpu.dma_semaphore, #tpu.memory_space<semaphore_mem>>) src(%dma_wait3A_252 : memref<102400000xf32, #tpu.memory_space<hbm>>) dst(%dma_wait3A_247 : memref<64xf32, #tpu.memory_space<vmem>>)
    %dma_start3A_253 = arith.constant 3 : i32
    %dma_start3A_254 = arith.constant 3 : i32
    %dma_start3A_255 = arith.constant 0 : i32
    %dma_start3A_256 = tpu.memref_slice %arg8[%dma_start3A_254, %dma_start3A_255] : memref<32x64xf32, #tpu.memory_space<vmem>> -> memref<1x64xf32, #tpu.memory_space<vmem>>
    %dma_start3A_257 = tpu.memref_squeeze %dma_start3A_256 : memref<1x64xf32, #tpu.memory_space<vmem>> -> memref<64xf32, #tpu.memory_space<vmem>>
    %dma_start3A_258 = arith.constant 0 : i32
    %dma_start3A_259 = tpu.memref_slice %arg6[%dma_start3A_253, %dma_start3A_258] : memref<32x64xi32, #tpu.memory_space<vmem>> -> memref<1x64xi32, #tpu.memory_space<vmem>>
    %dma_start3A_260 = tpu.memref_squeeze %dma_start3A_259 : memref<1x64xi32, #tpu.memory_space<vmem>> -> memref<64xi32, #tpu.memory_space<vmem>>
    %dma_start3A_261 = arith.constant 0 : i32
    %dma_start3A_262 = tpu.memref_slice %arg4[%dma_start3A_261] : memref<102400000xf32, #tpu.memory_space<hbm>> -> memref<102400000xf32, #tpu.memory_space<hbm>>
    tpu.enqueue_indirect_dma source(%dma_start3A_262 : memref<102400000xf32, #tpu.memory_space<hbm>>) target(%dma_start3A_257 : memref<64xf32, #tpu.memory_space<vmem>>) offsets(%dma_start3A_260 : memref<64xi32, #tpu.memory_space<vmem>>) semaphore(%arg9 : memref<!tpu.dma_semaphore, #tpu.memory_space<semaphore_mem>>)
    %dma_wait3A_263 = arith.constant 3 : i32
    %dma_wait3A_264 = arith.constant 3 : i32
    %dma_wait3A_265 = arith.constant 0 : i32
    %dma_wait3A_266 = tpu.memref_slice %arg8[%dma_wait3A_264, %dma_wait3A_265] : memref<32x64xf32, #tpu.memory_space<vmem>> -> memref<1x64xf32, #tpu.memory_space<vmem>>
    %dma_wait3A_267 = tpu.memref_squeeze %dma_wait3A_266 : memref<1x64xf32, #tpu.memory_space<vmem>> -> memref<64xf32, #tpu.memory_space<vmem>>
    %dma_wait3A_268 = arith.constant 0 : i32
    %dma_wait3A_269 = tpu.memref_slice %arg6[%dma_wait3A_263, %dma_wait3A_268] : memref<32x64xi32, #tpu.memory_space<vmem>> -> memref<1x64xi32, #tpu.memory_space<vmem>>
    %dma_wait3A_270 = tpu.memref_squeeze %dma_wait3A_269 : memref<1x64xi32, #tpu.memory_space<vmem>> -> memref<64xi32, #tpu.memory_space<vmem>>
    %dma_wait3A_271 = arith.constant 0 : i32
    %dma_wait3A_272 = tpu.memref_slice %arg4[%dma_wait3A_271] : memref<102400000xf32, #tpu.memory_space<hbm>> -> memref<102400000xf32, #tpu.memory_space<hbm>>
    tpu.wait_indirect_dma semaphore(%arg9 : memref<!tpu.dma_semaphore, #tpu.memory_space<semaphore_mem>>) src(%dma_wait3A_272 : memref<102400000xf32, #tpu.memory_space<hbm>>) dst(%dma_wait3A_267 : memref<64xf32, #tpu.memory_space<vmem>>)
    %dma_start3A_273 = arith.constant 4 : i32
    %dma_start3A_274 = arith.constant 4 : i32
    %dma_start3A_275 = arith.constant 0 : i32
    %dma_start3A_276 = tpu.memref_slice %arg8[%dma_start3A_274, %dma_start3A_275] : memref<32x64xf32, #tpu.memory_space<vmem>> -> memref<1x64xf32, #tpu.memory_space<vmem>>
    %dma_start3A_277 = tpu.memref_squeeze %dma_start3A_276 : memref<1x64xf32, #tpu.memory_space<vmem>> -> memref<64xf32, #tpu.memory_space<vmem>>
    %dma_start3A_278 = arith.constant 0 : i32
    %dma_start3A_279 = tpu.memref_slice %arg6[%dma_start3A_273, %dma_start3A_278] : memref<32x64xi32, #tpu.memory_space<vmem>> -> memref<1x64xi32, #tpu.memory_space<vmem>>
    %dma_start3A_280 = tpu.memref_squeeze %dma_start3A_279 : memref<1x64xi32, #tpu.memory_space<vmem>> -> memref<64xi32, #tpu.memory_space<vmem>>
    %dma_start3A_281 = arith.constant 0 : i32
    %dma_start3A_282 = tpu.memref_slice %arg4[%dma_start3A_281] : memref<102400000xf32, #tpu.memory_space<hbm>> -> memref<102400000xf32, #tpu.memory_space<hbm>>
    tpu.enqueue_indirect_dma source(%dma_start3A_282 : memref<102400000xf32, #tpu.memory_space<hbm>>) target(%dma_start3A_277 : memref<64xf32, #tpu.memory_space<vmem>>) offsets(%dma_start3A_280 : memref<64xi32, #tpu.memory_space<vmem>>) semaphore(%arg9 : memref<!tpu.dma_semaphore, #tpu.memory_space<semaphore_mem>>)
    %dma_wait3A_283 = arith.constant 4 : i32
    %dma_wait3A_284 = arith.constant 4 : i32
    %dma_wait3A_285 = arith.constant 0 : i32
    %dma_wait3A_286 = tpu.memref_slice %arg8[%dma_wait3A_284, %dma_wait3A_285] : memref<32x64xf32, #tpu.memory_space<vmem>> -> memref<1x64xf32, #tpu.memory_space<vmem>>
    %dma_wait3A_287 = tpu.memref_squeeze %dma_wait3A_286 : memref<1x64xf32, #tpu.memory_space<vmem>> -> memref<64xf32, #tpu.memory_space<vmem>>
    %dma_wait3A_288 = arith.constant 0 : i32
    %dma_wait3A_289 = tpu.memref_slice %arg6[%dma_wait3A_283, %dma_wait3A_288] : memref<32x64xi32, #tpu.memory_space<vmem>> -> memref<1x64xi32, #tpu.memory_space<vmem>>
    %dma_wait3A_290 = tpu.memref_squeeze %dma_wait3A_289 : memref<1x64xi32, #tpu.memory_space<vmem>> -> memref<64xi32, #tpu.memory_space<vmem>>
    %dma_wait3A_291 = arith.constant 0 : i32
    %dma_wait3A_292 = tpu.memref_slice %arg4[%dma_wait3A_291] : memref<102400000xf32, #tpu.memory_space<hbm>> -> memref<102400000xf32, #tpu.memory_space<hbm>>
    tpu.wait_indirect_dma semaphore(%arg9 : memref<!tpu.dma_semaphore, #tpu.memory_space<semaphore_mem>>) src(%dma_wait3A_292 : memref<102400000xf32, #tpu.memory_space<hbm>>) dst(%dma_wait3A_287 : memref<64xf32, #tpu.memory_space<vmem>>)
    %dma_start3A_293 = arith.constant 5 : i32
    %dma_start3A_294 = arith.constant 5 : i32
    %dma_start3A_295 = arith.constant 0 : i32
    %dma_start3A_296 = tpu.memref_slice %arg8[%dma_start3A_294, %dma_start3A_295] : memref<32x64xf32, #tpu.memory_space<vmem>> -> memref<1x64xf32, #tpu.memory_space<vmem>>
    %dma_start3A_297 = tpu.memref_squeeze %dma_start3A_296 : memref<1x64xf32, #tpu.memory_space<vmem>> -> memref<64xf32, #tpu.memory_space<vmem>>
    %dma_start3A_298 = arith.constant 0 : i32
    %dma_start3A_299 = tpu.memref_slice %arg6[%dma_start3A_293, %dma_start3A_298] : memref<32x64xi32, #tpu.memory_space<vmem>> -> memref<1x64xi32, #tpu.memory_space<vmem>>
    %dma_start3A_300 = tpu.memref_squeeze %dma_start3A_299 : memref<1x64xi32, #tpu.memory_space<vmem>> -> memref<64xi32, #tpu.memory_space<vmem>>
    %dma_start3A_301 = arith.constant 0 : i32
    %dma_start3A_302 = tpu.memref_slice %arg4[%dma_start3A_301] : memref<102400000xf32, #tpu.memory_space<hbm>> -> memref<102400000xf32, #tpu.memory_space<hbm>>
    tpu.enqueue_indirect_dma source(%dma_start3A_302 : memref<102400000xf32, #tpu.memory_space<hbm>>) target(%dma_start3A_297 : memref<64xf32, #tpu.memory_space<vmem>>) offsets(%dma_start3A_300 : memref<64xi32, #tpu.memory_space<vmem>>) semaphore(%arg9 : memref<!tpu.dma_semaphore, #tpu.memory_space<semaphore_mem>>)
    %dma_wait3A_303 = arith.constant 5 : i32
    %dma_wait3A_304 = arith.constant 5 : i32
    %dma_wait3A_305 = arith.constant 0 : i32
    %dma_wait3A_306 = tpu.memref_slice %arg8[%dma_wait3A_304, %dma_wait3A_305] : memref<32x64xf32, #tpu.memory_space<vmem>> -> memref<1x64xf32, #tpu.memory_space<vmem>>
    %dma_wait3A_307 = tpu.memref_squeeze %dma_wait3A_306 : memref<1x64xf32, #tpu.memory_space<vmem>> -> memref<64xf32, #tpu.memory_space<vmem>>
    %dma_wait3A_308 = arith.constant 0 : i32
    %dma_wait3A_309 = tpu.memref_slice %arg6[%dma_wait3A_303, %dma_wait3A_308] : memref<32x64xi32, #tpu.memory_space<vmem>> -> memref<1x64xi32, #tpu.memory_space<vmem>>
    %dma_wait3A_310 = tpu.memref_squeeze %dma_wait3A_309 : memref<1x64xi32, #tpu.memory_space<vmem>> -> memref<64xi32, #tpu.memory_space<vmem>>
    %dma_wait3A_311 = arith.constant 0 : i32
    %dma_wait3A_312 = tpu.memref_slice %arg4[%dma_wait3A_311] : memref<102400000xf32, #tpu.memory_space<hbm>> -> memref<102400000xf32, #tpu.memory_space<hbm>>
    tpu.wait_indirect_dma semaphore(%arg9 : memref<!tpu.dma_semaphore, #tpu.memory_space<semaphore_mem>>) src(%dma_wait3A_312 : memref<102400000xf32, #tpu.memory_space<hbm>>) dst(%dma_wait3A_307 : memref<64xf32, #tpu.memory_space<vmem>>)
    %dma_start3A_313 = arith.constant 6 : i32
    %dma_start3A_314 = arith.constant 6 : i32
    %dma_start3A_315 = arith.constant 0 : i32
    %dma_start3A_316 = tpu.memref_slice %arg8[%dma_start3A_314, %dma_start3A_315] : memref<32x64xf32, #tpu.memory_space<vmem>> -> memref<1x64xf32, #tpu.memory_space<vmem>>
    %dma_start3A_317 = tpu.memref_squeeze %dma_start3A_316 : memref<1x64xf32, #tpu.memory_space<vmem>> -> memref<64xf32, #tpu.memory_space<vmem>>
    %dma_start3A_318 = arith.constant 0 : i32
    %dma_start3A_319 = tpu.memref_slice %arg6[%dma_start3A_313, %dma_start3A_318] : memref<32x64xi32, #tpu.memory_space<vmem>> -> memref<1x64xi32, #tpu.memory_space<vmem>>
    %dma_start3A_320 = tpu.memref_squeeze %dma_start3A_319 : memref<1x64xi32, #tpu.memory_space<vmem>> -> memref<64xi32, #tpu.memory_space<vmem>>
    %dma_start3A_321 = arith.constant 0 : i32
    %dma_start3A_322 = tpu.memref_slice %arg4[%dma_start3A_321] : memref<102400000xf32, #tpu.memory_space<hbm>> -> memref<102400000xf32, #tpu.memory_space<hbm>>
    tpu.enqueue_indirect_dma source(%dma_start3A_322 : memref<102400000xf32, #tpu.memory_space<hbm>>) target(%dma_start3A_317 : memref<64xf32, #tpu.memory_space<vmem>>) offsets(%dma_start3A_320 : memref<64xi32, #tpu.memory_space<vmem>>) semaphore(%arg9 : memref<!tpu.dma_semaphore, #tpu.memory_space<semaphore_mem>>)
    %dma_wait3A_323 = arith.constant 6 : i32
    %dma_wait3A_324 = arith.constant 6 : i32
    %dma_wait3A_325 = arith.constant 0 : i32
    %dma_wait3A_326 = tpu.memref_slice %arg8[%dma_wait3A_324, %dma_wait3A_325] : memref<32x64xf32, #tpu.memory_space<vmem>> -> memref<1x64xf32, #tpu.memory_space<vmem>>
    %dma_wait3A_327 = tpu.memref_squeeze %dma_wait3A_326 : memref<1x64xf32, #tpu.memory_space<vmem>> -> memref<64xf32, #tpu.memory_space<vmem>>
    %dma_wait3A_328 = arith.constant 0 : i32
    %dma_wait3A_329 = tpu.memref_slice %arg6[%dma_wait3A_323, %dma_wait3A_328] : memref<32x64xi32, #tpu.memory_space<vmem>> -> memref<1x64xi32, #tpu.memory_space<vmem>>
    %dma_wait3A_330 = tpu.memref_squeeze %dma_wait3A_329 : memref<1x64xi32, #tpu.memory_space<vmem>> -> memref<64xi32, #tpu.memory_space<vmem>>
    %dma_wait3A_331 = arith.constant 0 : i32
    %dma_wait3A_332 = tpu.memref_slice %arg4[%dma_wait3A_331] : memref<102400000xf32, #tpu.memory_space<hbm>> -> memref<102400000xf32, #tpu.memory_space<hbm>>
    tpu.wait_indirect_dma semaphore(%arg9 : memref<!tpu.dma_semaphore, #tpu.memory_space<semaphore_mem>>) src(%dma_wait3A_332 : memref<102400000xf32, #tpu.memory_space<hbm>>) dst(%dma_wait3A_327 : memref<64xf32, #tpu.memory_space<vmem>>)
    %dma_start3A_333 = arith.constant 7 : i32
    %dma_start3A_334 = arith.constant 7 : i32
    %dma_start3A_335 = arith.constant 0 : i32
    %dma_start3A_336 = tpu.memref_slice %arg8[%dma_start3A_334, %dma_start3A_335] : memref<32x64xf32, #tpu.memory_space<vmem>> -> memref<1x64xf32, #tpu.memory_space<vmem>>
    %dma_start3A_337 = tpu.memref_squeeze %dma_start3A_336 : memref<1x64xf32, #tpu.memory_space<vmem>> -> memref<64xf32, #tpu.memory_space<vmem>>
    %dma_start3A_338 = arith.constant 0 : i32
    %dma_start3A_339 = tpu.memref_slice %arg6[%dma_start3A_333, %dma_start3A_338] : memref<32x64xi32, #tpu.memory_space<vmem>> -> memref<1x64xi32, #tpu.memory_space<vmem>>
    %dma_start3A_340 = tpu.memref_squeeze %dma_start3A_339 : memref<1x64xi32, #tpu.memory_space<vmem>> -> memref<64xi32, #tpu.memory_space<vmem>>
    %dma_start3A_341 = arith.constant 0 : i32
    %dma_start3A_342 = tpu.memref_slice %arg4[%dma_start3A_341] : memref<102400000xf32, #tpu.memory_space<hbm>> -> memref<102400000xf32, #tpu.memory_space<hbm>>
    tpu.enqueue_indirect_dma source(%dma_start3A_342 : memref<102400000xf32, #tpu.memory_space<hbm>>) target(%dma_start3A_337 : memref<64xf32, #tpu.memory_space<vmem>>) offsets(%dma_start3A_340 : memref<64xi32, #tpu.memory_space<vmem>>) semaphore(%arg9 : memref<!tpu.dma_semaphore, #tpu.memory_space<semaphore_mem>>)
    %dma_wait3A_343 = arith.constant 7 : i32
    %dma_wait3A_344 = arith.constant 7 : i32
    %dma_wait3A_345 = arith.constant 0 : i32
    %dma_wait3A_346 = tpu.memref_slice %arg8[%dma_wait3A_344, %dma_wait3A_345] : memref<32x64xf32, #tpu.memory_space<vmem>> -> memref<1x64xf32, #tpu.memory_space<vmem>>
    %dma_wait3A_347 = tpu.memref_squeeze %dma_wait3A_346 : memref<1x64xf32, #tpu.memory_space<vmem>> -> memref<64xf32, #tpu.memory_space<vmem>>
    %dma_wait3A_348 = arith.constant 0 : i32
    %dma_wait3A_349 = tpu.memref_slice %arg6[%dma_wait3A_343, %dma_wait3A_348] : memref<32x64xi32, #tpu.memory_space<vmem>> -> memref<1x64xi32, #tpu.memory_space<vmem>>
    %dma_wait3A_350 = tpu.memref_squeeze %dma_wait3A_349 : memref<1x64xi32, #tpu.memory_space<vmem>> -> memref<64xi32, #tpu.memory_space<vmem>>
    %dma_wait3A_351 = arith.constant 0 : i32
    %dma_wait3A_352 = tpu.memref_slice %arg4[%dma_wait3A_351] : memref<102400000xf32, #tpu.memory_space<hbm>> -> memref<102400000xf32, #tpu.memory_space<hbm>>
    tpu.wait_indirect_dma semaphore(%arg9 : memref<!tpu.dma_semaphore, #tpu.memory_space<semaphore_mem>>) src(%dma_wait3A_352 : memref<102400000xf32, #tpu.memory_space<hbm>>) dst(%dma_wait3A_347 : memref<64xf32, #tpu.memory_space<vmem>>)
    %dma_start3A_353 = arith.constant 8 : i32
    %dma_start3A_354 = arith.constant 8 : i32
    %dma_start3A_355 = arith.constant 0 : i32
    %dma_start3A_356 = tpu.memref_slice %arg8[%dma_start3A_354, %dma_start3A_355] : memref<32x64xf32, #tpu.memory_space<vmem>> -> memref<1x64xf32, #tpu.memory_space<vmem>>
    %dma_start3A_357 = tpu.memref_squeeze %dma_start3A_356 : memref<1x64xf32, #tpu.memory_space<vmem>> -> memref<64xf32, #tpu.memory_space<vmem>>
    %dma_start3A_358 = arith.constant 0 : i32
    %dma_start3A_359 = tpu.memref_slice %arg6[%dma_start3A_353, %dma_start3A_358] : memref<32x64xi32, #tpu.memory_space<vmem>> -> memref<1x64xi32, #tpu.memory_space<vmem>>
    %dma_start3A_360 = tpu.memref_squeeze %dma_start3A_359 : memref<1x64xi32, #tpu.memory_space<vmem>> -> memref<64xi32, #tpu.memory_space<vmem>>
    %dma_start3A_361 = arith.constant 0 : i32
    %dma_start3A_362 = tpu.memref_slice %arg4[%dma_start3A_361] : memref<102400000xf32, #tpu.memory_space<hbm>> -> memref<102400000xf32, #tpu.memory_space<hbm>>
    tpu.enqueue_indirect_dma source(%dma_start3A_362 : memref<102400000xf32, #tpu.memory_space<hbm>>) target(%dma_start3A_357 : memref<64xf32, #tpu.memory_space<vmem>>) offsets(%dma_start3A_360 : memref<64xi32, #tpu.memory_space<vmem>>) semaphore(%arg9 : memref<!tpu.dma_semaphore, #tpu.memory_space<semaphore_mem>>)
    %dma_wait3A_363 = arith.constant 8 : i32
    %dma_wait3A_364 = arith.constant 8 : i32
    %dma_wait3A_365 = arith.constant 0 : i32
    %dma_wait3A_366 = tpu.memref_slice %arg8[%dma_wait3A_364, %dma_wait3A_365] : memref<32x64xf32, #tpu.memory_space<vmem>> -> memref<1x64xf32, #tpu.memory_space<vmem>>
    %dma_wait3A_367 = tpu.memref_squeeze %dma_wait3A_366 : memref<1x64xf32, #tpu.memory_space<vmem>> -> memref<64xf32, #tpu.memory_space<vmem>>
    %dma_wait3A_368 = arith.constant 0 : i32
    %dma_wait3A_369 = tpu.memref_slice %arg6[%dma_wait3A_363, %dma_wait3A_368] : memref<32x64xi32, #tpu.memory_space<vmem>> -> memref<1x64xi32, #tpu.memory_space<vmem>>
    %dma_wait3A_370 = tpu.memref_squeeze %dma_wait3A_369 : memref<1x64xi32, #tpu.memory_space<vmem>> -> memref<64xi32, #tpu.memory_space<vmem>>
    %dma_wait3A_371 = arith.constant 0 : i32
    %dma_wait3A_372 = tpu.memref_slice %arg4[%dma_wait3A_371] : memref<102400000xf32, #tpu.memory_space<hbm>> -> memref<102400000xf32, #tpu.memory_space<hbm>>
    tpu.wait_indirect_dma semaphore(%arg9 : memref<!tpu.dma_semaphore, #tpu.memory_space<semaphore_mem>>) src(%dma_wait3A_372 : memref<102400000xf32, #tpu.memory_space<hbm>>) dst(%dma_wait3A_367 : memref<64xf32, #tpu.memory_space<vmem>>)
    %dma_start3A_373 = arith.constant 9 : i32
    %dma_start3A_374 = arith.constant 9 : i32
    %dma_start3A_375 = arith.constant 0 : i32
    %dma_start3A_376 = tpu.memref_slice %arg8[%dma_start3A_374, %dma_start3A_375] : memref<32x64xf32, #tpu.memory_space<vmem>> -> memref<1x64xf32, #tpu.memory_space<vmem>>
    %dma_start3A_377 = tpu.memref_squeeze %dma_start3A_376 : memref<1x64xf32, #tpu.memory_space<vmem>> -> memref<64xf32, #tpu.memory_space<vmem>>
    %dma_start3A_378 = arith.constant 0 : i32
    %dma_start3A_379 = tpu.memref_slice %arg6[%dma_start3A_373, %dma_start3A_378] : memref<32x64xi32, #tpu.memory_space<vmem>> -> memref<1x64xi32, #tpu.memory_space<vmem>>
    %dma_start3A_380 = tpu.memref_squeeze %dma_start3A_379 : memref<1x64xi32, #tpu.memory_space<vmem>> -> memref<64xi32, #tpu.memory_space<vmem>>
    %dma_start3A_381 = arith.constant 0 : i32
    %dma_start3A_382 = tpu.memref_slice %arg4[%dma_start3A_381] : memref<102400000xf32, #tpu.memory_space<hbm>> -> memref<102400000xf32, #tpu.memory_space<hbm>>
    tpu.enqueue_indirect_dma source(%dma_start3A_382 : memref<102400000xf32, #tpu.memory_space<hbm>>) target(%dma_start3A_377 : memref<64xf32, #tpu.memory_space<vmem>>) offsets(%dma_start3A_380 : memref<64xi32, #tpu.memory_space<vmem>>) semaphore(%arg9 : memref<!tpu.dma_semaphore, #tpu.memory_space<semaphore_mem>>)
    %dma_wait3A_383 = arith.constant 9 : i32
    %dma_wait3A_384 = arith.constant 9 : i32
    %dma_wait3A_385 = arith.constant 0 : i32
    %dma_wait3A_386 = tpu.memref_slice %arg8[%dma_wait3A_384, %dma_wait3A_385] : memref<32x64xf32, #tpu.memory_space<vmem>> -> memref<1x64xf32, #tpu.memory_space<vmem>>
    %dma_wait3A_387 = tpu.memref_squeeze %dma_wait3A_386 : memref<1x64xf32, #tpu.memory_space<vmem>> -> memref<64xf32, #tpu.memory_space<vmem>>
    %dma_wait3A_388 = arith.constant 0 : i32
    %dma_wait3A_389 = tpu.memref_slice %arg6[%dma_wait3A_383, %dma_wait3A_388] : memref<32x64xi32, #tpu.memory_space<vmem>> -> memref<1x64xi32, #tpu.memory_space<vmem>>
    %dma_wait3A_390 = tpu.memref_squeeze %dma_wait3A_389 : memref<1x64xi32, #tpu.memory_space<vmem>> -> memref<64xi32, #tpu.memory_space<vmem>>
    %dma_wait3A_391 = arith.constant 0 : i32
    %dma_wait3A_392 = tpu.memref_slice %arg4[%dma_wait3A_391] : memref<102400000xf32, #tpu.memory_space<hbm>> -> memref<102400000xf32, #tpu.memory_space<hbm>>
    tpu.wait_indirect_dma semaphore(%arg9 : memref<!tpu.dma_semaphore, #tpu.memory_space<semaphore_mem>>) src(%dma_wait3A_392 : memref<102400000xf32, #tpu.memory_space<hbm>>) dst(%dma_wait3A_387 : memref<64xf32, #tpu.memory_space<vmem>>)
    %dma_start3A_393 = arith.constant 10 : i32
    %dma_start3A_394 = arith.constant 10 : i32
    %dma_start3A_395 = arith.constant 0 : i32
    %dma_start3A_396 = tpu.memref_slice %arg8[%dma_start3A_394, %dma_start3A_395] : memref<32x64xf32, #tpu.memory_space<vmem>> -> memref<1x64xf32, #tpu.memory_space<vmem>>
    %dma_start3A_397 = tpu.memref_squeeze %dma_start3A_396 : memref<1x64xf32, #tpu.memory_space<vmem>> -> memref<64xf32, #tpu.memory_space<vmem>>
    %dma_start3A_398 = arith.constant 0 : i32
    %dma_start3A_399 = tpu.memref_slice %arg6[%dma_start3A_393, %dma_start3A_398] : memref<32x64xi32, #tpu.memory_space<vmem>> -> memref<1x64xi32, #tpu.memory_space<vmem>>
    %dma_start3A_400 = tpu.memref_squeeze %dma_start3A_399 : memref<1x64xi32, #tpu.memory_space<vmem>> -> memref<64xi32, #tpu.memory_space<vmem>>
    %dma_start3A_401 = arith.constant 0 : i32
    %dma_start3A_402 = tpu.memref_slice %arg4[%dma_start3A_401] : memref<102400000xf32, #tpu.memory_space<hbm>> -> memref<102400000xf32, #tpu.memory_space<hbm>>
    tpu.enqueue_indirect_dma source(%dma_start3A_402 : memref<102400000xf32, #tpu.memory_space<hbm>>) target(%dma_start3A_397 : memref<64xf32, #tpu.memory_space<vmem>>) offsets(%dma_start3A_400 : memref<64xi32, #tpu.memory_space<vmem>>) semaphore(%arg9 : memref<!tpu.dma_semaphore, #tpu.memory_space<semaphore_mem>>)
    %dma_wait3A_403 = arith.constant 10 : i32
    %dma_wait3A_404 = arith.constant 10 : i32
    %dma_wait3A_405 = arith.constant 0 : i32
    %dma_wait3A_406 = tpu.memref_slice %arg8[%dma_wait3A_404, %dma_wait3A_405] : memref<32x64xf32, #tpu.memory_space<vmem>> -> memref<1x64xf32, #tpu.memory_space<vmem>>
    %dma_wait3A_407 = tpu.memref_squeeze %dma_wait3A_406 : memref<1x64xf32, #tpu.memory_space<vmem>> -> memref<64xf32, #tpu.memory_space<vmem>>
    %dma_wait3A_408 = arith.constant 0 : i32
    %dma_wait3A_409 = tpu.memref_slice %arg6[%dma_wait3A_403, %dma_wait3A_408] : memref<32x64xi32, #tpu.memory_space<vmem>> -> memref<1x64xi32, #tpu.memory_space<vmem>>
    %dma_wait3A_410 = tpu.memref_squeeze %dma_wait3A_409 : memref<1x64xi32, #tpu.memory_space<vmem>> -> memref<64xi32, #tpu.memory_space<vmem>>
    %dma_wait3A_411 = arith.constant 0 : i32
    %dma_wait3A_412 = tpu.memref_slice %arg4[%dma_wait3A_411] : memref<102400000xf32, #tpu.memory_space<hbm>> -> memref<102400000xf32, #tpu.memory_space<hbm>>
    tpu.wait_indirect_dma semaphore(%arg9 : memref<!tpu.dma_semaphore, #tpu.memory_space<semaphore_mem>>) src(%dma_wait3A_412 : memref<102400000xf32, #tpu.memory_space<hbm>>) dst(%dma_wait3A_407 : memref<64xf32, #tpu.memory_space<vmem>>)
    %dma_start3A_413 = arith.constant 11 : i32
    %dma_start3A_414 = arith.constant 11 : i32
    %dma_start3A_415 = arith.constant 0 : i32
    %dma_start3A_416 = tpu.memref_slice %arg8[%dma_start3A_414, %dma_start3A_415] : memref<32x64xf32, #tpu.memory_space<vmem>> -> memref<1x64xf32, #tpu.memory_space<vmem>>
    %dma_start3A_417 = tpu.memref_squeeze %dma_start3A_416 : memref<1x64xf32, #tpu.memory_space<vmem>> -> memref<64xf32, #tpu.memory_space<vmem>>
    %dma_start3A_418 = arith.constant 0 : i32
    %dma_start3A_419 = tpu.memref_slice %arg6[%dma_start3A_413, %dma_start3A_418] : memref<32x64xi32, #tpu.memory_space<vmem>> -> memref<1x64xi32, #tpu.memory_space<vmem>>
    %dma_start3A_420 = tpu.memref_squeeze %dma_start3A_419 : memref<1x64xi32, #tpu.memory_space<vmem>> -> memref<64xi32, #tpu.memory_space<vmem>>
    %dma_start3A_421 = arith.constant 0 : i32
    %dma_start3A_422 = tpu.memref_slice %arg4[%dma_start3A_421] : memref<102400000xf32, #tpu.memory_space<hbm>> -> memref<102400000xf32, #tpu.memory_space<hbm>>
    tpu.enqueue_indirect_dma source(%dma_start3A_422 : memref<102400000xf32, #tpu.memory_space<hbm>>) target(%dma_start3A_417 : memref<64xf32, #tpu.memory_space<vmem>>) offsets(%dma_start3A_420 : memref<64xi32, #tpu.memory_space<vmem>>) semaphore(%arg9 : memref<!tpu.dma_semaphore, #tpu.memory_space<semaphore_mem>>)
    %dma_wait3A_423 = arith.constant 11 : i32
    %dma_wait3A_424 = arith.constant 11 : i32
    %dma_wait3A_425 = arith.constant 0 : i32
    %dma_wait3A_426 = tpu.memref_slice %arg8[%dma_wait3A_424, %dma_wait3A_425] : memref<32x64xf32, #tpu.memory_space<vmem>> -> memref<1x64xf32, #tpu.memory_space<vmem>>
    %dma_wait3A_427 = tpu.memref_squeeze %dma_wait3A_426 : memref<1x64xf32, #tpu.memory_space<vmem>> -> memref<64xf32, #tpu.memory_space<vmem>>
    %dma_wait3A_428 = arith.constant 0 : i32
    %dma_wait3A_429 = tpu.memref_slice %arg6[%dma_wait3A_423, %dma_wait3A_428] : memref<32x64xi32, #tpu.memory_space<vmem>> -> memref<1x64xi32, #tpu.memory_space<vmem>>
    %dma_wait3A_430 = tpu.memref_squeeze %dma_wait3A_429 : memref<1x64xi32, #tpu.memory_space<vmem>> -> memref<64xi32, #tpu.memory_space<vmem>>
    %dma_wait3A_431 = arith.constant 0 : i32
    %dma_wait3A_432 = tpu.memref_slice %arg4[%dma_wait3A_431] : memref<102400000xf32, #tpu.memory_space<hbm>> -> memref<102400000xf32, #tpu.memory_space<hbm>>
    tpu.wait_indirect_dma semaphore(%arg9 : memref<!tpu.dma_semaphore, #tpu.memory_space<semaphore_mem>>) src(%dma_wait3A_432 : memref<102400000xf32, #tpu.memory_space<hbm>>) dst(%dma_wait3A_427 : memref<64xf32, #tpu.memory_space<vmem>>)
    %dma_start3A_433 = arith.constant 12 : i32
    %dma_start3A_434 = arith.constant 12 : i32
    %dma_start3A_435 = arith.constant 0 : i32
    %dma_start3A_436 = tpu.memref_slice %arg8[%dma_start3A_434, %dma_start3A_435] : memref<32x64xf32, #tpu.memory_space<vmem>> -> memref<1x64xf32, #tpu.memory_space<vmem>>
    %dma_start3A_437 = tpu.memref_squeeze %dma_start3A_436 : memref<1x64xf32, #tpu.memory_space<vmem>> -> memref<64xf32, #tpu.memory_space<vmem>>
    %dma_start3A_438 = arith.constant 0 : i32
    %dma_start3A_439 = tpu.memref_slice %arg6[%dma_start3A_433, %dma_start3A_438] : memref<32x64xi32, #tpu.memory_space<vmem>> -> memref<1x64xi32, #tpu.memory_space<vmem>>
    %dma_start3A_440 = tpu.memref_squeeze %dma_start3A_439 : memref<1x64xi32, #tpu.memory_space<vmem>> -> memref<64xi32, #tpu.memory_space<vmem>>
    %dma_start3A_441 = arith.constant 0 : i32
    %dma_start3A_442 = tpu.memref_slice %arg4[%dma_start3A_441] : memref<102400000xf32, #tpu.memory_space<hbm>> -> memref<102400000xf32, #tpu.memory_space<hbm>>
    tpu.enqueue_indirect_dma source(%dma_start3A_442 : memref<102400000xf32, #tpu.memory_space<hbm>>) target(%dma_start3A_437 : memref<64xf32, #tpu.memory_space<vmem>>) offsets(%dma_start3A_440 : memref<64xi32, #tpu.memory_space<vmem>>) semaphore(%arg9 : memref<!tpu.dma_semaphore, #tpu.memory_space<semaphore_mem>>)
    %dma_wait3A_443 = arith.constant 12 : i32
    %dma_wait3A_444 = arith.constant 12 : i32
    %dma_wait3A_445 = arith.constant 0 : i32
    %dma_wait3A_446 = tpu.memref_slice %arg8[%dma_wait3A_444, %dma_wait3A_445] : memref<32x64xf32, #tpu.memory_space<vmem>> -> memref<1x64xf32, #tpu.memory_space<vmem>>
    %dma_wait3A_447 = tpu.memref_squeeze %dma_wait3A_446 : memref<1x64xf32, #tpu.memory_space<vmem>> -> memref<64xf32, #tpu.memory_space<vmem>>
    %dma_wait3A_448 = arith.constant 0 : i32
    %dma_wait3A_449 = tpu.memref_slice %arg6[%dma_wait3A_443, %dma_wait3A_448] : memref<32x64xi32, #tpu.memory_space<vmem>> -> memref<1x64xi32, #tpu.memory_space<vmem>>
    %dma_wait3A_450 = tpu.memref_squeeze %dma_wait3A_449 : memref<1x64xi32, #tpu.memory_space<vmem>> -> memref<64xi32, #tpu.memory_space<vmem>>
    %dma_wait3A_451 = arith.constant 0 : i32
    %dma_wait3A_452 = tpu.memref_slice %arg4[%dma_wait3A_451] : memref<102400000xf32, #tpu.memory_space<hbm>> -> memref<102400000xf32, #tpu.memory_space<hbm>>
    tpu.wait_indirect_dma semaphore(%arg9 : memref<!tpu.dma_semaphore, #tpu.memory_space<semaphore_mem>>) src(%dma_wait3A_452 : memref<102400000xf32, #tpu.memory_space<hbm>>) dst(%dma_wait3A_447 : memref<64xf32, #tpu.memory_space<vmem>>)
    %dma_start3A_453 = arith.constant 13 : i32
    %dma_start3A_454 = arith.constant 13 : i32
    %dma_start3A_455 = arith.constant 0 : i32
    %dma_start3A_456 = tpu.memref_slice %arg8[%dma_start3A_454, %dma_start3A_455] : memref<32x64xf32, #tpu.memory_space<vmem>> -> memref<1x64xf32, #tpu.memory_space<vmem>>
    %dma_start3A_457 = tpu.memref_squeeze %dma_start3A_456 : memref<1x64xf32, #tpu.memory_space<vmem>> -> memref<64xf32, #tpu.memory_space<vmem>>
    %dma_start3A_458 = arith.constant 0 : i32
    %dma_start3A_459 = tpu.memref_slice %arg6[%dma_start3A_453, %dma_start3A_458] : memref<32x64xi32, #tpu.memory_space<vmem>> -> memref<1x64xi32, #tpu.memory_space<vmem>>
    %dma_start3A_460 = tpu.memref_squeeze %dma_start3A_459 : memref<1x64xi32, #tpu.memory_space<vmem>> -> memref<64xi32, #tpu.memory_space<vmem>>
    %dma_start3A_461 = arith.constant 0 : i32
    %dma_start3A_462 = tpu.memref_slice %arg4[%dma_start3A_461] : memref<102400000xf32, #tpu.memory_space<hbm>> -> memref<102400000xf32, #tpu.memory_space<hbm>>
    tpu.enqueue_indirect_dma source(%dma_start3A_462 : memref<102400000xf32, #tpu.memory_space<hbm>>) target(%dma_start3A_457 : memref<64xf32, #tpu.memory_space<vmem>>) offsets(%dma_start3A_460 : memref<64xi32, #tpu.memory_space<vmem>>) semaphore(%arg9 : memref<!tpu.dma_semaphore, #tpu.memory_space<semaphore_mem>>)
    %dma_wait3A_463 = arith.constant 13 : i32
    %dma_wait3A_464 = arith.constant 13 : i32
    %dma_wait3A_465 = arith.constant 0 : i32
    %dma_wait3A_466 = tpu.memref_slice %arg8[%dma_wait3A_464, %dma_wait3A_465] : memref<32x64xf32, #tpu.memory_space<vmem>> -> memref<1x64xf32, #tpu.memory_space<vmem>>
    %dma_wait3A_467 = tpu.memref_squeeze %dma_wait3A_466 : memref<1x64xf32, #tpu.memory_space<vmem>> -> memref<64xf32, #tpu.memory_space<vmem>>
    %dma_wait3A_468 = arith.constant 0 : i32
    %dma_wait3A_469 = tpu.memref_slice %arg6[%dma_wait3A_463, %dma_wait3A_468] : memref<32x64xi32, #tpu.memory_space<vmem>> -> memref<1x64xi32, #tpu.memory_space<vmem>>
    %dma_wait3A_470 = tpu.memref_squeeze %dma_wait3A_469 : memref<1x64xi32, #tpu.memory_space<vmem>> -> memref<64xi32, #tpu.memory_space<vmem>>
    %dma_wait3A_471 = arith.constant 0 : i32
    %dma_wait3A_472 = tpu.memref_slice %arg4[%dma_wait3A_471] : memref<102400000xf32, #tpu.memory_space<hbm>> -> memref<102400000xf32, #tpu.memory_space<hbm>>
    tpu.wait_indirect_dma semaphore(%arg9 : memref<!tpu.dma_semaphore, #tpu.memory_space<semaphore_mem>>) src(%dma_wait3A_472 : memref<102400000xf32, #tpu.memory_space<hbm>>) dst(%dma_wait3A_467 : memref<64xf32, #tpu.memory_space<vmem>>)
    %dma_start3A_473 = arith.constant 14 : i32
    %dma_start3A_474 = arith.constant 14 : i32
    %dma_start3A_475 = arith.constant 0 : i32
    %dma_start3A_476 = tpu.memref_slice %arg8[%dma_start3A_474, %dma_start3A_475] : memref<32x64xf32, #tpu.memory_space<vmem>> -> memref<1x64xf32, #tpu.memory_space<vmem>>
    %dma_start3A_477 = tpu.memref_squeeze %dma_start3A_476 : memref<1x64xf32, #tpu.memory_space<vmem>> -> memref<64xf32, #tpu.memory_space<vmem>>
    %dma_start3A_478 = arith.constant 0 : i32
    %dma_start3A_479 = tpu.memref_slice %arg6[%dma_start3A_473, %dma_start3A_478] : memref<32x64xi32, #tpu.memory_space<vmem>> -> memref<1x64xi32, #tpu.memory_space<vmem>>
    %dma_start3A_480 = tpu.memref_squeeze %dma_start3A_479 : memref<1x64xi32, #tpu.memory_space<vmem>> -> memref<64xi32, #tpu.memory_space<vmem>>
    %dma_start3A_481 = arith.constant 0 : i32
    %dma_start3A_482 = tpu.memref_slice %arg4[%dma_start3A_481] : memref<102400000xf32, #tpu.memory_space<hbm>> -> memref<102400000xf32, #tpu.memory_space<hbm>>
    tpu.enqueue_indirect_dma source(%dma_start3A_482 : memref<102400000xf32, #tpu.memory_space<hbm>>) target(%dma_start3A_477 : memref<64xf32, #tpu.memory_space<vmem>>) offsets(%dma_start3A_480 : memref<64xi32, #tpu.memory_space<vmem>>) semaphore(%arg9 : memref<!tpu.dma_semaphore, #tpu.memory_space<semaphore_mem>>)
    %dma_wait3A_483 = arith.constant 14 : i32
    %dma_wait3A_484 = arith.constant 14 : i32
    %dma_wait3A_485 = arith.constant 0 : i32
    %dma_wait3A_486 = tpu.memref_slice %arg8[%dma_wait3A_484, %dma_wait3A_485] : memref<32x64xf32, #tpu.memory_space<vmem>> -> memref<1x64xf32, #tpu.memory_space<vmem>>
    %dma_wait3A_487 = tpu.memref_squeeze %dma_wait3A_486 : memref<1x64xf32, #tpu.memory_space<vmem>> -> memref<64xf32, #tpu.memory_space<vmem>>
    %dma_wait3A_488 = arith.constant 0 : i32
    %dma_wait3A_489 = tpu.memref_slice %arg6[%dma_wait3A_483, %dma_wait3A_488] : memref<32x64xi32, #tpu.memory_space<vmem>> -> memref<1x64xi32, #tpu.memory_space<vmem>>
    %dma_wait3A_490 = tpu.memref_squeeze %dma_wait3A_489 : memref<1x64xi32, #tpu.memory_space<vmem>> -> memref<64xi32, #tpu.memory_space<vmem>>
    %dma_wait3A_491 = arith.constant 0 : i32
    %dma_wait3A_492 = tpu.memref_slice %arg4[%dma_wait3A_491] : memref<102400000xf32, #tpu.memory_space<hbm>> -> memref<102400000xf32, #tpu.memory_space<hbm>>
    tpu.wait_indirect_dma semaphore(%arg9 : memref<!tpu.dma_semaphore, #tpu.memory_space<semaphore_mem>>) src(%dma_wait3A_492 : memref<102400000xf32, #tpu.memory_space<hbm>>) dst(%dma_wait3A_487 : memref<64xf32, #tpu.memory_space<vmem>>)
    %dma_start3A_493 = arith.constant 15 : i32
    %dma_start3A_494 = arith.constant 15 : i32
    %dma_start3A_495 = arith.constant 0 : i32
    %dma_start3A_496 = tpu.memref_slice %arg8[%dma_start3A_494, %dma_start3A_495] : memref<32x64xf32, #tpu.memory_space<vmem>> -> memref<1x64xf32, #tpu.memory_space<vmem>>
    %dma_start3A_497 = tpu.memref_squeeze %dma_start3A_496 : memref<1x64xf32, #tpu.memory_space<vmem>> -> memref<64xf32, #tpu.memory_space<vmem>>
    %dma_start3A_498 = arith.constant 0 : i32
    %dma_start3A_499 = tpu.memref_slice %arg6[%dma_start3A_493, %dma_start3A_498] : memref<32x64xi32, #tpu.memory_space<vmem>> -> memref<1x64xi32, #tpu.memory_space<vmem>>
    %dma_start3A_500 = tpu.memref_squeeze %dma_start3A_499 : memref<1x64xi32, #tpu.memory_space<vmem>> -> memref<64xi32, #tpu.memory_space<vmem>>
    %dma_start3A_501 = arith.constant 0 : i32
    %dma_start3A_502 = tpu.memref_slice %arg4[%dma_start3A_501] : memref<102400000xf32, #tpu.memory_space<hbm>> -> memref<102400000xf32, #tpu.memory_space<hbm>>
    tpu.enqueue_indirect_dma source(%dma_start3A_502 : memref<102400000xf32, #tpu.memory_space<hbm>>) target(%dma_start3A_497 : memref<64xf32, #tpu.memory_space<vmem>>) offsets(%dma_start3A_500 : memref<64xi32, #tpu.memory_space<vmem>>) semaphore(%arg9 : memref<!tpu.dma_semaphore, #tpu.memory_space<semaphore_mem>>)
    %dma_wait3A_503 = arith.constant 15 : i32
    %dma_wait3A_504 = arith.constant 15 : i32
    %dma_wait3A_505 = arith.constant 0 : i32
    %dma_wait3A_506 = tpu.memref_slice %arg8[%dma_wait3A_504, %dma_wait3A_505] : memref<32x64xf32, #tpu.memory_space<vmem>> -> memref<1x64xf32, #tpu.memory_space<vmem>>
    %dma_wait3A_507 = tpu.memref_squeeze %dma_wait3A_506 : memref<1x64xf32, #tpu.memory_space<vmem>> -> memref<64xf32, #tpu.memory_space<vmem>>
    %dma_wait3A_508 = arith.constant 0 : i32
    %dma_wait3A_509 = tpu.memref_slice %arg6[%dma_wait3A_503, %dma_wait3A_508] : memref<32x64xi32, #tpu.memory_space<vmem>> -> memref<1x64xi32, #tpu.memory_space<vmem>>
    %dma_wait3A_510 = tpu.memref_squeeze %dma_wait3A_509 : memref<1x64xi32, #tpu.memory_space<vmem>> -> memref<64xi32, #tpu.memory_space<vmem>>
    %dma_wait3A_511 = arith.constant 0 : i32
    %dma_wait3A_512 = tpu.memref_slice %arg4[%dma_wait3A_511] : memref<102400000xf32, #tpu.memory_space<hbm>> -> memref<102400000xf32, #tpu.memory_space<hbm>>
    tpu.wait_indirect_dma semaphore(%arg9 : memref<!tpu.dma_semaphore, #tpu.memory_space<semaphore_mem>>) src(%dma_wait3A_512 : memref<102400000xf32, #tpu.memory_space<hbm>>) dst(%dma_wait3A_507 : memref<64xf32, #tpu.memory_space<vmem>>)
    %dma_start3A_513 = arith.constant 16 : i32
    %dma_start3A_514 = arith.constant 16 : i32
    %dma_start3A_515 = arith.constant 0 : i32
    %dma_start3A_516 = tpu.memref_slice %arg8[%dma_start3A_514, %dma_start3A_515] : memref<32x64xf32, #tpu.memory_space<vmem>> -> memref<1x64xf32, #tpu.memory_space<vmem>>
    %dma_start3A_517 = tpu.memref_squeeze %dma_start3A_516 : memref<1x64xf32, #tpu.memory_space<vmem>> -> memref<64xf32, #tpu.memory_space<vmem>>
    %dma_start3A_518 = arith.constant 0 : i32
    %dma_start3A_519 = tpu.memref_slice %arg6[%dma_start3A_513, %dma_start3A_518] : memref<32x64xi32, #tpu.memory_space<vmem>> -> memref<1x64xi32, #tpu.memory_space<vmem>>
    %dma_start3A_520 = tpu.memref_squeeze %dma_start3A_519 : memref<1x64xi32, #tpu.memory_space<vmem>> -> memref<64xi32, #tpu.memory_space<vmem>>
    %dma_start3A_521 = arith.constant 0 : i32
    %dma_start3A_522 = tpu.memref_slice %arg4[%dma_start3A_521] : memref<102400000xf32, #tpu.memory_space<hbm>> -> memref<102400000xf32, #tpu.memory_space<hbm>>
    tpu.enqueue_indirect_dma source(%dma_start3A_522 : memref<102400000xf32, #tpu.memory_space<hbm>>) target(%dma_start3A_517 : memref<64xf32, #tpu.memory_space<vmem>>) offsets(%dma_start3A_520 : memref<64xi32, #tpu.memory_space<vmem>>) semaphore(%arg9 : memref<!tpu.dma_semaphore, #tpu.memory_space<semaphore_mem>>)
    %dma_wait3A_523 = arith.constant 16 : i32
    %dma_wait3A_524 = arith.constant 16 : i32
    %dma_wait3A_525 = arith.constant 0 : i32
    %dma_wait3A_526 = tpu.memref_slice %arg8[%dma_wait3A_524, %dma_wait3A_525] : memref<32x64xf32, #tpu.memory_space<vmem>> -> memref<1x64xf32, #tpu.memory_space<vmem>>
    %dma_wait3A_527 = tpu.memref_squeeze %dma_wait3A_526 : memref<1x64xf32, #tpu.memory_space<vmem>> -> memref<64xf32, #tpu.memory_space<vmem>>
    %dma_wait3A_528 = arith.constant 0 : i32
    %dma_wait3A_529 = tpu.memref_slice %arg6[%dma_wait3A_523, %dma_wait3A_528] : memref<32x64xi32, #tpu.memory_space<vmem>> -> memref<1x64xi32, #tpu.memory_space<vmem>>
    %dma_wait3A_530 = tpu.memref_squeeze %dma_wait3A_529 : memref<1x64xi32, #tpu.memory_space<vmem>> -> memref<64xi32, #tpu.memory_space<vmem>>
    %dma_wait3A_531 = arith.constant 0 : i32
    %dma_wait3A_532 = tpu.memref_slice %arg4[%dma_wait3A_531] : memref<102400000xf32, #tpu.memory_space<hbm>> -> memref<102400000xf32, #tpu.memory_space<hbm>>
    tpu.wait_indirect_dma semaphore(%arg9 : memref<!tpu.dma_semaphore, #tpu.memory_space<semaphore_mem>>) src(%dma_wait3A_532 : memref<102400000xf32, #tpu.memory_space<hbm>>) dst(%dma_wait3A_527 : memref<64xf32, #tpu.memory_space<vmem>>)
    %dma_start3A_533 = arith.constant 17 : i32
    %dma_start3A_534 = arith.constant 17 : i32
    %dma_start3A_535 = arith.constant 0 : i32
    %dma_start3A_536 = tpu.memref_slice %arg8[%dma_start3A_534, %dma_start3A_535] : memref<32x64xf32, #tpu.memory_space<vmem>> -> memref<1x64xf32, #tpu.memory_space<vmem>>
    %dma_start3A_537 = tpu.memref_squeeze %dma_start3A_536 : memref<1x64xf32, #tpu.memory_space<vmem>> -> memref<64xf32, #tpu.memory_space<vmem>>
    %dma_start3A_538 = arith.constant 0 : i32
    %dma_start3A_539 = tpu.memref_slice %arg6[%dma_start3A_533, %dma_start3A_538] : memref<32x64xi32, #tpu.memory_space<vmem>> -> memref<1x64xi32, #tpu.memory_space<vmem>>
    %dma_start3A_540 = tpu.memref_squeeze %dma_start3A_539 : memref<1x64xi32, #tpu.memory_space<vmem>> -> memref<64xi32, #tpu.memory_space<vmem>>
    %dma_start3A_541 = arith.constant 0 : i32
    %dma_start3A_542 = tpu.memref_slice %arg4[%dma_start3A_541] : memref<102400000xf32, #tpu.memory_space<hbm>> -> memref<102400000xf32, #tpu.memory_space<hbm>>
    tpu.enqueue_indirect_dma source(%dma_start3A_542 : memref<102400000xf32, #tpu.memory_space<hbm>>) target(%dma_start3A_537 : memref<64xf32, #tpu.memory_space<vmem>>) offsets(%dma_start3A_540 : memref<64xi32, #tpu.memory_space<vmem>>) semaphore(%arg9 : memref<!tpu.dma_semaphore, #tpu.memory_space<semaphore_mem>>)
    %dma_wait3A_543 = arith.constant 17 : i32
    %dma_wait3A_544 = arith.constant 17 : i32
    %dma_wait3A_545 = arith.constant 0 : i32
    %dma_wait3A_546 = tpu.memref_slice %arg8[%dma_wait3A_544, %dma_wait3A_545] : memref<32x64xf32, #tpu.memory_space<vmem>> -> memref<1x64xf32, #tpu.memory_space<vmem>>
    %dma_wait3A_547 = tpu.memref_squeeze %dma_wait3A_546 : memref<1x64xf32, #tpu.memory_space<vmem>> -> memref<64xf32, #tpu.memory_space<vmem>>
    %dma_wait3A_548 = arith.constant 0 : i32
    %dma_wait3A_549 = tpu.memref_slice %arg6[%dma_wait3A_543, %dma_wait3A_548] : memref<32x64xi32, #tpu.memory_space<vmem>> -> memref<1x64xi32, #tpu.memory_space<vmem>>
    %dma_wait3A_550 = tpu.memref_squeeze %dma_wait3A_549 : memref<1x64xi32, #tpu.memory_space<vmem>> -> memref<64xi32, #tpu.memory_space<vmem>>
    %dma_wait3A_551 = arith.constant 0 : i32
    %dma_wait3A_552 = tpu.memref_slice %arg4[%dma_wait3A_551] : memref<102400000xf32, #tpu.memory_space<hbm>> -> memref<102400000xf32, #tpu.memory_space<hbm>>
    tpu.wait_indirect_dma semaphore(%arg9 : memref<!tpu.dma_semaphore, #tpu.memory_space<semaphore_mem>>) src(%dma_wait3A_552 : memref<102400000xf32, #tpu.memory_space<hbm>>) dst(%dma_wait3A_547 : memref<64xf32, #tpu.memory_space<vmem>>)
    %dma_start3A_553 = arith.constant 18 : i32
    %dma_start3A_554 = arith.constant 18 : i32
    %dma_start3A_555 = arith.constant 0 : i32
    %dma_start3A_556 = tpu.memref_slice %arg8[%dma_start3A_554, %dma_start3A_555] : memref<32x64xf32, #tpu.memory_space<vmem>> -> memref<1x64xf32, #tpu.memory_space<vmem>>
    %dma_start3A_557 = tpu.memref_squeeze %dma_start3A_556 : memref<1x64xf32, #tpu.memory_space<vmem>> -> memref<64xf32, #tpu.memory_space<vmem>>
    %dma_start3A_558 = arith.constant 0 : i32
    %dma_start3A_559 = tpu.memref_slice %arg6[%dma_start3A_553, %dma_start3A_558] : memref<32x64xi32, #tpu.memory_space<vmem>> -> memref<1x64xi32, #tpu.memory_space<vmem>>
    %dma_start3A_560 = tpu.memref_squeeze %dma_start3A_559 : memref<1x64xi32, #tpu.memory_space<vmem>> -> memref<64xi32, #tpu.memory_space<vmem>>
    %dma_start3A_561 = arith.constant 0 : i32
    %dma_start3A_562 = tpu.memref_slice %arg4[%dma_start3A_561] : memref<102400000xf32, #tpu.memory_space<hbm>> -> memref<102400000xf32, #tpu.memory_space<hbm>>
    tpu.enqueue_indirect_dma source(%dma_start3A_562 : memref<102400000xf32, #tpu.memory_space<hbm>>) target(%dma_start3A_557 : memref<64xf32, #tpu.memory_space<vmem>>) offsets(%dma_start3A_560 : memref<64xi32, #tpu.memory_space<vmem>>) semaphore(%arg9 : memref<!tpu.dma_semaphore, #tpu.memory_space<semaphore_mem>>)
    %dma_wait3A_563 = arith.constant 18 : i32
    %dma_wait3A_564 = arith.constant 18 : i32
    %dma_wait3A_565 = arith.constant 0 : i32
    %dma_wait3A_566 = tpu.memref_slice %arg8[%dma_wait3A_564, %dma_wait3A_565] : memref<32x64xf32, #tpu.memory_space<vmem>> -> memref<1x64xf32, #tpu.memory_space<vmem>>
    %dma_wait3A_567 = tpu.memref_squeeze %dma_wait3A_566 : memref<1x64xf32, #tpu.memory_space<vmem>> -> memref<64xf32, #tpu.memory_space<vmem>>
    %dma_wait3A_568 = arith.constant 0 : i32
    %dma_wait3A_569 = tpu.memref_slice %arg6[%dma_wait3A_563, %dma_wait3A_568] : memref<32x64xi32, #tpu.memory_space<vmem>> -> memref<1x64xi32, #tpu.memory_space<vmem>>
    %dma_wait3A_570 = tpu.memref_squeeze %dma_wait3A_569 : memref<1x64xi32, #tpu.memory_space<vmem>> -> memref<64xi32, #tpu.memory_space<vmem>>
    %dma_wait3A_571 = arith.constant 0 : i32
    %dma_wait3A_572 = tpu.memref_slice %arg4[%dma_wait3A_571] : memref<102400000xf32, #tpu.memory_space<hbm>> -> memref<102400000xf32, #tpu.memory_space<hbm>>
    tpu.wait_indirect_dma semaphore(%arg9 : memref<!tpu.dma_semaphore, #tpu.memory_space<semaphore_mem>>) src(%dma_wait3A_572 : memref<102400000xf32, #tpu.memory_space<hbm>>) dst(%dma_wait3A_567 : memref<64xf32, #tpu.memory_space<vmem>>)
    %dma_start3A_573 = arith.constant 19 : i32
    %dma_start3A_574 = arith.constant 19 : i32
    %dma_start3A_575 = arith.constant 0 : i32
    %dma_start3A_576 = tpu.memref_slice %arg8[%dma_start3A_574, %dma_start3A_575] : memref<32x64xf32, #tpu.memory_space<vmem>> -> memref<1x64xf32, #tpu.memory_space<vmem>>
    %dma_start3A_577 = tpu.memref_squeeze %dma_start3A_576 : memref<1x64xf32, #tpu.memory_space<vmem>> -> memref<64xf32, #tpu.memory_space<vmem>>
    %dma_start3A_578 = arith.constant 0 : i32
    %dma_start3A_579 = tpu.memref_slice %arg6[%dma_start3A_573, %dma_start3A_578] : memref<32x64xi32, #tpu.memory_space<vmem>> -> memref<1x64xi32, #tpu.memory_space<vmem>>
    %dma_start3A_580 = tpu.memref_squeeze %dma_start3A_579 : memref<1x64xi32, #tpu.memory_space<vmem>> -> memref<64xi32, #tpu.memory_space<vmem>>
    %dma_start3A_581 = arith.constant 0 : i32
    %dma_start3A_582 = tpu.memref_slice %arg4[%dma_start3A_581] : memref<102400000xf32, #tpu.memory_space<hbm>> -> memref<102400000xf32, #tpu.memory_space<hbm>>
    tpu.enqueue_indirect_dma source(%dma_start3A_582 : memref<102400000xf32, #tpu.memory_space<hbm>>) target(%dma_start3A_577 : memref<64xf32, #tpu.memory_space<vmem>>) offsets(%dma_start3A_580 : memref<64xi32, #tpu.memory_space<vmem>>) semaphore(%arg9 : memref<!tpu.dma_semaphore, #tpu.memory_space<semaphore_mem>>)
    %dma_wait3A_583 = arith.constant 19 : i32
    %dma_wait3A_584 = arith.constant 19 : i32
    %dma_wait3A_585 = arith.constant 0 : i32
    %dma_wait3A_586 = tpu.memref_slice %arg8[%dma_wait3A_584, %dma_wait3A_585] : memref<32x64xf32, #tpu.memory_space<vmem>> -> memref<1x64xf32, #tpu.memory_space<vmem>>
    %dma_wait3A_587 = tpu.memref_squeeze %dma_wait3A_586 : memref<1x64xf32, #tpu.memory_space<vmem>> -> memref<64xf32, #tpu.memory_space<vmem>>
    %dma_wait3A_588 = arith.constant 0 : i32
    %dma_wait3A_589 = tpu.memref_slice %arg6[%dma_wait3A_583, %dma_wait3A_588] : memref<32x64xi32, #tpu.memory_space<vmem>> -> memref<1x64xi32, #tpu.memory_space<vmem>>
    %dma_wait3A_590 = tpu.memref_squeeze %dma_wait3A_589 : memref<1x64xi32, #tpu.memory_space<vmem>> -> memref<64xi32, #tpu.memory_space<vmem>>
    %dma_wait3A_591 = arith.constant 0 : i32
    %dma_wait3A_592 = tpu.memref_slice %arg4[%dma_wait3A_591] : memref<102400000xf32, #tpu.memory_space<hbm>> -> memref<102400000xf32, #tpu.memory_space<hbm>>
    tpu.wait_indirect_dma semaphore(%arg9 : memref<!tpu.dma_semaphore, #tpu.memory_space<semaphore_mem>>) src(%dma_wait3A_592 : memref<102400000xf32, #tpu.memory_space<hbm>>) dst(%dma_wait3A_587 : memref<64xf32, #tpu.memory_space<vmem>>)
    %dma_start3A_593 = arith.constant 20 : i32
    %dma_start3A_594 = arith.constant 20 : i32
    %dma_start3A_595 = arith.constant 0 : i32
    %dma_start3A_596 = tpu.memref_slice %arg8[%dma_start3A_594, %dma_start3A_595] : memref<32x64xf32, #tpu.memory_space<vmem>> -> memref<1x64xf32, #tpu.memory_space<vmem>>
    %dma_start3A_597 = tpu.memref_squeeze %dma_start3A_596 : memref<1x64xf32, #tpu.memory_space<vmem>> -> memref<64xf32, #tpu.memory_space<vmem>>
    %dma_start3A_598 = arith.constant 0 : i32
    %dma_start3A_599 = tpu.memref_slice %arg6[%dma_start3A_593, %dma_start3A_598] : memref<32x64xi32, #tpu.memory_space<vmem>> -> memref<1x64xi32, #tpu.memory_space<vmem>>
    %dma_start3A_600 = tpu.memref_squeeze %dma_start3A_599 : memref<1x64xi32, #tpu.memory_space<vmem>> -> memref<64xi32, #tpu.memory_space<vmem>>
    %dma_start3A_601 = arith.constant 0 : i32
    %dma_start3A_602 = tpu.memref_slice %arg4[%dma_start3A_601] : memref<102400000xf32, #tpu.memory_space<hbm>> -> memref<102400000xf32, #tpu.memory_space<hbm>>
    tpu.enqueue_indirect_dma source(%dma_start3A_602 : memref<102400000xf32, #tpu.memory_space<hbm>>) target(%dma_start3A_597 : memref<64xf32, #tpu.memory_space<vmem>>) offsets(%dma_start3A_600 : memref<64xi32, #tpu.memory_space<vmem>>) semaphore(%arg9 : memref<!tpu.dma_semaphore, #tpu.memory_space<semaphore_mem>>)
    %dma_wait3A_603 = arith.constant 20 : i32
    %dma_wait3A_604 = arith.constant 20 : i32
    %dma_wait3A_605 = arith.constant 0 : i32
    %dma_wait3A_606 = tpu.memref_slice %arg8[%dma_wait3A_604, %dma_wait3A_605] : memref<32x64xf32, #tpu.memory_space<vmem>> -> memref<1x64xf32, #tpu.memory_space<vmem>>
    %dma_wait3A_607 = tpu.memref_squeeze %dma_wait3A_606 : memref<1x64xf32, #tpu.memory_space<vmem>> -> memref<64xf32, #tpu.memory_space<vmem>>
    %dma_wait3A_608 = arith.constant 0 : i32
    %dma_wait3A_609 = tpu.memref_slice %arg6[%dma_wait3A_603, %dma_wait3A_608] : memref<32x64xi32, #tpu.memory_space<vmem>> -> memref<1x64xi32, #tpu.memory_space<vmem>>
    %dma_wait3A_610 = tpu.memref_squeeze %dma_wait3A_609 : memref<1x64xi32, #tpu.memory_space<vmem>> -> memref<64xi32, #tpu.memory_space<vmem>>
    %dma_wait3A_611 = arith.constant 0 : i32
    %dma_wait3A_612 = tpu.memref_slice %arg4[%dma_wait3A_611] : memref<102400000xf32, #tpu.memory_space<hbm>> -> memref<102400000xf32, #tpu.memory_space<hbm>>
    tpu.wait_indirect_dma semaphore(%arg9 : memref<!tpu.dma_semaphore, #tpu.memory_space<semaphore_mem>>) src(%dma_wait3A_612 : memref<102400000xf32, #tpu.memory_space<hbm>>) dst(%dma_wait3A_607 : memref<64xf32, #tpu.memory_space<vmem>>)
    %dma_start3A_613 = arith.constant 21 : i32
    %dma_start3A_614 = arith.constant 21 : i32
    %dma_start3A_615 = arith.constant 0 : i32
    %dma_start3A_616 = tpu.memref_slice %arg8[%dma_start3A_614, %dma_start3A_615] : memref<32x64xf32, #tpu.memory_space<vmem>> -> memref<1x64xf32, #tpu.memory_space<vmem>>
    %dma_start3A_617 = tpu.memref_squeeze %dma_start3A_616 : memref<1x64xf32, #tpu.memory_space<vmem>> -> memref<64xf32, #tpu.memory_space<vmem>>
    %dma_start3A_618 = arith.constant 0 : i32
    %dma_start3A_619 = tpu.memref_slice %arg6[%dma_start3A_613, %dma_start3A_618] : memref<32x64xi32, #tpu.memory_space<vmem>> -> memref<1x64xi32, #tpu.memory_space<vmem>>
    %dma_start3A_620 = tpu.memref_squeeze %dma_start3A_619 : memref<1x64xi32, #tpu.memory_space<vmem>> -> memref<64xi32, #tpu.memory_space<vmem>>
    %dma_start3A_621 = arith.constant 0 : i32
    %dma_start3A_622 = tpu.memref_slice %arg4[%dma_start3A_621] : memref<102400000xf32, #tpu.memory_space<hbm>> -> memref<102400000xf32, #tpu.memory_space<hbm>>
    tpu.enqueue_indirect_dma source(%dma_start3A_622 : memref<102400000xf32, #tpu.memory_space<hbm>>) target(%dma_start3A_617 : memref<64xf32, #tpu.memory_space<vmem>>) offsets(%dma_start3A_620 : memref<64xi32, #tpu.memory_space<vmem>>) semaphore(%arg9 : memref<!tpu.dma_semaphore, #tpu.memory_space<semaphore_mem>>)
    %dma_wait3A_623 = arith.constant 21 : i32
    %dma_wait3A_624 = arith.constant 21 : i32
    %dma_wait3A_625 = arith.constant 0 : i32
    %dma_wait3A_626 = tpu.memref_slice %arg8[%dma_wait3A_624, %dma_wait3A_625] : memref<32x64xf32, #tpu.memory_space<vmem>> -> memref<1x64xf32, #tpu.memory_space<vmem>>
    %dma_wait3A_627 = tpu.memref_squeeze %dma_wait3A_626 : memref<1x64xf32, #tpu.memory_space<vmem>> -> memref<64xf32, #tpu.memory_space<vmem>>
    %dma_wait3A_628 = arith.constant 0 : i32
    %dma_wait3A_629 = tpu.memref_slice %arg6[%dma_wait3A_623, %dma_wait3A_628] : memref<32x64xi32, #tpu.memory_space<vmem>> -> memref<1x64xi32, #tpu.memory_space<vmem>>
    %dma_wait3A_630 = tpu.memref_squeeze %dma_wait3A_629 : memref<1x64xi32, #tpu.memory_space<vmem>> -> memref<64xi32, #tpu.memory_space<vmem>>
    %dma_wait3A_631 = arith.constant 0 : i32
    %dma_wait3A_632 = tpu.memref_slice %arg4[%dma_wait3A_631] : memref<102400000xf32, #tpu.memory_space<hbm>> -> memref<102400000xf32, #tpu.memory_space<hbm>>
    tpu.wait_indirect_dma semaphore(%arg9 : memref<!tpu.dma_semaphore, #tpu.memory_space<semaphore_mem>>) src(%dma_wait3A_632 : memref<102400000xf32, #tpu.memory_space<hbm>>) dst(%dma_wait3A_627 : memref<64xf32, #tpu.memory_space<vmem>>)
    %dma_start3A_633 = arith.constant 22 : i32
    %dma_start3A_634 = arith.constant 22 : i32
    %dma_start3A_635 = arith.constant 0 : i32
    %dma_start3A_636 = tpu.memref_slice %arg8[%dma_start3A_634, %dma_start3A_635] : memref<32x64xf32, #tpu.memory_space<vmem>> -> memref<1x64xf32, #tpu.memory_space<vmem>>
    %dma_start3A_637 = tpu.memref_squeeze %dma_start3A_636 : memref<1x64xf32, #tpu.memory_space<vmem>> -> memref<64xf32, #tpu.memory_space<vmem>>
    %dma_start3A_638 = arith.constant 0 : i32
    %dma_start3A_639 = tpu.memref_slice %arg6[%dma_start3A_633, %dma_start3A_638] : memref<32x64xi32, #tpu.memory_space<vmem>> -> memref<1x64xi32, #tpu.memory_space<vmem>>
    %dma_start3A_640 = tpu.memref_squeeze %dma_start3A_639 : memref<1x64xi32, #tpu.memory_space<vmem>> -> memref<64xi32, #tpu.memory_space<vmem>>
    %dma_start3A_641 = arith.constant 0 : i32
    %dma_start3A_642 = tpu.memref_slice %arg4[%dma_start3A_641] : memref<102400000xf32, #tpu.memory_space<hbm>> -> memref<102400000xf32, #tpu.memory_space<hbm>>
    tpu.enqueue_indirect_dma source(%dma_start3A_642 : memref<102400000xf32, #tpu.memory_space<hbm>>) target(%dma_start3A_637 : memref<64xf32, #tpu.memory_space<vmem>>) offsets(%dma_start3A_640 : memref<64xi32, #tpu.memory_space<vmem>>) semaphore(%arg9 : memref<!tpu.dma_semaphore, #tpu.memory_space<semaphore_mem>>)
    %dma_wait3A_643 = arith.constant 22 : i32
    %dma_wait3A_644 = arith.constant 22 : i32
    %dma_wait3A_645 = arith.constant 0 : i32
    %dma_wait3A_646 = tpu.memref_slice %arg8[%dma_wait3A_644, %dma_wait3A_645] : memref<32x64xf32, #tpu.memory_space<vmem>> -> memref<1x64xf32, #tpu.memory_space<vmem>>
    %dma_wait3A_647 = tpu.memref_squeeze %dma_wait3A_646 : memref<1x64xf32, #tpu.memory_space<vmem>> -> memref<64xf32, #tpu.memory_space<vmem>>
    %dma_wait3A_648 = arith.constant 0 : i32
    %dma_wait3A_649 = tpu.memref_slice %arg6[%dma_wait3A_643, %dma_wait3A_648] : memref<32x64xi32, #tpu.memory_space<vmem>> -> memref<1x64xi32, #tpu.memory_space<vmem>>
    %dma_wait3A_650 = tpu.memref_squeeze %dma_wait3A_649 : memref<1x64xi32, #tpu.memory_space<vmem>> -> memref<64xi32, #tpu.memory_space<vmem>>
    %dma_wait3A_651 = arith.constant 0 : i32
    %dma_wait3A_652 = tpu.memref_slice %arg4[%dma_wait3A_651] : memref<102400000xf32, #tpu.memory_space<hbm>> -> memref<102400000xf32, #tpu.memory_space<hbm>>
    tpu.wait_indirect_dma semaphore(%arg9 : memref<!tpu.dma_semaphore, #tpu.memory_space<semaphore_mem>>) src(%dma_wait3A_652 : memref<102400000xf32, #tpu.memory_space<hbm>>) dst(%dma_wait3A_647 : memref<64xf32, #tpu.memory_space<vmem>>)
    %dma_start3A_653 = arith.constant 23 : i32
    %dma_start3A_654 = arith.constant 23 : i32
    %dma_start3A_655 = arith.constant 0 : i32
    %dma_start3A_656 = tpu.memref_slice %arg8[%dma_start3A_654, %dma_start3A_655] : memref<32x64xf32, #tpu.memory_space<vmem>> -> memref<1x64xf32, #tpu.memory_space<vmem>>
    %dma_start3A_657 = tpu.memref_squeeze %dma_start3A_656 : memref<1x64xf32, #tpu.memory_space<vmem>> -> memref<64xf32, #tpu.memory_space<vmem>>
    %dma_start3A_658 = arith.constant 0 : i32
    %dma_start3A_659 = tpu.memref_slice %arg6[%dma_start3A_653, %dma_start3A_658] : memref<32x64xi32, #tpu.memory_space<vmem>> -> memref<1x64xi32, #tpu.memory_space<vmem>>
    %dma_start3A_660 = tpu.memref_squeeze %dma_start3A_659 : memref<1x64xi32, #tpu.memory_space<vmem>> -> memref<64xi32, #tpu.memory_space<vmem>>
    %dma_start3A_661 = arith.constant 0 : i32
    %dma_start3A_662 = tpu.memref_slice %arg4[%dma_start3A_661] : memref<102400000xf32, #tpu.memory_space<hbm>> -> memref<102400000xf32, #tpu.memory_space<hbm>>
    tpu.enqueue_indirect_dma source(%dma_start3A_662 : memref<102400000xf32, #tpu.memory_space<hbm>>) target(%dma_start3A_657 : memref<64xf32, #tpu.memory_space<vmem>>) offsets(%dma_start3A_660 : memref<64xi32, #tpu.memory_space<vmem>>) semaphore(%arg9 : memref<!tpu.dma_semaphore, #tpu.memory_space<semaphore_mem>>)
    %dma_wait3A_663 = arith.constant 23 : i32
    %dma_wait3A_664 = arith.constant 23 : i32
    %dma_wait3A_665 = arith.constant 0 : i32
    %dma_wait3A_666 = tpu.memref_slice %arg8[%dma_wait3A_664, %dma_wait3A_665] : memref<32x64xf32, #tpu.memory_space<vmem>> -> memref<1x64xf32, #tpu.memory_space<vmem>>
    %dma_wait3A_667 = tpu.memref_squeeze %dma_wait3A_666 : memref<1x64xf32, #tpu.memory_space<vmem>> -> memref<64xf32, #tpu.memory_space<vmem>>
    %dma_wait3A_668 = arith.constant 0 : i32
    %dma_wait3A_669 = tpu.memref_slice %arg6[%dma_wait3A_663, %dma_wait3A_668] : memref<32x64xi32, #tpu.memory_space<vmem>> -> memref<1x64xi32, #tpu.memory_space<vmem>>
    %dma_wait3A_670 = tpu.memref_squeeze %dma_wait3A_669 : memref<1x64xi32, #tpu.memory_space<vmem>> -> memref<64xi32, #tpu.memory_space<vmem>>
    %dma_wait3A_671 = arith.constant 0 : i32
    %dma_wait3A_672 = tpu.memref_slice %arg4[%dma_wait3A_671] : memref<102400000xf32, #tpu.memory_space<hbm>> -> memref<102400000xf32, #tpu.memory_space<hbm>>
    tpu.wait_indirect_dma semaphore(%arg9 : memref<!tpu.dma_semaphore, #tpu.memory_space<semaphore_mem>>) src(%dma_wait3A_672 : memref<102400000xf32, #tpu.memory_space<hbm>>) dst(%dma_wait3A_667 : memref<64xf32, #tpu.memory_space<vmem>>)
    %dma_start3A_673 = arith.constant 24 : i32
    %dma_start3A_674 = arith.constant 24 : i32
    %dma_start3A_675 = arith.constant 0 : i32
    %dma_start3A_676 = tpu.memref_slice %arg8[%dma_start3A_674, %dma_start3A_675] : memref<32x64xf32, #tpu.memory_space<vmem>> -> memref<1x64xf32, #tpu.memory_space<vmem>>
    %dma_start3A_677 = tpu.memref_squeeze %dma_start3A_676 : memref<1x64xf32, #tpu.memory_space<vmem>> -> memref<64xf32, #tpu.memory_space<vmem>>
    %dma_start3A_678 = arith.constant 0 : i32
    %dma_start3A_679 = tpu.memref_slice %arg6[%dma_start3A_673, %dma_start3A_678] : memref<32x64xi32, #tpu.memory_space<vmem>> -> memref<1x64xi32, #tpu.memory_space<vmem>>
    %dma_start3A_680 = tpu.memref_squeeze %dma_start3A_679 : memref<1x64xi32, #tpu.memory_space<vmem>> -> memref<64xi32, #tpu.memory_space<vmem>>
    %dma_start3A_681 = arith.constant 0 : i32
    %dma_start3A_682 = tpu.memref_slice %arg4[%dma_start3A_681] : memref<102400000xf32, #tpu.memory_space<hbm>> -> memref<102400000xf32, #tpu.memory_space<hbm>>
    tpu.enqueue_indirect_dma source(%dma_start3A_682 : memref<102400000xf32, #tpu.memory_space<hbm>>) target(%dma_start3A_677 : memref<64xf32, #tpu.memory_space<vmem>>) offsets(%dma_start3A_680 : memref<64xi32, #tpu.memory_space<vmem>>) semaphore(%arg9 : memref<!tpu.dma_semaphore, #tpu.memory_space<semaphore_mem>>)
    %dma_wait3A_683 = arith.constant 24 : i32
    %dma_wait3A_684 = arith.constant 24 : i32
    %dma_wait3A_685 = arith.constant 0 : i32
    %dma_wait3A_686 = tpu.memref_slice %arg8[%dma_wait3A_684, %dma_wait3A_685] : memref<32x64xf32, #tpu.memory_space<vmem>> -> memref<1x64xf32, #tpu.memory_space<vmem>>
    %dma_wait3A_687 = tpu.memref_squeeze %dma_wait3A_686 : memref<1x64xf32, #tpu.memory_space<vmem>> -> memref<64xf32, #tpu.memory_space<vmem>>
    %dma_wait3A_688 = arith.constant 0 : i32
    %dma_wait3A_689 = tpu.memref_slice %arg6[%dma_wait3A_683, %dma_wait3A_688] : memref<32x64xi32, #tpu.memory_space<vmem>> -> memref<1x64xi32, #tpu.memory_space<vmem>>
    %dma_wait3A_690 = tpu.memref_squeeze %dma_wait3A_689 : memref<1x64xi32, #tpu.memory_space<vmem>> -> memref<64xi32, #tpu.memory_space<vmem>>
    %dma_wait3A_691 = arith.constant 0 : i32
    %dma_wait3A_692 = tpu.memref_slice %arg4[%dma_wait3A_691] : memref<102400000xf32, #tpu.memory_space<hbm>> -> memref<102400000xf32, #tpu.memory_space<hbm>>
    tpu.wait_indirect_dma semaphore(%arg9 : memref<!tpu.dma_semaphore, #tpu.memory_space<semaphore_mem>>) src(%dma_wait3A_692 : memref<102400000xf32, #tpu.memory_space<hbm>>) dst(%dma_wait3A_687 : memref<64xf32, #tpu.memory_space<vmem>>)
    %dma_start3A_693 = arith.constant 25 : i32
    %dma_start3A_694 = arith.constant 25 : i32
    %dma_start3A_695 = arith.constant 0 : i32
    %dma_start3A_696 = tpu.memref_slice %arg8[%dma_start3A_694, %dma_start3A_695] : memref<32x64xf32, #tpu.memory_space<vmem>> -> memref<1x64xf32, #tpu.memory_space<vmem>>
    %dma_start3A_697 = tpu.memref_squeeze %dma_start3A_696 : memref<1x64xf32, #tpu.memory_space<vmem>> -> memref<64xf32, #tpu.memory_space<vmem>>
    %dma_start3A_698 = arith.constant 0 : i32
    %dma_start3A_699 = tpu.memref_slice %arg6[%dma_start3A_693, %dma_start3A_698] : memref<32x64xi32, #tpu.memory_space<vmem>> -> memref<1x64xi32, #tpu.memory_space<vmem>>
    %dma_start3A_700 = tpu.memref_squeeze %dma_start3A_699 : memref<1x64xi32, #tpu.memory_space<vmem>> -> memref<64xi32, #tpu.memory_space<vmem>>
    %dma_start3A_701 = arith.constant 0 : i32
    %dma_start3A_702 = tpu.memref_slice %arg4[%dma_start3A_701] : memref<102400000xf32, #tpu.memory_space<hbm>> -> memref<102400000xf32, #tpu.memory_space<hbm>>
    tpu.enqueue_indirect_dma source(%dma_start3A_702 : memref<102400000xf32, #tpu.memory_space<hbm>>) target(%dma_start3A_697 : memref<64xf32, #tpu.memory_space<vmem>>) offsets(%dma_start3A_700 : memref<64xi32, #tpu.memory_space<vmem>>) semaphore(%arg9 : memref<!tpu.dma_semaphore, #tpu.memory_space<semaphore_mem>>)
    %dma_wait3A_703 = arith.constant 25 : i32
    %dma_wait3A_704 = arith.constant 25 : i32
    %dma_wait3A_705 = arith.constant 0 : i32
    %dma_wait3A_706 = tpu.memref_slice %arg8[%dma_wait3A_704, %dma_wait3A_705] : memref<32x64xf32, #tpu.memory_space<vmem>> -> memref<1x64xf32, #tpu.memory_space<vmem>>
    %dma_wait3A_707 = tpu.memref_squeeze %dma_wait3A_706 : memref<1x64xf32, #tpu.memory_space<vmem>> -> memref<64xf32, #tpu.memory_space<vmem>>
    %dma_wait3A_708 = arith.constant 0 : i32
    %dma_wait3A_709 = tpu.memref_slice %arg6[%dma_wait3A_703, %dma_wait3A_708] : memref<32x64xi32, #tpu.memory_space<vmem>> -> memref<1x64xi32, #tpu.memory_space<vmem>>
    %dma_wait3A_710 = tpu.memref_squeeze %dma_wait3A_709 : memref<1x64xi32, #tpu.memory_space<vmem>> -> memref<64xi32, #tpu.memory_space<vmem>>
    %dma_wait3A_711 = arith.constant 0 : i32
    %dma_wait3A_712 = tpu.memref_slice %arg4[%dma_wait3A_711] : memref<102400000xf32, #tpu.memory_space<hbm>> -> memref<102400000xf32, #tpu.memory_space<hbm>>
    tpu.wait_indirect_dma semaphore(%arg9 : memref<!tpu.dma_semaphore, #tpu.memory_space<semaphore_mem>>) src(%dma_wait3A_712 : memref<102400000xf32, #tpu.memory_space<hbm>>) dst(%dma_wait3A_707 : memref<64xf32, #tpu.memory_space<vmem>>)
    %dma_start3A_713 = arith.constant 26 : i32
    %dma_start3A_714 = arith.constant 26 : i32
    %dma_start3A_715 = arith.constant 0 : i32
    %dma_start3A_716 = tpu.memref_slice %arg8[%dma_start3A_714, %dma_start3A_715] : memref<32x64xf32, #tpu.memory_space<vmem>> -> memref<1x64xf32, #tpu.memory_space<vmem>>
    %dma_start3A_717 = tpu.memref_squeeze %dma_start3A_716 : memref<1x64xf32, #tpu.memory_space<vmem>> -> memref<64xf32, #tpu.memory_space<vmem>>
    %dma_start3A_718 = arith.constant 0 : i32
    %dma_start3A_719 = tpu.memref_slice %arg6[%dma_start3A_713, %dma_start3A_718] : memref<32x64xi32, #tpu.memory_space<vmem>> -> memref<1x64xi32, #tpu.memory_space<vmem>>
    %dma_start3A_720 = tpu.memref_squeeze %dma_start3A_719 : memref<1x64xi32, #tpu.memory_space<vmem>> -> memref<64xi32, #tpu.memory_space<vmem>>
    %dma_start3A_721 = arith.constant 0 : i32
    %dma_start3A_722 = tpu.memref_slice %arg4[%dma_start3A_721] : memref<102400000xf32, #tpu.memory_space<hbm>> -> memref<102400000xf32, #tpu.memory_space<hbm>>
    tpu.enqueue_indirect_dma source(%dma_start3A_722 : memref<102400000xf32, #tpu.memory_space<hbm>>) target(%dma_start3A_717 : memref<64xf32, #tpu.memory_space<vmem>>) offsets(%dma_start3A_720 : memref<64xi32, #tpu.memory_space<vmem>>) semaphore(%arg9 : memref<!tpu.dma_semaphore, #tpu.memory_space<semaphore_mem>>)
    %dma_wait3A_723 = arith.constant 26 : i32
    %dma_wait3A_724 = arith.constant 26 : i32
    %dma_wait3A_725 = arith.constant 0 : i32
    %dma_wait3A_726 = tpu.memref_slice %arg8[%dma_wait3A_724, %dma_wait3A_725] : memref<32x64xf32, #tpu.memory_space<vmem>> -> memref<1x64xf32, #tpu.memory_space<vmem>>
    %dma_wait3A_727 = tpu.memref_squeeze %dma_wait3A_726 : memref<1x64xf32, #tpu.memory_space<vmem>> -> memref<64xf32, #tpu.memory_space<vmem>>
    %dma_wait3A_728 = arith.constant 0 : i32
    %dma_wait3A_729 = tpu.memref_slice %arg6[%dma_wait3A_723, %dma_wait3A_728] : memref<32x64xi32, #tpu.memory_space<vmem>> -> memref<1x64xi32, #tpu.memory_space<vmem>>
    %dma_wait3A_730 = tpu.memref_squeeze %dma_wait3A_729 : memref<1x64xi32, #tpu.memory_space<vmem>> -> memref<64xi32, #tpu.memory_space<vmem>>
    %dma_wait3A_731 = arith.constant 0 : i32
    %dma_wait3A_732 = tpu.memref_slice %arg4[%dma_wait3A_731] : memref<102400000xf32, #tpu.memory_space<hbm>> -> memref<102400000xf32, #tpu.memory_space<hbm>>
    tpu.wait_indirect_dma semaphore(%arg9 : memref<!tpu.dma_semaphore, #tpu.memory_space<semaphore_mem>>) src(%dma_wait3A_732 : memref<102400000xf32, #tpu.memory_space<hbm>>) dst(%dma_wait3A_727 : memref<64xf32, #tpu.memory_space<vmem>>)
    %dma_start3A_733 = arith.constant 27 : i32
    %dma_start3A_734 = arith.constant 27 : i32
    %dma_start3A_735 = arith.constant 0 : i32
    %dma_start3A_736 = tpu.memref_slice %arg8[%dma_start3A_734, %dma_start3A_735] : memref<32x64xf32, #tpu.memory_space<vmem>> -> memref<1x64xf32, #tpu.memory_space<vmem>>
    %dma_start3A_737 = tpu.memref_squeeze %dma_start3A_736 : memref<1x64xf32, #tpu.memory_space<vmem>> -> memref<64xf32, #tpu.memory_space<vmem>>
    %dma_start3A_738 = arith.constant 0 : i32
    %dma_start3A_739 = tpu.memref_slice %arg6[%dma_start3A_733, %dma_start3A_738] : memref<32x64xi32, #tpu.memory_space<vmem>> -> memref<1x64xi32, #tpu.memory_space<vmem>>
    %dma_start3A_740 = tpu.memref_squeeze %dma_start3A_739 : memref<1x64xi32, #tpu.memory_space<vmem>> -> memref<64xi32, #tpu.memory_space<vmem>>
    %dma_start3A_741 = arith.constant 0 : i32
    %dma_start3A_742 = tpu.memref_slice %arg4[%dma_start3A_741] : memref<102400000xf32, #tpu.memory_space<hbm>> -> memref<102400000xf32, #tpu.memory_space<hbm>>
    tpu.enqueue_indirect_dma source(%dma_start3A_742 : memref<102400000xf32, #tpu.memory_space<hbm>>) target(%dma_start3A_737 : memref<64xf32, #tpu.memory_space<vmem>>) offsets(%dma_start3A_740 : memref<64xi32, #tpu.memory_space<vmem>>) semaphore(%arg9 : memref<!tpu.dma_semaphore, #tpu.memory_space<semaphore_mem>>)
    %dma_wait3A_743 = arith.constant 27 : i32
    %dma_wait3A_744 = arith.constant 27 : i32
    %dma_wait3A_745 = arith.constant 0 : i32
    %dma_wait3A_746 = tpu.memref_slice %arg8[%dma_wait3A_744, %dma_wait3A_745] : memref<32x64xf32, #tpu.memory_space<vmem>> -> memref<1x64xf32, #tpu.memory_space<vmem>>
    %dma_wait3A_747 = tpu.memref_squeeze %dma_wait3A_746 : memref<1x64xf32, #tpu.memory_space<vmem>> -> memref<64xf32, #tpu.memory_space<vmem>>
    %dma_wait3A_748 = arith.constant 0 : i32
    %dma_wait3A_749 = tpu.memref_slice %arg6[%dma_wait3A_743, %dma_wait3A_748] : memref<32x64xi32, #tpu.memory_space<vmem>> -> memref<1x64xi32, #tpu.memory_space<vmem>>
    %dma_wait3A_750 = tpu.memref_squeeze %dma_wait3A_749 : memref<1x64xi32, #tpu.memory_space<vmem>> -> memref<64xi32, #tpu.memory_space<vmem>>
    %dma_wait3A_751 = arith.constant 0 : i32
    %dma_wait3A_752 = tpu.memref_slice %arg4[%dma_wait3A_751] : memref<102400000xf32, #tpu.memory_space<hbm>> -> memref<102400000xf32, #tpu.memory_space<hbm>>
    tpu.wait_indirect_dma semaphore(%arg9 : memref<!tpu.dma_semaphore, #tpu.memory_space<semaphore_mem>>) src(%dma_wait3A_752 : memref<102400000xf32, #tpu.memory_space<hbm>>) dst(%dma_wait3A_747 : memref<64xf32, #tpu.memory_space<vmem>>)
    %dma_start3A_753 = arith.constant 28 : i32
    %dma_start3A_754 = arith.constant 28 : i32
    %dma_start3A_755 = arith.constant 0 : i32
    %dma_start3A_756 = tpu.memref_slice %arg8[%dma_start3A_754, %dma_start3A_755] : memref<32x64xf32, #tpu.memory_space<vmem>> -> memref<1x64xf32, #tpu.memory_space<vmem>>
    %dma_start3A_757 = tpu.memref_squeeze %dma_start3A_756 : memref<1x64xf32, #tpu.memory_space<vmem>> -> memref<64xf32, #tpu.memory_space<vmem>>
    %dma_start3A_758 = arith.constant 0 : i32
    %dma_start3A_759 = tpu.memref_slice %arg6[%dma_start3A_753, %dma_start3A_758] : memref<32x64xi32, #tpu.memory_space<vmem>> -> memref<1x64xi32, #tpu.memory_space<vmem>>
    %dma_start3A_760 = tpu.memref_squeeze %dma_start3A_759 : memref<1x64xi32, #tpu.memory_space<vmem>> -> memref<64xi32, #tpu.memory_space<vmem>>
    %dma_start3A_761 = arith.constant 0 : i32
    %dma_start3A_762 = tpu.memref_slice %arg4[%dma_start3A_761] : memref<102400000xf32, #tpu.memory_space<hbm>> -> memref<102400000xf32, #tpu.memory_space<hbm>>
    tpu.enqueue_indirect_dma source(%dma_start3A_762 : memref<102400000xf32, #tpu.memory_space<hbm>>) target(%dma_start3A_757 : memref<64xf32, #tpu.memory_space<vmem>>) offsets(%dma_start3A_760 : memref<64xi32, #tpu.memory_space<vmem>>) semaphore(%arg9 : memref<!tpu.dma_semaphore, #tpu.memory_space<semaphore_mem>>)
    %dma_wait3A_763 = arith.constant 28 : i32
    %dma_wait3A_764 = arith.constant 28 : i32
    %dma_wait3A_765 = arith.constant 0 : i32
    %dma_wait3A_766 = tpu.memref_slice %arg8[%dma_wait3A_764, %dma_wait3A_765] : memref<32x64xf32, #tpu.memory_space<vmem>> -> memref<1x64xf32, #tpu.memory_space<vmem>>
    %dma_wait3A_767 = tpu.memref_squeeze %dma_wait3A_766 : memref<1x64xf32, #tpu.memory_space<vmem>> -> memref<64xf32, #tpu.memory_space<vmem>>
    %dma_wait3A_768 = arith.constant 0 : i32
    %dma_wait3A_769 = tpu.memref_slice %arg6[%dma_wait3A_763, %dma_wait3A_768] : memref<32x64xi32, #tpu.memory_space<vmem>> -> memref<1x64xi32, #tpu.memory_space<vmem>>
    %dma_wait3A_770 = tpu.memref_squeeze %dma_wait3A_769 : memref<1x64xi32, #tpu.memory_space<vmem>> -> memref<64xi32, #tpu.memory_space<vmem>>
    %dma_wait3A_771 = arith.constant 0 : i32
    %dma_wait3A_772 = tpu.memref_slice %arg4[%dma_wait3A_771] : memref<102400000xf32, #tpu.memory_space<hbm>> -> memref<102400000xf32, #tpu.memory_space<hbm>>
    tpu.wait_indirect_dma semaphore(%arg9 : memref<!tpu.dma_semaphore, #tpu.memory_space<semaphore_mem>>) src(%dma_wait3A_772 : memref<102400000xf32, #tpu.memory_space<hbm>>) dst(%dma_wait3A_767 : memref<64xf32, #tpu.memory_space<vmem>>)
    %dma_start3A_773 = arith.constant 29 : i32
    %dma_start3A_774 = arith.constant 29 : i32
    %dma_start3A_775 = arith.constant 0 : i32
    %dma_start3A_776 = tpu.memref_slice %arg8[%dma_start3A_774, %dma_start3A_775] : memref<32x64xf32, #tpu.memory_space<vmem>> -> memref<1x64xf32, #tpu.memory_space<vmem>>
    %dma_start3A_777 = tpu.memref_squeeze %dma_start3A_776 : memref<1x64xf32, #tpu.memory_space<vmem>> -> memref<64xf32, #tpu.memory_space<vmem>>
    %dma_start3A_778 = arith.constant 0 : i32
    %dma_start3A_779 = tpu.memref_slice %arg6[%dma_start3A_773, %dma_start3A_778] : memref<32x64xi32, #tpu.memory_space<vmem>> -> memref<1x64xi32, #tpu.memory_space<vmem>>
    %dma_start3A_780 = tpu.memref_squeeze %dma_start3A_779 : memref<1x64xi32, #tpu.memory_space<vmem>> -> memref<64xi32, #tpu.memory_space<vmem>>
    %dma_start3A_781 = arith.constant 0 : i32
    %dma_start3A_782 = tpu.memref_slice %arg4[%dma_start3A_781] : memref<102400000xf32, #tpu.memory_space<hbm>> -> memref<102400000xf32, #tpu.memory_space<hbm>>
    tpu.enqueue_indirect_dma source(%dma_start3A_782 : memref<102400000xf32, #tpu.memory_space<hbm>>) target(%dma_start3A_777 : memref<64xf32, #tpu.memory_space<vmem>>) offsets(%dma_start3A_780 : memref<64xi32, #tpu.memory_space<vmem>>) semaphore(%arg9 : memref<!tpu.dma_semaphore, #tpu.memory_space<semaphore_mem>>)
    %dma_wait3A_783 = arith.constant 29 : i32
    %dma_wait3A_784 = arith.constant 29 : i32
    %dma_wait3A_785 = arith.constant 0 : i32
    %dma_wait3A_786 = tpu.memref_slice %arg8[%dma_wait3A_784, %dma_wait3A_785] : memref<32x64xf32, #tpu.memory_space<vmem>> -> memref<1x64xf32, #tpu.memory_space<vmem>>
    %dma_wait3A_787 = tpu.memref_squeeze %dma_wait3A_786 : memref<1x64xf32, #tpu.memory_space<vmem>> -> memref<64xf32, #tpu.memory_space<vmem>>
    %dma_wait3A_788 = arith.constant 0 : i32
    %dma_wait3A_789 = tpu.memref_slice %arg6[%dma_wait3A_783, %dma_wait3A_788] : memref<32x64xi32, #tpu.memory_space<vmem>> -> memref<1x64xi32, #tpu.memory_space<vmem>>
    %dma_wait3A_790 = tpu.memref_squeeze %dma_wait3A_789 : memref<1x64xi32, #tpu.memory_space<vmem>> -> memref<64xi32, #tpu.memory_space<vmem>>
    %dma_wait3A_791 = arith.constant 0 : i32
    %dma_wait3A_792 = tpu.memref_slice %arg4[%dma_wait3A_791] : memref<102400000xf32, #tpu.memory_space<hbm>> -> memref<102400000xf32, #tpu.memory_space<hbm>>
    tpu.wait_indirect_dma semaphore(%arg9 : memref<!tpu.dma_semaphore, #tpu.memory_space<semaphore_mem>>) src(%dma_wait3A_792 : memref<102400000xf32, #tpu.memory_space<hbm>>) dst(%dma_wait3A_787 : memref<64xf32, #tpu.memory_space<vmem>>)
    %dma_start3A_793 = arith.constant 30 : i32
    %dma_start3A_794 = arith.constant 30 : i32
    %dma_start3A_795 = arith.constant 0 : i32
    %dma_start3A_796 = tpu.memref_slice %arg8[%dma_start3A_794, %dma_start3A_795] : memref<32x64xf32, #tpu.memory_space<vmem>> -> memref<1x64xf32, #tpu.memory_space<vmem>>
    %dma_start3A_797 = tpu.memref_squeeze %dma_start3A_796 : memref<1x64xf32, #tpu.memory_space<vmem>> -> memref<64xf32, #tpu.memory_space<vmem>>
    %dma_start3A_798 = arith.constant 0 : i32
    %dma_start3A_799 = tpu.memref_slice %arg6[%dma_start3A_793, %dma_start3A_798] : memref<32x64xi32, #tpu.memory_space<vmem>> -> memref<1x64xi32, #tpu.memory_space<vmem>>
    %dma_start3A_800 = tpu.memref_squeeze %dma_start3A_799 : memref<1x64xi32, #tpu.memory_space<vmem>> -> memref<64xi32, #tpu.memory_space<vmem>>
    %dma_start3A_801 = arith.constant 0 : i32
    %dma_start3A_802 = tpu.memref_slice %arg4[%dma_start3A_801] : memref<102400000xf32, #tpu.memory_space<hbm>> -> memref<102400000xf32, #tpu.memory_space<hbm>>
    tpu.enqueue_indirect_dma source(%dma_start3A_802 : memref<102400000xf32, #tpu.memory_space<hbm>>) target(%dma_start3A_797 : memref<64xf32, #tpu.memory_space<vmem>>) offsets(%dma_start3A_800 : memref<64xi32, #tpu.memory_space<vmem>>) semaphore(%arg9 : memref<!tpu.dma_semaphore, #tpu.memory_space<semaphore_mem>>)
    %dma_wait3A_803 = arith.constant 30 : i32
    %dma_wait3A_804 = arith.constant 30 : i32
    %dma_wait3A_805 = arith.constant 0 : i32
    %dma_wait3A_806 = tpu.memref_slice %arg8[%dma_wait3A_804, %dma_wait3A_805] : memref<32x64xf32, #tpu.memory_space<vmem>> -> memref<1x64xf32, #tpu.memory_space<vmem>>
    %dma_wait3A_807 = tpu.memref_squeeze %dma_wait3A_806 : memref<1x64xf32, #tpu.memory_space<vmem>> -> memref<64xf32, #tpu.memory_space<vmem>>
    %dma_wait3A_808 = arith.constant 0 : i32
    %dma_wait3A_809 = tpu.memref_slice %arg6[%dma_wait3A_803, %dma_wait3A_808] : memref<32x64xi32, #tpu.memory_space<vmem>> -> memref<1x64xi32, #tpu.memory_space<vmem>>
    %dma_wait3A_810 = tpu.memref_squeeze %dma_wait3A_809 : memref<1x64xi32, #tpu.memory_space<vmem>> -> memref<64xi32, #tpu.memory_space<vmem>>
    %dma_wait3A_811 = arith.constant 0 : i32
    %dma_wait3A_812 = tpu.memref_slice %arg4[%dma_wait3A_811] : memref<102400000xf32, #tpu.memory_space<hbm>> -> memref<102400000xf32, #tpu.memory_space<hbm>>
    tpu.wait_indirect_dma semaphore(%arg9 : memref<!tpu.dma_semaphore, #tpu.memory_space<semaphore_mem>>) src(%dma_wait3A_812 : memref<102400000xf32, #tpu.memory_space<hbm>>) dst(%dma_wait3A_807 : memref<64xf32, #tpu.memory_space<vmem>>)
    %dma_start3A_813 = arith.constant 31 : i32
    %dma_start3A_814 = arith.constant 31 : i32
    %dma_start3A_815 = arith.constant 0 : i32
    %dma_start3A_816 = tpu.memref_slice %arg8[%dma_start3A_814, %dma_start3A_815] : memref<32x64xf32, #tpu.memory_space<vmem>> -> memref<1x64xf32, #tpu.memory_space<vmem>>
    %dma_start3A_817 = tpu.memref_squeeze %dma_start3A_816 : memref<1x64xf32, #tpu.memory_space<vmem>> -> memref<64xf32, #tpu.memory_space<vmem>>
    %dma_start3A_818 = arith.constant 0 : i32
    %dma_start3A_819 = tpu.memref_slice %arg6[%dma_start3A_813, %dma_start3A_818] : memref<32x64xi32, #tpu.memory_space<vmem>> -> memref<1x64xi32, #tpu.memory_space<vmem>>
    %dma_start3A_820 = tpu.memref_squeeze %dma_start3A_819 : memref<1x64xi32, #tpu.memory_space<vmem>> -> memref<64xi32, #tpu.memory_space<vmem>>
    %dma_start3A_821 = arith.constant 0 : i32
    %dma_start3A_822 = tpu.memref_slice %arg4[%dma_start3A_821] : memref<102400000xf32, #tpu.memory_space<hbm>> -> memref<102400000xf32, #tpu.memory_space<hbm>>
    tpu.enqueue_indirect_dma source(%dma_start3A_822 : memref<102400000xf32, #tpu.memory_space<hbm>>) target(%dma_start3A_817 : memref<64xf32, #tpu.memory_space<vmem>>) offsets(%dma_start3A_820 : memref<64xi32, #tpu.memory_space<vmem>>) semaphore(%arg9 : memref<!tpu.dma_semaphore, #tpu.memory_space<semaphore_mem>>)
    %dma_wait3A_823 = arith.constant 31 : i32
    %dma_wait3A_824 = arith.constant 31 : i32
    %dma_wait3A_825 = arith.constant 0 : i32
    %dma_wait3A_826 = tpu.memref_slice %arg8[%dma_wait3A_824, %dma_wait3A_825] : memref<32x64xf32, #tpu.memory_space<vmem>> -> memref<1x64xf32, #tpu.memory_space<vmem>>
    %dma_wait3A_827 = tpu.memref_squeeze %dma_wait3A_826 : memref<1x64xf32, #tpu.memory_space<vmem>> -> memref<64xf32, #tpu.memory_space<vmem>>
    %dma_wait3A_828 = arith.constant 0 : i32
    %dma_wait3A_829 = tpu.memref_slice %arg6[%dma_wait3A_823, %dma_wait3A_828] : memref<32x64xi32, #tpu.memory_space<vmem>> -> memref<1x64xi32, #tpu.memory_space<vmem>>
    %dma_wait3A_830 = tpu.memref_squeeze %dma_wait3A_829 : memref<1x64xi32, #tpu.memory_space<vmem>> -> memref<64xi32, #tpu.memory_space<vmem>>
    %dma_wait3A_831 = arith.constant 0 : i32
    %dma_wait3A_832 = tpu.memref_slice %arg4[%dma_wait3A_831] : memref<102400000xf32, #tpu.memory_space<hbm>> -> memref<102400000xf32, #tpu.memory_space<hbm>>
    tpu.wait_indirect_dma semaphore(%arg9 : memref<!tpu.dma_semaphore, #tpu.memory_space<semaphore_mem>>) src(%dma_wait3A_832 : memref<102400000xf32, #tpu.memory_space<hbm>>) dst(%dma_wait3A_827 : memref<64xf32, #tpu.memory_space<vmem>>)
    "tpu.region"() ({
      %run_scoped3A = tpu.sem_alloc : memref<!tpu.dma_semaphore, #tpu.memory_space<semaphore_mem>>
      %dma_start3A_833 = arith.constant 0 : i32
      %dma_start3A_834 = arith.constant 0 : i32
      %dma_start3A_835 = tpu.memref_slice %arg5[%add3A, %dma_start3A_833, %dma_start3A_834] : memref<32x32x64xf32, #tpu.memory_space<hbm>> -> memref<1x32x64xf32, #tpu.memory_space<hbm>>
      %dma_start3A_836 = tpu.memref_squeeze %dma_start3A_835 : memref<1x32x64xf32, #tpu.memory_space<hbm>> -> memref<32x64xf32, #tpu.memory_space<hbm>>
      %dma_start3A_837 = arith.constant 0 : i32
      %dma_start3A_838 = arith.constant 0 : i32
      %dma_start3A_839 = tpu.memref_slice %arg5[%add3A, %dma_start3A_837, %dma_start3A_838] : memref<32x32x64xf32, #tpu.memory_space<hbm>> -> memref<1x32x64xf32, #tpu.memory_space<hbm>>
      %dma_start3A_840 = tpu.memref_squeeze %dma_start3A_839 : memref<1x32x64xf32, #tpu.memory_space<hbm>> -> memref<32x64xf32, #tpu.memory_space<hbm>>
      tpu.enqueue_dma source(%arg8 : memref<32x64xf32, #tpu.memory_space<vmem>>) target(%dma_start3A_840 : memref<32x64xf32, #tpu.memory_space<hbm>>) target_semaphore(%run_scoped3A : memref<!tpu.dma_semaphore, #tpu.memory_space<semaphore_mem>>)
      %dma_wait3A_841 = arith.constant 0 : i32
      %dma_wait3A_842 = arith.constant 0 : i32
      %dma_wait3A_843 = tpu.memref_slice %arg5[%add3A, %dma_wait3A_841, %dma_wait3A_842] : memref<32x32x64xf32, #tpu.memory_space<hbm>> -> memref<1x32x64xf32, #tpu.memory_space<hbm>>
      %dma_wait3A_844 = tpu.memref_squeeze %dma_wait3A_843 : memref<1x32x64xf32, #tpu.memory_space<hbm>> -> memref<32x64xf32, #tpu.memory_space<hbm>>
      %dma_wait3A_845 = arith.constant 0 : i32
      %dma_wait3A_846 = arith.constant 0 : i32
      %dma_wait3A_847 = tpu.memref_slice %arg5[%add3A, %dma_wait3A_845, %dma_wait3A_846] : memref<32x32x64xf32, #tpu.memory_space<hbm>> -> memref<1x32x64xf32, #tpu.memory_space<hbm>>
      %dma_wait3A_848 = tpu.memref_squeeze %dma_wait3A_847 : memref<1x32x64xf32, #tpu.memory_space<hbm>> -> memref<32x64xf32, #tpu.memory_space<hbm>>
      tpu.wait_dma2 semaphore(%run_scoped3A : memref<!tpu.dma_semaphore, #tpu.memory_space<semaphore_mem>>) src(%arg8 : memref<32x64xf32, #tpu.memory_space<vmem>>) dst(%dma_wait3A_848 : memref<32x64xf32, #tpu.memory_space<hbm>>)
      tpu.yield
    }) : () -> ()
    return
  }
}

module attributes {stable_mosaic.version = 14 : i64} {
  func.func @_dense_body(%arg0: i32, %arg1: memref<16x12544xf32, #tpu.memory_space<vmem>>, %arg2: memref<16x12544xf32, #tpu.memory_space<vmem>>, %arg3: memref<16x12544xf32, #tpu.memory_space<vmem>>, %arg4: memref<16x12544xf32, #tpu.memory_space<vmem>>, %arg5: memref<16x12544xf32, #tpu.memory_space<vmem>>, %arg6: memref<16x12544xf32, #tpu.memory_space<vmem>>, %arg7: memref<16x12544xf32, #tpu.memory_space<vmem>>, %arg8: memref<16x12544xf32, #tpu.memory_space<vmem>>, %arg9: memref<16x1xf32, #tpu.memory_space<vmem>>) attributes {dimension_semantics = [#tpu.dimension_semantics<arbitrary>], iteration_bounds = array<i64: 64>, scalar_prefetch = 0 : i64, scratch_operands = 0 : i64, tpu.core_type = #tpu.core_type<tc>, window_params = [{transform_indices = @transform_0, window_bounds = array<i64: 16, 12544>}, {transform_indices = @transform_1, window_bounds = array<i64: 16, 12544>}, {transform_indices = @transform_2, window_bounds = array<i64: 16, 12544>}, {transform_indices = @transform_3, window_bounds = array<i64: 16, 12544>}, {transform_indices = @transform_4, window_bounds = array<i64: 16, 12544>}, {transform_indices = @transform_5, window_bounds = array<i64: 16, 12544>}, {transform_indices = @transform_6, window_bounds = array<i64: 16, 12544>}, {transform_indices = @transform_7, window_bounds = array<i64: 16, 12544>}, {transform_indices = @transform_8, window_bounds = array<i64: 16, 1>}]} {
    %broadcast_in_dim3A = arith.constant 0.000000e+00 : f32
    %broadcast_in_dim3A_0 = vector.broadcast %broadcast_in_dim3A : f32 to vector<16x1xf32>
    %get3A = arith.constant 0 : index
    %get3A_1 = arith.constant 0 : index
    %get3A_2 = vector.load %arg1[%get3A, %get3A_1] : memref<16x12544xf32, #tpu.memory_space<vmem>>, vector<16x12544xf32>
    %reduce_max3A = arith.constant dense<0xFF800000> : vector<16xf32>
    %reduce_max3A_3 = vector.multi_reduction <maximumf>, %get3A_2, %reduce_max3A [1] : vector<16x12544xf32> to vector<16xf32>
    %broadcast_in_dim3A_4 = vector.shape_cast %reduce_max3A_3 : vector<16xf32> to vector<16x1xf32>
    %max3A = arith.maximumf %broadcast_in_dim3A_0, %broadcast_in_dim3A_4 : vector<16x1xf32>
    %get3A_5 = arith.constant 0 : index
    %get3A_6 = arith.constant 0 : index
    %get3A_7 = vector.load %arg2[%get3A_5, %get3A_6] : memref<16x12544xf32, #tpu.memory_space<vmem>>, vector<16x12544xf32>
    %reduce_max3A_8 = arith.constant dense<0xFF800000> : vector<16xf32>
    %reduce_max3A_9 = vector.multi_reduction <maximumf>, %get3A_7, %reduce_max3A_8 [1] : vector<16x12544xf32> to vector<16xf32>
    %broadcast_in_dim3A_10 = vector.shape_cast %reduce_max3A_9 : vector<16xf32> to vector<16x1xf32>
    %max3A_11 = arith.maximumf %max3A, %broadcast_in_dim3A_10 : vector<16x1xf32>
    %get3A_12 = arith.constant 0 : index
    %get3A_13 = arith.constant 0 : index
    %get3A_14 = vector.load %arg3[%get3A_12, %get3A_13] : memref<16x12544xf32, #tpu.memory_space<vmem>>, vector<16x12544xf32>
    %reduce_max3A_15 = arith.constant dense<0xFF800000> : vector<16xf32>
    %reduce_max3A_16 = vector.multi_reduction <maximumf>, %get3A_14, %reduce_max3A_15 [1] : vector<16x12544xf32> to vector<16xf32>
    %broadcast_in_dim3A_17 = vector.shape_cast %reduce_max3A_16 : vector<16xf32> to vector<16x1xf32>
    %max3A_18 = arith.maximumf %max3A_11, %broadcast_in_dim3A_17 : vector<16x1xf32>
    %get3A_19 = arith.constant 0 : index
    %get3A_20 = arith.constant 0 : index
    %get3A_21 = vector.load %arg4[%get3A_19, %get3A_20] : memref<16x12544xf32, #tpu.memory_space<vmem>>, vector<16x12544xf32>
    %reduce_max3A_22 = arith.constant dense<0xFF800000> : vector<16xf32>
    %reduce_max3A_23 = vector.multi_reduction <maximumf>, %get3A_21, %reduce_max3A_22 [1] : vector<16x12544xf32> to vector<16xf32>
    %broadcast_in_dim3A_24 = vector.shape_cast %reduce_max3A_23 : vector<16xf32> to vector<16x1xf32>
    %max3A_25 = arith.maximumf %max3A_18, %broadcast_in_dim3A_24 : vector<16x1xf32>
    %get3A_26 = arith.constant 0 : index
    %get3A_27 = arith.constant 0 : index
    %get3A_28 = vector.load %arg5[%get3A_26, %get3A_27] : memref<16x12544xf32, #tpu.memory_space<vmem>>, vector<16x12544xf32>
    %reduce_max3A_29 = arith.constant dense<0xFF800000> : vector<16xf32>
    %reduce_max3A_30 = vector.multi_reduction <maximumf>, %get3A_28, %reduce_max3A_29 [1] : vector<16x12544xf32> to vector<16xf32>
    %broadcast_in_dim3A_31 = vector.shape_cast %reduce_max3A_30 : vector<16xf32> to vector<16x1xf32>
    %max3A_32 = arith.maximumf %max3A_25, %broadcast_in_dim3A_31 : vector<16x1xf32>
    %get3A_33 = arith.constant 0 : index
    %get3A_34 = arith.constant 0 : index
    %get3A_35 = vector.load %arg6[%get3A_33, %get3A_34] : memref<16x12544xf32, #tpu.memory_space<vmem>>, vector<16x12544xf32>
    %reduce_max3A_36 = arith.constant dense<0xFF800000> : vector<16xf32>
    %reduce_max3A_37 = vector.multi_reduction <maximumf>, %get3A_35, %reduce_max3A_36 [1] : vector<16x12544xf32> to vector<16xf32>
    %broadcast_in_dim3A_38 = vector.shape_cast %reduce_max3A_37 : vector<16xf32> to vector<16x1xf32>
    %max3A_39 = arith.maximumf %max3A_32, %broadcast_in_dim3A_38 : vector<16x1xf32>
    %get3A_40 = arith.constant 0 : index
    %get3A_41 = arith.constant 0 : index
    %get3A_42 = vector.load %arg7[%get3A_40, %get3A_41] : memref<16x12544xf32, #tpu.memory_space<vmem>>, vector<16x12544xf32>
    %reduce_max3A_43 = arith.constant dense<0xFF800000> : vector<16xf32>
    %reduce_max3A_44 = vector.multi_reduction <maximumf>, %get3A_42, %reduce_max3A_43 [1] : vector<16x12544xf32> to vector<16xf32>
    %broadcast_in_dim3A_45 = vector.shape_cast %reduce_max3A_44 : vector<16xf32> to vector<16x1xf32>
    %max3A_46 = arith.maximumf %max3A_39, %broadcast_in_dim3A_45 : vector<16x1xf32>
    %get3A_47 = arith.constant 0 : index
    %get3A_48 = arith.constant 0 : index
    %get3A_49 = vector.load %arg8[%get3A_47, %get3A_48] : memref<16x12544xf32, #tpu.memory_space<vmem>>, vector<16x12544xf32>
    %iota3A = tpu.iota {dimensions = array<i32: 1>} : vector<16x12544xi32>
    %lt3A = arith.constant 12192 : i32
    %lt3A_50 = vector.broadcast %lt3A : i32 to vector<16x12544xi32>
    %lt3A_51 = arith.cmpi slt, %iota3A, %lt3A_50 : vector<16x12544xi32>
    %jit3A = arith.constant 0xFF800000 : f32
    %broadcast_in_dim3A_52 = vector.broadcast %jit3A : f32 to vector<16x12544xf32>
    %select_n3A = arith.select %lt3A_51, %get3A_49, %broadcast_in_dim3A_52 : vector<16x12544xi1>, vector<16x12544xf32>
    %reduce_max3A_53 = arith.constant dense<0xFF800000> : vector<16xf32>
    %reduce_max3A_54 = vector.multi_reduction <maximumf>, %select_n3A, %reduce_max3A_53 [1] : vector<16x12544xf32> to vector<16xf32>
    %broadcast_in_dim3A_55 = vector.shape_cast %reduce_max3A_54 : vector<16xf32> to vector<16x1xf32>
    %max3A_56 = arith.maximumf %max3A_46, %broadcast_in_dim3A_55 : vector<16x1xf32>
    %neg3A = arith.constant 0.000000e+00 : f32
    %neg3A_57 = vector.broadcast %neg3A : f32 to vector<16x1xf32>
    %neg3A_58 = arith.subf %neg3A_57, %max3A_56 : vector<16x1xf32>
    %exp3A = math.exp %neg3A_58 : vector<16x1xf32>
    %get3A_59 = arith.constant 0 : index
    %get3A_60 = arith.constant 0 : index
    %get3A_61 = vector.load %arg1[%get3A_59, %get3A_60] : memref<16x12544xf32, #tpu.memory_space<vmem>>, vector<16x12544xf32>
    %sub3A = vector.broadcast %max3A_56 : vector<16x1xf32> to vector<16x12544xf32>
    %sub3A_62 = arith.subf %get3A_61, %sub3A : vector<16x12544xf32>
    %exp3A_63 = math.exp %sub3A_62 : vector<16x12544xf32>
    %reduce_sum3A = arith.constant dense<0.000000e+00> : vector<16xf32>
    %reduce_sum3A_64 = vector.multi_reduction <add>, %exp3A_63, %reduce_sum3A [1] : vector<16x12544xf32> to vector<16xf32>
    %broadcast_in_dim3A_65 = vector.shape_cast %reduce_sum3A_64 : vector<16xf32> to vector<16x1xf32>
    %add3A = arith.addf %exp3A, %broadcast_in_dim3A_65 : vector<16x1xf32>
    %get3A_66 = arith.constant 0 : index
    %get3A_67 = arith.constant 0 : index
    %get3A_68 = vector.load %arg2[%get3A_66, %get3A_67] : memref<16x12544xf32, #tpu.memory_space<vmem>>, vector<16x12544xf32>
    %sub3A_69 = vector.broadcast %max3A_56 : vector<16x1xf32> to vector<16x12544xf32>
    %sub3A_70 = arith.subf %get3A_68, %sub3A_69 : vector<16x12544xf32>
    %exp3A_71 = math.exp %sub3A_70 : vector<16x12544xf32>
    %reduce_sum3A_72 = arith.constant dense<0.000000e+00> : vector<16xf32>
    %reduce_sum3A_73 = vector.multi_reduction <add>, %exp3A_71, %reduce_sum3A_72 [1] : vector<16x12544xf32> to vector<16xf32>
    %broadcast_in_dim3A_74 = vector.shape_cast %reduce_sum3A_73 : vector<16xf32> to vector<16x1xf32>
    %add3A_75 = arith.addf %add3A, %broadcast_in_dim3A_74 : vector<16x1xf32>
    %get3A_76 = arith.constant 0 : index
    %get3A_77 = arith.constant 0 : index
    %get3A_78 = vector.load %arg3[%get3A_76, %get3A_77] : memref<16x12544xf32, #tpu.memory_space<vmem>>, vector<16x12544xf32>
    %sub3A_79 = vector.broadcast %max3A_56 : vector<16x1xf32> to vector<16x12544xf32>
    %sub3A_80 = arith.subf %get3A_78, %sub3A_79 : vector<16x12544xf32>
    %exp3A_81 = math.exp %sub3A_80 : vector<16x12544xf32>
    %reduce_sum3A_82 = arith.constant dense<0.000000e+00> : vector<16xf32>
    %reduce_sum3A_83 = vector.multi_reduction <add>, %exp3A_81, %reduce_sum3A_82 [1] : vector<16x12544xf32> to vector<16xf32>
    %broadcast_in_dim3A_84 = vector.shape_cast %reduce_sum3A_83 : vector<16xf32> to vector<16x1xf32>
    %add3A_85 = arith.addf %add3A_75, %broadcast_in_dim3A_84 : vector<16x1xf32>
    %get3A_86 = arith.constant 0 : index
    %get3A_87 = arith.constant 0 : index
    %get3A_88 = vector.load %arg4[%get3A_86, %get3A_87] : memref<16x12544xf32, #tpu.memory_space<vmem>>, vector<16x12544xf32>
    %sub3A_89 = vector.broadcast %max3A_56 : vector<16x1xf32> to vector<16x12544xf32>
    %sub3A_90 = arith.subf %get3A_88, %sub3A_89 : vector<16x12544xf32>
    %exp3A_91 = math.exp %sub3A_90 : vector<16x12544xf32>
    %reduce_sum3A_92 = arith.constant dense<0.000000e+00> : vector<16xf32>
    %reduce_sum3A_93 = vector.multi_reduction <add>, %exp3A_91, %reduce_sum3A_92 [1] : vector<16x12544xf32> to vector<16xf32>
    %broadcast_in_dim3A_94 = vector.shape_cast %reduce_sum3A_93 : vector<16xf32> to vector<16x1xf32>
    %add3A_95 = arith.addf %add3A_85, %broadcast_in_dim3A_94 : vector<16x1xf32>
    %get3A_96 = arith.constant 0 : index
    %get3A_97 = arith.constant 0 : index
    %get3A_98 = vector.load %arg5[%get3A_96, %get3A_97] : memref<16x12544xf32, #tpu.memory_space<vmem>>, vector<16x12544xf32>
    %sub3A_99 = vector.broadcast %max3A_56 : vector<16x1xf32> to vector<16x12544xf32>
    %sub3A_100 = arith.subf %get3A_98, %sub3A_99 : vector<16x12544xf32>
    %exp3A_101 = math.exp %sub3A_100 : vector<16x12544xf32>
    %reduce_sum3A_102 = arith.constant dense<0.000000e+00> : vector<16xf32>
    %reduce_sum3A_103 = vector.multi_reduction <add>, %exp3A_101, %reduce_sum3A_102 [1] : vector<16x12544xf32> to vector<16xf32>
    %broadcast_in_dim3A_104 = vector.shape_cast %reduce_sum3A_103 : vector<16xf32> to vector<16x1xf32>
    %add3A_105 = arith.addf %add3A_95, %broadcast_in_dim3A_104 : vector<16x1xf32>
    %get3A_106 = arith.constant 0 : index
    %get3A_107 = arith.constant 0 : index
    %get3A_108 = vector.load %arg6[%get3A_106, %get3A_107] : memref<16x12544xf32, #tpu.memory_space<vmem>>, vector<16x12544xf32>
    %sub3A_109 = vector.broadcast %max3A_56 : vector<16x1xf32> to vector<16x12544xf32>
    %sub3A_110 = arith.subf %get3A_108, %sub3A_109 : vector<16x12544xf32>
    %exp3A_111 = math.exp %sub3A_110 : vector<16x12544xf32>
    %reduce_sum3A_112 = arith.constant dense<0.000000e+00> : vector<16xf32>
    %reduce_sum3A_113 = vector.multi_reduction <add>, %exp3A_111, %reduce_sum3A_112 [1] : vector<16x12544xf32> to vector<16xf32>
    %broadcast_in_dim3A_114 = vector.shape_cast %reduce_sum3A_113 : vector<16xf32> to vector<16x1xf32>
    %add3A_115 = arith.addf %add3A_105, %broadcast_in_dim3A_114 : vector<16x1xf32>
    %get3A_116 = arith.constant 0 : index
    %get3A_117 = arith.constant 0 : index
    %get3A_118 = vector.load %arg7[%get3A_116, %get3A_117] : memref<16x12544xf32, #tpu.memory_space<vmem>>, vector<16x12544xf32>
    %sub3A_119 = vector.broadcast %max3A_56 : vector<16x1xf32> to vector<16x12544xf32>
    %sub3A_120 = arith.subf %get3A_118, %sub3A_119 : vector<16x12544xf32>
    %exp3A_121 = math.exp %sub3A_120 : vector<16x12544xf32>
    %reduce_sum3A_122 = arith.constant dense<0.000000e+00> : vector<16xf32>
    %reduce_sum3A_123 = vector.multi_reduction <add>, %exp3A_121, %reduce_sum3A_122 [1] : vector<16x12544xf32> to vector<16xf32>
    %broadcast_in_dim3A_124 = vector.shape_cast %reduce_sum3A_123 : vector<16xf32> to vector<16x1xf32>
    %add3A_125 = arith.addf %add3A_115, %broadcast_in_dim3A_124 : vector<16x1xf32>
    %get3A_126 = arith.constant 0 : index
    %get3A_127 = arith.constant 0 : index
    %get3A_128 = vector.load %arg8[%get3A_126, %get3A_127] : memref<16x12544xf32, #tpu.memory_space<vmem>>, vector<16x12544xf32>
    %iota3A_129 = tpu.iota {dimensions = array<i32: 1>} : vector<16x12544xi32>
    %lt3A_130 = arith.constant 12192 : i32
    %lt3A_131 = vector.broadcast %lt3A_130 : i32 to vector<16x12544xi32>
    %lt3A_132 = arith.cmpi slt, %iota3A_129, %lt3A_131 : vector<16x12544xi32>
    %jit3A_133 = arith.constant 0xFF800000 : f32
    %broadcast_in_dim3A_134 = vector.broadcast %jit3A_133 : f32 to vector<16x12544xf32>
    %select_n3A_135 = arith.select %lt3A_132, %get3A_128, %broadcast_in_dim3A_134 : vector<16x12544xi1>, vector<16x12544xf32>
    %sub3A_136 = vector.broadcast %max3A_56 : vector<16x1xf32> to vector<16x12544xf32>
    %sub3A_137 = arith.subf %select_n3A_135, %sub3A_136 : vector<16x12544xf32>
    %exp3A_138 = math.exp %sub3A_137 : vector<16x12544xf32>
    %reduce_sum3A_139 = arith.constant dense<0.000000e+00> : vector<16xf32>
    %reduce_sum3A_140 = vector.multi_reduction <add>, %exp3A_138, %reduce_sum3A_139 [1] : vector<16x12544xf32> to vector<16xf32>
    %broadcast_in_dim3A_141 = vector.shape_cast %reduce_sum3A_140 : vector<16xf32> to vector<16x1xf32>
    %add3A_142 = arith.addf %add3A_125, %broadcast_in_dim3A_141 : vector<16x1xf32>
    %log3A = math.log %add3A_142 : vector<16x1xf32>
    %add3A_143 = arith.addf %max3A_56, %log3A : vector<16x1xf32>
    %swap3A = arith.constant 0 : index
    %swap3A_144 = arith.constant 0 : index
    %swap3A_145 = vector.load %arg9[%swap3A, %swap3A_144] : memref<16x1xf32, #tpu.memory_space<vmem>>, vector<16x1xf32>
    tpu.vector_store %arg9[%swap3A, %swap3A_144], %add3A_143 {strides = array<i32>} : memref<16x1xf32, #tpu.memory_space<vmem>>, vector<16x1xf32>,
    return
  }
  func.func @transform_0(%arg0: i32) -> (i32, i32) {
    %c0_i32 = arith.constant 0 : i32
    %c0_i32_0 = arith.constant 0 : i32
    return %arg0, %c0_i32 : i32, i32
  }
  func.func @transform_1(%arg0: i32) -> (i32, i32) {
    %c1_i32 = arith.constant 1 : i32
    %c0_i32 = arith.constant 0 : i32
    return %arg0, %c1_i32 : i32, i32
  }
  func.func @transform_2(%arg0: i32) -> (i32, i32) {
    %c2_i32 = arith.constant 2 : i32
    %c0_i32 = arith.constant 0 : i32
    return %arg0, %c2_i32 : i32, i32
  }
  func.func @transform_3(%arg0: i32) -> (i32, i32) {
    %c3_i32 = arith.constant 3 : i32
    %c0_i32 = arith.constant 0 : i32
    return %arg0, %c3_i32 : i32, i32
  }
  func.func @transform_4(%arg0: i32) -> (i32, i32) {
    %c4_i32 = arith.constant 4 : i32
    %c0_i32 = arith.constant 0 : i32
    return %arg0, %c4_i32 : i32, i32
  }
  func.func @transform_5(%arg0: i32) -> (i32, i32) {
    %c5_i32 = arith.constant 5 : i32
    %c0_i32 = arith.constant 0 : i32
    return %arg0, %c5_i32 : i32, i32
  }
  func.func @transform_6(%arg0: i32) -> (i32, i32) {
    %c6_i32 = arith.constant 6 : i32
    %c0_i32 = arith.constant 0 : i32
    return %arg0, %c6_i32 : i32, i32
  }
  func.func @transform_7(%arg0: i32) -> (i32, i32) {
    %c7_i32 = arith.constant 7 : i32
    %c0_i32 = arith.constant 0 : i32
    return %arg0, %c7_i32 : i32, i32
  }
  func.func @transform_8(%arg0: i32) -> (i32, i32) {
    %c0_i32 = arith.constant 0 : i32
    %c0_i32_0 = arith.constant 0 : i32
    return %arg0, %c0_i32 : i32, i32
  }
}

module attributes {stable_mosaic.version = 14 : i64} {
  func.func @_comb_body(%arg0: memref<1024x64xf32, #tpu.memory_space<vmem>>, %arg1: memref<1024x1xf32, #tpu.memory_space<vmem>>, %arg2: memref<1024x1xf32, #tpu.memory_space<vmem>>) attributes {dimension_semantics = [], scalar_prefetch = 0 : i64, scratch_operands = 0 : i64, tpu.core_type = #tpu.core_type<tc>} {
    %get3A = arith.constant 0 : index
    %get3A_0 = arith.constant 0 : index
    %get3A_1 = vector.load %arg0[%get3A, %get3A_0] : memref<1024x64xf32, #tpu.memory_space<vmem>>, vector<1024x64xf32>
    %get3A_2 = arith.constant 0 : index
    %get3A_3 = arith.constant 0 : index
    %get3A_4 = vector.load %arg1[%get3A_2, %get3A_3] : memref<1024x1xf32, #tpu.memory_space<vmem>>, vector<1024x1xf32>
    %iota3A = tpu.iota {dimensions = array<i32: 1>} : vector<1024x64xi32>
    %lt3A = arith.constant 50 : i32
    %lt3A_5 = vector.broadcast %lt3A : i32 to vector<1024x64xi32>
    %lt3A_6 = arith.cmpi slt, %iota3A, %lt3A_5 : vector<1024x64xi32>
    %jit3A = arith.constant 0xFF800000 : f32
    %broadcast_in_dim3A = vector.broadcast %jit3A : f32 to vector<1024x64xf32>
    %select_n3A = arith.select %lt3A_6, %get3A_1, %broadcast_in_dim3A : vector<1024x64xi1>, vector<1024x64xf32>
    %reduce_max3A = arith.constant dense<0xFF800000> : vector<1024xf32>
    %reduce_max3A_7 = vector.multi_reduction <maximumf>, %select_n3A, %reduce_max3A [1] : vector<1024x64xf32> to vector<1024xf32>
    %broadcast_in_dim3A_8 = vector.shape_cast %reduce_max3A_7 : vector<1024xf32> to vector<1024x1xf32>
    %sub3A = vector.broadcast %broadcast_in_dim3A_8 : vector<1024x1xf32> to vector<1024x64xf32>
    %sub3A_9 = arith.subf %get3A_1, %sub3A : vector<1024x64xf32>
    %exp3A = math.exp %sub3A_9 : vector<1024x64xf32>
    %jit3A_10 = arith.constant 0.000000e+00 : f32
    %broadcast_in_dim3A_11 = vector.broadcast %jit3A_10 : f32 to vector<1024x64xf32>
    %select_n3A_12 = arith.select %lt3A_6, %exp3A, %broadcast_in_dim3A_11 : vector<1024x64xi1>, vector<1024x64xf32>
    %reduce_sum3A = arith.constant dense<0.000000e+00> : vector<1024xf32>
    %reduce_sum3A_13 = vector.multi_reduction <add>, %select_n3A_12, %reduce_sum3A [1] : vector<1024x64xf32> to vector<1024xf32>
    %broadcast_in_dim3A_14 = vector.shape_cast %reduce_sum3A_13 : vector<1024xf32> to vector<1024x1xf32>
    %log3A = math.log %broadcast_in_dim3A_14 : vector<1024x1xf32>
    %add3A = arith.addf %broadcast_in_dim3A_8, %log3A : vector<1024x1xf32>
    %neg3A = arith.constant 0.000000e+00 : f32
    %neg3A_15 = vector.broadcast %neg3A : f32 to vector<1024x64xf32>
    %neg3A_16 = arith.subf %neg3A_15, %get3A_1 : vector<1024x64xf32>
    %jit3A_17 = arith.constant 0xFF800000 : f32
    %broadcast_in_dim3A_18 = vector.broadcast %jit3A_17 : f32 to vector<1024x64xf32>
    %select_n3A_19 = arith.select %lt3A_6, %neg3A_16, %broadcast_in_dim3A_18 : vector<1024x64xi1>, vector<1024x64xf32>
    %reduce_max3A_20 = arith.constant dense<0xFF800000> : vector<1024xf32>
    %reduce_max3A_21 = vector.multi_reduction <maximumf>, %select_n3A_19, %reduce_max3A_20 [1] : vector<1024x64xf32> to vector<1024xf32>
    %broadcast_in_dim3A_22 = vector.shape_cast %reduce_max3A_21 : vector<1024xf32> to vector<1024x1xf32>
    %max3A = arith.constant 0.000000e+00 : f32
    %max3A_23 = vector.broadcast %max3A : f32 to vector<1024x1xf32>
    %max3A_24 = arith.maximumf %broadcast_in_dim3A_22, %max3A_23 : vector<1024x1xf32>
    %neg3A_25 = arith.constant 0.000000e+00 : f32
    %neg3A_26 = vector.broadcast %neg3A_25 : f32 to vector<1024x64xf32>
    %neg3A_27 = arith.subf %neg3A_26, %get3A_1 : vector<1024x64xf32>
    %sub3A_28 = vector.broadcast %max3A_24 : vector<1024x1xf32> to vector<1024x64xf32>
    %sub3A_29 = arith.subf %neg3A_27, %sub3A_28 : vector<1024x64xf32>
    %exp3A_30 = math.exp %sub3A_29 : vector<1024x64xf32>
    %jit3A_31 = arith.constant 0.000000e+00 : f32
    %broadcast_in_dim3A_32 = vector.broadcast %jit3A_31 : f32 to vector<1024x64xf32>
    %select_n3A_33 = arith.select %lt3A_6, %exp3A_30, %broadcast_in_dim3A_32 : vector<1024x64xi1>, vector<1024x64xf32>
    %reduce_sum3A_34 = arith.constant dense<0.000000e+00> : vector<1024xf32>
    %reduce_sum3A_35 = vector.multi_reduction <add>, %select_n3A_33, %reduce_sum3A_34 [1] : vector<1024x64xf32> to vector<1024xf32>
    %broadcast_in_dim3A_36 = vector.shape_cast %reduce_sum3A_35 : vector<1024xf32> to vector<1024x1xf32>
    %neg3A_37 = arith.constant 0.000000e+00 : f32
    %neg3A_38 = vector.broadcast %neg3A_37 : f32 to vector<1024x1xf32>
    %neg3A_39 = arith.subf %neg3A_38, %max3A_24 : vector<1024x1xf32>
    %exp3A_40 = math.exp %neg3A_39 : vector<1024x1xf32>
    %add3A_41 = arith.addf %broadcast_in_dim3A_36, %exp3A_40 : vector<1024x1xf32>
    %log3A_42 = math.log %add3A_41 : vector<1024x1xf32>
    %add3A_43 = arith.addf %max3A_24, %log3A_42 : vector<1024x1xf32>
    %sub3A_44 = arith.subf %add3A, %get3A_4 : vector<1024x1xf32>
    %exp3A_45 = math.exp %sub3A_44 : vector<1024x1xf32>
    %sub3A_46 = arith.constant 1.000000e+00 : f32
    %sub3A_47 = vector.broadcast %sub3A_46 : f32 to vector<1024x1xf32>
    %sub3A_48 = arith.subf %sub3A_47, %exp3A_45 : vector<1024x1xf32>
    %jit3A_49 = arith.constant 9.99999996E-13 : f32
    %jit3A_50 = arith.constant 1.000000e+00 : f32
    %max3A_51 = vector.broadcast %jit3A_49 : f32 to vector<1024x1xf32>
    %max3A_52 = arith.maximumf %max3A_51, %sub3A_48 : vector<1024x1xf32>
    %min3A = vector.broadcast %jit3A_50 : f32 to vector<1024x1xf32>
    %min3A_53 = arith.minimumf %min3A, %max3A_52 : vector<1024x1xf32>
    %add3A_54 = arith.addf %add3A_43, %get3A_4 : vector<1024x1xf32>
    %log3A_55 = math.log %min3A_53 : vector<1024x1xf32>
    %add3A_56 = arith.addf %add3A_54, %log3A_55 : vector<1024x1xf32>
    %swap3A = arith.constant 0 : index
    %swap3A_57 = arith.constant 0 : index
    %swap3A_58 = vector.load %arg2[%swap3A, %swap3A_57] : memref<1024x1xf32, #tpu.memory_space<vmem>>, vector<1024x1xf32>
    tpu.vector_store %arg2[%swap3A, %swap3A_57], %add3A_56 {strides = array<i32>} : memref<1024x1xf32, #tpu.memory_space<vmem>>, vector<1024x1xf32>,
    return
  }
}

</mosaic_0001>

<sc_bundles>
// kernel: kernel.5.cloned.1.call-start
scs
__scs_entry_jumppad:
0x0: {  	(pc) =	sbr.rel $0x88, $3  }
0x1: {  	(tag) =	ssettag $0x0;
	lr =	simm.s32 $0x1  }
0x2: {  	[smem:$0x3F9F] =	sst lr;
	_ =	strace $0xD0000000  }
0x3: {  	_ = 	snop  }
0x4: {  	_ = 	snop  }
0x5: {  	_ = 	snop  }
0x6: {  	_ = 	snop  }
0x7: {  	_ = 	snop  }
__scs_overlays_trampoline_lowered:
0x8: {  	[smem:$0x3FAE] =	sst s0  }
0x9: {  	[smem:$0x3FAF] =	sst s1  }
0xa: {  	[smem:$0x3FB0] =	sst s2  }
0xb: {  	[smem:$0x3FB1] =	sst s3  }
0xc: {  	[smem:$0x3FB2] =	sst s4  }
0xd: {  	[smem:$0x3FB3] =	sst s5  }
0xe: {  	[smem:$0x3FB4] =	sst s6  }
0xf: {  	[smem:$0x3FB5] =	sst s7  }
0x10: {  	[smem:$0x3FB6] =	sst s8  }
0x11: {  	[smem:$0x3FB7] =	sst s9;
	s0 =	simm.s32 @!p0 $0x0  }
0x12: {  	s1 =	sld [smem:$0x3F9D];
	s0 =	simm.s32 @p0 $0x1  }
0x13: {  	[smem:$0x3FB8] =	sst s0;
	s0 =	simm.s32 @!p1 $0x0  }
0x14: {  	s2 =	sld [smem:$0x3F9C];
	s0 =	simm.s32 @p1 $0x1  }
0x15: {  	[smem:$0x3FB9] =	sst s0;
	s0 =	simm.s32 @!p2 $0x0  }
0x16: {  	s3 =	sld [smem:$0x3FDB];
	s0 =	simm.s32 @p2 $0x1  }
0x17: {  	s4 =	simm.s32 $0x1BF5;
	[smem:$0x3FBB] =	sst s0  }
0x18: {  	s0 =	sld [smem:$0x3F9E];
	_ =	swait.ge [sflag:s4], $0x0  }
0x19: {  	s7 =	sld [smem:$0x3F9F]  }
0x1a: {  	s8 =	sadd.s32 $0xFFFFE003, lr  }
0x1b: {  	s9 =	sadd.s32 $0xFFFFFEF7, lr;
	s5 =	simm.s32 $0xFFFFFFFF;
	p2 =	slt.u32 s8, $0xFFFFF086  }
0x1c: {  	p1 =	slt.u32 s9, $0xF7A;
	s5 =	simm.s32 @!p2 $0x0  }
0x1d: {  	s5 =	simm.s32 @p1 $0x1;
	p0 =	seq.s32 s7, s2  }
0x1e: {  	s7 =	smul.u32 @!p0 $0xF7A, s2;
	p2 =	seq.s32 @!p0 s5, $0x0  }
0x1f: {  	s9 =	smul.u32 $0xF7A, s1;
	s8 =	simm.s32 @!p0 $0x1BF5;
	p2 =	por !p2, p0  }
0x20: {  	[sflag:s8] =	ssyncset.s32 @!p0 $0xFFFFF086;
	s6 =	sadd.s32 @!p0 s3, s7;
	s7 =	simm.s32 @!p0 $0x108  }
0x21: {  	s3 =	sadd.s32 s3, s9;
	s6 =	sadd.s32 @!p0 $0x88, s6;
	s7 =	simm.s32 @p2 $0x1082  }
0x22: {  	[simem:s7], [sflag:s8] =	dma.local @!p0 [hbm:s6], $0xF7A  }
0x23: {  	s9 =	sor.u32 $0xD0000000, s2;
	s6 =	simm.s32 $0x108;
	_ =	swait.ge @!p0 [sflag:s8], $0x0  }
0x24: {  	s3 =	sadd.s32 $0x88, s3;
	s6 =	simm.s32 @!p1 $0x1082;
	[sflag:s4] =	ssyncset.s32 $0xFFFFF086  }
0x25: {  	[simem:s6], [sflag:s4] =	dma.local [hbm:s3], $0xF7A  }
0x26: {  	[smem:$0x3F9F] =	sst s1;
	(tag) =	ssettag s2;
	_ =	strace s9  }
0x27: {  	s1 =	sld [smem:$0x3FAF]  }
0x28: {  	s2 =	sld [smem:$0x3FB0]  }
0x29: {  	s4 =	sld [smem:$0x3FB2]  }
0x2a: {  	p0 =	seq.s32 s5, $0x0;
	s5 =	sld [smem:$0x3FB3]  }
0x2b: {  	s6 =	sld [smem:$0x3FB4]  }
0x2c: {  	s7 =	sld [smem:$0x3FB5]  }
0x2d: {  	s3 =	simm.s32 $0x108;
	s8 =	sld [smem:$0x3FB6]  }
0x2e: {  	s3 =	simm.s32 @!p0 $0x1082;
	s9 =	sld [smem:$0x3FB7]  }
0x2f: {  	lr =	sadd.s32 s0, s3;
	s0 =	sld [smem:$0x3FAE]  }
0x30: {  	s3 =	sld [smem:$0x3FB1]  }
0x31: {  	[smem:$0x3FBA] =	sst s10  }
0x32: {  	s10 =	sld [smem:$0x3FB8];
	_ =	sdelay $0x3  }
0x33: {  	p0 =	seq.s32 s10, $0x1;
	s10 =	sld [smem:$0x3FBA];
	_ =	sdelay $0x3  }
0x34: {  	[smem:$0x3FBA] =	sst s10  }
0x35: {  	s10 =	sld [smem:$0x3FB9];
	_ =	sdelay $0x3  }
0x36: {  	p1 =	seq.s32 s10, $0x1;
	s10 =	sld [smem:$0x3FBA];
	_ =	sdelay $0x3  }
0x37: {  	[smem:$0x3FBA] =	sst s10  }
0x38: {  	s10 =	sld [smem:$0x3FBB]  }
0x39: {  	_ = 	snop;
	(pc) =	sbr.ind lr, $3  }
0x3a: {  	_ = 	snop  }
0x3b: {  	_ = 	snop  }
0x3c: {  	p2 =	seq.s32 s10, $0x1;
	s10 =	sld [smem:$0x3FBA]  }
0x3d: {  	_ =	shalt  }
0x3e: {  	_ =	shalt  }
0x3f: {  	_ =	shalt  }
0x40: {  	_ =	shalt  }
0x41: {  	_ =	shalt  }
0x42: {  	_ =	shalt  }
0x43: {  	_ =	shalt  }
0x44: {  	_ =	shalt  }
0x45: {  	_ =	shalt  }
0x46: {  	_ =	shalt  }
0x47: {  	_ =	shalt  }
0x48: {  	_ =	shalt  }
0x49: {  	_ =	shalt  }
0x4a: {  	_ =	shalt  }
0x4b: {  	_ =	shalt  }
0x4c: {  	_ =	shalt  }
0x4d: {  	_ =	shalt  }
0x4e: {  	_ =	shalt  }
0x4f: {  	_ =	shalt  }
0x50: {  	_ =	shalt  }
0x51: {  	_ =	shalt  }
0x52: {  	_ =	shalt  }
0x53: {  	_ =	shalt  }
0x54: {  	_ =	shalt  }
0x55: {  	_ =	shalt  }
0x56: {  	_ =	shalt  }
0x57: {  	_ =	shalt  }
0x58: {  	_ =	shalt  }
0x59: {  	_ =	shalt  }
0x5a: {  	_ =	shalt  }
0x5b: {  	_ =	shalt  }
0x5c: {  	_ =	shalt  }
0x5d: {  	_ =	shalt  }
0x5e: {  	_ =	shalt  }
0x5f: {  	_ =	shalt  }
0x60: {  	_ =	shalt  }
0x61: {  	_ =	shalt  }
0x62: {  	_ =	shalt  }
0x63: {  	_ =	shalt  }
0x64: {  	_ =	shalt  }
0x65: {  	_ =	shalt  }
0x66: {  	_ =	shalt  }
0x67: {  	_ =	shalt  }
0x68: {  	_ =	shalt  }
0x69: {  	_ =	shalt  }
0x6a: {  	_ =	shalt  }
0x6b: {  	_ =	shalt  }
0x6c: {  	_ =	shalt  }
0x6d: {  	_ =	shalt  }
0x6e: {  	_ =	shalt  }
0x6f: {  	_ =	shalt  }
0x70: {  	_ =	shalt  }
0x71: {  	_ =	shalt  }
0x72: {  	_ =	shalt  }
0x73: {  	_ =	shalt  }
0x74: {  	_ =	shalt  }
0x75: {  	_ =	shalt  }
0x76: {  	_ =	shalt  }
0x77: {  	_ =	shalt  }
0x78: {  	_ =	shalt  }
0x79: {  	_ =	shalt  }
0x7a: {  	_ =	shalt  }
0x7b: {  	_ =	shalt  }
0x7c: {  	_ =	shalt  }
0x7d: {  	_ =	shalt  }
0x7e: {  	_ =	shalt  }
0x7f: {  	_ =	shalt  }
0x80: {  	_ =	shalt  }
0x81: {  	_ =	shalt  }
0x82: {  	_ =	shalt  }
0x83: {  	_ =	shalt  }
0x84: {  	_ =	shalt  }
0x85: {  	_ =	shalt  }
0x86: {  	_ =	shalt  }
0x87: {  	_ =	shalt  }
.Lfunc_end0:
.L_simem_size_0:
called_computation_lowered:
.L_overlay_start_0:
0x88: {  	s2 =	sld [smem:$0x3FD9]  }
0x89: {  	s3 =	sld [smem:$0x3FFE];
	_ =	sdelay $0x1  }
0x8a: {  	s1 =	srdreg.scid  }
0x8b: {  	s0 =	sand.u32 $0x1, s1  }
0x8c: {  	s16 =	sshll.u32 s0, $0xA;
	s2 =	sadd.s32 s3, s2  }
0x8d: {  	s2 =	sadd.s32 s2, s16  }
0x8e: {  	[smem:$0x3FC6] =	sst s2  }
0x8f: {  	_ = 	snop  }
0x90: {  	(tm) =	ssettm $0x1  }
0x91: {  	s17 =	sld [smem:$0x3FFB];
	_ =	sdelay $0x3  }
0x92: {  	_ =	strace s17  }
0x93: {  	s2 =	sld [smem:$0x3FFC];
	_ =	sdelay $0x3  }
0x94: {  	_ =	strace s2  }
0x95: {  	s2 =	sld [smem:$0x3FFD];
	_ =	sdelay $0x3  }
0x96: {  	_ =	strace s2  }
0x97: {  	_ =	strace $0x8FFFFFFF  }
0x98: {  	s18 =	sld [smem:$0x3FDB];
	_ =	sdelay $0x1  }
0x99: {  	s19 =	simm.s32 $_scs_section_size  }
0x9a: {  	s4 =	simm.s32 $_size__tile_overlayer_lowered;
	s5 =	simm.s32 $_tile_overlayer_lowered  }
0x9b: {  	s22 =	simm.s32 $0x1BFF;
	s21 =	sshll.u32 s5, $0x1;
	s2 =	sadd.s32 s19, s18  }
0x9c: {  	s6 =	simm.s32 $0x0;
	s20 =	sshll.u32 s4, $0x1;
	s4 =	sadd.s32 s21, s2  }
0x9d: {  	[timem:s6], [sflag:s22] =	dma.local [hbm:s4], s20  }
0x9e: {  	_ =	swait.ge [sflag:s22], s20  }
0x9f: {  	s3 =	ssub.s32 $0x0, s20;
	[sflag:s22] =	ssyncset.done $0x0  }
0xa0: {  	[sflag:s22] =	ssyncadd.s32 s3;
	_ =	sdelay $0x1  }
0xa1: {  	s23 =	simm.s32 $0x1B8B  }
0xa2: {  	_ =	swait.ge [sflag:s23], $0x1  }
0xa3: {  	[sflag:s23] =	ssyncset.done $0x0  }
0xa4: {  	s25 =	simm.s32 $0x1B8E;
	s24 =	sld [smem:$0x3FFE];
	[sflag:s23] =	ssyncadd.s32 $0xFFFFFFFF  }
0xa5: {  	s26 =	simm.s32 $execute0_lowered;
	[smem:$0x3FD2] =	sst s25  }
0xa6: {  	s4 =	sshll.u32 s26, $0x1;
	_ =	strace $0x80000046;
	[dreg:$0x1] =	wrdreg $0xFFFFFFFF  }
0xa7: {  	s28 =	simm.s32 $_size_execute0_lowered;
	s2 =	sadd.s32 s2, s4;
	[dreg:$0x0] =	wrdreg $0x0  }
0xa8: {  	s4 =	sshll.u32 s28, $0x1;
	[dreg:$0x2] =	wrdreg s2  }
0xa9: {  	[dreg:$0x3] =	wrdreg s4  }
0xaa: {  	[dreg:$0x4] =	wrdreg $0xC0  }
0xab: {  	_ =	task [dreg:s6], $0x5FFFF  }
0xac: {  	[dreg:$0x1] =	wrdreg $0xFFFFFFFF  }
0xad: {  	[dreg:$0x0] =	wrdreg $0x60  }
0xae: {  	[dreg:$0x2] =	wrdreg s24  }
0xaf: {  	[dreg:$0x3] =	wrdreg $0x9  }
0xb0: {  	_ =	task.clear_ibuf [dreg:s6], $0x4FFFF;
	_ =	strace $0x90000046  }
0xb1: {  	s29 =	simm.s32 $0x9;
	_ =	strace $0x80000048  }
0xb2: {  	_ =	swait.ge [sflag:s29], $0x1  }
0xb3: {  	[sflag:s29] =	ssyncadd.s32 $0xFFFFFFFF  }
0xb4: {  	_ =	strace $0x90000048  }
0xb5: {  	_ =	sfence  }
0xb6: {  	s30 =	sld [smem:$0x0];
	_ =	sdelay $0x2  }
0xb7: {  	s31 =	sshll.u32 s1, $0xD;
	s1 =	sshrl.u32 s1, $0x2  }
0xb8: {  	s3 =	sand.u32 $0x4000, s31;
	s1 =	sadd.s32 s1, s30  }
0xb9: {  	s0 =	sor.u32 s3, s0;
	s1 =	sshll.u32 s1, $0x11  }
0xba: {  	s0 =	sor.u32 s1, s0  }
0xbb: {  	s0 =	sadd.s32 $0x8F2B, s0  }
0xbc: {  	[sflag:s0] =	ssyncadd.remote.s32 $0x1  }
0xbd: {  	_ =	sfence.sel $0xFFFF  }
0xbe: {  	[dreg:$0x0] =	wrdreg $0xFFFFFFFF;
	(pc) =	sbr.abs _section_cstart, $3  }
0xbf: {  	[dreg:$0x1] =	wrdreg $0xFFFFFFFF  }
0xc0: {  	_ =	task.clear_ibuf [dreg:s6], $0x2FFFF;
	_ =	strace $0x9FFFFFFF  }
0xc1: {  	(tm) =	ssettm $0x7FFFFFFF  }
tec
execute0_lowered:
.L_overlay_start_1:
0x0: {  	(tag) =	ssettag $0x1  }
0x1: {  	s1 =	srdreg.scid;
	s0 =	stileid.u32  }
0x2: {  	s1 =	sand.u32 $0x1, s1;
	s3 =	sshll.u32 s0, $0x1  }
0x3: {  	s7 =	rddreg [dreg:$0x0];
	s2 =	simm.s32 $0x0;
	s5 =	sor.u32 s1, s3  }
0x4: {  	[smem:$0x7FF] =	sst s2;
	s11 =	sadd.s32 $0x5000, s7;
	s3 =	sshll.u32 s5, $0x9  }
0x5: {  	s14 =	sadd.s32 $0x5010, s7;
	s15 =	smul.u32 $0x61C00, s5;
	s4 =	sadd.s32 s3, s7  }
0x6: {  	s13 =	sadd.s32 $0x5020, s7;
	_ =	strace $0x80000047;
	s3 =	sadd.s32 $0xE00, s4  }
0x7: {  	s9 =	smul.u32 $0x30D400, s5;
	s8 =	sadd.s32 s11, s15;
	[dreg:$0x2] =	wrdreg s3  }
0x8: {  	s6 =	smul.u32 $0x61A80, s5;
	s0 =	sadd.s32 s15, s14;
	[dreg:$0x3] =	wrdreg s8  }
0x9: {  	s26 =	sshrl.u32 s9, $0x3;
	s10 =	sadd.s32 s15, s13;
	[dreg:$0x5] =	wrdreg s0  }
0xa: {  	s4 =	sadd.s32 $0x1872000, s4;
	s3 =	sadd.s32 $0xC3D000, s7;
	[dreg:$0x7] =	wrdreg s10  }
0xb: {  	s10 =	sadd.s32 $0x5030, s7;
	[smem:$0x7B2] =	sst s4;
	s6 =	sadd.s32 s3, s6  }
0xc: {  	s8 =	sadd.s32 $0x5040, s7;
	s17 =	sadd.s32 s15, s10;
	[dreg:$0x4] =	wrdreg s6  }
0xd: {  	s16 =	sadd.s32 s3, s26;
	s19 =	sadd.s32 s15, s8;
	[dreg:$0x9] =	wrdreg s17  }
0xe: {  	s9 =	sadd.s32 $0x30D4, s16;
	[dreg:$0xb] =	wrdreg s19  }
0xf: {  	s12 =	sadd.s32 $0x61A8, s16;
	[dreg:$0x6] =	wrdreg s9  }
0x10: {  	s18 =	sadd.s32 $0x927C, s16;
	s20 =	sadd.s32 $0xC350, s16;
	[dreg:$0x8] =	wrdreg s12  }
0x11: {  	s6 =	sadd.s32 $0x5060, s7;
	s22 =	sadd.s32 $0x124F8, s16;
	[dreg:$0xa] =	wrdreg s18  }
0x12: {  	s9 =	sadd.s32 $0x5050, s7;
	[dreg:$0xc] =	wrdreg s20;
	s12 =	sadd.s32 $0xF424, s16  }
0x13: {  	s17 =	sadd.s32 s15, s6;
	s7 =	sadd.s32 $0x5070, s7;
	[dreg:$0x10] =	wrdreg s22  }
0x14: {  	s16 =	sadd.s32 $0x155CC, s16;
	[dreg:$0xe] =	wrdreg s12;
	s12 =	sshll.u32 s5, $0x5  }
0x15: {  	s21 =	sadd.s32 s15, s9;
	[dreg:$0xf] =	wrdreg s17;
	s18 =	sor.u32 $0x8, s12  }
0x16: {  	s15 =	sadd.s32 s15, s7;
	s26 =	sor.u32 $0x9, s12;
	s25 =	smul.u32 $0x30D4, s18  }
0x17: {  	[dreg:$0xd] =	wrdreg s21;
	s23 =	sshrl.u32 s18, $0x3;
	s21 =	smul.u32 $0x30D4, s26  }
0x18: {  	s20 =	sor.u32 $0xA, s12;
	s0 =	sshrl.u32 s26, $0x3;
	s24 =	smul.u32 $0x18700, s23  }
0x19: {  	[dreg:$0x12] =	wrdreg s16;
	s22 =	sshrl.u32 s20, $0x3;
	s16 =	smul.u32 $0x18700, s0  }
0x1a: {  	[dreg:$0x11] =	wrdreg s15;
	s23 =	smul.u32 $0x18700, s22;
	s0 =	sor.u32 $0xC, s12  }
0x1b: {  	s22 =	sor.u32 $0xD, s12;
	s19 =	sadd.s32 s3, s25;
	s17 =	sadd.s32 s3, s21  }
0x1c: {  	s15 =	sadd.s32 s11, s24;
	[dreg:$0x14] =	wrdreg s19;
	s16 =	sadd.s32 s16, s14  }
0x1d: {  	s24 =	sor.u32 $0xB, s12;
	[dreg:$0x13] =	wrdreg s15;
	s15 =	smul.u32 $0x30D4, s20  }
0x1e: {  	[dreg:$0x16] =	wrdreg s17;
	s25 =	sshrl.u32 s24, $0x3;
	s19 =	smul.u32 $0x30D4, s24  }
0x1f: {  	[dreg:$0x15] =	wrdreg s16;
	s20 =	sshrl.u32 s0, $0x3;
	s26 =	smul.u32 $0x18700, s25  }
0x20: {  	s16 =	sadd.s32 s23, s13;
	s23 =	sshrl.u32 s22, $0x3;
	s21 =	smul.u32 $0x18700, s20  }
0x21: {  	[dreg:$0x17] =	wrdreg s16;
	s24 =	smul.u32 $0x18700, s23;
	s25 =	sor.u32 $0xE, s12  }
0x22: {  	s15 =	sadd.s32 s3, s15;
	s17 =	sadd.s32 s3, s19;
	s19 =	sor.u32 $0xF, s12  }
0x23: {  	[dreg:$0x18] =	wrdreg s15;
	s16 =	sadd.s32 s26, s10;
	s15 =	smul.u32 $0x30D4, s0  }
0x24: {  	[dreg:$0x1a] =	wrdreg s17;
	s26 =	smul.u32 $0x30D4, s22;
	s0 =	sshrl.u32 s25, $0x3  }
0x25: {  	s20 =	sshrl.u32 s19, $0x3;
	s22 =	sor.u32 $0x10, s12;
	s23 =	smul.u32 $0x30D4, s19  }
0x26: {  	[dreg:$0x19] =	wrdreg s16;
	s16 =	sadd.s32 s21, s8;
	s18 =	smul.u32 $0x18700, s0  }
0x27: {  	s21 =	smul.u32 $0x18700, s20;
	[dreg:$0x1b] =	wrdreg s16;
	s15 =	sadd.s32 s3, s15  }
0x28: {  	s20 =	sor.u32 $0x12, s12;
	s16 =	sadd.s32 s24, s9;
	[dreg:$0x1c] =	wrdreg s15  }
0x29: {  	s17 =	sadd.s32 s3, s26;
	s24 =	sshrl.u32 s22, $0x3;
	[dreg:$0x1d] =	wrdreg s16  }
0x2a: {  	s26 =	sor.u32 $0x11, s12;
	s15 =	smul.u32 $0x30D4, s25;
	[dreg:$0x1e] =	wrdreg s17  }
0x2b: {  	s16 =	sadd.s32 s18, s6;
	s25 =	smul.u32 $0x18700, s24;
	s17 =	sadd.s32 s3, s23  }
0x2c: {  	s0 =	sshrl.u32 s26, $0x3;
	s24 =	sor.u32 $0x13, s12;
	[dreg:$0x1f] =	wrdreg s16  }
0x2d: {  	s16 =	sadd.s32 s21, s7;
	[smem:$0x7B5] =	sst s17;
	s19 =	smul.u32 $0x18700, s0  }
0x2e: {  	s21 =	smul.u32 $0x30D4, s26;
	s15 =	sadd.s32 s3, s15;
	[smem:$0x7B4] =	sst s16  }
0x2f: {  	s0 =	sor.u32 $0x14, s12;
	s16 =	sadd.s32 s11, s25;
	[smem:$0x7B3] =	sst s15  }
0x30: {  	s25 =	sshrl.u32 s24, $0x3;
	s15 =	smul.u32 $0x30D4, s22;
	[smem:$0x7B6] =	sst s16  }
0x31: {  	s16 =	sadd.s32 s19, s14;
	s22 =	sshrl.u32 s20, $0x3;
	s26 =	smul.u32 $0x18700, s25  }
0x32: {  	s17 =	sadd.s32 s3, s21;
	s19 =	smul.u32 $0x30D4, s24;
	[smem:$0x7B8] =	sst s16  }
0x33: {  	s25 =	sor.u32 $0x16, s12;
	s23 =	smul.u32 $0x18700, s22;
	[smem:$0x7B9] =	sst s17  }
0x34: {  	s22 =	sor.u32 $0x15, s12;
	s15 =	sadd.s32 s3, s15;
	s17 =	sadd.s32 s3, s19  }
0x35: {  	[smem:$0x7B7] =	sst s15;
	s15 =	smul.u32 $0x30D4, s20;
	s20 =	sshrl.u32 s0, $0x3  }
0x36: {  	s16 =	sadd.s32 s23, s13;
	s23 =	sshrl.u32 s22, $0x3;
	s21 =	smul.u32 $0x18700, s20  }
0x37: {  	s19 =	sor.u32 $0x17, s12;
	[smem:$0x7BD] =	sst s17;
	s24 =	smul.u32 $0x18700, s23  }
0x38: {  	[smem:$0x7BA] =	sst s16;
	s16 =	sadd.s32 s26, s10;
	s26 =	smul.u32 $0x30D4, s22  }
0x39: {  	s20 =	sshrl.u32 s19, $0x3;
	s22 =	sor.u32 $0x18, s12;
	s23 =	smul.u32 $0x30D4, s19  }
0x3a: {  	s19 =	sor.u32 $0x1A, s12;
	s15 =	sadd.s32 s3, s15;
	[smem:$0x7BC] =	sst s16  }
0x3b: {  	[smem:$0x7BB] =	sst s15;
	s15 =	smul.u32 $0x30D4, s0;
	s16 =	sadd.s32 s21, s8  }
0x3c: {  	s0 =	sshrl.u32 s25, $0x3;
	s17 =	sadd.s32 s3, s26;
	s21 =	smul.u32 $0x18700, s20  }
0x3d: {  	s26 =	sor.u32 $0x19, s12;
	[smem:$0x7BE] =	sst s16;
	s18 =	smul.u32 $0x18700, s0  }
0x3e: {  	[smem:$0x7C1] =	sst s17;
	s17 =	sadd.s32 s3, s23;
	s0 =	sshrl.u32 s26, $0x3  }
0x3f: {  	s23 =	sor.u32 $0x1B, s12;
	[smem:$0x7C5] =	sst s17;
	s17 =	smul.u32 $0x18700, s0  }
0x40: {  	s16 =	sadd.s32 s24, s9;
	s15 =	sadd.s32 s3, s15;
	s0 =	smul.u32 $0x30D4, s23  }
0x41: {  	s24 =	sshrl.u32 s22, $0x3;
	[smem:$0x7BF] =	sst s15;
	s15 =	smul.u32 $0x30D4, s25  }
0x42: {  	[smem:$0x7C0] =	sst s16;
	s16 =	sadd.s32 s18, s6;
	s25 =	smul.u32 $0x18700, s24  }
0x43: {  	s24 =	sshrl.u32 s23, $0x3;
	[smem:$0x7C2] =	sst s16;
	s16 =	sadd.s32 s21, s7  }
0x44: {  	s14 =	sadd.s32 s17, s14;
	s21 =	sshrl.u32 s19, $0x3;
	[smem:$0x7C4] =	sst s16  }
0x45: {  	s17 =	sor.u32 $0x1D, s12;
	s15 =	sadd.s32 s3, s15;
	[smem:$0x7C8] =	sst s14  }
0x46: {  	s11 =	sadd.s32 s11, s25;
	s18 =	sshrl.u32 s17, $0x3;
	[smem:$0x7C3] =	sst s15  }
0x47: {  	s23 =	smul.u32 $0x30D4, s17;
	s14 =	simm.s32 $0x200;
	[smem:$0x7C6] =	sst s11  }
0x48: {  	s17 =	simm.s32 $0x19980;
	s11 =	smul.u32 $0x30D4, s19;
	[smem:$0x7DB] =	sst s14  }
0x49: {  	s19 =	smul.u32 $0x18700, s18;
	[smem:$0x7DE] =	sst s17;
	s18 =	simm.s32 $0x300  }
0x4a: {  	s25 =	smul.u32 $0x18700, s24;
	s14 =	simm.s32 $0x800;
	[smem:$0x7DF] =	sst s18  }
0x4b: {  	s17 =	simm.s32 $0x19F80;
	[smem:$0x7F2] =	sst s14  }
0x4c: {  	s15 =	smul.u32 $0x30D4, s22;
	s10 =	sadd.s32 s25, s10;
	[smem:$0x7F5] =	sst s17  }
0x4d: {  	s22 =	smul.u32 $0x18700, s21;
	s18 =	simm.s32 $0x900;
	[smem:$0x7CC] =	sst s10  }
0x4e: {  	s15 =	sadd.s32 s3, s15;
	[smem:$0x7F6] =	sst s18  }
0x4f: {  	s5 =	sshllo.u32 s5, $0x5;
	s13 =	sadd.s32 s22, s13;
	[smem:$0x7C7] =	sst s15  }
0x50: {  	s20 =	smul.u32 $0x30D4, s26;
	s11 =	sadd.s32 s3, s11;
	[smem:$0x7CA] =	sst s13  }
0x51: {  	s26 =	sor.u32 $0x1C, s12;
	s21 =	sadd.s32 s19, s9;
	[smem:$0x7CB] =	sst s11  }
0x52: {  	s22 =	sor.u32 $0x1E, s12;
	s12 =	simm.s32 $0x180;
	[smem:$0x7D0] =	sst s21  }
0x53: {  	s25 =	sshrl.u32 s5, $0x3;
	s19 =	simm.s32 $0x19A00;
	[smem:$0x7D9] =	sst s12  }
0x54: {  	s5 =	smul.u32 $0x30D4, s5;
	s15 =	sadd.s32 s3, s20;
	[smem:$0x7E0] =	sst s19  }
0x55: {  	s13 =	sadd.s32 s3, s0;
	[smem:$0x7C9] =	sst s15  }
0x56: {  	s5 =	sadd.s32 s3, s5;
	[smem:$0x7CD] =	sst s13  }
0x57: {  	s24 =	sshrl.u32 s22, $0x3;
	s21 =	simm.s32 $0x19A80;
	[smem:$0x7D5] =	sst s5  }
0x58: {  	s9 =	smul.u32 $0x30D4, s22;
	s22 =	simm.s32 $0x19B00;
	[smem:$0x7E2] =	sst s21  }
0x59: {  	s12 =	simm.s32 $0x780;
	[smem:$0x7E3] =	sst s22  }
0x5a: {  	s11 =	smul.u32 $0x30D4, s26;
	s19 =	simm.s32 $0x1A000;
	[smem:$0x7F0] =	sst s12  }
0x5b: {  	s15 =	sshrl.u32 s26, $0x3;
	s13 =	simm.s32 $0x19880;
	[smem:$0x7F7] =	sst s19  }
0x5c: {  	s10 =	smul.u32 $0x18700, s24;
	s24 =	simm.s32 $0x19B80;
	[smem:$0x7DA] =	sst s13  }
0x5d: {  	s26 =	smul.u32 $0x18700, s25;
	s25 =	simm.s32 $0x500;
	[smem:$0x7E5] =	sst s24  }
0x5e: {  	s5 =	simm.s32 $0x19C80;
	[smem:$0x7E6] =	sst s25  }
0x5f: {  	s21 =	simm.s32 $0x1A080;
	[smem:$0x7E9] =	sst s5  }
0x60: {  	s22 =	simm.s32 $0xA00;
	[smem:$0x7F9] =	sst s21  }
0x61: {  	[smem:$0x7FA] =	sst s22  }
0x62: {  	s20 =	sadd.s32 s3, s11;
	s25 =	rddreg [dreg:$0x2]  }
0x63: {  	s0 =	sadd.s32 s3, s9;
	[smem:$0x7CF] =	sst s20  }
0x64: {  	s9 =	simm.s32 $0x19780;
	[smem:$0x7D3] =	sst s0  }
0x65: {  	s11 =	simm.s32 $0x19800;
	[smem:$0x7D6] =	sst s9  }
0x66: {  	s16 =	smul.u32 $0x18700, s15;
	s15 =	simm.s32 $0x19900;
	[smem:$0x7D8] =	sst s11  }
0x67: {  	s13 =	simm.s32 $0x19E80;
	[smem:$0x7DC] =	sst s15  }
0x68: {  	s24 =	simm.s32 $0xA80;
	[smem:$0x7F1] =	sst s13  }
0x69: {  	s6 =	sadd.s32 s10, s6;
	[smem:$0x7FC] =	sst s24  }
0x6a: {  	[tilespmem:s2], [sflag:$0x2] =	stream.linear.gather [hbm4b:s25+s2], $0x1000, $0x38;
	[tilespmem:$0x1A700] =	vst v63  }
0x6b: {  	s10 =	simm.s32 $0x100;
	[smem:$0x7D2] =	sst s6  }
0x6c: {  	s20 =	simm.s32 $0x380;
	[smem:$0x7D7] =	sst s10  }
0x6d: {  	s0 =	simm.s32 $0x580;
	[smem:$0x7E1] =	sst s20  }
0x6e: {  	s9 =	simm.s32 $0x19D80;
	[smem:$0x7E8] =	sst s0  }
0x6f: {  	s11 =	simm.s32 $0x19E00;
	[smem:$0x7ED] =	sst s9  }
0x70: {  	s15 =	simm.s32 $0x19F00;
	[smem:$0x7EF] =	sst s11  }
0x71: {  	s8 =	sadd.s32 s16, s8;
	[smem:$0x7F3] =	sst s15  }
0x72: {  	s16 =	simm.s32 $0x280;
	[smem:$0x7CE] =	sst s8  }
0x73: {  	s6 =	simm.s32 $0x600;
	[smem:$0x7DD] =	sst s16  }
0x74: {  	s10 =	simm.s32 $0x700;
	[smem:$0x7EA] =	sst s6  }
0x75: {  	s20 =	simm.s32 $0x980;
	[smem:$0x7EE] =	sst s10  }
0x76: {  	s8 =	sadd.s32 s3, s23;
	[smem:$0x7F8] =	sst s20  }
0x77: {  	s23 =	simm.s32 $0x480;
	[smem:$0x7D1] =	sst s8  }
0x78: {  	s16 =	simm.s32 $0x880;
	[smem:$0x7E4] =	sst s23  }
0x79: {  	s8 =	sadd.s32 s26, s7;
	[smem:$0x7F4] =	sst s16  }
0x7a: {  	s26 =	simm.s32 $0x19C00;
	[smem:$0x7D4] =	sst s8  }
0x7b: {  	s7 =	simm.s32 $0x19D00;
	[smem:$0x7E7] =	sst s26  }
0x7c: {  	s23 =	simm.s32 $0x1A100;
	[smem:$0x7EB] =	sst s7  }
0x7d: {  	s8 =	simm.s32 $0x680;
	[smem:$0x7FB] =	sst s23  }
0x7e: {  	s26 =	simm.s32 $0x1A180;
	[smem:$0x7EC] =	sst s8  }
0x7f: {  	s4 =	simm.s32 $0x2;
	[smem:$0x7FD] =	sst s26  }
0x80: {  	_ =	swait.ge [sflag:s4], $0x1000  }
0x81: {  	s5 =	simm.s32 $0x80;
	s6 =	simm.s32 $0x400;
	[sflag:s4] =	ssyncset.done $0x0  }
0x82: {  	s7 =	simm.s32 $0x1000;
	s0 =	rddreg [dreg:$0x3];
	[sflag:s4] =	ssyncadd.s32 $0xFFFFF000  }
0x83: {  	[tilespmem:s7], [sflag:$0x2] =	stream.strided.gather [hbm4b:s0+s5], $0x18700, s6, s5, $0x38;
	[tilespmem:$0x1A700] =	vst v63  }
0x84: {  	_ =	swait.ge [sflag:s4], $0x18700  }
0x85: {  	[sflag:s4] =	ssyncset.done $0x0  }
0x86: {  	s9 =	rddreg [dreg:$0x4];
	[sflag:s4] =	ssyncadd.s32 $0xFFFE7900  }
0x87: {  	[hbm4b:s9+s2] =	stream.linear.scatter [tilespmem:s7], [sflag:$0x2], $0x186A0, $0x38;
	[tilespmem:$0x1A700] =	vst v63  }
0x88: {  	_ =	swait.ge [sflag:s4], $0x186A0  }
0x89: {  	[sflag:s4] =	ssyncset.done $0x0  }
0x8a: {  	s10 =	rddreg [dreg:$0x5];
	[sflag:s4] =	ssyncadd.s32 $0xFFFE7960  }
0x8b: {  	[tilespmem:s7], [sflag:$0x2] =	stream.strided.gather [hbm4b:s10+s5], $0x18700, s6, s5, $0x38;
	[tilespmem:$0x1A700] =	vst v63  }
0x8c: {  	_ =	swait.ge [sflag:s4], $0x18700  }
0x8d: {  	[sflag:s4] =	ssyncset.done $0x0  }
0x8e: {  	s11 =	rddreg [dreg:$0x6];
	[sflag:s4] =	ssyncadd.s32 $0xFFFE7900  }
0x8f: {  	[hbm4b:s11+s2] =	stream.linear.scatter [tilespmem:s7], [sflag:$0x2], $0x186A0, $0x38;
	[tilespmem:$0x1A700] =	vst v63  }
0x90: {  	_ =	swait.ge [sflag:s4], $0x186A0  }
0x91: {  	[sflag:s4] =	ssyncset.done $0x0  }
0x92: {  	s12 =	rddreg [dreg:$0x7];
	[sflag:s4] =	ssyncadd.s32 $0xFFFE7960  }
0x93: {  	[tilespmem:s7], [sflag:$0x2] =	stream.strided.gather [hbm4b:s12+s5], $0x18700, s6, s5, $0x38;
	[tilespmem:$0x1A700] =	vst v63  }
0x94: {  	_ =	swait.ge [sflag:s4], $0x18700  }
0x95: {  	[sflag:s4] =	ssyncset.done $0x0  }
0x96: {  	s13 =	rddreg [dreg:$0x8];
	[sflag:s4] =	ssyncadd.s32 $0xFFFE7900  }
0x97: {  	[hbm4b:s13+s2] =	stream.linear.scatter [tilespmem:s7], [sflag:$0x2], $0x186A0, $0x38;
	[tilespmem:$0x1A700] =	vst v63  }
0x98: {  	_ =	swait.ge [sflag:s4], $0x186A0  }
0x99: {  	[sflag:s4] =	ssyncset.done $0x0  }
0x9a: {  	s14 =	rddreg [dreg:$0x9];
	[sflag:s4] =	ssyncadd.s32 $0xFFFE7960  }
0x9b: {  	[tilespmem:s7], [sflag:$0x2] =	stream.strided.gather [hbm4b:s14+s5], $0x18700, s6, s5, $0x38;
	[tilespmem:$0x1A700] =	vst v63  }
0x9c: {  	_ =	swait.ge [sflag:s4], $0x18700  }
0x9d: {  	[sflag:s4] =	ssyncset.done $0x0  }
0x9e: {  	s15 =	rddreg [dreg:$0xa];
	[sflag:s4] =	ssyncadd.s32 $0xFFFE7900  }
0x9f: {  	[hbm4b:s15+s2] =	stream.linear.scatter [tilespmem:s7], [sflag:$0x2], $0x186A0, $0x38;
	[tilespmem:$0x1A700] =	vst v63  }
0xa0: {  	_ =	swait.ge [sflag:s4], $0x186A0  }
0xa1: {  	[sflag:s4] =	ssyncset.done $0x0  }
0xa2: {  	s16 =	rddreg [dreg:$0xb];
	[sflag:s4] =	ssyncadd.s32 $0xFFFE7960  }
0xa3: {  	[tilespmem:s7], [sflag:$0x2] =	stream.strided.gather [hbm4b:s16+s5], $0x18700, s6, s5, $0x38;
	[tilespmem:$0x1A700] =	vst v63  }
0xa4: {  	_ =	swait.ge [sflag:s4], $0x18700  }
0xa5: {  	[sflag:s4] =	ssyncset.done $0x0  }
0xa6: {  	s17 =	rddreg [dreg:$0xc];
	[sflag:s4] =	ssyncadd.s32 $0xFFFE7900  }
0xa7: {  	[hbm4b:s17+s2] =	stream.linear.scatter [tilespmem:s7], [sflag:$0x2], $0x186A0, $0x38;
	[tilespmem:$0x1A700] =	vst v63  }
0xa8: {  	_ =	swait.ge [sflag:s4], $0x186A0  }
0xa9: {  	[sflag:s4] =	ssyncset.done $0x0  }
0xaa: {  	s18 =	rddreg [dreg:$0xd];
	[sflag:s4] =	ssyncadd.s32 $0xFFFE7960  }
0xab: {  	[tilespmem:s7], [sflag:$0x2] =	stream.strided.gather [hbm4b:s18+s5], $0x18700, s6, s5, $0x38;
	[tilespmem:$0x1A700] =	vst v63  }
0xac: {  	_ =	swait.ge [sflag:s4], $0x18700  }
0xad: {  	[sflag:s4] =	ssyncset.done $0x0  }
0xae: {  	s19 =	rddreg [dreg:$0xe];
	[sflag:s4] =	ssyncadd.s32 $0xFFFE7900  }
0xaf: {  	[hbm4b:s19+s2] =	stream.linear.scatter [tilespmem:s7], [sflag:$0x2], $0x186A0, $0x38;
	[tilespmem:$0x1A700] =	vst v63  }
0xb0: {  	_ =	swait.ge [sflag:s4], $0x186A0  }
0xb1: {  	[sflag:s4] =	ssyncset.done $0x0  }
0xb2: {  	s20 =	rddreg [dreg:$0xf];
	[sflag:s4] =	ssyncadd.s32 $0xFFFE7960  }
0xb3: {  	[tilespmem:s7], [sflag:$0x2] =	stream.strided.gather [hbm4b:s20+s5], $0x18700, s6, s5, $0x38;
	[tilespmem:$0x1A700] =	vst v63  }
0xb4: {  	_ =	swait.ge [sflag:s4], $0x18700  }
0xb5: {  	[sflag:s4] =	ssyncset.done $0x0  }
0xb6: {  	s21 =	rddreg [dreg:$0x10];
	[sflag:s4] =	ssyncadd.s32 $0xFFFE7900  }
0xb7: {  	[hbm4b:s21+s2] =	stream.linear.scatter [tilespmem:s7], [sflag:$0x2], $0x186A0, $0x38;
	[tilespmem:$0x1A700] =	vst v63  }
0xb8: {  	_ =	swait.ge [sflag:s4], $0x186A0  }
0xb9: {  	[sflag:s4] =	ssyncset.done $0x0  }
0xba: {  	s22 =	rddreg [dreg:$0x11];
	[sflag:s4] =	ssyncadd.s32 $0xFFFE7960  }
0xbb: {  	[tilespmem:s7], [sflag:$0x2] =	stream.strided.gather [hbm4b:s22+s5], $0x18700, s6, s5, $0x38;
	[tilespmem:$0x1A700] =	vst v63  }
0xbc: {  	_ =	swait.ge [sflag:s4], $0x18700  }
0xbd: {  	[sflag:s4] =	ssyncset.done $0x0  }
0xbe: {  	s23 =	rddreg [dreg:$0x12];
	[sflag:s4] =	ssyncadd.s32 $0xFFFE7900  }
0xbf: {  	[hbm4b:s23+s2] =	stream.linear.scatter [tilespmem:s7], [sflag:$0x2], $0x186A0, $0x38;
	[tilespmem:$0x1A700] =	vst v63  }
0xc0: {  	_ =	swait.ge [sflag:s4], $0x186A0  }
0xc1: {  	[sflag:s4] =	ssyncset.done $0x0  }
0xc2: {  	s24 =	rddreg [dreg:$0x13];
	[sflag:s4] =	ssyncadd.s32 $0xFFFE7960  }
0xc3: {  	[tilespmem:s7], [sflag:$0x2] =	stream.strided.gather [hbm4b:s24+s5], $0x18700, s6, s5, $0x38;
	[tilespmem:$0x1A700] =	vst v63  }
0xc4: {  	_ =	swait.ge [sflag:s4], $0x18700  }
0xc5: {  	[sflag:s4] =	ssyncset.done $0x0  }
0xc6: {  	s25 =	rddreg [dreg:$0x14];
	[sflag:s4] =	ssyncadd.s32 $0xFFFE7900  }
0xc7: {  	[hbm4b:s25+s2] =	stream.linear.scatter [tilespmem:s7], [sflag:$0x2], $0x186A0, $0x38;
	[tilespmem:$0x1A700] =	vst v63  }
0xc8: {  	_ =	swait.ge [sflag:s4], $0x186A0  }
0xc9: {  	[sflag:s4] =	ssyncset.done $0x0  }
0xca: {  	s26 =	rddreg [dreg:$0x15];
	[sflag:s4] =	ssyncadd.s32 $0xFFFE7960  }
0xcb: {  	[tilespmem:s7], [sflag:$0x2] =	stream.strided.gather [hbm4b:s26+s5], $0x18700, s6, s5, $0x38;
	[tilespmem:$0x1A700] =	vst v63  }
0xcc: {  	_ =	swait.ge [sflag:s4], $0x18700  }
0xcd: {  	[sflag:s4] =	ssyncset.done $0x0  }
0xce: {  	s0 =	rddreg [dreg:$0x16];
	[sflag:s4] =	ssyncadd.s32 $0xFFFE7900  }
0xcf: {  	[hbm4b:s0+s2] =	stream.linear.scatter [tilespmem:s7], [sflag:$0x2], $0x186A0, $0x38;
	[tilespmem:$0x1A700] =	vst v63  }
0xd0: {  	_ =	swait.ge [sflag:s4], $0x186A0  }
0xd1: {  	[sflag:s4] =	ssyncset.done $0x0  }
0xd2: {  	s9 =	rddreg [dreg:$0x17];
	[sflag:s4] =	ssyncadd.s32 $0xFFFE7960  }
0xd3: {  	[tilespmem:s7], [sflag:$0x2] =	stream.strided.gather [hbm4b:s9+s5], $0x18700, s6, s5, $0x38;
	[tilespmem:$0x1A700] =	vst v63  }
0xd4: {  	_ =	swait.ge [sflag:s4], $0x18700  }
0xd5: {  	[sflag:s4] =	ssyncset.done $0x0  }
0xd6: {  	s10 =	rddreg [dreg:$0x18];
	[sflag:s4] =	ssyncadd.s32 $0xFFFE7900  }
0xd7: {  	[hbm4b:s10+s2] =	stream.linear.scatter [tilespmem:s7], [sflag:$0x2], $0x186A0, $0x38;
	[tilespmem:$0x1A700] =	vst v63  }
0xd8: {  	_ =	swait.ge [sflag:s4], $0x186A0  }
0xd9: {  	[sflag:s4] =	ssyncset.done $0x0  }
0xda: {  	s11 =	rddreg [dreg:$0x19];
	[sflag:s4] =	ssyncadd.s32 $0xFFFE7960  }
0xdb: {  	[tilespmem:s7], [sflag:$0x2] =	stream.strided.gather [hbm4b:s11+s5], $0x18700, s6, s5, $0x38;
	[tilespmem:$0x1A700] =	vst v63  }
0xdc: {  	_ =	swait.ge [sflag:s4], $0x18700  }
0xdd: {  	[sflag:s4] =	ssyncset.done $0x0  }
0xde: {  	s12 =	rddreg [dreg:$0x1a];
	[sflag:s4] =	ssyncadd.s32 $0xFFFE7900  }
0xdf: {  	[hbm4b:s12+s2] =	stream.linear.scatter [tilespmem:s7], [sflag:$0x2], $0x186A0, $0x38;
	[tilespmem:$0x1A700] =	vst v63  }
0xe0: {  	_ =	swait.ge [sflag:s4], $0x186A0  }
0xe1: {  	[sflag:s4] =	ssyncset.done $0x0  }
0xe2: {  	s13 =	rddreg [dreg:$0x1b];
	[sflag:s4] =	ssyncadd.s32 $0xFFFE7960  }
0xe3: {  	[tilespmem:s7], [sflag:$0x2] =	stream.strided.gather [hbm4b:s13+s5], $0x18700, s6, s5, $0x38;
	[tilespmem:$0x1A700] =	vst v63  }
0xe4: {  	_ =	swait.ge [sflag:s4], $0x18700  }
0xe5: {  	[sflag:s4] =	ssyncset.done $0x0  }
0xe6: {  	s14 =	rddreg [dreg:$0x1c];
	[sflag:s4] =	ssyncadd.s32 $0xFFFE7900  }
0xe7: {  	[hbm4b:s14+s2] =	stream.linear.scatter [tilespmem:s7], [sflag:$0x2], $0x186A0, $0x38;
	[tilespmem:$0x1A700] =	vst v63  }
0xe8: {  	_ =	swait.ge [sflag:s4], $0x186A0  }
0xe9: {  	[sflag:s4] =	ssyncset.done $0x0  }
0xea: {  	s15 =	rddreg [dreg:$0x1d];
	[sflag:s4] =	ssyncadd.s32 $0xFFFE7960  }
0xeb: {  	[tilespmem:s7], [sflag:$0x2] =	stream.strided.gather [hbm4b:s15+s5], $0x18700, s6, s5, $0x38;
	[tilespmem:$0x1A700] =	vst v63  }
0xec: {  	_ =	swait.ge [sflag:s4], $0x18700  }
0xed: {  	[sflag:s4] =	ssyncset.done $0x0  }
0xee: {  	s16 =	rddreg [dreg:$0x1e];
	[sflag:s4] =	ssyncadd.s32 $0xFFFE7900  }
0xef: {  	[hbm4b:s16+s2] =	stream.linear.scatter [tilespmem:s7], [sflag:$0x2], $0x186A0, $0x38;
	[tilespmem:$0x1A700] =	vst v63  }
0xf0: {  	_ =	swait.ge [sflag:s4], $0x186A0  }
0xf1: {  	[sflag:s4] =	ssyncset.done $0x0  }
0xf2: {  	s17 =	rddreg [dreg:$0x1f];
	[sflag:s4] =	ssyncadd.s32 $0xFFFE7960  }
0xf3: {  	[tilespmem:s7], [sflag:$0x2] =	stream.strided.gather [hbm4b:s17+s5], $0x18700, s6, s5, $0x38;
	[tilespmem:$0x1A700] =	vst v63  }
0xf4: {  	_ =	swait.ge [sflag:s4], $0x18700  }
0xf5: {  	s18 =	sld [smem:$0x7B3]  }
0xf6: {  	[sflag:s4] =	ssyncset.done $0x0  }
0xf7: {  	[sflag:s4] =	ssyncadd.s32 $0xFFFE7900  }
0xf8: {  	[hbm4b:s18+s2] =	stream.linear.scatter [tilespmem:s7], [sflag:$0x2], $0x186A0, $0x38;
	[tilespmem:$0x1A700] =	vst v63  }
0xf9: {  	_ =	swait.ge [sflag:s4], $0x186A0  }
0xfa: {  	s19 =	sld [smem:$0x7B4]  }
0xfb: {  	[sflag:s4] =	ssyncset.done $0x0  }
0xfc: {  	[sflag:s4] =	ssyncadd.s32 $0xFFFE7960  }
0xfd: {  	[tilespmem:s7], [sflag:$0x2] =	stream.strided.gather [hbm4b:s19+s5], $0x18700, s6, s5, $0x38;
	[tilespmem:$0x1A700] =	vst v63  }
0xfe: {  	_ =	swait.ge [sflag:s4], $0x18700  }
0xff: {  	s20 =	sld [smem:$0x7B5]  }
0x100: {  	[sflag:s4] =	ssyncset.done $0x0  }
0x101: {  	[sflag:s4] =	ssyncadd.s32 $0xFFFE7900  }
0x102: {  	[hbm4b:s20+s2] =	stream.linear.scatter [tilespmem:s7], [sflag:$0x2], $0x186A0, $0x38;
	[tilespmem:$0x1A700] =	vst v63  }
0x103: {  	_ =	swait.ge [sflag:s4], $0x186A0  }
0x104: {  	s21 =	sld [smem:$0x7B6]  }
0x105: {  	[sflag:s4] =	ssyncset.done $0x0  }
0x106: {  	[sflag:s4] =	ssyncadd.s32 $0xFFFE7960  }
0x107: {  	[tilespmem:s7], [sflag:$0x2] =	stream.strided.gather [hbm4b:s21+s5], $0x18700, s6, s5, $0x38;
	[tilespmem:$0x1A700] =	vst v63  }
0x108: {  	_ =	swait.ge [sflag:s4], $0x18700  }
0x109: {  	s22 =	sld [smem:$0x7B7]  }
0x10a: {  	[sflag:s4] =	ssyncset.done $0x0  }
0x10b: {  	[sflag:s4] =	ssyncadd.s32 $0xFFFE7900  }
0x10c: {  	[hbm4b:s22+s2] =	stream.linear.scatter [tilespmem:s7], [sflag:$0x2], $0x186A0, $0x38;
	[tilespmem:$0x1A700] =	vst v63  }
0x10d: {  	_ =	swait.ge [sflag:s4], $0x186A0  }
0x10e: {  	s23 =	sld [smem:$0x7B8]  }
0x10f: {  	[sflag:s4] =	ssyncset.done $0x0  }
0x110: {  	[sflag:s4] =	ssyncadd.s32 $0xFFFE7960  }
0x111: {  	[tilespmem:s7], [sflag:$0x2] =	stream.strided.gather [hbm4b:s23+s5], $0x18700, s6, s5, $0x38;
	[tilespmem:$0x1A700] =	vst v63  }
0x112: {  	_ =	swait.ge [sflag:s4], $0x18700  }
0x113: {  	s24 =	sld [smem:$0x7B9]  }
0x114: {  	[sflag:s4] =	ssyncset.done $0x0  }
0x115: {  	[sflag:s4] =	ssyncadd.s32 $0xFFFE7900  }
0x116: {  	[hbm4b:s24+s2] =	stream.linear.scatter [tilespmem:s7], [sflag:$0x2], $0x186A0, $0x38;
	[tilespmem:$0x1A700] =	vst v63  }
0x117: {  	_ =	swait.ge [sflag:s4], $0x186A0  }
0x118: {  	s25 =	sld [smem:$0x7BA]  }
0x119: {  	[sflag:s4] =	ssyncset.done $0x0  }
0x11a: {  	[sflag:s4] =	ssyncadd.s32 $0xFFFE7960  }
0x11b: {  	[tilespmem:s7], [sflag:$0x2] =	stream.strided.gather [hbm4b:s25+s5], $0x18700, s6, s5, $0x38;
	[tilespmem:$0x1A700] =	vst v63  }
0x11c: {  	_ =	swait.ge [sflag:s4], $0x18700  }
0x11d: {  	s26 =	sld [smem:$0x7BB]  }
0x11e: {  	[sflag:s4] =	ssyncset.done $0x0  }
0x11f: {  	[sflag:s4] =	ssyncadd.s32 $0xFFFE7900  }
0x120: {  	[hbm4b:s26+s2] =	stream.linear.scatter [tilespmem:s7], [sflag:$0x2], $0x186A0, $0x38;
	[tilespmem:$0x1A700] =	vst v63  }
0x121: {  	_ =	swait.ge [sflag:s4], $0x186A0  }
0x122: {  	s0 =	sld [smem:$0x7BC]  }
0x123: {  	[sflag:s4] =	ssyncset.done $0x0  }
0x124: {  	[sflag:s4] =	ssyncadd.s32 $0xFFFE7960  }
0x125: {  	[tilespmem:s7], [sflag:$0x2] =	stream.strided.gather [hbm4b:s0+s5], $0x18700, s6, s5, $0x38;
	[tilespmem:$0x1A700] =	vst v63  }
0x126: {  	_ =	swait.ge [sflag:s4], $0x18700  }
0x127: {  	s9 =	sld [smem:$0x7BD]  }
0x128: {  	[sflag:s4] =	ssyncset.done $0x0  }
0x129: {  	[sflag:s4] =	ssyncadd.s32 $0xFFFE7900  }
0x12a: {  	[hbm4b:s9+s2] =	stream.linear.scatter [tilespmem:s7], [sflag:$0x2], $0x186A0, $0x38;
	[tilespmem:$0x1A700] =	vst v63  }
0x12b: {  	_ =	swait.ge [sflag:s4], $0x186A0  }
0x12c: {  	s10 =	sld [smem:$0x7BE]  }
0x12d: {  	[sflag:s4] =	ssyncset.done $0x0  }
0x12e: {  	[sflag:s4] =	ssyncadd.s32 $0xFFFE7960  }
0x12f: {  	[tilespmem:s7], [sflag:$0x2] =	stream.strided.gather [hbm4b:s10+s5], $0x18700, s6, s5, $0x38;
	[tilespmem:$0x1A700] =	vst v63  }
0x130: {  	_ =	swait.ge [sflag:s4], $0x18700  }
0x131: {  	s11 =	sld [smem:$0x7BF]  }
0x132: {  	[sflag:s4] =	ssyncset.done $0x0  }
0x133: {  	[sflag:s4] =	ssyncadd.s32 $0xFFFE7900  }
0x134: {  	[hbm4b:s11+s2] =	stream.linear.scatter [tilespmem:s7], [sflag:$0x2], $0x186A0, $0x38;
	[tilespmem:$0x1A700] =	vst v63  }
0x135: {  	_ =	swait.ge [sflag:s4], $0x186A0  }
0x136: {  	s12 =	sld [smem:$0x7C0]  }
0x137: {  	[sflag:s4] =	ssyncset.done $0x0  }
0x138: {  	[sflag:s4] =	ssyncadd.s32 $0xFFFE7960  }
0x139: {  	[tilespmem:s7], [sflag:$0x2] =	stream.strided.gather [hbm4b:s12+s5], $0x18700, s6, s5, $0x38;
	[tilespmem:$0x1A700] =	vst v63  }
0x13a: {  	_ =	swait.ge [sflag:s4], $0x18700  }
0x13b: {  	s13 =	sld [smem:$0x7C1]  }
0x13c: {  	[sflag:s4] =	ssyncset.done $0x0  }
0x13d: {  	[sflag:s4] =	ssyncadd.s32 $0xFFFE7900  }
0x13e: {  	[hbm4b:s13+s2] =	stream.linear.scatter [tilespmem:s7], [sflag:$0x2], $0x186A0, $0x38;
	[tilespmem:$0x1A700] =	vst v63  }
0x13f: {  	_ =	swait.ge [sflag:s4], $0x186A0  }
0x140: {  	s14 =	sld [smem:$0x7C2]  }
0x141: {  	[sflag:s4] =	ssyncset.done $0x0  }
0x142: {  	[sflag:s4] =	ssyncadd.s32 $0xFFFE7960  }
0x143: {  	[tilespmem:s7], [sflag:$0x2] =	stream.strided.gather [hbm4b:s14+s5], $0x18700, s6, s5, $0x38;
	[tilespmem:$0x1A700] =	vst v63  }
0x144: {  	_ =	swait.ge [sflag:s4], $0x18700  }
0x145: {  	s15 =	sld [smem:$0x7C3]  }
0x146: {  	[sflag:s4] =	ssyncset.done $0x0  }
0x147: {  	[sflag:s4] =	ssyncadd.s32 $0xFFFE7900  }
0x148: {  	[hbm4b:s15+s2] =	stream.linear.scatter [tilespmem:s7], [sflag:$0x2], $0x186A0, $0x38;
	[tilespmem:$0x1A700] =	vst v63  }
0x149: {  	_ =	swait.ge [sflag:s4], $0x186A0  }
0x14a: {  	s16 =	sld [smem:$0x7C4]  }
0x14b: {  	[sflag:s4] =	ssyncset.done $0x0  }
0x14c: {  	[sflag:s4] =	ssyncadd.s32 $0xFFFE7960  }
0x14d: {  	[tilespmem:s7], [sflag:$0x2] =	stream.strided.gather [hbm4b:s16+s5], $0x18700, s6, s5, $0x38;
	[tilespmem:$0x1A700] =	vst v63  }
0x14e: {  	_ =	swait.ge [sflag:s4], $0x18700  }
0x14f: {  	s17 =	sld [smem:$0x7C5]  }
0x150: {  	[sflag:s4] =	ssyncset.done $0x0  }
0x151: {  	[sflag:s4] =	ssyncadd.s32 $0xFFFE7900  }
0x152: {  	[hbm4b:s17+s2] =	stream.linear.scatter [tilespmem:s7], [sflag:$0x2], $0x186A0, $0x38;
	[tilespmem:$0x1A700] =	vst v63  }
0x153: {  	_ =	swait.ge [sflag:s4], $0x186A0  }
0x154: {  	s18 =	sld [smem:$0x7C6]  }
0x155: {  	[sflag:s4] =	ssyncset.done $0x0  }
0x156: {  	[sflag:s4] =	ssyncadd.s32 $0xFFFE7960  }
0x157: {  	[tilespmem:s7], [sflag:$0x2] =	stream.strided.gather [hbm4b:s18+s5], $0x18700, s6, s5, $0x38;
	[tilespmem:$0x1A700] =	vst v63  }
0x158: {  	_ =	swait.ge [sflag:s4], $0x18700  }
0x159: {  	s19 =	sld [smem:$0x7C7]  }
0x15a: {  	[sflag:s4] =	ssyncset.done $0x0  }
0x15b: {  	[sflag:s4] =	ssyncadd.s32 $0xFFFE7900  }
0x15c: {  	[hbm4b:s19+s2] =	stream.linear.scatter [tilespmem:s7], [sflag:$0x2], $0x186A0, $0x38;
	[tilespmem:$0x1A700] =	vst v63  }
0x15d: {  	_ =	swait.ge [sflag:s4], $0x186A0  }
0x15e: {  	s20 =	sld [smem:$0x7C8]  }
0x15f: {  	[sflag:s4] =	ssyncset.done $0x0  }
0x160: {  	[sflag:s4] =	ssyncadd.s32 $0xFFFE7960  }
0x161: {  	[tilespmem:s7], [sflag:$0x2] =	stream.strided.gather [hbm4b:s20+s5], $0x18700, s6, s5, $0x38;
	[tilespmem:$0x1A700] =	vst v63  }
0x162: {  	_ =	swait.ge [sflag:s4], $0x18700  }
0x163: {  	s21 =	sld [smem:$0x7C9]  }
0x164: {  	[sflag:s4] =	ssyncset.done $0x0  }
0x165: {  	[sflag:s4] =	ssyncadd.s32 $0xFFFE7900  }
0x166: {  	[hbm4b:s21+s2] =	stream.linear.scatter [tilespmem:s7], [sflag:$0x2], $0x186A0, $0x38;
	[tilespmem:$0x1A700] =	vst v63  }
0x167: {  	_ =	swait.ge [sflag:s4], $0x186A0  }
0x168: {  	s22 =	sld [smem:$0x7CA]  }
0x169: {  	[sflag:s4] =	ssyncset.done $0x0  }
0x16a: {  	[sflag:s4] =	ssyncadd.s32 $0xFFFE7960  }
0x16b: {  	[tilespmem:s7], [sflag:$0x2] =	stream.strided.gather [hbm4b:s22+s5], $0x18700, s6, s5, $0x38;
	[tilespmem:$0x1A700] =	vst v63  }
0x16c: {  	_ =	swait.ge [sflag:s4], $0x18700  }
0x16d: {  	s23 =	sld [smem:$0x7CB]  }
0x16e: {  	[sflag:s4] =	ssyncset.done $0x0  }
0x16f: {  	[sflag:s4] =	ssyncadd.s32 $0xFFFE7900  }
0x170: {  	[hbm4b:s23+s2] =	stream.linear.scatter [tilespmem:s7], [sflag:$0x2], $0x186A0, $0x38;
	[tilespmem:$0x1A700] =	vst v63  }
0x171: {  	_ =	swait.ge [sflag:s4], $0x186A0  }
0x172: {  	s24 =	sld [smem:$0x7CC]  }
0x173: {  	[sflag:s4] =	ssyncset.done $0x0  }
0x174: {  	[sflag:s4] =	ssyncadd.s32 $0xFFFE7960  }
0x175: {  	[tilespmem:s7], [sflag:$0x2] =	stream.strided.gather [hbm4b:s24+s5], $0x18700, s6, s5, $0x38;
	[tilespmem:$0x1A700] =	vst v63  }
0x176: {  	_ =	swait.ge [sflag:s4], $0x18700  }
0x177: {  	s25 =	sld [smem:$0x7CD]  }
0x178: {  	[sflag:s4] =	ssyncset.done $0x0  }
0x179: {  	[sflag:s4] =	ssyncadd.s32 $0xFFFE7900  }
0x17a: {  	[hbm4b:s25+s2] =	stream.linear.scatter [tilespmem:s7], [sflag:$0x2], $0x186A0, $0x38;
	[tilespmem:$0x1A700] =	vst v63  }
0x17b: {  	_ =	swait.ge [sflag:s4], $0x186A0  }
0x17c: {  	s26 =	sld [smem:$0x7CE]  }
0x17d: {  	[sflag:s4] =	ssyncset.done $0x0  }
0x17e: {  	[sflag:s4] =	ssyncadd.s32 $0xFFFE7960  }
0x17f: {  	[tilespmem:s7], [sflag:$0x2] =	stream.strided.gather [hbm4b:s26+s5], $0x18700, s6, s5, $0x38;
	[tilespmem:$0x1A700] =	vst v63  }
0x180: {  	_ =	swait.ge [sflag:s4], $0x18700  }
0x181: {  	s0 =	sld [smem:$0x7CF]  }
0x182: {  	[sflag:s4] =	ssyncset.done $0x0  }
0x183: {  	[sflag:s4] =	ssyncadd.s32 $0xFFFE7900  }
0x184: {  	[hbm4b:s0+s2] =	stream.linear.scatter [tilespmem:s7], [sflag:$0x2], $0x186A0, $0x38;
	[tilespmem:$0x1A700] =	vst v63  }
0x185: {  	_ =	swait.ge [sflag:s4], $0x186A0  }
0x186: {  	s9 =	sld [smem:$0x7D0]  }
0x187: {  	[sflag:s4] =	ssyncset.done $0x0  }
0x188: {  	[sflag:s4] =	ssyncadd.s32 $0xFFFE7960  }
0x189: {  	[tilespmem:s7], [sflag:$0x2] =	stream.strided.gather [hbm4b:s9+s5], $0x18700, s6, s5, $0x38;
	[tilespmem:$0x1A700] =	vst v63  }
0x18a: {  	_ =	swait.ge [sflag:s4], $0x18700  }
0x18b: {  	s10 =	sld [smem:$0x7D1]  }
0x18c: {  	[sflag:s4] =	ssyncset.done $0x0  }
0x18d: {  	[sflag:s4] =	ssyncadd.s32 $0xFFFE7900  }
0x18e: {  	[hbm4b:s10+s2] =	stream.linear.scatter [tilespmem:s7], [sflag:$0x2], $0x186A0, $0x38;
	[tilespmem:$0x1A700] =	vst v63  }
0x18f: {  	_ =	swait.ge [sflag:s4], $0x186A0  }
0x190: {  	s11 =	sld [smem:$0x7D2]  }
0x191: {  	[sflag:s4] =	ssyncset.done $0x0  }
0x192: {  	[sflag:s4] =	ssyncadd.s32 $0xFFFE7960  }
0x193: {  	[tilespmem:s7], [sflag:$0x2] =	stream.strided.gather [hbm4b:s11+s5], $0x18700, s6, s5, $0x38;
	[tilespmem:$0x1A700] =	vst v63  }
0x194: {  	_ =	swait.ge [sflag:s4], $0x18700  }
0x195: {  	s12 =	sld [smem:$0x7D3]  }
0x196: {  	[sflag:s4] =	ssyncset.done $0x0  }
0x197: {  	[sflag:s4] =	ssyncadd.s32 $0xFFFE7900  }
0x198: {  	[hbm4b:s12+s2] =	stream.linear.scatter [tilespmem:s7], [sflag:$0x2], $0x186A0, $0x38;
	[tilespmem:$0x1A700] =	vst v63  }
0x199: {  	_ =	swait.ge [sflag:s4], $0x186A0  }
0x19a: {  	s13 =	sld [smem:$0x7D4]  }
0x19b: {  	[sflag:s4] =	ssyncset.done $0x0  }
0x19c: {  	[sflag:s4] =	ssyncadd.s32 $0xFFFE7960  }
0x19d: {  	[tilespmem:s7], [sflag:$0x2] =	stream.strided.gather [hbm4b:s13+s5], $0x18700, s6, s5, $0x38;
	[tilespmem:$0x1A700] =	vst v63  }
0x19e: {  	_ =	swait.ge [sflag:s4], $0x18700  }
0x19f: {  	s14 =	sld [smem:$0x7D5]  }
0x1a0: {  	[sflag:s4] =	ssyncset.done $0x0  }
0x1a1: {  	[sflag:s4] =	ssyncadd.s32 $0xFFFE7900  }
0x1a2: {  	[hbm4b:s14+s2] =	stream.linear.scatter [tilespmem:s7], [sflag:$0x2], $0x186A0, $0x38;
	[tilespmem:$0x1A700] =	vst v63  }
0x1a3: {  	_ =	swait.ge [sflag:s4], $0x186A0  }
0x1a4: {  	s8 =	simm.s32 $0x19700;
	[sflag:s4] =	ssyncset.done $0x0  }
0x1a5: {  	s9 =	simm.s32 $0x1;
	s10 =	simm.s32 $0x40;
	[sflag:s4] =	ssyncadd.s32 $0xFFFE7960  }
0x1a6: {  	[tilespmem:s8], [sflag:$0x1] =	stream.indirect.gather [hbm4b:s3+s10], $0x1, s2, s10, $0xb8;
	[tilespmem:$0x1A700] =	vst v63  }
0x1a7: {  	_ =	swait.ge [sflag:s9], $0x40  }
0x1a8: {  	s15 =	sld [smem:$0x7D6]  }
0x1a9: {  	[sflag:s9] =	ssyncset.done $0x0  }
0x1aa: {  	[sflag:s9] =	ssyncadd.s32 $0xFFFFFFC0  }
0x1ab: {  	[tilespmem:s15], [sflag:$0x1] =	stream.indirect.gather [hbm4b:s3+s10], $0x1, s5, s10, $0xb8;
	[tilespmem:$0x1A700] =	vst v63  }
0x1ac: {  	_ =	swait.ge [sflag:s9], $0x40  }
0x1ad: {  	s16 =	sld [smem:$0x7D7]  }
0x1ae: {  	s17 =	sld [smem:$0x7D8]  }
0x1af: {  	[sflag:s9] =	ssyncset.done $0x0  }
0x1b0: {  	[sflag:s9] =	ssyncadd.s32 $0xFFFFFFC0  }
0x1b1: {  	[tilespmem:s17], [sflag:$0x1] =	stream.indirect.gather [hbm4b:s3+s10], $0x1, s16, s10, $0xb8;
	[tilespmem:$0x1A700] =	vst v63  }
0x1b2: {  	_ =	swait.ge [sflag:s9], $0x40  }
0x1b3: {  	s18 =	sld [smem:$0x7D9]  }
0x1b4: {  	s19 =	sld [smem:$0x7DA]  }
0x1b5: {  	[sflag:s9] =	ssyncset.done $0x0  }
0x1b6: {  	[sflag:s9] =	ssyncadd.s32 $0xFFFFFFC0  }
0x1b7: {  	[tilespmem:s19], [sflag:$0x1] =	stream.indirect.gather [hbm4b:s3+s10], $0x1, s18, s10, $0xb8;
	[tilespmem:$0x1A700] =	vst v63  }
0x1b8: {  	_ =	swait.ge [sflag:s9], $0x40  }
0x1b9: {  	s20 =	sld [smem:$0x7DB]  }
0x1ba: {  	s21 =	sld [smem:$0x7DC]  }
0x1bb: {  	[sflag:s9] =	ssyncset.done $0x0  }
0x1bc: {  	[sflag:s9] =	ssyncadd.s32 $0xFFFFFFC0  }
0x1bd: {  	[tilespmem:s21], [sflag:$0x1] =	stream.indirect.gather [hbm4b:s3+s10], $0x1, s20, s10, $0xb8;
	[tilespmem:$0x1A700] =	vst v63  }
0x1be: {  	_ =	swait.ge [sflag:s9], $0x40  }
0x1bf: {  	s22 =	sld [smem:$0x7DD]  }
0x1c0: {  	s23 =	sld [smem:$0x7DE]  }
0x1c1: {  	[sflag:s9] =	ssyncset.done $0x0  }
0x1c2: {  	[sflag:s9] =	ssyncadd.s32 $0xFFFFFFC0  }
0x1c3: {  	[tilespmem:s23], [sflag:$0x1] =	stream.indirect.gather [hbm4b:s3+s10], $0x1, s22, s10, $0xb8;
	[tilespmem:$0x1A700] =	vst v63  }
0x1c4: {  	_ =	swait.ge [sflag:s9], $0x40  }
0x1c5: {  	s24 =	sld [smem:$0x7DF]  }
0x1c6: {  	s25 =	sld [smem:$0x7E0]  }
0x1c7: {  	[sflag:s9] =	ssyncset.done $0x0  }
0x1c8: {  	[sflag:s9] =	ssyncadd.s32 $0xFFFFFFC0  }
0x1c9: {  	[tilespmem:s25], [sflag:$0x1] =	stream.indirect.gather [hbm4b:s3+s10], $0x1, s24, s10, $0xb8;
	[tilespmem:$0x1A700] =	vst v63  }
0x1ca: {  	_ =	swait.ge [sflag:s9], $0x40  }
0x1cb: {  	s26 =	sld [smem:$0x7E1]  }
0x1cc: {  	s0 =	sld [smem:$0x7E2]  }
0x1cd: {  	[sflag:s9] =	ssyncset.done $0x0  }
0x1ce: {  	[sflag:s9] =	ssyncadd.s32 $0xFFFFFFC0  }
0x1cf: {  	[tilespmem:s0], [sflag:$0x1] =	stream.indirect.gather [hbm4b:s3+s10], $0x1, s26, s10, $0xb8;
	[tilespmem:$0x1A700] =	vst v63  }
0x1d0: {  	_ =	swait.ge [sflag:s9], $0x40  }
0x1d1: {  	s13 =	sld [smem:$0x7E3]  }
0x1d2: {  	[sflag:s9] =	ssyncset.done $0x0  }
0x1d3: {  	[sflag:s9] =	ssyncadd.s32 $0xFFFFFFC0  }
0x1d4: {  	[tilespmem:s13], [sflag:$0x1] =	stream.indirect.gather [hbm4b:s3+s10], $0x1, s6, s10, $0xb8;
	[tilespmem:$0x1A700] =	vst v63  }
0x1d5: {  	_ =	swait.ge [sflag:s9], $0x40  }
0x1d6: {  	s14 =	sld [smem:$0x7E4]  }
0x1d7: {  	s15 =	sld [smem:$0x7E5]  }
0x1d8: {  	[sflag:s9] =	ssyncset.done $0x0  }
0x1d9: {  	[sflag:s9] =	ssyncadd.s32 $0xFFFFFFC0  }
0x1da: {  	[tilespmem:s15], [sflag:$0x1] =	stream.indirect.gather [hbm4b:s3+s10], $0x1, s14, s10, $0xb8;
	[tilespmem:$0x1A700] =	vst v63  }
0x1db: {  	_ =	swait.ge [sflag:s9], $0x40  }
0x1dc: {  	s16 =	sld [smem:$0x7E6]  }
0x1dd: {  	s17 =	sld [smem:$0x7E7]  }
0x1de: {  	[sflag:s9] =	ssyncset.done $0x0  }
0x1df: {  	[sflag:s9] =	ssyncadd.s32 $0xFFFFFFC0  }
0x1e0: {  	[tilespmem:s17], [sflag:$0x1] =	stream.indirect.gather [hbm4b:s3+s10], $0x1, s16, s10, $0xb8;
	[tilespmem:$0x1A700] =	vst v63  }
0x1e1: {  	_ =	swait.ge [sflag:s9], $0x40  }
0x1e2: {  	s18 =	sld [smem:$0x7E8]  }
0x1e3: {  	s19 =	sld [smem:$0x7E9]  }
0x1e4: {  	[sflag:s9] =	ssyncset.done $0x0  }
0x1e5: {  	[sflag:s9] =	ssyncadd.s32 $0xFFFFFFC0  }
0x1e6: {  	[tilespmem:s19], [sflag:$0x1] =	stream.indirect.gather [hbm4b:s3+s10], $0x1, s18, s10, $0xb8;
	[tilespmem:$0x1A700] =	vst v63  }
0x1e7: {  	_ =	swait.ge [sflag:s9], $0x40  }
0x1e8: {  	s20 =	sld [smem:$0x7EA]  }
0x1e9: {  	s21 =	sld [smem:$0x7EB]  }
0x1ea: {  	[sflag:s9] =	ssyncset.done $0x0  }
0x1eb: {  	[sflag:s9] =	ssyncadd.s32 $0xFFFFFFC0  }
0x1ec: {  	[tilespmem:s21], [sflag:$0x1] =	stream.indirect.gather [hbm4b:s3+s10], $0x1, s20, s10, $0xb8;
	[tilespmem:$0x1A700] =	vst v63  }
0x1ed: {  	_ =	swait.ge [sflag:s9], $0x40  }
0x1ee: {  	s22 =	sld [smem:$0x7EC]  }
0x1ef: {  	s23 =	sld [smem:$0x7ED]  }
0x1f0: {  	[sflag:s9] =	ssyncset.done $0x0  }
0x1f1: {  	[sflag:s9] =	ssyncadd.s32 $0xFFFFFFC0  }
0x1f2: {  	[tilespmem:s23], [sflag:$0x1] =	stream.indirect.gather [hbm4b:s3+s10], $0x1, s22, s10, $0xb8;
	[tilespmem:$0x1A700] =	vst v63  }
0x1f3: {  	_ =	swait.ge [sflag:s9], $0x40  }
0x1f4: {  	s24 =	sld [smem:$0x7EE]  }
0x1f5: {  	s25 =	sld [smem:$0x7EF]  }
0x1f6: {  	[sflag:s9] =	ssyncset.done $0x0  }
0x1f7: {  	[sflag:s9] =	ssyncadd.s32 $0xFFFFFFC0  }
0x1f8: {  	[tilespmem:s25], [sflag:$0x1] =	stream.indirect.gather [hbm4b:s3+s10], $0x1, s24, s10, $0xb8;
	[tilespmem:$0x1A700] =	vst v63  }
0x1f9: {  	_ =	swait.ge [sflag:s9], $0x40  }
0x1fa: {  	s26 =	sld [smem:$0x7F0]  }
0x1fb: {  	s0 =	sld [smem:$0x7F1]  }
0x1fc: {  	[sflag:s9] =	ssyncset.done $0x0  }
0x1fd: {  	[sflag:s9] =	ssyncadd.s32 $0xFFFFFFC0  }
0x1fe: {  	[tilespmem:s0], [sflag:$0x1] =	stream.indirect.gather [hbm4b:s3+s10], $0x1, s26, s10, $0xb8;
	[tilespmem:$0x1A700] =	vst v63  }
0x1ff: {  	_ =	swait.ge [sflag:s9], $0x40  }
0x200: {  	s13 =	sld [smem:$0x7F2]  }
0x201: {  	s14 =	sld [smem:$0x7F3]  }
0x202: {  	[sflag:s9] =	ssyncset.done $0x0  }
0x203: {  	[sflag:s9] =	ssyncadd.s32 $0xFFFFFFC0  }
0x204: {  	[tilespmem:s14], [sflag:$0x1] =	stream.indirect.gather [hbm4b:s3+s10], $0x1, s13, s10, $0xb8;
	[tilespmem:$0x1A700] =	vst v63  }
0x205: {  	_ =	swait.ge [sflag:s9], $0x40  }
0x206: {  	s15 =	sld [smem:$0x7F4]  }
0x207: {  	s16 =	sld [smem:$0x7F5]  }
0x208: {  	[sflag:s9] =	ssyncset.done $0x0  }
0x209: {  	[sflag:s9] =	ssyncadd.s32 $0xFFFFFFC0  }
0x20a: {  	[tilespmem:s16], [sflag:$0x1] =	stream.indirect.gather [hbm4b:s3+s10], $0x1, s15, s10, $0xb8;
	[tilespmem:$0x1A700] =	vst v63  }
0x20b: {  	_ =	swait.ge [sflag:s9], $0x40  }
0x20c: {  	s17 =	sld [smem:$0x7F6]  }
0x20d: {  	s18 =	sld [smem:$0x7F7]  }
0x20e: {  	[sflag:s9] =	ssyncset.done $0x0  }
0x20f: {  	[sflag:s9] =	ssyncadd.s32 $0xFFFFFFC0  }
0x210: {  	[tilespmem:s18], [sflag:$0x1] =	stream.indirect.gather [hbm4b:s3+s10], $0x1, s17, s10, $0xb8;
	[tilespmem:$0x1A700] =	vst v63  }
0x211: {  	_ =	swait.ge [sflag:s9], $0x40  }
0x212: {  	s19 =	sld [smem:$0x7F8]  }
0x213: {  	s20 =	sld [smem:$0x7F9]  }
0x214: {  	[sflag:s9] =	ssyncset.done $0x0  }
0x215: {  	[sflag:s9] =	ssyncadd.s32 $0xFFFFFFC0  }
0x216: {  	[tilespmem:s20], [sflag:$0x1] =	stream.indirect.gather [hbm4b:s3+s10], $0x1, s19, s10, $0xb8;
	[tilespmem:$0x1A700] =	vst v63  }
0x217: {  	_ =	swait.ge [sflag:s9], $0x40  }
0x218: {  	s21 =	sld [smem:$0x7FA]  }
0x219: {  	s22 =	sld [smem:$0x7FB]  }
0x21a: {  	[sflag:s9] =	ssyncset.done $0x0  }
0x21b: {  	[sflag:s9] =	ssyncadd.s32 $0xFFFFFFC0  }
0x21c: {  	[tilespmem:s22], [sflag:$0x1] =	stream.indirect.gather [hbm4b:s3+s10], $0x1, s21, s10, $0xb8;
	[tilespmem:$0x1A700] =	vst v63  }
0x21d: {  	_ =	swait.ge [sflag:s9], $0x40  }
0x21e: {  	s23 =	sld [smem:$0x7FC]  }
0x21f: {  	s24 =	sld [smem:$0x7FD]  }
0x220: {  	[sflag:s9] =	ssyncset.done $0x0  }
0x221: {  	[sflag:s9] =	ssyncadd.s32 $0xFFFFFFC0  }
0x222: {  	[tilespmem:s24], [sflag:$0x1] =	stream.indirect.gather [hbm4b:s3+s10], $0x1, s23, s10, $0xb8;
	[tilespmem:$0x1A700] =	vst v63  }
0x223: {  	_ =	swait.ge [sflag:s9], $0x40  }
0x224: {  	[sflag:s9] =	ssyncset.done $0x0  }
0x225: {  	s25 =	simm.s32 $0xB00;
	s26 =	simm.s32 $0x1A200;
	[sflag:s9] =	ssyncadd.s32 $0xFFFFFFC0  }
0x226: {  	[tilespmem:s26], [sflag:$0x1] =	stream.indirect.gather [hbm4b:s3+s10], $0x1, s25, s10, $0xb8;
	[tilespmem:$0x1A700] =	vst v63  }
0x227: {  	_ =	swait.ge [sflag:s9], $0x40  }
0x228: {  	[sflag:s9] =	ssyncset.done $0x0  }
0x229: {  	s13 =	simm.s32 $0xB80;
	s14 =	simm.s32 $0x1A280;
	[sflag:s9] =	ssyncadd.s32 $0xFFFFFFC0  }
0x22a: {  	[tilespmem:s14], [sflag:$0x1] =	stream.indirect.gather [hbm4b:s3+s10], $0x1, s13, s10, $0xb8;
	[tilespmem:$0x1A700] =	vst v63  }
0x22b: {  	_ =	swait.ge [sflag:s9], $0x40  }
0x22c: {  	[sflag:s9] =	ssyncset.done $0x0  }
0x22d: {  	s15 =	simm.s32 $0xC00;
	s16 =	simm.s32 $0x1A300;
	[sflag:s9] =	ssyncadd.s32 $0xFFFFFFC0  }
0x22e: {  	[tilespmem:s16], [sflag:$0x1] =	stream.indirect.gather [hbm4b:s3+s10], $0x1, s15, s10, $0xb8;
	[tilespmem:$0x1A700] =	vst v63  }
0x22f: {  	_ =	swait.ge [sflag:s9], $0x40  }
0x230: {  	[sflag:s9] =	ssyncset.done $0x0  }
0x231: {  	s17 =	simm.s32 $0xC80;
	s18 =	simm.s32 $0x1A380;
	[sflag:s9] =	ssyncadd.s32 $0xFFFFFFC0  }
0x232: {  	[tilespmem:s18], [sflag:$0x1] =	stream.indirect.gather [hbm4b:s3+s10], $0x1, s17, s10, $0xb8;
	[tilespmem:$0x1A700] =	vst v63  }
0x233: {  	s28 =	simm.s32 $0x1A500;
	_ =	swait.ge [sflag:s9], $0x40  }
0x234: {  	s1 =	ssub.s32 $0x2, s1;
	s19 =	simm.s32 $0xD00;
	[sflag:s9] =	ssyncset.done $0x0  }
0x235: {  	s20 =	simm.s32 $0x1A400;
	s21 =	sshrl.u32 s1, $0x1;
	[sflag:s9] =	ssyncadd.s32 $0xFFFFFFC0  }
0x236: {  	[tilespmem:s20], [sflag:$0x1] =	stream.indirect.gather [hbm4b:s3+s10], $0x1, s19, s10, $0xb8;
	[tilespmem:$0x1A700] =	vst v63  }
0x237: {  	s30 =	simm.s32 $0xE80;
	s1 =	ssub.s32 s1, s21;
	_ =	swait.ge [sflag:s9], $0x40  }
0x238: {  	s22 =	simm.s32 $0x1A480;
	s1 =	smax.u32 s1, $0x1;
	[sflag:s9] =	ssyncset.done $0x0  }
0x239: {  	s21 =	simm.s32 $0xD80;
	p0 =	sne.s32 s1, $0x1;
	[sflag:s9] =	ssyncadd.s32 $0xFFFFFFC0  }
0x23a: {  	[tilespmem:s22], [sflag:$0x1] =	stream.indirect.gather [hbm4b:s3+s10], $0x1, s21, s10, $0xb8;
	[tilespmem:$0x1A700] =	vst v63  }
.Ltmp0:
0x23b: {  	s31 =	simm.s32 $0x1A580;
	s29 =	simm.s32 $0x1A600;
	(pc) =	sbr.rel @!p0 .LBB2_2-.Ltmp0, $4  }
0x23c: {  	s12 =	simm.s32 $0x1A200;
	s1 =	sadd.s32 $0xFFFFFFFF, s1;
	_ =	swait.ge [sflag:s9], $0x40  }
0x23d: {  	s23 =	simm.s32 $0xF80;
	s24 =	simm.s32 $0x1A680;
	[sflag:s9] =	ssyncset.done $0x0  }
0x23e: {  	s25 =	simm.s32 $0xE00;
	s26 =	simm.s32 $0xF00;
	[sflag:s9] =	ssyncadd.s32 $0xFFFFFFC0  }
0x23f: {  	[tilespmem:s28], [sflag:$0x1] =	stream.indirect.gather [hbm4b:s3+s10], $0x1, s25, s10, $0xb8;
	[tilespmem:$0x1A700] =	vst v63  }
.LBB2_1:
0x240: {  	_ =	swait.ge [sflag:s9], $0x40  }
0x241: {  	[sflag:s9] =	ssyncset.done $0x0  }
0x242: {  	[sflag:s9] =	ssyncadd.s32 $0xFFFFFFC0  }
0x243: {  	[tilespmem:s31], [sflag:$0x1] =	stream.indirect.gather [hbm4b:s3+s10], $0x1, s30, s10, $0xb8;
	[tilespmem:$0x1A700] =	vst v63  }
0x244: {  	_ =	swait.ge [sflag:s9], $0x40  }
0x245: {  	[sflag:s9] =	ssyncset.done $0x0  }
0x246: {  	[sflag:s9] =	ssyncadd.s32 $0xFFFFFFC0  }
0x247: {  	[tilespmem:s29], [sflag:$0x1] =	stream.indirect.gather [hbm4b:s3+s10], $0x1, s26, s10, $0xb8;
	[tilespmem:$0x1A700] =	vst v63  }
0x248: {  	_ =	swait.ge [sflag:s9], $0x40  }
0x249: {  	[sflag:s9] =	ssyncset.done $0x0  }
0x24a: {  	[sflag:s9] =	ssyncadd.s32 $0xFFFFFFC0  }
0x24b: {  	[tilespmem:s24], [sflag:$0x1] =	stream.indirect.gather [hbm4b:s3+s10], $0x1, s23, s10, $0xb8;
	[tilespmem:$0x1A700] =	vst v63  }
0x24c: {  	_ =	swait.ge [sflag:s9], $0x40  }
0x24d: {  	s0 =	sld [smem:$0x7B2]  }
0x24e: {  	[sflag:s9] =	ssyncset.done $0x0  }
0x24f: {  	[sflag:s9] =	ssyncadd.s32 $0xFFFFFFC0  }
0x250: {  	[hbm4b:s0+s2] =	stream.linear.scatter [tilespmem:s8], [sflag:$0x2], $0x1000, $0x38;
	[tilespmem:$0x1A700] =	vst v63  }
0x251: {  	_ =	swait.ge [sflag:s4], $0x1000  }
0x252: {  	[sflag:s4] =	ssyncset.done $0x0  }
0x253: {  	s11 =	rddreg [dreg:$0x2];
	[sflag:s4] =	ssyncadd.s32 $0xFFFFF000  }
0x254: {  	[tilespmem:s2], [sflag:$0x2] =	stream.linear.gather [hbm4b:s11+s2], $0x1000, $0x38;
	[tilespmem:$0x1A700] =	vst v63  }
0x255: {  	_ =	swait.ge [sflag:s4], $0x1000  }
0x256: {  	[sflag:s4] =	ssyncset.done $0x0  }
0x257: {  	s11 =	rddreg [dreg:$0x3];
	[sflag:s4] =	ssyncadd.s32 $0xFFFFF000  }
0x258: {  	[tilespmem:s7], [sflag:$0x2] =	stream.strided.gather [hbm4b:s11+s5], $0x18700, s6, s5, $0x38;
	[tilespmem:$0x1A700] =	vst v63  }
0x259: {  	_ =	swait.ge [sflag:s4], $0x18700  }
0x25a: {  	[sflag:s4] =	ssyncset.done $0x0  }
0x25b: {  	s11 =	rddreg [dreg:$0x4];
	[sflag:s4] =	ssyncadd.s32 $0xFFFE7900  }
0x25c: {  	[hbm4b:s11+s2] =	stream.linear.scatter [tilespmem:s7], [sflag:$0x2], $0x186A0, $0x38;
	[tilespmem:$0x1A700] =	vst v63  }
0x25d: {  	_ =	swait.ge [sflag:s4], $0x186A0  }
0x25e: {  	[sflag:s4] =	ssyncset.done $0x0  }
0x25f: {  	s11 =	rddreg [dreg:$0x5];
	[sflag:s4] =	ssyncadd.s32 $0xFFFE7960  }
0x260: {  	[tilespmem:s7], [sflag:$0x2] =	stream.strided.gather [hbm4b:s11+s5], $0x18700, s6, s5, $0x38;
	[tilespmem:$0x1A700] =	vst v63  }
0x261: {  	_ =	swait.ge [sflag:s4], $0x18700  }
0x262: {  	[sflag:s4] =	ssyncset.done $0x0  }
0x263: {  	s11 =	rddreg [dreg:$0x6];
	[sflag:s4] =	ssyncadd.s32 $0xFFFE7900  }
0x264: {  	[hbm4b:s11+s2] =	stream.linear.scatter [tilespmem:s7], [sflag:$0x2], $0x186A0, $0x38;
	[tilespmem:$0x1A700] =	vst v63  }
0x265: {  	_ =	swait.ge [sflag:s4], $0x186A0  }
0x266: {  	[sflag:s4] =	ssyncset.done $0x0  }
0x267: {  	s11 =	rddreg [dreg:$0x7];
	[sflag:s4] =	ssyncadd.s32 $0xFFFE7960  }
0x268: {  	[tilespmem:s7], [sflag:$0x2] =	stream.strided.gather [hbm4b:s11+s5], $0x18700, s6, s5, $0x38;
	[tilespmem:$0x1A700] =	vst v63  }
0x269: {  	_ =	swait.ge [sflag:s4], $0x18700  }
0x26a: {  	[sflag:s4] =	ssyncset.done $0x0  }
0x26b: {  	s11 =	rddreg [dreg:$0x8];
	[sflag:s4] =	ssyncadd.s32 $0xFFFE7900  }
0x26c: {  	[hbm4b:s11+s2] =	stream.linear.scatter [tilespmem:s7], [sflag:$0x2], $0x186A0, $0x38;
	[tilespmem:$0x1A700] =	vst v63  }
0x26d: {  	_ =	swait.ge [sflag:s4], $0x186A0  }
0x26e: {  	[sflag:s4] =	ssyncset.done $0x0  }
0x26f: {  	s11 =	rddreg [dreg:$0x9];
	[sflag:s4] =	ssyncadd.s32 $0xFFFE7960  }
0x270: {  	[tilespmem:s7], [sflag:$0x2] =	stream.strided.gather [hbm4b:s11+s5], $0x18700, s6, s5, $0x38;
	[tilespmem:$0x1A700] =	vst v63  }
0x271: {  	_ =	swait.ge [sflag:s4], $0x18700  }
0x272: {  	[sflag:s4] =	ssyncset.done $0x0  }
0x273: {  	s11 =	rddreg [dreg:$0xa];
	[sflag:s4] =	ssyncadd.s32 $0xFFFE7900  }
0x274: {  	[hbm4b:s11+s2] =	stream.linear.scatter [tilespmem:s7], [sflag:$0x2], $0x186A0, $0x38;
	[tilespmem:$0x1A700] =	vst v63  }
0x275: {  	_ =	swait.ge [sflag:s4], $0x186A0  }
0x276: {  	[sflag:s4] =	ssyncset.done $0x0  }
0x277: {  	s11 =	rddreg [dreg:$0xb];
	[sflag:s4] =	ssyncadd.s32 $0xFFFE7960  }
0x278: {  	[tilespmem:s7], [sflag:$0x2] =	stream.strided.gather [hbm4b:s11+s5], $0x18700, s6, s5, $0x38;
	[tilespmem:$0x1A700] =	vst v63  }
0x279: {  	_ =	swait.ge [sflag:s4], $0x18700  }
0x27a: {  	[sflag:s4] =	ssyncset.done $0x0  }
0x27b: {  	s11 =	rddreg [dreg:$0xc];
	[sflag:s4] =	ssyncadd.s32 $0xFFFE7900  }
0x27c: {  	[hbm4b:s11+s2] =	stream.linear.scatter [tilespmem:s7], [sflag:$0x2], $0x186A0, $0x38;
	[tilespmem:$0x1A700] =	vst v63  }
0x27d: {  	_ =	swait.ge [sflag:s4], $0x186A0  }
0x27e: {  	[sflag:s4] =	ssyncset.done $0x0  }
0x27f: {  	s11 =	rddreg [dreg:$0xd];
	[sflag:s4] =	ssyncadd.s32 $0xFFFE7960  }
0x280: {  	[tilespmem:s7], [sflag:$0x2] =	stream.strided.gather [hbm4b:s11+s5], $0x18700, s6, s5, $0x38;
	[tilespmem:$0x1A700] =	vst v63  }
0x281: {  	_ =	swait.ge [sflag:s4], $0x18700  }
0x282: {  	[sflag:s4] =	ssyncset.done $0x0  }
0x283: {  	s11 =	rddreg [dreg:$0xe];
	[sflag:s4] =	ssyncadd.s32 $0xFFFE7900  }
0x284: {  	[hbm4b:s11+s2] =	stream.linear.scatter [tilespmem:s7], [sflag:$0x2], $0x186A0, $0x38;
	[tilespmem:$0x1A700] =	vst v63  }
0x285: {  	_ =	swait.ge [sflag:s4], $0x186A0  }
0x286: {  	[sflag:s4] =	ssyncset.done $0x0  }
0x287: {  	s11 =	rddreg [dreg:$0xf];
	[sflag:s4] =	ssyncadd.s32 $0xFFFE7960  }
0x288: {  	[tilespmem:s7], [sflag:$0x2] =	stream.strided.gather [hbm4b:s11+s5], $0x18700, s6, s5, $0x38;
	[tilespmem:$0x1A700] =	vst v63  }
0x289: {  	_ =	swait.ge [sflag:s4], $0x18700  }
0x28a: {  	[sflag:s4] =	ssyncset.done $0x0  }
0x28b: {  	s11 =	rddreg [dreg:$0x10];
	[sflag:s4] =	ssyncadd.s32 $0xFFFE7900  }
0x28c: {  	[hbm4b:s11+s2] =	stream.linear.scatter [tilespmem:s7], [sflag:$0x2], $0x186A0, $0x38;
	[tilespmem:$0x1A700] =	vst v63  }
0x28d: {  	_ =	swait.ge [sflag:s4], $0x186A0  }
0x28e: {  	[sflag:s4] =	ssyncset.done $0x0  }
0x28f: {  	s11 =	rddreg [dreg:$0x11];
	[sflag:s4] =	ssyncadd.s32 $0xFFFE7960  }
0x290: {  	[tilespmem:s7], [sflag:$0x2] =	stream.strided.gather [hbm4b:s11+s5], $0x18700, s6, s5, $0x38;
	[tilespmem:$0x1A700] =	vst v63  }
0x291: {  	_ =	swait.ge [sflag:s4], $0x18700  }
0x292: {  	[sflag:s4] =	ssyncset.done $0x0  }
0x293: {  	s11 =	rddreg [dreg:$0x12];
	[sflag:s4] =	ssyncadd.s32 $0xFFFE7900  }
0x294: {  	[hbm4b:s11+s2] =	stream.linear.scatter [tilespmem:s7], [sflag:$0x2], $0x186A0, $0x38;
	[tilespmem:$0x1A700] =	vst v63  }
0x295: {  	_ =	swait.ge [sflag:s4], $0x186A0  }
0x296: {  	[sflag:s4] =	ssyncset.done $0x0  }
0x297: {  	s11 =	rddreg [dreg:$0x13];
	[sflag:s4] =	ssyncadd.s32 $0xFFFE7960  }
0x298: {  	[tilespmem:s7], [sflag:$0x2] =	stream.strided.gather [hbm4b:s11+s5], $0x18700, s6, s5, $0x38;
	[tilespmem:$0x1A700] =	vst v63  }
0x299: {  	_ =	swait.ge [sflag:s4], $0x18700  }
0x29a: {  	[sflag:s4] =	ssyncset.done $0x0  }
0x29b: {  	s11 =	rddreg [dreg:$0x14];
	[sflag:s4] =	ssyncadd.s32 $0xFFFE7900  }
0x29c: {  	[hbm4b:s11+s2] =	stream.linear.scatter [tilespmem:s7], [sflag:$0x2], $0x186A0, $0x38;
	[tilespmem:$0x1A700] =	vst v63  }
0x29d: {  	_ =	swait.ge [sflag:s4], $0x186A0  }
0x29e: {  	[sflag:s4] =	ssyncset.done $0x0  }
0x29f: {  	s11 =	rddreg [dreg:$0x15];
	[sflag:s4] =	ssyncadd.s32 $0xFFFE7960  }
0x2a0: {  	[tilespmem:s7], [sflag:$0x2] =	stream.strided.gather [hbm4b:s11+s5], $0x18700, s6, s5, $0x38;
	[tilespmem:$0x1A700] =	vst v63  }
0x2a1: {  	_ =	swait.ge [sflag:s4], $0x18700  }
0x2a2: {  	[sflag:s4] =	ssyncset.done $0x0  }
0x2a3: {  	s11 =	rddreg [dreg:$0x16];
	[sflag:s4] =	ssyncadd.s32 $0xFFFE7900  }
0x2a4: {  	[hbm4b:s11+s2] =	stream.linear.scatter [tilespmem:s7], [sflag:$0x2], $0x186A0, $0x38;
	[tilespmem:$0x1A700] =	vst v63  }
0x2a5: {  	_ =	swait.ge [sflag:s4], $0x186A0  }
0x2a6: {  	[sflag:s4] =	ssyncset.done $0x0  }
0x2a7: {  	s11 =	rddreg [dreg:$0x17];
	[sflag:s4] =	ssyncadd.s32 $0xFFFE7960  }
0x2a8: {  	[tilespmem:s7], [sflag:$0x2] =	stream.strided.gather [hbm4b:s11+s5], $0x18700, s6, s5, $0x38;
	[tilespmem:$0x1A700] =	vst v63  }
0x2a9: {  	_ =	swait.ge [sflag:s4], $0x18700  }
0x2aa: {  	[sflag:s4] =	ssyncset.done $0x0  }
0x2ab: {  	s11 =	rddreg [dreg:$0x18];
	[sflag:s4] =	ssyncadd.s32 $0xFFFE7900  }
0x2ac: {  	[hbm4b:s11+s2] =	stream.linear.scatter [tilespmem:s7], [sflag:$0x2], $0x186A0, $0x38;
	[tilespmem:$0x1A700] =	vst v63  }
0x2ad: {  	_ =	swait.ge [sflag:s4], $0x186A0  }
0x2ae: {  	[sflag:s4] =	ssyncset.done $0x0  }
0x2af: {  	s11 =	rddreg [dreg:$0x19];
	[sflag:s4] =	ssyncadd.s32 $0xFFFE7960  }
0x2b0: {  	[tilespmem:s7], [sflag:$0x2] =	stream.strided.gather [hbm4b:s11+s5], $0x18700, s6, s5, $0x38;
	[tilespmem:$0x1A700] =	vst v63  }
0x2b1: {  	_ =	swait.ge [sflag:s4], $0x18700  }
0x2b2: {  	[sflag:s4] =	ssyncset.done $0x0  }
0x2b3: {  	s11 =	rddreg [dreg:$0x1a];
	[sflag:s4] =	ssyncadd.s32 $0xFFFE7900  }
0x2b4: {  	[hbm4b:s11+s2] =	stream.linear.scatter [tilespmem:s7], [sflag:$0x2], $0x186A0, $0x38;
	[tilespmem:$0x1A700] =	vst v63  }
0x2b5: {  	_ =	swait.ge [sflag:s4], $0x186A0  }
0x2b6: {  	[sflag:s4] =	ssyncset.done $0x0  }
0x2b7: {  	s11 =	rddreg [dreg:$0x1b];
	[sflag:s4] =	ssyncadd.s32 $0xFFFE7960  }
0x2b8: {  	[tilespmem:s7], [sflag:$0x2] =	stream.strided.gather [hbm4b:s11+s5], $0x18700, s6, s5, $0x38;
	[tilespmem:$0x1A700] =	vst v63  }
0x2b9: {  	_ =	swait.ge [sflag:s4], $0x18700  }
0x2ba: {  	[sflag:s4] =	ssyncset.done $0x0  }
0x2bb: {  	s11 =	rddreg [dreg:$0x1c];
	[sflag:s4] =	ssyncadd.s32 $0xFFFE7900  }
0x2bc: {  	[hbm4b:s11+s2] =	stream.linear.scatter [tilespmem:s7], [sflag:$0x2], $0x186A0, $0x38;
	[tilespmem:$0x1A700] =	vst v63  }
0x2bd: {  	_ =	swait.ge [sflag:s4], $0x186A0  }
0x2be: {  	[sflag:s4] =	ssyncset.done $0x0  }
0x2bf: {  	s11 =	rddreg [dreg:$0x1d];
	[sflag:s4] =	ssyncadd.s32 $0xFFFE7960  }
0x2c0: {  	[tilespmem:s7], [sflag:$0x2] =	stream.strided.gather [hbm4b:s11+s5], $0x18700, s6, s5, $0x38;
	[tilespmem:$0x1A700] =	vst v63  }
0x2c1: {  	_ =	swait.ge [sflag:s4], $0x18700  }
0x2c2: {  	[sflag:s4] =	ssyncset.done $0x0  }
0x2c3: {  	s11 =	rddreg [dreg:$0x1e];
	[sflag:s4] =	ssyncadd.s32 $0xFFFE7900  }
0x2c4: {  	[hbm4b:s11+s2] =	stream.linear.scatter [tilespmem:s7], [sflag:$0x2], $0x186A0, $0x38;
	[tilespmem:$0x1A700] =	vst v63  }
0x2c5: {  	_ =	swait.ge [sflag:s4], $0x186A0  }
0x2c6: {  	[sflag:s4] =	ssyncset.done $0x0  }
0x2c7: {  	s11 =	rddreg [dreg:$0x1f];
	[sflag:s4] =	ssyncadd.s32 $0xFFFE7960  }
0x2c8: {  	[tilespmem:s7], [sflag:$0x2] =	stream.strided.gather [hbm4b:s11+s5], $0x18700, s6, s5, $0x38;
	[tilespmem:$0x1A700] =	vst v63  }
0x2c9: {  	_ =	swait.ge [sflag:s4], $0x18700  }
0x2ca: {  	s11 =	sld [smem:$0x7B3]  }
0x2cb: {  	[sflag:s4] =	ssyncset.done $0x0  }
0x2cc: {  	[sflag:s4] =	ssyncadd.s32 $0xFFFE7900  }
0x2cd: {  	[hbm4b:s11+s2] =	stream.linear.scatter [tilespmem:s7], [sflag:$0x2], $0x186A0, $0x38;
	[tilespmem:$0x1A700] =	vst v63  }
0x2ce: {  	_ =	swait.ge [sflag:s4], $0x186A0  }
0x2cf: {  	s11 =	sld [smem:$0x7B4]  }
0x2d0: {  	[sflag:s4] =	ssyncset.done $0x0  }
0x2d1: {  	[sflag:s4] =	ssyncadd.s32 $0xFFFE7960  }
0x2d2: {  	[tilespmem:s7], [sflag:$0x2] =	stream.strided.gather [hbm4b:s11+s5], $0x18700, s6, s5, $0x38;
	[tilespmem:$0x1A700] =	vst v63  }
0x2d3: {  	_ =	swait.ge [sflag:s4], $0x18700  }
0x2d4: {  	s11 =	sld [smem:$0x7B5]  }
0x2d5: {  	[sflag:s4] =	ssyncset.done $0x0  }
0x2d6: {  	[sflag:s4] =	ssyncadd.s32 $0xFFFE7900  }
0x2d7: {  	[hbm4b:s11+s2] =	stream.linear.scatter [tilespmem:s7], [sflag:$0x2], $0x186A0, $0x38;
	[tilespmem:$0x1A700] =	vst v63  }
0x2d8: {  	_ =	swait.ge [sflag:s4], $0x186A0  }
0x2d9: {  	s11 =	sld [smem:$0x7B6]  }
0x2da: {  	[sflag:s4] =	ssyncset.done $0x0  }
0x2db: {  	[sflag:s4] =	ssyncadd.s32 $0xFFFE7960  }
0x2dc: {  	[tilespmem:s7], [sflag:$0x2] =	stream.strided.gather [hbm4b:s11+s5], $0x18700, s6, s5, $0x38;
	[tilespmem:$0x1A700] =	vst v63  }
0x2dd: {  	_ =	swait.ge [sflag:s4], $0x18700  }
0x2de: {  	s11 =	sld [smem:$0x7B7]  }
0x2df: {  	[sflag:s4] =	ssyncset.done $0x0  }
0x2e0: {  	[sflag:s4] =	ssyncadd.s32 $0xFFFE7900  }
0x2e1: {  	[hbm4b:s11+s2] =	stream.linear.scatter [tilespmem:s7], [sflag:$0x2], $0x186A0, $0x38;
	[tilespmem:$0x1A700] =	vst v63  }
0x2e2: {  	_ =	swait.ge [sflag:s4], $0x186A0  }
0x2e3: {  	s11 =	sld [smem:$0x7B8]  }
0x2e4: {  	[sflag:s4] =	ssyncset.done $0x0  }
0x2e5: {  	[sflag:s4] =	ssyncadd.s32 $0xFFFE7960  }
0x2e6: {  	[tilespmem:s7], [sflag:$0x2] =	stream.strided.gather [hbm4b:s11+s5], $0x18700, s6, s5, $0x38;
	[tilespmem:$0x1A700] =	vst v63  }
0x2e7: {  	_ =	swait.ge [sflag:s4], $0x18700  }
0x2e8: {  	s11 =	sld [smem:$0x7B9]  }
0x2e9: {  	[sflag:s4] =	ssyncset.done $0x0  }
0x2ea: {  	[sflag:s4] =	ssyncadd.s32 $0xFFFE7900  }
0x2eb: {  	[hbm4b:s11+s2] =	stream.linear.scatter [tilespmem:s7], [sflag:$0x2], $0x186A0, $0x38;
	[tilespmem:$0x1A700] =	vst v63  }
0x2ec: {  	_ =	swait.ge [sflag:s4], $0x186A0  }
0x2ed: {  	s11 =	sld [smem:$0x7BA]  }
0x2ee: {  	[sflag:s4] =	ssyncset.done $0x0  }
0x2ef: {  	[sflag:s4] =	ssyncadd.s32 $0xFFFE7960  }
0x2f0: {  	[tilespmem:s7], [sflag:$0x2] =	stream.strided.gather [hbm4b:s11+s5], $0x18700, s6, s5, $0x38;
	[tilespmem:$0x1A700] =	vst v63  }
0x2f1: {  	_ =	swait.ge [sflag:s4], $0x18700  }
0x2f2: {  	s11 =	sld [smem:$0x7BB]  }
0x2f3: {  	[sflag:s4] =	ssyncset.done $0x0  }
0x2f4: {  	[sflag:s4] =	ssyncadd.s32 $0xFFFE7900  }
0x2f5: {  	[hbm4b:s11+s2] =	stream.linear.scatter [tilespmem:s7], [sflag:$0x2], $0x186A0, $0x38;
	[tilespmem:$0x1A700] =	vst v63  }
0x2f6: {  	_ =	swait.ge [sflag:s4], $0x186A0  }
0x2f7: {  	s11 =	sld [smem:$0x7BC]  }
0x2f8: {  	[sflag:s4] =	ssyncset.done $0x0  }
0x2f9: {  	[sflag:s4] =	ssyncadd.s32 $0xFFFE7960  }
0x2fa: {  	[tilespmem:s7], [sflag:$0x2] =	stream.strided.gather [hbm4b:s11+s5], $0x18700, s6, s5, $0x38;
	[tilespmem:$0x1A700] =	vst v63  }
0x2fb: {  	_ =	swait.ge [sflag:s4], $0x18700  }
0x2fc: {  	s11 =	sld [smem:$0x7BD]  }
0x2fd: {  	[sflag:s4] =	ssyncset.done $0x0  }
0x2fe: {  	[sflag:s4] =	ssyncadd.s32 $0xFFFE7900  }
0x2ff: {  	[hbm4b:s11+s2] =	stream.linear.scatter [tilespmem:s7], [sflag:$0x2], $0x186A0, $0x38;
	[tilespmem:$0x1A700] =	vst v63  }
0x300: {  	_ =	swait.ge [sflag:s4], $0x186A0  }
0x301: {  	s11 =	sld [smem:$0x7BE]  }
0x302: {  	[sflag:s4] =	ssyncset.done $0x0  }
0x303: {  	[sflag:s4] =	ssyncadd.s32 $0xFFFE7960  }
0x304: {  	[tilespmem:s7], [sflag:$0x2] =	stream.strided.gather [hbm4b:s11+s5], $0x18700, s6, s5, $0x38;
	[tilespmem:$0x1A700] =	vst v63  }
0x305: {  	_ =	swait.ge [sflag:s4], $0x18700  }
0x306: {  	s11 =	sld [smem:$0x7BF]  }
0x307: {  	[sflag:s4] =	ssyncset.done $0x0  }
0x308: {  	[sflag:s4] =	ssyncadd.s32 $0xFFFE7900  }
0x309: {  	[hbm4b:s11+s2] =	stream.linear.scatter [tilespmem:s7], [sflag:$0x2], $0x186A0, $0x38;
	[tilespmem:$0x1A700] =	vst v63  }
0x30a: {  	_ =	swait.ge [sflag:s4], $0x186A0  }
0x30b: {  	s11 =	sld [smem:$0x7C0]  }
0x30c: {  	[sflag:s4] =	ssyncset.done $0x0  }
0x30d: {  	[sflag:s4] =	ssyncadd.s32 $0xFFFE7960  }
0x30e: {  	[tilespmem:s7], [sflag:$0x2] =	stream.strided.gather [hbm4b:s11+s5], $0x18700, s6, s5, $0x38;
	[tilespmem:$0x1A700] =	vst v63  }
0x30f: {  	_ =	swait.ge [sflag:s4], $0x18700  }
0x310: {  	s11 =	sld [smem:$0x7C1]  }
0x311: {  	[sflag:s4] =	ssyncset.done $0x0  }
0x312: {  	[sflag:s4] =	ssyncadd.s32 $0xFFFE7900  }
0x313: {  	[hbm4b:s11+s2] =	stream.linear.scatter [tilespmem:s7], [sflag:$0x2], $0x186A0, $0x38;
	[tilespmem:$0x1A700] =	vst v63  }
0x314: {  	_ =	swait.ge [sflag:s4], $0x186A0  }
0x315: {  	s11 =	sld [smem:$0x7C2]  }
0x316: {  	[sflag:s4] =	ssyncset.done $0x0  }
0x317: {  	[sflag:s4] =	ssyncadd.s32 $0xFFFE7960  }
0x318: {  	[tilespmem:s7], [sflag:$0x2] =	stream.strided.gather [hbm4b:s11+s5], $0x18700, s6, s5, $0x38;
	[tilespmem:$0x1A700] =	vst v63  }
0x319: {  	_ =	swait.ge [sflag:s4], $0x18700  }
0x31a: {  	s11 =	sld [smem:$0x7C3]  }
0x31b: {  	[sflag:s4] =	ssyncset.done $0x0  }
0x31c: {  	[sflag:s4] =	ssyncadd.s32 $0xFFFE7900  }
0x31d: {  	[hbm4b:s11+s2] =	stream.linear.scatter [tilespmem:s7], [sflag:$0x2], $0x186A0, $0x38;
	[tilespmem:$0x1A700] =	vst v63  }
0x31e: {  	_ =	swait.ge [sflag:s4], $0x186A0  }
0x31f: {  	s11 =	sld [smem:$0x7C4]  }
0x320: {  	[sflag:s4] =	ssyncset.done $0x0  }
0x321: {  	[sflag:s4] =	ssyncadd.s32 $0xFFFE7960  }
0x322: {  	[tilespmem:s7], [sflag:$0x2] =	stream.strided.gather [hbm4b:s11+s5], $0x18700, s6, s5, $0x38;
	[tilespmem:$0x1A700] =	vst v63  }
0x323: {  	_ =	swait.ge [sflag:s4], $0x18700  }
0x324: {  	s11 =	sld [smem:$0x7C5]  }
0x325: {  	[sflag:s4] =	ssyncset.done $0x0  }
0x326: {  	[sflag:s4] =	ssyncadd.s32 $0xFFFE7900  }
0x327: {  	[hbm4b:s11+s2] =	stream.linear.scatter [tilespmem:s7], [sflag:$0x2], $0x186A0, $0x38;
	[tilespmem:$0x1A700] =	vst v63  }
0x328: {  	_ =	swait.ge [sflag:s4], $0x186A0  }
0x329: {  	s11 =	sld [smem:$0x7C6]  }
0x32a: {  	[sflag:s4] =	ssyncset.done $0x0  }
0x32b: {  	[sflag:s4] =	ssyncadd.s32 $0xFFFE7960  }
0x32c: {  	[tilespmem:s7], [sflag:$0x2] =	stream.strided.gather [hbm4b:s11+s5], $0x18700, s6, s5, $0x38;
	[tilespmem:$0x1A700] =	vst v63  }
0x32d: {  	_ =	swait.ge [sflag:s4], $0x18700  }
0x32e: {  	s11 =	sld [smem:$0x7C7]  }
0x32f: {  	[sflag:s4] =	ssyncset.done $0x0  }
0x330: {  	[sflag:s4] =	ssyncadd.s32 $0xFFFE7900  }
0x331: {  	[hbm4b:s11+s2] =	stream.linear.scatter [tilespmem:s7], [sflag:$0x2], $0x186A0, $0x38;
	[tilespmem:$0x1A700] =	vst v63  }
0x332: {  	_ =	swait.ge [sflag:s4], $0x186A0  }
0x333: {  	s11 =	sld [smem:$0x7C8]  }
0x334: {  	[sflag:s4] =	ssyncset.done $0x0  }
0x335: {  	[sflag:s4] =	ssyncadd.s32 $0xFFFE7960  }
0x336: {  	[tilespmem:s7], [sflag:$0x2] =	stream.strided.gather [hbm4b:s11+s5], $0x18700, s6, s5, $0x38;
	[tilespmem:$0x1A700] =	vst v63  }
0x337: {  	_ =	swait.ge [sflag:s4], $0x18700  }
0x338: {  	s11 =	sld [smem:$0x7C9]  }
0x339: {  	[sflag:s4] =	ssyncset.done $0x0  }
0x33a: {  	[sflag:s4] =	ssyncadd.s32 $0xFFFE7900  }
0x33b: {  	[hbm4b:s11+s2] =	stream.linear.scatter [tilespmem:s7], [sflag:$0x2], $0x186A0, $0x38;
	[tilespmem:$0x1A700] =	vst v63  }
0x33c: {  	_ =	swait.ge [sflag:s4], $0x186A0  }
0x33d: {  	s11 =	sld [smem:$0x7CA]  }
0x33e: {  	[sflag:s4] =	ssyncset.done $0x0  }
0x33f: {  	[sflag:s4] =	ssyncadd.s32 $0xFFFE7960  }
0x340: {  	[tilespmem:s7], [sflag:$0x2] =	stream.strided.gather [hbm4b:s11+s5], $0x18700, s6, s5, $0x38;
	[tilespmem:$0x1A700] =	vst v63  }
0x341: {  	_ =	swait.ge [sflag:s4], $0x18700  }
0x342: {  	s11 =	sld [smem:$0x7CB]  }
0x343: {  	[sflag:s4] =	ssyncset.done $0x0  }
0x344: {  	[sflag:s4] =	ssyncadd.s32 $0xFFFE7900  }
0x345: {  	[hbm4b:s11+s2] =	stream.linear.scatter [tilespmem:s7], [sflag:$0x2], $0x186A0, $0x38;
	[tilespmem:$0x1A700] =	vst v63  }
0x346: {  	_ =	swait.ge [sflag:s4], $0x186A0  }
0x347: {  	s11 =	sld [smem:$0x7CC]  }
0x348: {  	[sflag:s4] =	ssyncset.done $0x0  }
0x349: {  	[sflag:s4] =	ssyncadd.s32 $0xFFFE7960  }
0x34a: {  	[tilespmem:s7], [sflag:$0x2] =	stream.strided.gather [hbm4b:s11+s5], $0x18700, s6, s5, $0x38;
	[tilespmem:$0x1A700] =	vst v63  }
0x34b: {  	_ =	swait.ge [sflag:s4], $0x18700  }
0x34c: {  	s11 =	sld [smem:$0x7CD]  }
0x34d: {  	[sflag:s4] =	ssyncset.done $0x0  }
0x34e: {  	[sflag:s4] =	ssyncadd.s32 $0xFFFE7900  }
0x34f: {  	[hbm4b:s11+s2] =	stream.linear.scatter [tilespmem:s7], [sflag:$0x2], $0x186A0, $0x38;
	[tilespmem:$0x1A700] =	vst v63  }
0x350: {  	_ =	swait.ge [sflag:s4], $0x186A0  }
0x351: {  	s11 =	sld [smem:$0x7CE]  }
0x352: {  	[sflag:s4] =	ssyncset.done $0x0  }
0x353: {  	[sflag:s4] =	ssyncadd.s32 $0xFFFE7960  }
0x354: {  	[tilespmem:s7], [sflag:$0x2] =	stream.strided.gather [hbm4b:s11+s5], $0x18700, s6, s5, $0x38;
	[tilespmem:$0x1A700] =	vst v63  }
0x355: {  	_ =	swait.ge [sflag:s4], $0x18700  }
0x356: {  	s11 =	sld [smem:$0x7CF]  }
0x357: {  	[sflag:s4] =	ssyncset.done $0x0  }
0x358: {  	[sflag:s4] =	ssyncadd.s32 $0xFFFE7900  }
0x359: {  	[hbm4b:s11+s2] =	stream.linear.scatter [tilespmem:s7], [sflag:$0x2], $0x186A0, $0x38;
	[tilespmem:$0x1A700] =	vst v63  }
0x35a: {  	_ =	swait.ge [sflag:s4], $0x186A0  }
0x35b: {  	s11 =	sld [smem:$0x7D0]  }
0x35c: {  	[sflag:s4] =	ssyncset.done $0x0  }
0x35d: {  	[sflag:s4] =	ssyncadd.s32 $0xFFFE7960  }
0x35e: {  	[tilespmem:s7], [sflag:$0x2] =	stream.strided.gather [hbm4b:s11+s5], $0x18700, s6, s5, $0x38;
	[tilespmem:$0x1A700] =	vst v63  }
0x35f: {  	_ =	swait.ge [sflag:s4], $0x18700  }
0x360: {  	s11 =	sld [smem:$0x7D1]  }
0x361: {  	[sflag:s4] =	ssyncset.done $0x0  }
0x362: {  	[sflag:s4] =	ssyncadd.s32 $0xFFFE7900  }
0x363: {  	[hbm4b:s11+s2] =	stream.linear.scatter [tilespmem:s7], [sflag:$0x2], $0x186A0, $0x38;
	[tilespmem:$0x1A700] =	vst v63  }
0x364: {  	_ =	swait.ge [sflag:s4], $0x186A0  }
0x365: {  	s11 =	sld [smem:$0x7D2]  }
0x366: {  	[sflag:s4] =	ssyncset.done $0x0  }
0x367: {  	[sflag:s4] =	ssyncadd.s32 $0xFFFE7960  }
0x368: {  	[tilespmem:s7], [sflag:$0x2] =	stream.strided.gather [hbm4b:s11+s5], $0x18700, s6, s5, $0x38;
	[tilespmem:$0x1A700] =	vst v63  }
0x369: {  	_ =	swait.ge [sflag:s4], $0x18700  }
0x36a: {  	s11 =	sld [smem:$0x7D3]  }
0x36b: {  	[sflag:s4] =	ssyncset.done $0x0  }
0x36c: {  	[sflag:s4] =	ssyncadd.s32 $0xFFFE7900  }
0x36d: {  	[hbm4b:s11+s2] =	stream.linear.scatter [tilespmem:s7], [sflag:$0x2], $0x186A0, $0x38;
	[tilespmem:$0x1A700] =	vst v63  }
0x36e: {  	_ =	swait.ge [sflag:s4], $0x186A0  }
0x36f: {  	s11 =	sld [smem:$0x7D4]  }
0x370: {  	[sflag:s4] =	ssyncset.done $0x0  }
0x371: {  	[sflag:s4] =	ssyncadd.s32 $0xFFFE7960  }
0x372: {  	[tilespmem:s7], [sflag:$0x2] =	stream.strided.gather [hbm4b:s11+s5], $0x18700, s6, s5, $0x38;
	[tilespmem:$0x1A700] =	vst v63  }
0x373: {  	_ =	swait.ge [sflag:s4], $0x18700  }
0x374: {  	s11 =	sld [smem:$0x7D5]  }
0x375: {  	[sflag:s4] =	ssyncset.done $0x0  }
0x376: {  	[sflag:s4] =	ssyncadd.s32 $0xFFFE7900  }
0x377: {  	[hbm4b:s11+s2] =	stream.linear.scatter [tilespmem:s7], [sflag:$0x2], $0x186A0, $0x38;
	[tilespmem:$0x1A700] =	vst v63  }
0x378: {  	_ =	swait.ge [sflag:s4], $0x186A0  }
0x379: {  	[sflag:s4] =	ssyncset.done $0x0  }
0x37a: {  	[sflag:s4] =	ssyncadd.s32 $0xFFFE7960  }
0x37b: {  	[tilespmem:s8], [sflag:$0x1] =	stream.indirect.gather [hbm4b:s3+s10], $0x1, s2, s10, $0xb8;
	[tilespmem:$0x1A700] =	vst v63  }
0x37c: {  	_ =	swait.ge [sflag:s9], $0x40  }
0x37d: {  	s11 =	sld [smem:$0x7D6]  }
0x37e: {  	[sflag:s9] =	ssyncset.done $0x0  }
0x37f: {  	[sflag:s9] =	ssyncadd.s32 $0xFFFFFFC0  }
0x380: {  	[tilespmem:s11], [sflag:$0x1] =	stream.indirect.gather [hbm4b:s3+s10], $0x1, s5, s10, $0xb8;
	[tilespmem:$0x1A700] =	vst v63  }
0x381: {  	_ =	swait.ge [sflag:s9], $0x40  }
0x382: {  	s0 =	sld [smem:$0x7D7]  }
0x383: {  	s11 =	sld [smem:$0x7D8]  }
0x384: {  	[sflag:s9] =	ssyncset.done $0x0  }
0x385: {  	[sflag:s9] =	ssyncadd.s32 $0xFFFFFFC0  }
0x386: {  	[tilespmem:s11], [sflag:$0x1] =	stream.indirect.gather [hbm4b:s3+s10], $0x1, s0, s10, $0xb8;
	[tilespmem:$0x1A700] =	vst v63  }
0x387: {  	_ =	swait.ge [sflag:s9], $0x40  }
0x388: {  	s0 =	sld [smem:$0x7D9]  }
0x389: {  	s11 =	sld [smem:$0x7DA]  }
0x38a: {  	[sflag:s9] =	ssyncset.done $0x0  }
0x38b: {  	[sflag:s9] =	ssyncadd.s32 $0xFFFFFFC0  }
0x38c: {  	[tilespmem:s11], [sflag:$0x1] =	stream.indirect.gather [hbm4b:s3+s10], $0x1, s0, s10, $0xb8;
	[tilespmem:$0x1A700] =	vst v63  }
0x38d: {  	_ =	swait.ge [sflag:s9], $0x40  }
0x38e: {  	s0 =	sld [smem:$0x7DB]  }
0x38f: {  	s11 =	sld [smem:$0x7DC]  }
0x390: {  	[sflag:s9] =	ssyncset.done $0x0  }
0x391: {  	[sflag:s9] =	ssyncadd.s32 $0xFFFFFFC0  }
0x392: {  	[tilespmem:s11], [sflag:$0x1] =	stream.indirect.gather [hbm4b:s3+s10], $0x1, s0, s10, $0xb8;
	[tilespmem:$0x1A700] =	vst v63  }
0x393: {  	_ =	swait.ge [sflag:s9], $0x40  }
0x394: {  	s0 =	sld [smem:$0x7DD]  }
0x395: {  	s11 =	sld [smem:$0x7DE]  }
0x396: {  	[sflag:s9] =	ssyncset.done $0x0  }
0x397: {  	[sflag:s9] =	ssyncadd.s32 $0xFFFFFFC0  }
0x398: {  	[tilespmem:s11], [sflag:$0x1] =	stream.indirect.gather [hbm4b:s3+s10], $0x1, s0, s10, $0xb8;
	[tilespmem:$0x1A700] =	vst v63  }
0x399: {  	_ =	swait.ge [sflag:s9], $0x40  }
0x39a: {  	s0 =	sld [smem:$0x7DF]  }
0x39b: {  	s11 =	sld [smem:$0x7E0]  }
0x39c: {  	[sflag:s9] =	ssyncset.done $0x0  }
0x39d: {  	[sflag:s9] =	ssyncadd.s32 $0xFFFFFFC0  }
0x39e: {  	[tilespmem:s11], [sflag:$0x1] =	stream.indirect.gather [hbm4b:s3+s10], $0x1, s0, s10, $0xb8;
	[tilespmem:$0x1A700] =	vst v63  }
0x39f: {  	_ =	swait.ge [sflag:s9], $0x40  }
0x3a0: {  	s0 =	sld [smem:$0x7E1]  }
0x3a1: {  	s11 =	sld [smem:$0x7E2]  }
0x3a2: {  	[sflag:s9] =	ssyncset.done $0x0  }
0x3a3: {  	[sflag:s9] =	ssyncadd.s32 $0xFFFFFFC0  }
0x3a4: {  	[tilespmem:s11], [sflag:$0x1] =	stream.indirect.gather [hbm4b:s3+s10], $0x1, s0, s10, $0xb8;
	[tilespmem:$0x1A700] =	vst v63  }
0x3a5: {  	_ =	swait.ge [sflag:s9], $0x40  }
0x3a6: {  	s11 =	sld [smem:$0x7E3]  }
0x3a7: {  	[sflag:s9] =	ssyncset.done $0x0  }
0x3a8: {  	[sflag:s9] =	ssyncadd.s32 $0xFFFFFFC0  }
0x3a9: {  	[tilespmem:s11], [sflag:$0x1] =	stream.indirect.gather [hbm4b:s3+s10], $0x1, s6, s10, $0xb8;
	[tilespmem:$0x1A700] =	vst v63  }
0x3aa: {  	_ =	swait.ge [sflag:s9], $0x40  }
0x3ab: {  	s0 =	sld [smem:$0x7E4]  }
0x3ac: {  	s11 =	sld [smem:$0x7E5]  }
0x3ad: {  	[sflag:s9] =	ssyncset.done $0x0  }
0x3ae: {  	[sflag:s9] =	ssyncadd.s32 $0xFFFFFFC0  }
0x3af: {  	[tilespmem:s11], [sflag:$0x1] =	stream.indirect.gather [hbm4b:s3+s10], $0x1, s0, s10, $0xb8;
	[tilespmem:$0x1A700] =	vst v63  }
0x3b0: {  	_ =	swait.ge [sflag:s9], $0x40  }
0x3b1: {  	s0 =	sld [smem:$0x7E6]  }
0x3b2: {  	s11 =	sld [smem:$0x7E7]  }
0x3b3: {  	[sflag:s9] =	ssyncset.done $0x0  }
0x3b4: {  	[sflag:s9] =	ssyncadd.s32 $0xFFFFFFC0  }
0x3b5: {  	[tilespmem:s11], [sflag:$0x1] =	stream.indirect.gather [hbm4b:s3+s10], $0x1, s0, s10, $0xb8;
	[tilespmem:$0x1A700] =	vst v63  }
0x3b6: {  	_ =	swait.ge [sflag:s9], $0x40  }
0x3b7: {  	s0 =	sld [smem:$0x7E8]  }
0x3b8: {  	s11 =	sld [smem:$0x7E9]  }
0x3b9: {  	[sflag:s9] =	ssyncset.done $0x0  }
0x3ba: {  	[sflag:s9] =	ssyncadd.s32 $0xFFFFFFC0  }
0x3bb: {  	[tilespmem:s11], [sflag:$0x1] =	stream.indirect.gather [hbm4b:s3+s10], $0x1, s0, s10, $0xb8;
	[tilespmem:$0x1A700] =	vst v63  }
0x3bc: {  	_ =	swait.ge [sflag:s9], $0x40  }
0x3bd: {  	s0 =	sld [smem:$0x7EA]  }
0x3be: {  	s11 =	sld [smem:$0x7EB]  }
0x3bf: {  	[sflag:s9] =	ssyncset.done $0x0  }
0x3c0: {  	[sflag:s9] =	ssyncadd.s32 $0xFFFFFFC0  }
0x3c1: {  	[tilespmem:s11], [sflag:$0x1] =	stream.indirect.gather [hbm4b:s3+s10], $0x1, s0, s10, $0xb8;
	[tilespmem:$0x1A700] =	vst v63  }
0x3c2: {  	_ =	swait.ge [sflag:s9], $0x40  }
0x3c3: {  	s0 =	sld [smem:$0x7EC]  }
0x3c4: {  	s11 =	sld [smem:$0x7ED]  }
0x3c5: {  	[sflag:s9] =	ssyncset.done $0x0  }
0x3c6: {  	[sflag:s9] =	ssyncadd.s32 $0xFFFFFFC0  }
0x3c7: {  	[tilespmem:s11], [sflag:$0x1] =	stream.indirect.gather [hbm4b:s3+s10], $0x1, s0, s10, $0xb8;
	[tilespmem:$0x1A700] =	vst v63  }
0x3c8: {  	_ =	swait.ge [sflag:s9], $0x40  }
0x3c9: {  	s0 =	sld [smem:$0x7EE]  }
0x3ca: {  	s11 =	sld [smem:$0x7EF]  }
0x3cb: {  	[sflag:s9] =	ssyncset.done $0x0  }
0x3cc: {  	[sflag:s9] =	ssyncadd.s32 $0xFFFFFFC0  }
0x3cd: {  	[tilespmem:s11], [sflag:$0x1] =	stream.indirect.gather [hbm4b:s3+s10], $0x1, s0, s10, $0xb8;
	[tilespmem:$0x1A700] =	vst v63  }
0x3ce: {  	_ =	swait.ge [sflag:s9], $0x40  }
0x3cf: {  	s0 =	sld [smem:$0x7F0]  }
0x3d0: {  	s11 =	sld [smem:$0x7F1]  }
0x3d1: {  	[sflag:s9] =	ssyncset.done $0x0  }
0x3d2: {  	[sflag:s9] =	ssyncadd.s32 $0xFFFFFFC0  }
0x3d3: {  	[tilespmem:s11], [sflag:$0x1] =	stream.indirect.gather [hbm4b:s3+s10], $0x1, s0, s10, $0xb8;
	[tilespmem:$0x1A700] =	vst v63  }
0x3d4: {  	_ =	swait.ge [sflag:s9], $0x40  }
0x3d5: {  	s0 =	sld [smem:$0x7F2]  }
0x3d6: {  	s11 =	sld [smem:$0x7F3]  }
0x3d7: {  	[sflag:s9] =	ssyncset.done $0x0  }
0x3d8: {  	[sflag:s9] =	ssyncadd.s32 $0xFFFFFFC0  }
0x3d9: {  	[tilespmem:s11], [sflag:$0x1] =	stream.indirect.gather [hbm4b:s3+s10], $0x1, s0, s10, $0xb8;
	[tilespmem:$0x1A700] =	vst v63  }
0x3da: {  	_ =	swait.ge [sflag:s9], $0x40  }
0x3db: {  	s0 =	sld [smem:$0x7F4]  }
0x3dc: {  	s11 =	sld [smem:$0x7F5]  }
0x3dd: {  	[sflag:s9] =	ssyncset.done $0x0  }
0x3de: {  	[sflag:s9] =	ssyncadd.s32 $0xFFFFFFC0  }
0x3df: {  	[tilespmem:s11], [sflag:$0x1] =	stream.indirect.gather [hbm4b:s3+s10], $0x1, s0, s10, $0xb8;
	[tilespmem:$0x1A700] =	vst v63  }
0x3e0: {  	_ =	swait.ge [sflag:s9], $0x40  }
0x3e1: {  	s0 =	sld [smem:$0x7F6]  }
0x3e2: {  	s11 =	sld [smem:$0x7F7]  }
0x3e3: {  	[sflag:s9] =	ssyncset.done $0x0  }
0x3e4: {  	[sflag:s9] =	ssyncadd.s32 $0xFFFFFFC0  }
0x3e5: {  	[tilespmem:s11], [sflag:$0x1] =	stream.indirect.gather [hbm4b:s3+s10], $0x1, s0, s10, $0xb8;
	[tilespmem:$0x1A700] =	vst v63  }
0x3e6: {  	_ =	swait.ge [sflag:s9], $0x40  }
0x3e7: {  	s0 =	sld [smem:$0x7F8]  }
0x3e8: {  	s11 =	sld [smem:$0x7F9]  }
0x3e9: {  	[sflag:s9] =	ssyncset.done $0x0  }
0x3ea: {  	[sflag:s9] =	ssyncadd.s32 $0xFFFFFFC0  }
0x3eb: {  	[tilespmem:s11], [sflag:$0x1] =	stream.indirect.gather [hbm4b:s3+s10], $0x1, s0, s10, $0xb8;
	[tilespmem:$0x1A700] =	vst v63  }
0x3ec: {  	_ =	swait.ge [sflag:s9], $0x40  }
0x3ed: {  	s0 =	sld [smem:$0x7FA]  }
0x3ee: {  	s11 =	sld [smem:$0x7FB]  }
0x3ef: {  	[sflag:s9] =	ssyncset.done $0x0  }
0x3f0: {  	[sflag:s9] =	ssyncadd.s32 $0xFFFFFFC0  }
0x3f1: {  	[tilespmem:s11], [sflag:$0x1] =	stream.indirect.gather [hbm4b:s3+s10], $0x1, s0, s10, $0xb8;
	[tilespmem:$0x1A700] =	vst v63  }
0x3f2: {  	_ =	swait.ge [sflag:s9], $0x40  }
0x3f3: {  	s0 =	sld [smem:$0x7FC]  }
0x3f4: {  	s11 =	sld [smem:$0x7FD]  }
0x3f5: {  	[sflag:s9] =	ssyncset.done $0x0  }
0x3f6: {  	[sflag:s9] =	ssyncadd.s32 $0xFFFFFFC0  }
0x3f7: {  	[tilespmem:s11], [sflag:$0x1] =	stream.indirect.gather [hbm4b:s3+s10], $0x1, s0, s10, $0xb8;
	[tilespmem:$0x1A700] =	vst v63  }
0x3f8: {  	_ =	swait.ge [sflag:s9], $0x40  }
0x3f9: {  	[sflag:s9] =	ssyncset.done $0x0  }
0x3fa: {  	s11 =	simm.s32 $0xB00;
	[sflag:s9] =	ssyncadd.s32 $0xFFFFFFC0  }
0x3fb: {  	[tilespmem:s12], [sflag:$0x1] =	stream.indirect.gather [hbm4b:s3+s10], $0x1, s11, s10, $0xb8;
	[tilespmem:$0x1A700] =	vst v63  }
0x3fc: {  	_ =	swait.ge [sflag:s9], $0x40  }
0x3fd: {  	[sflag:s9] =	ssyncset.done $0x0  }
0x3fe: {  	[sflag:s9] =	ssyncadd.s32 $0xFFFFFFC0  }
0x3ff: {  	[tilespmem:s14], [sflag:$0x1] =	stream.indirect.gather [hbm4b:s3+s10], $0x1, s13, s10, $0xb8;
	[tilespmem:$0x1A700] =	vst v63  }
0x400: {  	_ =	swait.ge [sflag:s9], $0x40  }
0x401: {  	[sflag:s9] =	ssyncset.done $0x0  }
0x402: {  	[sflag:s9] =	ssyncadd.s32 $0xFFFFFFC0  }
0x403: {  	[tilespmem:s16], [sflag:$0x1] =	stream.indirect.gather [hbm4b:s3+s10], $0x1, s15, s10, $0xb8;
	[tilespmem:$0x1A700] =	vst v63  }
0x404: {  	_ =	swait.ge [sflag:s9], $0x40  }
0x405: {  	[sflag:s9] =	ssyncset.done $0x0  }
0x406: {  	[sflag:s9] =	ssyncadd.s32 $0xFFFFFFC0  }
0x407: {  	[tilespmem:s18], [sflag:$0x1] =	stream.indirect.gather [hbm4b:s3+s10], $0x1, s17, s10, $0xb8;
	[tilespmem:$0x1A700] =	vst v63  }
0x408: {  	_ =	swait.ge [sflag:s9], $0x40  }
0x409: {  	[sflag:s9] =	ssyncset.done $0x0  }
0x40a: {  	[sflag:s9] =	ssyncadd.s32 $0xFFFFFFC0  }
0x40b: {  	[tilespmem:s20], [sflag:$0x1] =	stream.indirect.gather [hbm4b:s3+s10], $0x1, s19, s10, $0xb8;
	[tilespmem:$0x1A700] =	vst v63  }
0x40c: {  	_ =	swait.ge [sflag:s9], $0x40  }
0x40d: {  	[sflag:s9] =	ssyncset.done $0x0  }
0x40e: {  	p0 =	sne.s32 s1, $0x1;
	[sflag:s9] =	ssyncadd.s32 $0xFFFFFFC0  }
0x40f: {  	[tilespmem:s22], [sflag:$0x1] =	stream.indirect.gather [hbm4b:s3+s10], $0x1, s21, s10, $0xb8;
	[tilespmem:$0x1A700] =	vst v63  }
.Ltmp1:
0x410: {  	_ = 	snop;
	(pc) =	sbr.rel @p0 .LBB2_1-.Ltmp1, $4  }
0x411: {  	_ =	swait.ge [sflag:s9], $0x40  }
0x412: {  	[sflag:s9] =	ssyncset.done $0x0  }
0x413: {  	s1 =	sadd.s32 $0xFFFFFFFF, s1;
	[sflag:s9] =	ssyncadd.s32 $0xFFFFFFC0  }
0x414: {  	[tilespmem:s28], [sflag:$0x1] =	stream.indirect.gather [hbm4b:s3+s10], $0x1, s25, s10, $0xb8;
	[tilespmem:$0x1A700] =	vst v63  }
.LBB2_2:
0x415: {  	_ =	swait.ge [sflag:s9], $0x40  }
0x416: {  	[sflag:s9] =	ssyncset.done $0x0  }
0x417: {  	[sflag:s9] =	ssyncadd.s32 $0xFFFFFFC0  }
0x418: {  	[tilespmem:s31], [sflag:$0x1] =	stream.indirect.gather [hbm4b:s3+s10], $0x1, s30, s10, $0xb8;
	[tilespmem:$0x1A700] =	vst v63  }
0x419: {  	_ =	swait.ge [sflag:s9], $0x40  }
0x41a: {  	[sflag:s9] =	ssyncset.done $0x0  }
0x41b: {  	[sflag:s9] =	ssyncadd.s32 $0xFFFFFFC0  }
0x41c: {  	[tilespmem:s29], [sflag:$0x1] =	stream.indirect.gather [hbm4b:s3+s10], $0x1, s26, s10, $0xb8;
	[tilespmem:$0x1A700] =	vst v63  }
0x41d: {  	_ =	swait.ge [sflag:s9], $0x40  }
0x41e: {  	[sflag:s9] =	ssyncset.done $0x0  }
0x41f: {  	[sflag:s9] =	ssyncadd.s32 $0xFFFFFFC0  }
0x420: {  	[tilespmem:s24], [sflag:$0x1] =	stream.indirect.gather [hbm4b:s3+s10], $0x1, s23, s10, $0xb8;
	[tilespmem:$0x1A700] =	vst v63  }
0x421: {  	_ =	swait.ge [sflag:s9], $0x40  }
0x422: {  	s0 =	sld [smem:$0x7B2]  }
0x423: {  	[sflag:s9] =	ssyncset.done $0x0  }
0x424: {  	[sflag:s9] =	ssyncadd.s32 $0xFFFFFFC0  }
0x425: {  	[hbm4b:s0+s2] =	stream.linear.scatter [tilespmem:s8], [sflag:$0x2], $0x1000, $0x38;
	[tilespmem:$0x1A700] =	vst v63  }
0x426: {  	_ =	swait.ge [sflag:s4], $0x1000  }
0x427: {  	[sflag:s4] =	ssyncset.done $0x0  }
0x428: {  	[sflag:s4] =	ssyncadd.s32 $0xFFFFF000  }
0x429: {  	_ =	sfence.sel $0x180000  }
0x42a: {  	[bflag:$0x0] =	sbarrier.arrive $0xFFFF  }
0x42b: {  	_ =	strace $0x90000047  }
0x42c: {  	s31 =	stileid.u32;
	[bflag:$0x2] =	sbarrier.arrive $0xFFFF  }
0x42d: {  	p0 =	sne.s32 s31, $0x0;
	s0 =	rddreg [dreg:$0x1]  }
0x42e: {  	s0 =	sadd.s32 @!p0 $0x100000, s0  }
0x42f: {  	[sflag:s0] =	ssyncadd.tile.s32 @!p0 $0x1;
	_ =	shalt  }
.Lfunc_end2:
_tile_overlayer_lowered:
.L_overlay_start_2:
0x430: {  	(tag) =	ssettag $0x2  }
0x431: {  	s0 =	rddreg [dreg:$0x0];
	s2 =	stileid.u32  }
0x432: {  	s1 =	rddreg [dreg:$0x1];
	p0 =	sne.s32 s2, $0x0  }
0x433: {  	s3 =	rddreg [dreg:$0x2];
	[bflag:$0x3] =	sbarrier.arrive $0xFFFF;
	s2 =	simm.s32 @!p0 $0x1C02  }
0x434: {  	[timem:s3], [sflag:s2] =	dma.local @!p0 [hbm:s0], s1  }
0x435: {  	s0 =	simm.s32 @!p0 $0x2  }
0x436: {  	_ =	swait.ge @!p0 [sflag:s0], s1  }
0x437: {  	s1 =	ssub.s32 @!p0 $0x0, s1;
	[sflag:s0] =	ssyncset.done @!p0 $0x0  }
0x438: {  	[sflag:s0] =	ssyncadd.s32 @!p0 s1  }
0x439: {  	[bflag:$0x3] =	sbarrier.arrive $0xFFFF  }
0x43a: {  	_ =	shalt  }

</sc_bundles>
